<compile_context>
chip_gen: v7x
topology: tpu7x:2x2x1
jax: 0.10.2.dev20260603
libtpu: 0.0.44.dev20260713+nightly
codegen_flags: <defaults>
</compile_context>

<pallas_src>
import jax
import jax.numpy as jnp
from jax import lax
from jax.experimental import pallas as pl
from jax.experimental.pallas import tpu as pltpu
from jax.experimental.pallas import tpu_sc as plsc

B = 16384
D = 32
RPB = 4
NC = 2
NS = 16
L = 16
NW = NC * NS
BPW = B // NW
NCH = 4
CH = BPW // NCH
GCH = CH // L


def _body(uidx_hbm, iidx_hbm, table_hbm, out_hbm,
          uidx_v, iidx_v, ublk_v, iblk_v, urows_v, irows_v, out_v, sems):
    wid = lax.axis_index("s") * NC + lax.axis_index("c")
    base = wid * BPW

    pltpu.sync_copy(uidx_hbm.at[pl.ds(base, BPW)], uidx_v)
    pltpu.sync_copy(iidx_hbm.at[pl.ds(base, BPW)], iidx_v)

    @plsc.parallel_loop(0, BPW // L)
    def blk(k):
        sl = pl.ds(k * L, L)
        ublk_v[sl] = lax.shift_right_logical(uidx_v[sl], 2)
        iblk_v[sl] = lax.shift_right_logical(iidx_v[sl], 2)

    def start(c):
        buf = c % 2
        cu = pltpu.async_copy(
            table_hbm.at[ublk_v.at[pl.ds(c * CH, CH)]],
            urows_v.at[buf], sems.at[buf, 0])
        ci = pltpu.async_copy(
            table_hbm.at[iblk_v.at[pl.ds(c * CH, CH)]],
            irows_v.at[buf], sems.at[buf, 1])
        return cu, ci

    lane = lax.iota(jnp.int32, L)
    three = jnp.full((L,), RPB - 1, jnp.int32)
    inflight = start(0)

    for c in range(NCH):
        if c + 1 < NCH:
            nxt = start(c + 1)
        cu, ci = inflight
        cu.wait()
        ci.wait()
        buf = c % 2

        @plsc.parallel_loop(0, GCH)
        def group(g):
            rid = g * L + lane
            gsl = pl.ds(c * CH + g * L, L)
            uoff = lax.shift_left(uidx_v[gsl] & three, 5)
            ioff = lax.shift_left(iidx_v[gsl] & three, 5)
            acc = jnp.zeros((L,), jnp.float32)
            for d in range(D):
                uv = plsc.load_gather(urows_v.at[buf], [rid, uoff + d])
                iv = plsc.load_gather(irows_v.at[buf], [rid, ioff + d])
                acc = acc + uv * iv
            out_v[gsl] = acc

        if c + 1 < NCH:
            inflight = nxt

    pltpu.sync_copy(out_v, out_hbm.at[pl.ds(base, BPW)])


def kernel(edge_index, edge_label_index, embedding_weight):
    del edge_index
    uidx = edge_label_index[0]
    iidx = edge_label_index[1]
    table = embedding_weight.reshape(-1, RPB * D)
    mesh = plsc.VectorSubcoreMesh(core_axis_name="c", subcore_axis_name="s")
    f = pl.kernel(
        _body,
        out_type=jax.ShapeDtypeStruct((B,), jnp.float32),
        mesh=mesh,
        compiler_params=pltpu.CompilerParams(needs_layout_passes=False),
        scratch_types=[
            pltpu.VMEM((BPW,), jnp.int32),
            pltpu.VMEM((BPW,), jnp.int32),
            pltpu.VMEM((BPW,), jnp.int32),
            pltpu.VMEM((BPW,), jnp.int32),
            pltpu.VMEM((2, CH, RPB * D), jnp.float32),
            pltpu.VMEM((2, CH, RPB * D), jnp.float32),
            pltpu.VMEM((BPW,), jnp.float32),
            pltpu.SemaphoreType.DMA((2, 2)),
        ],
    )
    return f(uidx, iidx, table)

# --- scband reference (transcript-rebuilt; emitter-appended) ---
"""Pipeline reference for scband-bprmf-9861244912152 (READ-ONLY COPY).

The authoritative reference and input builder live on the scoring server;
editing this copy changes nothing except your own understanding.
"""

import jax, jax.numpy as jnp
import numpy as np

NUM_USERS = 1000000
NUM_ITEMS = 1000000
EMBED_DIM = 32
BATCH = 16384


def setup_inputs(seed: int = 0) -> dict:
    key = jax.random.key(seed)
    k1, k2, k3 = jax.random.split(key, 3)
    edge_index = jax.random.randint(k1, (2, BATCH), 0, NUM_USERS + NUM_ITEMS, dtype=jnp.int64 if jax.config.jax_enable_x64 else jnp.int32)
    edge_label_index = jax.random.randint(k2, (2, BATCH), 0, NUM_USERS + NUM_ITEMS, dtype=jnp.int64 if jax.config.jax_enable_x64 else jnp.int32)
    # learned embedding table, init normal std=0.1 (as in reset_parameters)
    embedding_weight = jax.random.normal(k3, (NUM_USERS + NUM_ITEMS, EMBED_DIM), dtype=jnp.float32) * 0.1
    return {
        "edge_index": edge_index,
        "edge_label_index": edge_label_index,
        "embedding_weight": embedding_weight,
    }


def reference(edge_index, edge_label_index, embedding_weight):
    # get_embedding: prompt is None -> emb is the raw table
    emb = embedding_weight
    user_emb = jnp.take(emb, edge_label_index[0], axis=0)
    item_emb = jnp.take(emb, edge_label_index[1], axis=0)
    return jnp.sum(user_emb * item_emb, axis=1)

if __name__ == "__main__":
    import jax
    _d = setup_inputs()
    print(jax.jit(kernel)(*tuple(_d.values())))

</pallas_src>

<mosaic_0001>
#map = affine_map<(d0, d1) -> (0)>
#map1 = affine_map<(d0, d1) -> (0, 0)>
module attributes {stable_mosaic.version = 14 : i64} {
  func.func @_body(%arg0: i32, %arg1: i32, %arg2: memref<16384xi32, #tpu.memory_space<hbm>>, %arg3: memref<16384xi32, #tpu.memory_space<hbm>>, %arg4: memref<500000x128xf32, #tpu.memory_space<hbm>>, %arg5: memref<16384xf32, #tpu.memory_space<hbm>>, %arg6: memref<512xi32, #tpu.memory_space<vmem>>, %arg7: memref<512xi32, #tpu.memory_space<vmem>>, %arg8: memref<512xi32, #tpu.memory_space<vmem>>, %arg9: memref<512xi32, #tpu.memory_space<vmem>>, %arg10: memref<2x128x128xf32, #tpu.memory_space<vmem>>, %arg11: memref<2x128x128xf32, #tpu.memory_space<vmem>>, %arg12: memref<512xf32, #tpu.memory_space<vmem>>, %arg13: memref<2x2x!tpu.dma_semaphore, #tpu.memory_space<semaphore_mem>>) attributes {dimension_semantics = [#tpu.dimension_semantics<core_parallel>, #tpu.dimension_semantics<subcore_parallel>], iteration_bounds = array<i64: 2, 16>, scalar_prefetch = 0 : i64, scratch_operands = 8 : i64, tpu.core_type = #tpu.core_type<sc_vector_subcore>, window_params = [{transform_indices = #map}, {transform_indices = #map}, {transform_indices = #map1}, {transform_indices = #map}]} {
    %mul3A = arith.constant 2 : i32
    %mul3A_0 = arith.muli %arg1, %mul3A : i32
    %add3A = arith.addi %mul3A_0, %arg0 : i32
    %mul3A_1 = arith.constant 512 : i32
    %mul3A_2 = arith.muli %add3A, %mul3A_1 : i32
    "tpu.region"() ({
      %run_scoped3A = tpu.sem_alloc : memref<!tpu.dma_semaphore, #tpu.memory_space<semaphore_mem>>
      %dma_start3A_240 = tpu.memref_slice %arg2[%mul3A_2] : memref<16384xi32, #tpu.memory_space<hbm>> -> memref<512xi32, #tpu.memory_space<hbm>>
      %dma_start3A_241 = tpu.memref_slice %arg2[%mul3A_2] : memref<16384xi32, #tpu.memory_space<hbm>> -> memref<512xi32, #tpu.memory_space<hbm>>
      tpu.enqueue_dma source(%dma_start3A_241 : memref<512xi32, #tpu.memory_space<hbm>>) target(%arg6 : memref<512xi32, #tpu.memory_space<vmem>>) target_semaphore(%run_scoped3A : memref<!tpu.dma_semaphore, #tpu.memory_space<semaphore_mem>>)
      %dma_wait3A_242 = tpu.memref_slice %arg2[%mul3A_2] : memref<16384xi32, #tpu.memory_space<hbm>> -> memref<512xi32, #tpu.memory_space<hbm>>
      %dma_wait3A_243 = tpu.memref_slice %arg2[%mul3A_2] : memref<16384xi32, #tpu.memory_space<hbm>> -> memref<512xi32, #tpu.memory_space<hbm>>
      tpu.wait_dma2 semaphore(%run_scoped3A : memref<!tpu.dma_semaphore, #tpu.memory_space<semaphore_mem>>) src(%dma_wait3A_243 : memref<512xi32, #tpu.memory_space<hbm>>) dst(%arg6 : memref<512xi32, #tpu.memory_space<vmem>>)
      tpu.yield
    }) : () -> ()
    "tpu.region"() ({
      %run_scoped3A = tpu.sem_alloc : memref<!tpu.dma_semaphore, #tpu.memory_space<semaphore_mem>>
      %dma_start3A_240 = tpu.memref_slice %arg3[%mul3A_2] : memref<16384xi32, #tpu.memory_space<hbm>> -> memref<512xi32, #tpu.memory_space<hbm>>
      %dma_start3A_241 = tpu.memref_slice %arg3[%mul3A_2] : memref<16384xi32, #tpu.memory_space<hbm>> -> memref<512xi32, #tpu.memory_space<hbm>>
      tpu.enqueue_dma source(%dma_start3A_241 : memref<512xi32, #tpu.memory_space<hbm>>) target(%arg7 : memref<512xi32, #tpu.memory_space<vmem>>) target_semaphore(%run_scoped3A : memref<!tpu.dma_semaphore, #tpu.memory_space<semaphore_mem>>)
      %dma_wait3A_242 = tpu.memref_slice %arg3[%mul3A_2] : memref<16384xi32, #tpu.memory_space<hbm>> -> memref<512xi32, #tpu.memory_space<hbm>>
      %dma_wait3A_243 = tpu.memref_slice %arg3[%mul3A_2] : memref<16384xi32, #tpu.memory_space<hbm>> -> memref<512xi32, #tpu.memory_space<hbm>>
      tpu.wait_dma2 semaphore(%run_scoped3A : memref<!tpu.dma_semaphore, #tpu.memory_space<semaphore_mem>>) src(%dma_wait3A_243 : memref<512xi32, #tpu.memory_space<hbm>>) dst(%arg7 : memref<512xi32, #tpu.memory_space<vmem>>)
      tpu.yield
    }) : () -> ()
    %parallel_loop3A = arith.constant 0 : i32
    %parallel_loop3A_3 = arith.constant 32 : i32
    %parallel_loop3A_4 = arith.constant 1 : i32
    scf.for %parallel_loop3A_240 = %parallel_loop3A to %parallel_loop3A_3 step %parallel_loop3A_4  : i32 {
      %parallel_loop3A_241 = arith.constant 16 : i32
      %parallel_loop3A_242 = arith.muli %parallel_loop3A_240, %parallel_loop3A_241 : i32
      %parallel_loop3A_243 = arith.index_cast %parallel_loop3A_242 : i32 to index
      %parallel_loop3A_244 = tpu.vector_load %arg6[%parallel_loop3A_243] {strides = array<i32>} : memref<512xi32, #tpu.memory_space<vmem>>, vector<16xi32>,
      %parallel_loop3A_245 = arith.constant 2 : i32
      %parallel_loop3A_246 = vector.broadcast %parallel_loop3A_245 : i32 to vector<16xi32>
      %parallel_loop3A_247 = arith.shrui %parallel_loop3A_244, %parallel_loop3A_246 : vector<16xi32>
      %parallel_loop3A_248 = arith.index_cast %parallel_loop3A_242 : i32 to index
      %parallel_loop3A_249 = tpu.vector_load %arg8[%parallel_loop3A_248] {strides = array<i32>} : memref<512xi32, #tpu.memory_space<vmem>>, vector<16xi32>,
      tpu.vector_store %arg8[%parallel_loop3A_248], %parallel_loop3A_247 {strides = array<i32>} : memref<512xi32, #tpu.memory_space<vmem>>, vector<16xi32>,
      %parallel_loop3A_250 = arith.index_cast %parallel_loop3A_242 : i32 to index
      %parallel_loop3A_251 = tpu.vector_load %arg7[%parallel_loop3A_250] {strides = array<i32>} : memref<512xi32, #tpu.memory_space<vmem>>, vector<16xi32>,
      %parallel_loop3A_252 = arith.constant 2 : i32
      %parallel_loop3A_253 = vector.broadcast %parallel_loop3A_252 : i32 to vector<16xi32>
      %parallel_loop3A_254 = arith.shrui %parallel_loop3A_251, %parallel_loop3A_253 : vector<16xi32>
      %parallel_loop3A_255 = arith.index_cast %parallel_loop3A_242 : i32 to index
      %parallel_loop3A_256 = tpu.vector_load %arg9[%parallel_loop3A_255] {strides = array<i32>} : memref<512xi32, #tpu.memory_space<vmem>>, vector<16xi32>,
      tpu.vector_store %arg9[%parallel_loop3A_255], %parallel_loop3A_254 {strides = array<i32>} : memref<512xi32, #tpu.memory_space<vmem>>, vector<16xi32>,
    } {sc.loop_unroll_factor = 1 : i64, sc.parallel_access}
    %iota3A = tpu.iota {dimensions = array<i32: 0>} : vector<16xi32>
    %broadcast_in_dim3A = arith.constant 3 : i32
    %broadcast_in_dim3A_5 = vector.broadcast %broadcast_in_dim3A : i32 to vector<16xi32>
    %dma_start3A = arith.constant 0 : i32
    %dma_start3A_6 = arith.constant 0 : i32
    %dma_start3A_7 = arith.constant 0 : i32
    %dma_start3A_8 = arith.constant 0 : i32
    %dma_start3A_9 = arith.constant 0 : i32
    %dma_start3A_10 = tpu.memref_slice %arg10[%dma_start3A, %dma_start3A_8, %dma_start3A_9] : memref<2x128x128xf32, #tpu.memory_space<vmem>> -> memref<1x128x128xf32, #tpu.memory_space<vmem>>
    %dma_start3A_11 = tpu.memref_squeeze %dma_start3A_10 : memref<1x128x128xf32, #tpu.memory_space<vmem>> -> memref<128x128xf32, #tpu.memory_space<vmem>>
    %dma_start3A_12 = arith.constant 0 : i32
    %dma_start3A_13 = tpu.memref_slice %arg8[%dma_start3A_12] : memref<512xi32, #tpu.memory_space<vmem>> -> memref<128xi32, #tpu.memory_space<vmem>>
    %dma_start3A_14 = arith.constant 0 : i32
    %dma_start3A_15 = arith.constant 0 : i32
    %dma_start3A_16 = tpu.memref_slice %arg4[%dma_start3A_14, %dma_start3A_15] : memref<500000x128xf32, #tpu.memory_space<hbm>> -> memref<500000x128xf32, #tpu.memory_space<hbm>>
    %dma_start3A_17 = tpu.memref_slice %arg13[%dma_start3A_6, %dma_start3A_7] : memref<2x2x!tpu.dma_semaphore, #tpu.memory_space<semaphore_mem>> -> memref<1x1x!tpu.dma_semaphore, #tpu.memory_space<semaphore_mem>>
    %dma_start3A_18 = tpu.memref_squeeze %dma_start3A_17 : memref<1x1x!tpu.dma_semaphore, #tpu.memory_space<semaphore_mem>> -> memref<!tpu.dma_semaphore, #tpu.memory_space<semaphore_mem>>
    tpu.enqueue_indirect_dma source(%dma_start3A_16 : memref<500000x128xf32, #tpu.memory_space<hbm>>) target(%dma_start3A_11 : memref<128x128xf32, #tpu.memory_space<vmem>>) offsets(%dma_start3A_13 : memref<128xi32, #tpu.memory_space<vmem>>) semaphore(%dma_start3A_18 : memref<!tpu.dma_semaphore, #tpu.memory_space<semaphore_mem>>)
    %dma_start3A_19 = arith.constant 0 : i32
    %dma_start3A_20 = arith.constant 0 : i32
    %dma_start3A_21 = arith.constant 1 : i32
    %dma_start3A_22 = arith.constant 0 : i32
    %dma_start3A_23 = arith.constant 0 : i32
    %dma_start3A_24 = tpu.memref_slice %arg11[%dma_start3A_19, %dma_start3A_22, %dma_start3A_23] : memref<2x128x128xf32, #tpu.memory_space<vmem>> -> memref<1x128x128xf32, #tpu.memory_space<vmem>>
    %dma_start3A_25 = tpu.memref_squeeze %dma_start3A_24 : memref<1x128x128xf32, #tpu.memory_space<vmem>> -> memref<128x128xf32, #tpu.memory_space<vmem>>
    %dma_start3A_26 = arith.constant 0 : i32
    %dma_start3A_27 = tpu.memref_slice %arg9[%dma_start3A_26] : memref<512xi32, #tpu.memory_space<vmem>> -> memref<128xi32, #tpu.memory_space<vmem>>
    %dma_start3A_28 = arith.constant 0 : i32
    %dma_start3A_29 = arith.constant 0 : i32
    %dma_start3A_30 = tpu.memref_slice %arg4[%dma_start3A_28, %dma_start3A_29] : memref<500000x128xf32, #tpu.memory_space<hbm>> -> memref<500000x128xf32, #tpu.memory_space<hbm>>
    %dma_start3A_31 = tpu.memref_slice %arg13[%dma_start3A_20, %dma_start3A_21] : memref<2x2x!tpu.dma_semaphore, #tpu.memory_space<semaphore_mem>> -> memref<1x1x!tpu.dma_semaphore, #tpu.memory_space<semaphore_mem>>
    %dma_start3A_32 = tpu.memref_squeeze %dma_start3A_31 : memref<1x1x!tpu.dma_semaphore, #tpu.memory_space<semaphore_mem>> -> memref<!tpu.dma_semaphore, #tpu.memory_space<semaphore_mem>>
    tpu.enqueue_indirect_dma source(%dma_start3A_30 : memref<500000x128xf32, #tpu.memory_space<hbm>>) target(%dma_start3A_25 : memref<128x128xf32, #tpu.memory_space<vmem>>) offsets(%dma_start3A_27 : memref<128xi32, #tpu.memory_space<vmem>>) semaphore(%dma_start3A_32 : memref<!tpu.dma_semaphore, #tpu.memory_space<semaphore_mem>>)
    %dma_start3A_33 = arith.constant 1 : i32
    %dma_start3A_34 = arith.constant 1 : i32
    %dma_start3A_35 = arith.constant 0 : i32
    %dma_start3A_36 = arith.constant 0 : i32
    %dma_start3A_37 = arith.constant 0 : i32
    %dma_start3A_38 = tpu.memref_slice %arg10[%dma_start3A_33, %dma_start3A_36, %dma_start3A_37] : memref<2x128x128xf32, #tpu.memory_space<vmem>> -> memref<1x128x128xf32, #tpu.memory_space<vmem>>
    %dma_start3A_39 = tpu.memref_squeeze %dma_start3A_38 : memref<1x128x128xf32, #tpu.memory_space<vmem>> -> memref<128x128xf32, #tpu.memory_space<vmem>>
    %dma_start3A_40 = arith.constant 128 : i32
    %dma_start3A_41 = tpu.memref_slice %arg8[%dma_start3A_40] : memref<512xi32, #tpu.memory_space<vmem>> -> memref<128xi32, #tpu.memory_space<vmem>>
    %dma_start3A_42 = arith.constant 0 : i32
    %dma_start3A_43 = arith.constant 0 : i32
    %dma_start3A_44 = tpu.memref_slice %arg4[%dma_start3A_42, %dma_start3A_43] : memref<500000x128xf32, #tpu.memory_space<hbm>> -> memref<500000x128xf32, #tpu.memory_space<hbm>>
    %dma_start3A_45 = tpu.memref_slice %arg13[%dma_start3A_34, %dma_start3A_35] : memref<2x2x!tpu.dma_semaphore, #tpu.memory_space<semaphore_mem>> -> memref<1x1x!tpu.dma_semaphore, #tpu.memory_space<semaphore_mem>>
    %dma_start3A_46 = tpu.memref_squeeze %dma_start3A_45 : memref<1x1x!tpu.dma_semaphore, #tpu.memory_space<semaphore_mem>> -> memref<!tpu.dma_semaphore, #tpu.memory_space<semaphore_mem>>
    tpu.enqueue_indirect_dma source(%dma_start3A_44 : memref<500000x128xf32, #tpu.memory_space<hbm>>) target(%dma_start3A_39 : memref<128x128xf32, #tpu.memory_space<vmem>>) offsets(%dma_start3A_41 : memref<128xi32, #tpu.memory_space<vmem>>) semaphore(%dma_start3A_46 : memref<!tpu.dma_semaphore, #tpu.memory_space<semaphore_mem>>)
    %dma_start3A_47 = arith.constant 1 : i32
    %dma_start3A_48 = arith.constant 1 : i32
    %dma_start3A_49 = arith.constant 1 : i32
    %dma_start3A_50 = arith.constant 0 : i32
    %dma_start3A_51 = arith.constant 0 : i32
    %dma_start3A_52 = tpu.memref_slice %arg11[%dma_start3A_47, %dma_start3A_50, %dma_start3A_51] : memref<2x128x128xf32, #tpu.memory_space<vmem>> -> memref<1x128x128xf32, #tpu.memory_space<vmem>>
    %dma_start3A_53 = tpu.memref_squeeze %dma_start3A_52 : memref<1x128x128xf32, #tpu.memory_space<vmem>> -> memref<128x128xf32, #tpu.memory_space<vmem>>
    %dma_start3A_54 = arith.constant 128 : i32
    %dma_start3A_55 = tpu.memref_slice %arg9[%dma_start3A_54] : memref<512xi32, #tpu.memory_space<vmem>> -> memref<128xi32, #tpu.memory_space<vmem>>
    %dma_start3A_56 = arith.constant 0 : i32
    %dma_start3A_57 = arith.constant 0 : i32
    %dma_start3A_58 = tpu.memref_slice %arg4[%dma_start3A_56, %dma_start3A_57] : memref<500000x128xf32, #tpu.memory_space<hbm>> -> memref<500000x128xf32, #tpu.memory_space<hbm>>
    %dma_start3A_59 = tpu.memref_slice %arg13[%dma_start3A_48, %dma_start3A_49] : memref<2x2x!tpu.dma_semaphore, #tpu.memory_space<semaphore_mem>> -> memref<1x1x!tpu.dma_semaphore, #tpu.memory_space<semaphore_mem>>
    %dma_start3A_60 = tpu.memref_squeeze %dma_start3A_59 : memref<1x1x!tpu.dma_semaphore, #tpu.memory_space<semaphore_mem>> -> memref<!tpu.dma_semaphore, #tpu.memory_space<semaphore_mem>>
    tpu.enqueue_indirect_dma source(%dma_start3A_58 : memref<500000x128xf32, #tpu.memory_space<hbm>>) target(%dma_start3A_53 : memref<128x128xf32, #tpu.memory_space<vmem>>) offsets(%dma_start3A_55 : memref<128xi32, #tpu.memory_space<vmem>>) semaphore(%dma_start3A_60 : memref<!tpu.dma_semaphore, #tpu.memory_space<semaphore_mem>>)
    %dma_wait3A = arith.constant 0 : i32
    %dma_wait3A_61 = arith.constant 0 : i32
    %dma_wait3A_62 = arith.constant 0 : i32
    %dma_wait3A_63 = arith.constant 0 : i32
    %dma_wait3A_64 = arith.constant 0 : i32
    %dma_wait3A_65 = tpu.memref_slice %arg10[%dma_wait3A, %dma_wait3A_63, %dma_wait3A_64] : memref<2x128x128xf32, #tpu.memory_space<vmem>> -> memref<1x128x128xf32, #tpu.memory_space<vmem>>
    %dma_wait3A_66 = tpu.memref_squeeze %dma_wait3A_65 : memref<1x128x128xf32, #tpu.memory_space<vmem>> -> memref<128x128xf32, #tpu.memory_space<vmem>>
    %dma_wait3A_67 = arith.constant 0 : i32
    %dma_wait3A_68 = tpu.memref_slice %arg8[%dma_wait3A_67] : memref<512xi32, #tpu.memory_space<vmem>> -> memref<128xi32, #tpu.memory_space<vmem>>
    %dma_wait3A_69 = arith.constant 0 : i32
    %dma_wait3A_70 = arith.constant 0 : i32
    %dma_wait3A_71 = tpu.memref_slice %arg4[%dma_wait3A_69, %dma_wait3A_70] : memref<500000x128xf32, #tpu.memory_space<hbm>> -> memref<500000x128xf32, #tpu.memory_space<hbm>>
    %dma_wait3A_72 = tpu.memref_slice %arg13[%dma_wait3A_61, %dma_wait3A_62] : memref<2x2x!tpu.dma_semaphore, #tpu.memory_space<semaphore_mem>> -> memref<1x1x!tpu.dma_semaphore, #tpu.memory_space<semaphore_mem>>
    %dma_wait3A_73 = tpu.memref_squeeze %dma_wait3A_72 : memref<1x1x!tpu.dma_semaphore, #tpu.memory_space<semaphore_mem>> -> memref<!tpu.dma_semaphore, #tpu.memory_space<semaphore_mem>>
    tpu.wait_indirect_dma semaphore(%dma_wait3A_73 : memref<!tpu.dma_semaphore, #tpu.memory_space<semaphore_mem>>) src(%dma_wait3A_71 : memref<500000x128xf32, #tpu.memory_space<hbm>>) dst(%dma_wait3A_66 : memref<128x128xf32, #tpu.memory_space<vmem>>)
    %dma_wait3A_74 = arith.constant 0 : i32
    %dma_wait3A_75 = arith.constant 0 : i32
    %dma_wait3A_76 = arith.constant 1 : i32
    %dma_wait3A_77 = arith.constant 0 : i32
    %dma_wait3A_78 = arith.constant 0 : i32
    %dma_wait3A_79 = tpu.memref_slice %arg11[%dma_wait3A_74, %dma_wait3A_77, %dma_wait3A_78] : memref<2x128x128xf32, #tpu.memory_space<vmem>> -> memref<1x128x128xf32, #tpu.memory_space<vmem>>
    %dma_wait3A_80 = tpu.memref_squeeze %dma_wait3A_79 : memref<1x128x128xf32, #tpu.memory_space<vmem>> -> memref<128x128xf32, #tpu.memory_space<vmem>>
    %dma_wait3A_81 = arith.constant 0 : i32
    %dma_wait3A_82 = tpu.memref_slice %arg9[%dma_wait3A_81] : memref<512xi32, #tpu.memory_space<vmem>> -> memref<128xi32, #tpu.memory_space<vmem>>
    %dma_wait3A_83 = arith.constant 0 : i32
    %dma_wait3A_84 = arith.constant 0 : i32
    %dma_wait3A_85 = tpu.memref_slice %arg4[%dma_wait3A_83, %dma_wait3A_84] : memref<500000x128xf32, #tpu.memory_space<hbm>> -> memref<500000x128xf32, #tpu.memory_space<hbm>>
    %dma_wait3A_86 = tpu.memref_slice %arg13[%dma_wait3A_75, %dma_wait3A_76] : memref<2x2x!tpu.dma_semaphore, #tpu.memory_space<semaphore_mem>> -> memref<1x1x!tpu.dma_semaphore, #tpu.memory_space<semaphore_mem>>
    %dma_wait3A_87 = tpu.memref_squeeze %dma_wait3A_86 : memref<1x1x!tpu.dma_semaphore, #tpu.memory_space<semaphore_mem>> -> memref<!tpu.dma_semaphore, #tpu.memory_space<semaphore_mem>>
    tpu.wait_indirect_dma semaphore(%dma_wait3A_87 : memref<!tpu.dma_semaphore, #tpu.memory_space<semaphore_mem>>) src(%dma_wait3A_85 : memref<500000x128xf32, #tpu.memory_space<hbm>>) dst(%dma_wait3A_80 : memref<128x128xf32, #tpu.memory_space<vmem>>)
    %parallel_loop3A_88 = arith.constant 0 : i32
    %parallel_loop3A_89 = arith.constant 8 : i32
    %parallel_loop3A_90 = arith.constant 1 : i32
    scf.for %parallel_loop3A_240 = %parallel_loop3A_88 to %parallel_loop3A_89 step %parallel_loop3A_90  : i32 {
      %parallel_loop3A_241 = arith.constant 16 : i32
      %parallel_loop3A_242 = arith.muli %parallel_loop3A_240, %parallel_loop3A_241 : i32
      %parallel_loop3A_243 = vector.broadcast %parallel_loop3A_242 : i32 to vector<16xi32>
      %parallel_loop3A_244 = arith.addi %parallel_loop3A_243, %iota3A : vector<16xi32>
      %parallel_loop3A_245 = arith.constant 16 : i32
      %parallel_loop3A_246 = arith.muli %parallel_loop3A_240, %parallel_loop3A_245 : i32
      %parallel_loop3A_247 = arith.constant 0 : i32
      %parallel_loop3A_248 = arith.addi %parallel_loop3A_247, %parallel_loop3A_246 : i32
      %parallel_loop3A_249 = arith.index_cast %parallel_loop3A_248 : i32 to index
      %parallel_loop3A_250 = tpu.vector_load %arg6[%parallel_loop3A_249] {strides = array<i32>} : memref<512xi32, #tpu.memory_space<vmem>>, vector<16xi32>,
      %parallel_loop3A_251 = arith.andi %parallel_loop3A_250, %broadcast_in_dim3A_5 : vector<16xi32>
      %parallel_loop3A_252 = arith.constant 5 : i32
      %parallel_loop3A_253 = vector.broadcast %parallel_loop3A_252 : i32 to vector<16xi32>
      %parallel_loop3A_254 = arith.shli %parallel_loop3A_251, %parallel_loop3A_253 : vector<16xi32>
      %parallel_loop3A_255 = arith.index_cast %parallel_loop3A_248 : i32 to index
      %parallel_loop3A_256 = tpu.vector_load %arg7[%parallel_loop3A_255] {strides = array<i32>} : memref<512xi32, #tpu.memory_space<vmem>>, vector<16xi32>,
      %parallel_loop3A_257 = arith.andi %parallel_loop3A_256, %broadcast_in_dim3A_5 : vector<16xi32>
      %parallel_loop3A_258 = arith.constant 5 : i32
      %parallel_loop3A_259 = vector.broadcast %parallel_loop3A_258 : i32 to vector<16xi32>
      %parallel_loop3A_260 = arith.shli %parallel_loop3A_257, %parallel_loop3A_259 : vector<16xi32>
      %parallel_loop3A_261 = arith.constant 0.000000e+00 : f32
      %parallel_loop3A_262 = vector.broadcast %parallel_loop3A_261 : f32 to vector<16xf32>
      %parallel_loop3A_263 = arith.constant 0 : i32
      %parallel_loop3A_264 = vector.broadcast %parallel_loop3A_263 : i32 to vector<16xi32>
      %parallel_loop3A_265 = arith.addi %parallel_loop3A_254, %parallel_loop3A_264 : vector<16xi32>
      %parallel_loop3A_266 = arith.constant 0 : i32
      %parallel_loop3A_267 = arith.constant 0 : i32
      %parallel_loop3A_268 = arith.constant 0 : i32
      %parallel_loop3A_269 = tpu.memref_slice %arg10[%parallel_loop3A_266, %parallel_loop3A_267, %parallel_loop3A_268] : memref<2x128x128xf32, #tpu.memory_space<vmem>> -> memref<1x128x128xf32, #tpu.memory_space<vmem>>
      %parallel_loop3A_270 = tpu.memref_squeeze %parallel_loop3A_269 : memref<1x128x128xf32, #tpu.memory_space<vmem>> -> memref<128x128xf32, #tpu.memory_space<vmem>>
      %parallel_loop3A_271 = tpu.vector_load_idx %parallel_loop3A_270[%parallel_loop3A_244, %parallel_loop3A_265] : memref<128x128xf32, #tpu.memory_space<vmem>>[vector<16xi32>, vector<16xi32>], vector<16xf32>,
      %parallel_loop3A_272 = arith.constant 0 : i32
      %parallel_loop3A_273 = vector.broadcast %parallel_loop3A_272 : i32 to vector<16xi32>
      %parallel_loop3A_274 = arith.addi %parallel_loop3A_260, %parallel_loop3A_273 : vector<16xi32>
      %parallel_loop3A_275 = arith.constant 0 : i32
      %parallel_loop3A_276 = arith.constant 0 : i32
      %parallel_loop3A_277 = arith.constant 0 : i32
      %parallel_loop3A_278 = tpu.memref_slice %arg11[%parallel_loop3A_275, %parallel_loop3A_276, %parallel_loop3A_277] : memref<2x128x128xf32, #tpu.memory_space<vmem>> -> memref<1x128x128xf32, #tpu.memory_space<vmem>>
      %parallel_loop3A_279 = tpu.memref_squeeze %parallel_loop3A_278 : memref<1x128x128xf32, #tpu.memory_space<vmem>> -> memref<128x128xf32, #tpu.memory_space<vmem>>
      %parallel_loop3A_280 = tpu.vector_load_idx %parallel_loop3A_279[%parallel_loop3A_244, %parallel_loop3A_274] : memref<128x128xf32, #tpu.memory_space<vmem>>[vector<16xi32>, vector<16xi32>], vector<16xf32>,
      %parallel_loop3A_281 = arith.mulf %parallel_loop3A_271, %parallel_loop3A_280 : vector<16xf32>
      %parallel_loop3A_282 = arith.addf %parallel_loop3A_262, %parallel_loop3A_281 : vector<16xf32>
      %parallel_loop3A_283 = arith.constant 1 : i32
      %parallel_loop3A_284 = vector.broadcast %parallel_loop3A_283 : i32 to vector<16xi32>
      %parallel_loop3A_285 = arith.addi %parallel_loop3A_254, %parallel_loop3A_284 : vector<16xi32>
      %parallel_loop3A_286 = arith.constant 0 : i32
      %parallel_loop3A_287 = arith.constant 0 : i32
      %parallel_loop3A_288 = arith.constant 0 : i32
      %parallel_loop3A_289 = tpu.memref_slice %arg10[%parallel_loop3A_286, %parallel_loop3A_287, %parallel_loop3A_288] : memref<2x128x128xf32, #tpu.memory_space<vmem>> -> memref<1x128x128xf32, #tpu.memory_space<vmem>>
      %parallel_loop3A_290 = tpu.memref_squeeze %parallel_loop3A_289 : memref<1x128x128xf32, #tpu.memory_space<vmem>> -> memref<128x128xf32, #tpu.memory_space<vmem>>
      %parallel_loop3A_291 = tpu.vector_load_idx %parallel_loop3A_290[%parallel_loop3A_244, %parallel_loop3A_285] : memref<128x128xf32, #tpu.memory_space<vmem>>[vector<16xi32>, vector<16xi32>], vector<16xf32>,
      %parallel_loop3A_292 = arith.constant 1 : i32
      %parallel_loop3A_293 = vector.broadcast %parallel_loop3A_292 : i32 to vector<16xi32>
      %parallel_loop3A_294 = arith.addi %parallel_loop3A_260, %parallel_loop3A_293 : vector<16xi32>
      %parallel_loop3A_295 = arith.constant 0 : i32
      %parallel_loop3A_296 = arith.constant 0 : i32
      %parallel_loop3A_297 = arith.constant 0 : i32
      %parallel_loop3A_298 = tpu.memref_slice %arg11[%parallel_loop3A_295, %parallel_loop3A_296, %parallel_loop3A_297] : memref<2x128x128xf32, #tpu.memory_space<vmem>> -> memref<1x128x128xf32, #tpu.memory_space<vmem>>
      %parallel_loop3A_299 = tpu.memref_squeeze %parallel_loop3A_298 : memref<1x128x128xf32, #tpu.memory_space<vmem>> -> memref<128x128xf32, #tpu.memory_space<vmem>>
      %parallel_loop3A_300 = tpu.vector_load_idx %parallel_loop3A_299[%parallel_loop3A_244, %parallel_loop3A_294] : memref<128x128xf32, #tpu.memory_space<vmem>>[vector<16xi32>, vector<16xi32>], vector<16xf32>,
      %parallel_loop3A_301 = arith.mulf %parallel_loop3A_291, %parallel_loop3A_300 : vector<16xf32>
      %parallel_loop3A_302 = arith.addf %parallel_loop3A_282, %parallel_loop3A_301 : vector<16xf32>
      %parallel_loop3A_303 = arith.constant 2 : i32
      %parallel_loop3A_304 = vector.broadcast %parallel_loop3A_303 : i32 to vector<16xi32>
      %parallel_loop3A_305 = arith.addi %parallel_loop3A_254, %parallel_loop3A_304 : vector<16xi32>
      %parallel_loop3A_306 = arith.constant 0 : i32
      %parallel_loop3A_307 = arith.constant 0 : i32
      %parallel_loop3A_308 = arith.constant 0 : i32
      %parallel_loop3A_309 = tpu.memref_slice %arg10[%parallel_loop3A_306, %parallel_loop3A_307, %parallel_loop3A_308] : memref<2x128x128xf32, #tpu.memory_space<vmem>> -> memref<1x128x128xf32, #tpu.memory_space<vmem>>
      %parallel_loop3A_310 = tpu.memref_squeeze %parallel_loop3A_309 : memref<1x128x128xf32, #tpu.memory_space<vmem>> -> memref<128x128xf32, #tpu.memory_space<vmem>>
      %parallel_loop3A_311 = tpu.vector_load_idx %parallel_loop3A_310[%parallel_loop3A_244, %parallel_loop3A_305] : memref<128x128xf32, #tpu.memory_space<vmem>>[vector<16xi32>, vector<16xi32>], vector<16xf32>,
      %parallel_loop3A_312 = arith.constant 2 : i32
      %parallel_loop3A_313 = vector.broadcast %parallel_loop3A_312 : i32 to vector<16xi32>
      %parallel_loop3A_314 = arith.addi %parallel_loop3A_260, %parallel_loop3A_313 : vector<16xi32>
      %parallel_loop3A_315 = arith.constant 0 : i32
      %parallel_loop3A_316 = arith.constant 0 : i32
      %parallel_loop3A_317 = arith.constant 0 : i32
      %parallel_loop3A_318 = tpu.memref_slice %arg11[%parallel_loop3A_315, %parallel_loop3A_316, %parallel_loop3A_317] : memref<2x128x128xf32, #tpu.memory_space<vmem>> -> memref<1x128x128xf32, #tpu.memory_space<vmem>>
      %parallel_loop3A_319 = tpu.memref_squeeze %parallel_loop3A_318 : memref<1x128x128xf32, #tpu.memory_space<vmem>> -> memref<128x128xf32, #tpu.memory_space<vmem>>
      %parallel_loop3A_320 = tpu.vector_load_idx %parallel_loop3A_319[%parallel_loop3A_244, %parallel_loop3A_314] : memref<128x128xf32, #tpu.memory_space<vmem>>[vector<16xi32>, vector<16xi32>], vector<16xf32>,
      %parallel_loop3A_321 = arith.mulf %parallel_loop3A_311, %parallel_loop3A_320 : vector<16xf32>
      %parallel_loop3A_322 = arith.addf %parallel_loop3A_302, %parallel_loop3A_321 : vector<16xf32>
      %parallel_loop3A_323 = arith.constant 3 : i32
      %parallel_loop3A_324 = vector.broadcast %parallel_loop3A_323 : i32 to vector<16xi32>
      %parallel_loop3A_325 = arith.addi %parallel_loop3A_254, %parallel_loop3A_324 : vector<16xi32>
      %parallel_loop3A_326 = arith.constant 0 : i32
      %parallel_loop3A_327 = arith.constant 0 : i32
      %parallel_loop3A_328 = arith.constant 0 : i32
      %parallel_loop3A_329 = tpu.memref_slice %arg10[%parallel_loop3A_326, %parallel_loop3A_327, %parallel_loop3A_328] : memref<2x128x128xf32, #tpu.memory_space<vmem>> -> memref<1x128x128xf32, #tpu.memory_space<vmem>>
      %parallel_loop3A_330 = tpu.memref_squeeze %parallel_loop3A_329 : memref<1x128x128xf32, #tpu.memory_space<vmem>> -> memref<128x128xf32, #tpu.memory_space<vmem>>
      %parallel_loop3A_331 = tpu.vector_load_idx %parallel_loop3A_330[%parallel_loop3A_244, %parallel_loop3A_325] : memref<128x128xf32, #tpu.memory_space<vmem>>[vector<16xi32>, vector<16xi32>], vector<16xf32>,
      %parallel_loop3A_332 = arith.constant 3 : i32
      %parallel_loop3A_333 = vector.broadcast %parallel_loop3A_332 : i32 to vector<16xi32>
      %parallel_loop3A_334 = arith.addi %parallel_loop3A_260, %parallel_loop3A_333 : vector<16xi32>
      %parallel_loop3A_335 = arith.constant 0 : i32
      %parallel_loop3A_336 = arith.constant 0 : i32
      %parallel_loop3A_337 = arith.constant 0 : i32
      %parallel_loop3A_338 = tpu.memref_slice %arg11[%parallel_loop3A_335, %parallel_loop3A_336, %parallel_loop3A_337] : memref<2x128x128xf32, #tpu.memory_space<vmem>> -> memref<1x128x128xf32, #tpu.memory_space<vmem>>
      %parallel_loop3A_339 = tpu.memref_squeeze %parallel_loop3A_338 : memref<1x128x128xf32, #tpu.memory_space<vmem>> -> memref<128x128xf32, #tpu.memory_space<vmem>>
      %parallel_loop3A_340 = tpu.vector_load_idx %parallel_loop3A_339[%parallel_loop3A_244, %parallel_loop3A_334] : memref<128x128xf32, #tpu.memory_space<vmem>>[vector<16xi32>, vector<16xi32>], vector<16xf32>,
      %parallel_loop3A_341 = arith.mulf %parallel_loop3A_331, %parallel_loop3A_340 : vector<16xf32>
      %parallel_loop3A_342 = arith.addf %parallel_loop3A_322, %parallel_loop3A_341 : vector<16xf32>
      %parallel_loop3A_343 = arith.constant 4 : i32
      %parallel_loop3A_344 = vector.broadcast %parallel_loop3A_343 : i32 to vector<16xi32>
      %parallel_loop3A_345 = arith.addi %parallel_loop3A_254, %parallel_loop3A_344 : vector<16xi32>
      %parallel_loop3A_346 = arith.constant 0 : i32
      %parallel_loop3A_347 = arith.constant 0 : i32
      %parallel_loop3A_348 = arith.constant 0 : i32
      %parallel_loop3A_349 = tpu.memref_slice %arg10[%parallel_loop3A_346, %parallel_loop3A_347, %parallel_loop3A_348] : memref<2x128x128xf32, #tpu.memory_space<vmem>> -> memref<1x128x128xf32, #tpu.memory_space<vmem>>
      %parallel_loop3A_350 = tpu.memref_squeeze %parallel_loop3A_349 : memref<1x128x128xf32, #tpu.memory_space<vmem>> -> memref<128x128xf32, #tpu.memory_space<vmem>>
      %parallel_loop3A_351 = tpu.vector_load_idx %parallel_loop3A_350[%parallel_loop3A_244, %parallel_loop3A_345] : memref<128x128xf32, #tpu.memory_space<vmem>>[vector<16xi32>, vector<16xi32>], vector<16xf32>,
      %parallel_loop3A_352 = arith.constant 4 : i32
      %parallel_loop3A_353 = vector.broadcast %parallel_loop3A_352 : i32 to vector<16xi32>
      %parallel_loop3A_354 = arith.addi %parallel_loop3A_260, %parallel_loop3A_353 : vector<16xi32>
      %parallel_loop3A_355 = arith.constant 0 : i32
      %parallel_loop3A_356 = arith.constant 0 : i32
      %parallel_loop3A_357 = arith.constant 0 : i32
      %parallel_loop3A_358 = tpu.memref_slice %arg11[%parallel_loop3A_355, %parallel_loop3A_356, %parallel_loop3A_357] : memref<2x128x128xf32, #tpu.memory_space<vmem>> -> memref<1x128x128xf32, #tpu.memory_space<vmem>>
      %parallel_loop3A_359 = tpu.memref_squeeze %parallel_loop3A_358 : memref<1x128x128xf32, #tpu.memory_space<vmem>> -> memref<128x128xf32, #tpu.memory_space<vmem>>
      %parallel_loop3A_360 = tpu.vector_load_idx %parallel_loop3A_359[%parallel_loop3A_244, %parallel_loop3A_354] : memref<128x128xf32, #tpu.memory_space<vmem>>[vector<16xi32>, vector<16xi32>], vector<16xf32>,
      %parallel_loop3A_361 = arith.mulf %parallel_loop3A_351, %parallel_loop3A_360 : vector<16xf32>
      %parallel_loop3A_362 = arith.addf %parallel_loop3A_342, %parallel_loop3A_361 : vector<16xf32>
      %parallel_loop3A_363 = arith.constant 5 : i32
      %parallel_loop3A_364 = vector.broadcast %parallel_loop3A_363 : i32 to vector<16xi32>
      %parallel_loop3A_365 = arith.addi %parallel_loop3A_254, %parallel_loop3A_364 : vector<16xi32>
      %parallel_loop3A_366 = arith.constant 0 : i32
      %parallel_loop3A_367 = arith.constant 0 : i32
      %parallel_loop3A_368 = arith.constant 0 : i32
      %parallel_loop3A_369 = tpu.memref_slice %arg10[%parallel_loop3A_366, %parallel_loop3A_367, %parallel_loop3A_368] : memref<2x128x128xf32, #tpu.memory_space<vmem>> -> memref<1x128x128xf32, #tpu.memory_space<vmem>>
      %parallel_loop3A_370 = tpu.memref_squeeze %parallel_loop3A_369 : memref<1x128x128xf32, #tpu.memory_space<vmem>> -> memref<128x128xf32, #tpu.memory_space<vmem>>
      %parallel_loop3A_371 = tpu.vector_load_idx %parallel_loop3A_370[%parallel_loop3A_244, %parallel_loop3A_365] : memref<128x128xf32, #tpu.memory_space<vmem>>[vector<16xi32>, vector<16xi32>], vector<16xf32>,
      %parallel_loop3A_372 = arith.constant 5 : i32
      %parallel_loop3A_373 = vector.broadcast %parallel_loop3A_372 : i32 to vector<16xi32>
      %parallel_loop3A_374 = arith.addi %parallel_loop3A_260, %parallel_loop3A_373 : vector<16xi32>
      %parallel_loop3A_375 = arith.constant 0 : i32
      %parallel_loop3A_376 = arith.constant 0 : i32
      %parallel_loop3A_377 = arith.constant 0 : i32
      %parallel_loop3A_378 = tpu.memref_slice %arg11[%parallel_loop3A_375, %parallel_loop3A_376, %parallel_loop3A_377] : memref<2x128x128xf32, #tpu.memory_space<vmem>> -> memref<1x128x128xf32, #tpu.memory_space<vmem>>
      %parallel_loop3A_379 = tpu.memref_squeeze %parallel_loop3A_378 : memref<1x128x128xf32, #tpu.memory_space<vmem>> -> memref<128x128xf32, #tpu.memory_space<vmem>>
      %parallel_loop3A_380 = tpu.vector_load_idx %parallel_loop3A_379[%parallel_loop3A_244, %parallel_loop3A_374] : memref<128x128xf32, #tpu.memory_space<vmem>>[vector<16xi32>, vector<16xi32>], vector<16xf32>,
      %parallel_loop3A_381 = arith.mulf %parallel_loop3A_371, %parallel_loop3A_380 : vector<16xf32>
      %parallel_loop3A_382 = arith.addf %parallel_loop3A_362, %parallel_loop3A_381 : vector<16xf32>
      %parallel_loop3A_383 = arith.constant 6 : i32
      %parallel_loop3A_384 = vector.broadcast %parallel_loop3A_383 : i32 to vector<16xi32>
      %parallel_loop3A_385 = arith.addi %parallel_loop3A_254, %parallel_loop3A_384 : vector<16xi32>
      %parallel_loop3A_386 = arith.constant 0 : i32
      %parallel_loop3A_387 = arith.constant 0 : i32
      %parallel_loop3A_388 = arith.constant 0 : i32
      %parallel_loop3A_389 = tpu.memref_slice %arg10[%parallel_loop3A_386, %parallel_loop3A_387, %parallel_loop3A_388] : memref<2x128x128xf32, #tpu.memory_space<vmem>> -> memref<1x128x128xf32, #tpu.memory_space<vmem>>
      %parallel_loop3A_390 = tpu.memref_squeeze %parallel_loop3A_389 : memref<1x128x128xf32, #tpu.memory_space<vmem>> -> memref<128x128xf32, #tpu.memory_space<vmem>>
      %parallel_loop3A_391 = tpu.vector_load_idx %parallel_loop3A_390[%parallel_loop3A_244, %parallel_loop3A_385] : memref<128x128xf32, #tpu.memory_space<vmem>>[vector<16xi32>, vector<16xi32>], vector<16xf32>,
      %parallel_loop3A_392 = arith.constant 6 : i32
      %parallel_loop3A_393 = vector.broadcast %parallel_loop3A_392 : i32 to vector<16xi32>
      %parallel_loop3A_394 = arith.addi %parallel_loop3A_260, %parallel_loop3A_393 : vector<16xi32>
      %parallel_loop3A_395 = arith.constant 0 : i32
      %parallel_loop3A_396 = arith.constant 0 : i32
      %parallel_loop3A_397 = arith.constant 0 : i32
      %parallel_loop3A_398 = tpu.memref_slice %arg11[%parallel_loop3A_395, %parallel_loop3A_396, %parallel_loop3A_397] : memref<2x128x128xf32, #tpu.memory_space<vmem>> -> memref<1x128x128xf32, #tpu.memory_space<vmem>>
      %parallel_loop3A_399 = tpu.memref_squeeze %parallel_loop3A_398 : memref<1x128x128xf32, #tpu.memory_space<vmem>> -> memref<128x128xf32, #tpu.memory_space<vmem>>
      %parallel_loop3A_400 = tpu.vector_load_idx %parallel_loop3A_399[%parallel_loop3A_244, %parallel_loop3A_394] : memref<128x128xf32, #tpu.memory_space<vmem>>[vector<16xi32>, vector<16xi32>], vector<16xf32>,
      %parallel_loop3A_401 = arith.mulf %parallel_loop3A_391, %parallel_loop3A_400 : vector<16xf32>
      %parallel_loop3A_402 = arith.addf %parallel_loop3A_382, %parallel_loop3A_401 : vector<16xf32>
      %parallel_loop3A_403 = arith.constant 7 : i32
      %parallel_loop3A_404 = vector.broadcast %parallel_loop3A_403 : i32 to vector<16xi32>
      %parallel_loop3A_405 = arith.addi %parallel_loop3A_254, %parallel_loop3A_404 : vector<16xi32>
      %parallel_loop3A_406 = arith.constant 0 : i32
      %parallel_loop3A_407 = arith.constant 0 : i32
      %parallel_loop3A_408 = arith.constant 0 : i32
      %parallel_loop3A_409 = tpu.memref_slice %arg10[%parallel_loop3A_406, %parallel_loop3A_407, %parallel_loop3A_408] : memref<2x128x128xf32, #tpu.memory_space<vmem>> -> memref<1x128x128xf32, #tpu.memory_space<vmem>>
      %parallel_loop3A_410 = tpu.memref_squeeze %parallel_loop3A_409 : memref<1x128x128xf32, #tpu.memory_space<vmem>> -> memref<128x128xf32, #tpu.memory_space<vmem>>
      %parallel_loop3A_411 = tpu.vector_load_idx %parallel_loop3A_410[%parallel_loop3A_244, %parallel_loop3A_405] : memref<128x128xf32, #tpu.memory_space<vmem>>[vector<16xi32>, vector<16xi32>], vector<16xf32>,
      %parallel_loop3A_412 = arith.constant 7 : i32
      %parallel_loop3A_413 = vector.broadcast %parallel_loop3A_412 : i32 to vector<16xi32>
      %parallel_loop3A_414 = arith.addi %parallel_loop3A_260, %parallel_loop3A_413 : vector<16xi32>
      %parallel_loop3A_415 = arith.constant 0 : i32
      %parallel_loop3A_416 = arith.constant 0 : i32
      %parallel_loop3A_417 = arith.constant 0 : i32
      %parallel_loop3A_418 = tpu.memref_slice %arg11[%parallel_loop3A_415, %parallel_loop3A_416, %parallel_loop3A_417] : memref<2x128x128xf32, #tpu.memory_space<vmem>> -> memref<1x128x128xf32, #tpu.memory_space<vmem>>
      %parallel_loop3A_419 = tpu.memref_squeeze %parallel_loop3A_418 : memref<1x128x128xf32, #tpu.memory_space<vmem>> -> memref<128x128xf32, #tpu.memory_space<vmem>>
      %parallel_loop3A_420 = tpu.vector_load_idx %parallel_loop3A_419[%parallel_loop3A_244, %parallel_loop3A_414] : memref<128x128xf32, #tpu.memory_space<vmem>>[vector<16xi32>, vector<16xi32>], vector<16xf32>,
      %parallel_loop3A_421 = arith.mulf %parallel_loop3A_411, %parallel_loop3A_420 : vector<16xf32>
      %parallel_loop3A_422 = arith.addf %parallel_loop3A_402, %parallel_loop3A_421 : vector<16xf32>
      %parallel_loop3A_423 = arith.constant 8 : i32
      %parallel_loop3A_424 = vector.broadcast %parallel_loop3A_423 : i32 to vector<16xi32>
      %parallel_loop3A_425 = arith.addi %parallel_loop3A_254, %parallel_loop3A_424 : vector<16xi32>
      %parallel_loop3A_426 = arith.constant 0 : i32
      %parallel_loop3A_427 = arith.constant 0 : i32
      %parallel_loop3A_428 = arith.constant 0 : i32
      %parallel_loop3A_429 = tpu.memref_slice %arg10[%parallel_loop3A_426, %parallel_loop3A_427, %parallel_loop3A_428] : memref<2x128x128xf32, #tpu.memory_space<vmem>> -> memref<1x128x128xf32, #tpu.memory_space<vmem>>
      %parallel_loop3A_430 = tpu.memref_squeeze %parallel_loop3A_429 : memref<1x128x128xf32, #tpu.memory_space<vmem>> -> memref<128x128xf32, #tpu.memory_space<vmem>>
      %parallel_loop3A_431 = tpu.vector_load_idx %parallel_loop3A_430[%parallel_loop3A_244, %parallel_loop3A_425] : memref<128x128xf32, #tpu.memory_space<vmem>>[vector<16xi32>, vector<16xi32>], vector<16xf32>,
      %parallel_loop3A_432 = arith.constant 8 : i32
      %parallel_loop3A_433 = vector.broadcast %parallel_loop3A_432 : i32 to vector<16xi32>
      %parallel_loop3A_434 = arith.addi %parallel_loop3A_260, %parallel_loop3A_433 : vector<16xi32>
      %parallel_loop3A_435 = arith.constant 0 : i32
      %parallel_loop3A_436 = arith.constant 0 : i32
      %parallel_loop3A_437 = arith.constant 0 : i32
      %parallel_loop3A_438 = tpu.memref_slice %arg11[%parallel_loop3A_435, %parallel_loop3A_436, %parallel_loop3A_437] : memref<2x128x128xf32, #tpu.memory_space<vmem>> -> memref<1x128x128xf32, #tpu.memory_space<vmem>>
      %parallel_loop3A_439 = tpu.memref_squeeze %parallel_loop3A_438 : memref<1x128x128xf32, #tpu.memory_space<vmem>> -> memref<128x128xf32, #tpu.memory_space<vmem>>
      %parallel_loop3A_440 = tpu.vector_load_idx %parallel_loop3A_439[%parallel_loop3A_244, %parallel_loop3A_434] : memref<128x128xf32, #tpu.memory_space<vmem>>[vector<16xi32>, vector<16xi32>], vector<16xf32>,
      %parallel_loop3A_441 = arith.mulf %parallel_loop3A_431, %parallel_loop3A_440 : vector<16xf32>
      %parallel_loop3A_442 = arith.addf %parallel_loop3A_422, %parallel_loop3A_441 : vector<16xf32>
      %parallel_loop3A_443 = arith.constant 9 : i32
      %parallel_loop3A_444 = vector.broadcast %parallel_loop3A_443 : i32 to vector<16xi32>
      %parallel_loop3A_445 = arith.addi %parallel_loop3A_254, %parallel_loop3A_444 : vector<16xi32>
      %parallel_loop3A_446 = arith.constant 0 : i32
      %parallel_loop3A_447 = arith.constant 0 : i32
      %parallel_loop3A_448 = arith.constant 0 : i32
      %parallel_loop3A_449 = tpu.memref_slice %arg10[%parallel_loop3A_446, %parallel_loop3A_447, %parallel_loop3A_448] : memref<2x128x128xf32, #tpu.memory_space<vmem>> -> memref<1x128x128xf32, #tpu.memory_space<vmem>>
      %parallel_loop3A_450 = tpu.memref_squeeze %parallel_loop3A_449 : memref<1x128x128xf32, #tpu.memory_space<vmem>> -> memref<128x128xf32, #tpu.memory_space<vmem>>
      %parallel_loop3A_451 = tpu.vector_load_idx %parallel_loop3A_450[%parallel_loop3A_244, %parallel_loop3A_445] : memref<128x128xf32, #tpu.memory_space<vmem>>[vector<16xi32>, vector<16xi32>], vector<16xf32>,
      %parallel_loop3A_452 = arith.constant 9 : i32
      %parallel_loop3A_453 = vector.broadcast %parallel_loop3A_452 : i32 to vector<16xi32>
      %parallel_loop3A_454 = arith.addi %parallel_loop3A_260, %parallel_loop3A_453 : vector<16xi32>
      %parallel_loop3A_455 = arith.constant 0 : i32
      %parallel_loop3A_456 = arith.constant 0 : i32
      %parallel_loop3A_457 = arith.constant 0 : i32
      %parallel_loop3A_458 = tpu.memref_slice %arg11[%parallel_loop3A_455, %parallel_loop3A_456, %parallel_loop3A_457] : memref<2x128x128xf32, #tpu.memory_space<vmem>> -> memref<1x128x128xf32, #tpu.memory_space<vmem>>
      %parallel_loop3A_459 = tpu.memref_squeeze %parallel_loop3A_458 : memref<1x128x128xf32, #tpu.memory_space<vmem>> -> memref<128x128xf32, #tpu.memory_space<vmem>>
      %parallel_loop3A_460 = tpu.vector_load_idx %parallel_loop3A_459[%parallel_loop3A_244, %parallel_loop3A_454] : memref<128x128xf32, #tpu.memory_space<vmem>>[vector<16xi32>, vector<16xi32>], vector<16xf32>,
      %parallel_loop3A_461 = arith.mulf %parallel_loop3A_451, %parallel_loop3A_460 : vector<16xf32>
      %parallel_loop3A_462 = arith.addf %parallel_loop3A_442, %parallel_loop3A_461 : vector<16xf32>
      %parallel_loop3A_463 = arith.constant 10 : i32
      %parallel_loop3A_464 = vector.broadcast %parallel_loop3A_463 : i32 to vector<16xi32>
      %parallel_loop3A_465 = arith.addi %parallel_loop3A_254, %parallel_loop3A_464 : vector<16xi32>
      %parallel_loop3A_466 = arith.constant 0 : i32
      %parallel_loop3A_467 = arith.constant 0 : i32
      %parallel_loop3A_468 = arith.constant 0 : i32
      %parallel_loop3A_469 = tpu.memref_slice %arg10[%parallel_loop3A_466, %parallel_loop3A_467, %parallel_loop3A_468] : memref<2x128x128xf32, #tpu.memory_space<vmem>> -> memref<1x128x128xf32, #tpu.memory_space<vmem>>
      %parallel_loop3A_470 = tpu.memref_squeeze %parallel_loop3A_469 : memref<1x128x128xf32, #tpu.memory_space<vmem>> -> memref<128x128xf32, #tpu.memory_space<vmem>>
      %parallel_loop3A_471 = tpu.vector_load_idx %parallel_loop3A_470[%parallel_loop3A_244, %parallel_loop3A_465] : memref<128x128xf32, #tpu.memory_space<vmem>>[vector<16xi32>, vector<16xi32>], vector<16xf32>,
      %parallel_loop3A_472 = arith.constant 10 : i32
      %parallel_loop3A_473 = vector.broadcast %parallel_loop3A_472 : i32 to vector<16xi32>
      %parallel_loop3A_474 = arith.addi %parallel_loop3A_260, %parallel_loop3A_473 : vector<16xi32>
      %parallel_loop3A_475 = arith.constant 0 : i32
      %parallel_loop3A_476 = arith.constant 0 : i32
      %parallel_loop3A_477 = arith.constant 0 : i32
      %parallel_loop3A_478 = tpu.memref_slice %arg11[%parallel_loop3A_475, %parallel_loop3A_476, %parallel_loop3A_477] : memref<2x128x128xf32, #tpu.memory_space<vmem>> -> memref<1x128x128xf32, #tpu.memory_space<vmem>>
      %parallel_loop3A_479 = tpu.memref_squeeze %parallel_loop3A_478 : memref<1x128x128xf32, #tpu.memory_space<vmem>> -> memref<128x128xf32, #tpu.memory_space<vmem>>
      %parallel_loop3A_480 = tpu.vector_load_idx %parallel_loop3A_479[%parallel_loop3A_244, %parallel_loop3A_474] : memref<128x128xf32, #tpu.memory_space<vmem>>[vector<16xi32>, vector<16xi32>], vector<16xf32>,
      %parallel_loop3A_481 = arith.mulf %parallel_loop3A_471, %parallel_loop3A_480 : vector<16xf32>
      %parallel_loop3A_482 = arith.addf %parallel_loop3A_462, %parallel_loop3A_481 : vector<16xf32>
      %parallel_loop3A_483 = arith.constant 11 : i32
      %parallel_loop3A_484 = vector.broadcast %parallel_loop3A_483 : i32 to vector<16xi32>
      %parallel_loop3A_485 = arith.addi %parallel_loop3A_254, %parallel_loop3A_484 : vector<16xi32>
      %parallel_loop3A_486 = arith.constant 0 : i32
      %parallel_loop3A_487 = arith.constant 0 : i32
      %parallel_loop3A_488 = arith.constant 0 : i32
      %parallel_loop3A_489 = tpu.memref_slice %arg10[%parallel_loop3A_486, %parallel_loop3A_487, %parallel_loop3A_488] : memref<2x128x128xf32, #tpu.memory_space<vmem>> -> memref<1x128x128xf32, #tpu.memory_space<vmem>>
      %parallel_loop3A_490 = tpu.memref_squeeze %parallel_loop3A_489 : memref<1x128x128xf32, #tpu.memory_space<vmem>> -> memref<128x128xf32, #tpu.memory_space<vmem>>
      %parallel_loop3A_491 = tpu.vector_load_idx %parallel_loop3A_490[%parallel_loop3A_244, %parallel_loop3A_485] : memref<128x128xf32, #tpu.memory_space<vmem>>[vector<16xi32>, vector<16xi32>], vector<16xf32>,
      %parallel_loop3A_492 = arith.constant 11 : i32
      %parallel_loop3A_493 = vector.broadcast %parallel_loop3A_492 : i32 to vector<16xi32>
      %parallel_loop3A_494 = arith.addi %parallel_loop3A_260, %parallel_loop3A_493 : vector<16xi32>
      %parallel_loop3A_495 = arith.constant 0 : i32
      %parallel_loop3A_496 = arith.constant 0 : i32
      %parallel_loop3A_497 = arith.constant 0 : i32
      %parallel_loop3A_498 = tpu.memref_slice %arg11[%parallel_loop3A_495, %parallel_loop3A_496, %parallel_loop3A_497] : memref<2x128x128xf32, #tpu.memory_space<vmem>> -> memref<1x128x128xf32, #tpu.memory_space<vmem>>
      %parallel_loop3A_499 = tpu.memref_squeeze %parallel_loop3A_498 : memref<1x128x128xf32, #tpu.memory_space<vmem>> -> memref<128x128xf32, #tpu.memory_space<vmem>>
      %parallel_loop3A_500 = tpu.vector_load_idx %parallel_loop3A_499[%parallel_loop3A_244, %parallel_loop3A_494] : memref<128x128xf32, #tpu.memory_space<vmem>>[vector<16xi32>, vector<16xi32>], vector<16xf32>,
      %parallel_loop3A_501 = arith.mulf %parallel_loop3A_491, %parallel_loop3A_500 : vector<16xf32>
      %parallel_loop3A_502 = arith.addf %parallel_loop3A_482, %parallel_loop3A_501 : vector<16xf32>
      %parallel_loop3A_503 = arith.constant 12 : i32
      %parallel_loop3A_504 = vector.broadcast %parallel_loop3A_503 : i32 to vector<16xi32>
      %parallel_loop3A_505 = arith.addi %parallel_loop3A_254, %parallel_loop3A_504 : vector<16xi32>
      %parallel_loop3A_506 = arith.constant 0 : i32
      %parallel_loop3A_507 = arith.constant 0 : i32
      %parallel_loop3A_508 = arith.constant 0 : i32
      %parallel_loop3A_509 = tpu.memref_slice %arg10[%parallel_loop3A_506, %parallel_loop3A_507, %parallel_loop3A_508] : memref<2x128x128xf32, #tpu.memory_space<vmem>> -> memref<1x128x128xf32, #tpu.memory_space<vmem>>
      %parallel_loop3A_510 = tpu.memref_squeeze %parallel_loop3A_509 : memref<1x128x128xf32, #tpu.memory_space<vmem>> -> memref<128x128xf32, #tpu.memory_space<vmem>>
      %parallel_loop3A_511 = tpu.vector_load_idx %parallel_loop3A_510[%parallel_loop3A_244, %parallel_loop3A_505] : memref<128x128xf32, #tpu.memory_space<vmem>>[vector<16xi32>, vector<16xi32>], vector<16xf32>,
      %parallel_loop3A_512 = arith.constant 12 : i32
      %parallel_loop3A_513 = vector.broadcast %parallel_loop3A_512 : i32 to vector<16xi32>
      %parallel_loop3A_514 = arith.addi %parallel_loop3A_260, %parallel_loop3A_513 : vector<16xi32>
      %parallel_loop3A_515 = arith.constant 0 : i32
      %parallel_loop3A_516 = arith.constant 0 : i32
      %parallel_loop3A_517 = arith.constant 0 : i32
      %parallel_loop3A_518 = tpu.memref_slice %arg11[%parallel_loop3A_515, %parallel_loop3A_516, %parallel_loop3A_517] : memref<2x128x128xf32, #tpu.memory_space<vmem>> -> memref<1x128x128xf32, #tpu.memory_space<vmem>>
      %parallel_loop3A_519 = tpu.memref_squeeze %parallel_loop3A_518 : memref<1x128x128xf32, #tpu.memory_space<vmem>> -> memref<128x128xf32, #tpu.memory_space<vmem>>
      %parallel_loop3A_520 = tpu.vector_load_idx %parallel_loop3A_519[%parallel_loop3A_244, %parallel_loop3A_514] : memref<128x128xf32, #tpu.memory_space<vmem>>[vector<16xi32>, vector<16xi32>], vector<16xf32>,
      %parallel_loop3A_521 = arith.mulf %parallel_loop3A_511, %parallel_loop3A_520 : vector<16xf32>
      %parallel_loop3A_522 = arith.addf %parallel_loop3A_502, %parallel_loop3A_521 : vector<16xf32>
      %parallel_loop3A_523 = arith.constant 13 : i32
      %parallel_loop3A_524 = vector.broadcast %parallel_loop3A_523 : i32 to vector<16xi32>
      %parallel_loop3A_525 = arith.addi %parallel_loop3A_254, %parallel_loop3A_524 : vector<16xi32>
      %parallel_loop3A_526 = arith.constant 0 : i32
      %parallel_loop3A_527 = arith.constant 0 : i32
      %parallel_loop3A_528 = arith.constant 0 : i32
      %parallel_loop3A_529 = tpu.memref_slice %arg10[%parallel_loop3A_526, %parallel_loop3A_527, %parallel_loop3A_528] : memref<2x128x128xf32, #tpu.memory_space<vmem>> -> memref<1x128x128xf32, #tpu.memory_space<vmem>>
      %parallel_loop3A_530 = tpu.memref_squeeze %parallel_loop3A_529 : memref<1x128x128xf32, #tpu.memory_space<vmem>> -> memref<128x128xf32, #tpu.memory_space<vmem>>
      %parallel_loop3A_531 = tpu.vector_load_idx %parallel_loop3A_530[%parallel_loop3A_244, %parallel_loop3A_525] : memref<128x128xf32, #tpu.memory_space<vmem>>[vector<16xi32>, vector<16xi32>], vector<16xf32>,
      %parallel_loop3A_532 = arith.constant 13 : i32
      %parallel_loop3A_533 = vector.broadcast %parallel_loop3A_532 : i32 to vector<16xi32>
      %parallel_loop3A_534 = arith.addi %parallel_loop3A_260, %parallel_loop3A_533 : vector<16xi32>
      %parallel_loop3A_535 = arith.constant 0 : i32
      %parallel_loop3A_536 = arith.constant 0 : i32
      %parallel_loop3A_537 = arith.constant 0 : i32
      %parallel_loop3A_538 = tpu.memref_slice %arg11[%parallel_loop3A_535, %parallel_loop3A_536, %parallel_loop3A_537] : memref<2x128x128xf32, #tpu.memory_space<vmem>> -> memref<1x128x128xf32, #tpu.memory_space<vmem>>
      %parallel_loop3A_539 = tpu.memref_squeeze %parallel_loop3A_538 : memref<1x128x128xf32, #tpu.memory_space<vmem>> -> memref<128x128xf32, #tpu.memory_space<vmem>>
      %parallel_loop3A_540 = tpu.vector_load_idx %parallel_loop3A_539[%parallel_loop3A_244, %parallel_loop3A_534] : memref<128x128xf32, #tpu.memory_space<vmem>>[vector<16xi32>, vector<16xi32>], vector<16xf32>,
      %parallel_loop3A_541 = arith.mulf %parallel_loop3A_531, %parallel_loop3A_540 : vector<16xf32>
      %parallel_loop3A_542 = arith.addf %parallel_loop3A_522, %parallel_loop3A_541 : vector<16xf32>
      %parallel_loop3A_543 = arith.constant 14 : i32
      %parallel_loop3A_544 = vector.broadcast %parallel_loop3A_543 : i32 to vector<16xi32>
      %parallel_loop3A_545 = arith.addi %parallel_loop3A_254, %parallel_loop3A_544 : vector<16xi32>
      %parallel_loop3A_546 = arith.constant 0 : i32
      %parallel_loop3A_547 = arith.constant 0 : i32
      %parallel_loop3A_548 = arith.constant 0 : i32
      %parallel_loop3A_549 = tpu.memref_slice %arg10[%parallel_loop3A_546, %parallel_loop3A_547, %parallel_loop3A_548] : memref<2x128x128xf32, #tpu.memory_space<vmem>> -> memref<1x128x128xf32, #tpu.memory_space<vmem>>
      %parallel_loop3A_550 = tpu.memref_squeeze %parallel_loop3A_549 : memref<1x128x128xf32, #tpu.memory_space<vmem>> -> memref<128x128xf32, #tpu.memory_space<vmem>>
      %parallel_loop3A_551 = tpu.vector_load_idx %parallel_loop3A_550[%parallel_loop3A_244, %parallel_loop3A_545] : memref<128x128xf32, #tpu.memory_space<vmem>>[vector<16xi32>, vector<16xi32>], vector<16xf32>,
      %parallel_loop3A_552 = arith.constant 14 : i32
      %parallel_loop3A_553 = vector.broadcast %parallel_loop3A_552 : i32 to vector<16xi32>
      %parallel_loop3A_554 = arith.addi %parallel_loop3A_260, %parallel_loop3A_553 : vector<16xi32>
      %parallel_loop3A_555 = arith.constant 0 : i32
      %parallel_loop3A_556 = arith.constant 0 : i32
      %parallel_loop3A_557 = arith.constant 0 : i32
      %parallel_loop3A_558 = tpu.memref_slice %arg11[%parallel_loop3A_555, %parallel_loop3A_556, %parallel_loop3A_557] : memref<2x128x128xf32, #tpu.memory_space<vmem>> -> memref<1x128x128xf32, #tpu.memory_space<vmem>>
      %parallel_loop3A_559 = tpu.memref_squeeze %parallel_loop3A_558 : memref<1x128x128xf32, #tpu.memory_space<vmem>> -> memref<128x128xf32, #tpu.memory_space<vmem>>
      %parallel_loop3A_560 = tpu.vector_load_idx %parallel_loop3A_559[%parallel_loop3A_244, %parallel_loop3A_554] : memref<128x128xf32, #tpu.memory_space<vmem>>[vector<16xi32>, vector<16xi32>], vector<16xf32>,
      %parallel_loop3A_561 = arith.mulf %parallel_loop3A_551, %parallel_loop3A_560 : vector<16xf32>
      %parallel_loop3A_562 = arith.addf %parallel_loop3A_542, %parallel_loop3A_561 : vector<16xf32>
      %parallel_loop3A_563 = arith.constant 15 : i32
      %parallel_loop3A_564 = vector.broadcast %parallel_loop3A_563 : i32 to vector<16xi32>
      %parallel_loop3A_565 = arith.addi %parallel_loop3A_254, %parallel_loop3A_564 : vector<16xi32>
      %parallel_loop3A_566 = arith.constant 0 : i32
      %parallel_loop3A_567 = arith.constant 0 : i32
      %parallel_loop3A_568 = arith.constant 0 : i32
      %parallel_loop3A_569 = tpu.memref_slice %arg10[%parallel_loop3A_566, %parallel_loop3A_567, %parallel_loop3A_568] : memref<2x128x128xf32, #tpu.memory_space<vmem>> -> memref<1x128x128xf32, #tpu.memory_space<vmem>>
      %parallel_loop3A_570 = tpu.memref_squeeze %parallel_loop3A_569 : memref<1x128x128xf32, #tpu.memory_space<vmem>> -> memref<128x128xf32, #tpu.memory_space<vmem>>
      %parallel_loop3A_571 = tpu.vector_load_idx %parallel_loop3A_570[%parallel_loop3A_244, %parallel_loop3A_565] : memref<128x128xf32, #tpu.memory_space<vmem>>[vector<16xi32>, vector<16xi32>], vector<16xf32>,
      %parallel_loop3A_572 = arith.constant 15 : i32
      %parallel_loop3A_573 = vector.broadcast %parallel_loop3A_572 : i32 to vector<16xi32>
      %parallel_loop3A_574 = arith.addi %parallel_loop3A_260, %parallel_loop3A_573 : vector<16xi32>
      %parallel_loop3A_575 = arith.constant 0 : i32
      %parallel_loop3A_576 = arith.constant 0 : i32
      %parallel_loop3A_577 = arith.constant 0 : i32
      %parallel_loop3A_578 = tpu.memref_slice %arg11[%parallel_loop3A_575, %parallel_loop3A_576, %parallel_loop3A_577] : memref<2x128x128xf32, #tpu.memory_space<vmem>> -> memref<1x128x128xf32, #tpu.memory_space<vmem>>
      %parallel_loop3A_579 = tpu.memref_squeeze %parallel_loop3A_578 : memref<1x128x128xf32, #tpu.memory_space<vmem>> -> memref<128x128xf32, #tpu.memory_space<vmem>>
      %parallel_loop3A_580 = tpu.vector_load_idx %parallel_loop3A_579[%parallel_loop3A_244, %parallel_loop3A_574] : memref<128x128xf32, #tpu.memory_space<vmem>>[vector<16xi32>, vector<16xi32>], vector<16xf32>,
      %parallel_loop3A_581 = arith.mulf %parallel_loop3A_571, %parallel_loop3A_580 : vector<16xf32>
      %parallel_loop3A_582 = arith.addf %parallel_loop3A_562, %parallel_loop3A_581 : vector<16xf32>
      %parallel_loop3A_583 = arith.constant 16 : i32
      %parallel_loop3A_584 = vector.broadcast %parallel_loop3A_583 : i32 to vector<16xi32>
      %parallel_loop3A_585 = arith.addi %parallel_loop3A_254, %parallel_loop3A_584 : vector<16xi32>
      %parallel_loop3A_586 = arith.constant 0 : i32
      %parallel_loop3A_587 = arith.constant 0 : i32
      %parallel_loop3A_588 = arith.constant 0 : i32
      %parallel_loop3A_589 = tpu.memref_slice %arg10[%parallel_loop3A_586, %parallel_loop3A_587, %parallel_loop3A_588] : memref<2x128x128xf32, #tpu.memory_space<vmem>> -> memref<1x128x128xf32, #tpu.memory_space<vmem>>
      %parallel_loop3A_590 = tpu.memref_squeeze %parallel_loop3A_589 : memref<1x128x128xf32, #tpu.memory_space<vmem>> -> memref<128x128xf32, #tpu.memory_space<vmem>>
      %parallel_loop3A_591 = tpu.vector_load_idx %parallel_loop3A_590[%parallel_loop3A_244, %parallel_loop3A_585] : memref<128x128xf32, #tpu.memory_space<vmem>>[vector<16xi32>, vector<16xi32>], vector<16xf32>,
      %parallel_loop3A_592 = arith.constant 16 : i32
      %parallel_loop3A_593 = vector.broadcast %parallel_loop3A_592 : i32 to vector<16xi32>
      %parallel_loop3A_594 = arith.addi %parallel_loop3A_260, %parallel_loop3A_593 : vector<16xi32>
      %parallel_loop3A_595 = arith.constant 0 : i32
      %parallel_loop3A_596 = arith.constant 0 : i32
      %parallel_loop3A_597 = arith.constant 0 : i32
      %parallel_loop3A_598 = tpu.memref_slice %arg11[%parallel_loop3A_595, %parallel_loop3A_596, %parallel_loop3A_597] : memref<2x128x128xf32, #tpu.memory_space<vmem>> -> memref<1x128x128xf32, #tpu.memory_space<vmem>>
      %parallel_loop3A_599 = tpu.memref_squeeze %parallel_loop3A_598 : memref<1x128x128xf32, #tpu.memory_space<vmem>> -> memref<128x128xf32, #tpu.memory_space<vmem>>
      %parallel_loop3A_600 = tpu.vector_load_idx %parallel_loop3A_599[%parallel_loop3A_244, %parallel_loop3A_594] : memref<128x128xf32, #tpu.memory_space<vmem>>[vector<16xi32>, vector<16xi32>], vector<16xf32>,
      %parallel_loop3A_601 = arith.mulf %parallel_loop3A_591, %parallel_loop3A_600 : vector<16xf32>
      %parallel_loop3A_602 = arith.addf %parallel_loop3A_582, %parallel_loop3A_601 : vector<16xf32>
      %parallel_loop3A_603 = arith.constant 17 : i32
      %parallel_loop3A_604 = vector.broadcast %parallel_loop3A_603 : i32 to vector<16xi32>
      %parallel_loop3A_605 = arith.addi %parallel_loop3A_254, %parallel_loop3A_604 : vector<16xi32>
      %parallel_loop3A_606 = arith.constant 0 : i32
      %parallel_loop3A_607 = arith.constant 0 : i32
      %parallel_loop3A_608 = arith.constant 0 : i32
      %parallel_loop3A_609 = tpu.memref_slice %arg10[%parallel_loop3A_606, %parallel_loop3A_607, %parallel_loop3A_608] : memref<2x128x128xf32, #tpu.memory_space<vmem>> -> memref<1x128x128xf32, #tpu.memory_space<vmem>>
      %parallel_loop3A_610 = tpu.memref_squeeze %parallel_loop3A_609 : memref<1x128x128xf32, #tpu.memory_space<vmem>> -> memref<128x128xf32, #tpu.memory_space<vmem>>
      %parallel_loop3A_611 = tpu.vector_load_idx %parallel_loop3A_610[%parallel_loop3A_244, %parallel_loop3A_605] : memref<128x128xf32, #tpu.memory_space<vmem>>[vector<16xi32>, vector<16xi32>], vector<16xf32>,
      %parallel_loop3A_612 = arith.constant 17 : i32
      %parallel_loop3A_613 = vector.broadcast %parallel_loop3A_612 : i32 to vector<16xi32>
      %parallel_loop3A_614 = arith.addi %parallel_loop3A_260, %parallel_loop3A_613 : vector<16xi32>
      %parallel_loop3A_615 = arith.constant 0 : i32
      %parallel_loop3A_616 = arith.constant 0 : i32
      %parallel_loop3A_617 = arith.constant 0 : i32
      %parallel_loop3A_618 = tpu.memref_slice %arg11[%parallel_loop3A_615, %parallel_loop3A_616, %parallel_loop3A_617] : memref<2x128x128xf32, #tpu.memory_space<vmem>> -> memref<1x128x128xf32, #tpu.memory_space<vmem>>
      %parallel_loop3A_619 = tpu.memref_squeeze %parallel_loop3A_618 : memref<1x128x128xf32, #tpu.memory_space<vmem>> -> memref<128x128xf32, #tpu.memory_space<vmem>>
      %parallel_loop3A_620 = tpu.vector_load_idx %parallel_loop3A_619[%parallel_loop3A_244, %parallel_loop3A_614] : memref<128x128xf32, #tpu.memory_space<vmem>>[vector<16xi32>, vector<16xi32>], vector<16xf32>,
      %parallel_loop3A_621 = arith.mulf %parallel_loop3A_611, %parallel_loop3A_620 : vector<16xf32>
      %parallel_loop3A_622 = arith.addf %parallel_loop3A_602, %parallel_loop3A_621 : vector<16xf32>
      %parallel_loop3A_623 = arith.constant 18 : i32
      %parallel_loop3A_624 = vector.broadcast %parallel_loop3A_623 : i32 to vector<16xi32>
      %parallel_loop3A_625 = arith.addi %parallel_loop3A_254, %parallel_loop3A_624 : vector<16xi32>
      %parallel_loop3A_626 = arith.constant 0 : i32
      %parallel_loop3A_627 = arith.constant 0 : i32
      %parallel_loop3A_628 = arith.constant 0 : i32
      %parallel_loop3A_629 = tpu.memref_slice %arg10[%parallel_loop3A_626, %parallel_loop3A_627, %parallel_loop3A_628] : memref<2x128x128xf32, #tpu.memory_space<vmem>> -> memref<1x128x128xf32, #tpu.memory_space<vmem>>
      %parallel_loop3A_630 = tpu.memref_squeeze %parallel_loop3A_629 : memref<1x128x128xf32, #tpu.memory_space<vmem>> -> memref<128x128xf32, #tpu.memory_space<vmem>>
      %parallel_loop3A_631 = tpu.vector_load_idx %parallel_loop3A_630[%parallel_loop3A_244, %parallel_loop3A_625] : memref<128x128xf32, #tpu.memory_space<vmem>>[vector<16xi32>, vector<16xi32>], vector<16xf32>,
      %parallel_loop3A_632 = arith.constant 18 : i32
      %parallel_loop3A_633 = vector.broadcast %parallel_loop3A_632 : i32 to vector<16xi32>
      %parallel_loop3A_634 = arith.addi %parallel_loop3A_260, %parallel_loop3A_633 : vector<16xi32>
      %parallel_loop3A_635 = arith.constant 0 : i32
      %parallel_loop3A_636 = arith.constant 0 : i32
      %parallel_loop3A_637 = arith.constant 0 : i32
      %parallel_loop3A_638 = tpu.memref_slice %arg11[%parallel_loop3A_635, %parallel_loop3A_636, %parallel_loop3A_637] : memref<2x128x128xf32, #tpu.memory_space<vmem>> -> memref<1x128x128xf32, #tpu.memory_space<vmem>>
      %parallel_loop3A_639 = tpu.memref_squeeze %parallel_loop3A_638 : memref<1x128x128xf32, #tpu.memory_space<vmem>> -> memref<128x128xf32, #tpu.memory_space<vmem>>
      %parallel_loop3A_640 = tpu.vector_load_idx %parallel_loop3A_639[%parallel_loop3A_244, %parallel_loop3A_634] : memref<128x128xf32, #tpu.memory_space<vmem>>[vector<16xi32>, vector<16xi32>], vector<16xf32>,
      %parallel_loop3A_641 = arith.mulf %parallel_loop3A_631, %parallel_loop3A_640 : vector<16xf32>
      %parallel_loop3A_642 = arith.addf %parallel_loop3A_622, %parallel_loop3A_641 : vector<16xf32>
      %parallel_loop3A_643 = arith.constant 19 : i32
      %parallel_loop3A_644 = vector.broadcast %parallel_loop3A_643 : i32 to vector<16xi32>
      %parallel_loop3A_645 = arith.addi %parallel_loop3A_254, %parallel_loop3A_644 : vector<16xi32>
      %parallel_loop3A_646 = arith.constant 0 : i32
      %parallel_loop3A_647 = arith.constant 0 : i32
      %parallel_loop3A_648 = arith.constant 0 : i32
      %parallel_loop3A_649 = tpu.memref_slice %arg10[%parallel_loop3A_646, %parallel_loop3A_647, %parallel_loop3A_648] : memref<2x128x128xf32, #tpu.memory_space<vmem>> -> memref<1x128x128xf32, #tpu.memory_space<vmem>>
      %parallel_loop3A_650 = tpu.memref_squeeze %parallel_loop3A_649 : memref<1x128x128xf32, #tpu.memory_space<vmem>> -> memref<128x128xf32, #tpu.memory_space<vmem>>
      %parallel_loop3A_651 = tpu.vector_load_idx %parallel_loop3A_650[%parallel_loop3A_244, %parallel_loop3A_645] : memref<128x128xf32, #tpu.memory_space<vmem>>[vector<16xi32>, vector<16xi32>], vector<16xf32>,
      %parallel_loop3A_652 = arith.constant 19 : i32
      %parallel_loop3A_653 = vector.broadcast %parallel_loop3A_652 : i32 to vector<16xi32>
      %parallel_loop3A_654 = arith.addi %parallel_loop3A_260, %parallel_loop3A_653 : vector<16xi32>
      %parallel_loop3A_655 = arith.constant 0 : i32
      %parallel_loop3A_656 = arith.constant 0 : i32
      %parallel_loop3A_657 = arith.constant 0 : i32
      %parallel_loop3A_658 = tpu.memref_slice %arg11[%parallel_loop3A_655, %parallel_loop3A_656, %parallel_loop3A_657] : memref<2x128x128xf32, #tpu.memory_space<vmem>> -> memref<1x128x128xf32, #tpu.memory_space<vmem>>
      %parallel_loop3A_659 = tpu.memref_squeeze %parallel_loop3A_658 : memref<1x128x128xf32, #tpu.memory_space<vmem>> -> memref<128x128xf32, #tpu.memory_space<vmem>>
      %parallel_loop3A_660 = tpu.vector_load_idx %parallel_loop3A_659[%parallel_loop3A_244, %parallel_loop3A_654] : memref<128x128xf32, #tpu.memory_space<vmem>>[vector<16xi32>, vector<16xi32>], vector<16xf32>,
      %parallel_loop3A_661 = arith.mulf %parallel_loop3A_651, %parallel_loop3A_660 : vector<16xf32>
      %parallel_loop3A_662 = arith.addf %parallel_loop3A_642, %parallel_loop3A_661 : vector<16xf32>
      %parallel_loop3A_663 = arith.constant 20 : i32
      %parallel_loop3A_664 = vector.broadcast %parallel_loop3A_663 : i32 to vector<16xi32>
      %parallel_loop3A_665 = arith.addi %parallel_loop3A_254, %parallel_loop3A_664 : vector<16xi32>
      %parallel_loop3A_666 = arith.constant 0 : i32
      %parallel_loop3A_667 = arith.constant 0 : i32
      %parallel_loop3A_668 = arith.constant 0 : i32
      %parallel_loop3A_669 = tpu.memref_slice %arg10[%parallel_loop3A_666, %parallel_loop3A_667, %parallel_loop3A_668] : memref<2x128x128xf32, #tpu.memory_space<vmem>> -> memref<1x128x128xf32, #tpu.memory_space<vmem>>
      %parallel_loop3A_670 = tpu.memref_squeeze %parallel_loop3A_669 : memref<1x128x128xf32, #tpu.memory_space<vmem>> -> memref<128x128xf32, #tpu.memory_space<vmem>>
      %parallel_loop3A_671 = tpu.vector_load_idx %parallel_loop3A_670[%parallel_loop3A_244, %parallel_loop3A_665] : memref<128x128xf32, #tpu.memory_space<vmem>>[vector<16xi32>, vector<16xi32>], vector<16xf32>,
      %parallel_loop3A_672 = arith.constant 20 : i32
      %parallel_loop3A_673 = vector.broadcast %parallel_loop3A_672 : i32 to vector<16xi32>
      %parallel_loop3A_674 = arith.addi %parallel_loop3A_260, %parallel_loop3A_673 : vector<16xi32>
      %parallel_loop3A_675 = arith.constant 0 : i32
      %parallel_loop3A_676 = arith.constant 0 : i32
      %parallel_loop3A_677 = arith.constant 0 : i32
      %parallel_loop3A_678 = tpu.memref_slice %arg11[%parallel_loop3A_675, %parallel_loop3A_676, %parallel_loop3A_677] : memref<2x128x128xf32, #tpu.memory_space<vmem>> -> memref<1x128x128xf32, #tpu.memory_space<vmem>>
      %parallel_loop3A_679 = tpu.memref_squeeze %parallel_loop3A_678 : memref<1x128x128xf32, #tpu.memory_space<vmem>> -> memref<128x128xf32, #tpu.memory_space<vmem>>
      %parallel_loop3A_680 = tpu.vector_load_idx %parallel_loop3A_679[%parallel_loop3A_244, %parallel_loop3A_674] : memref<128x128xf32, #tpu.memory_space<vmem>>[vector<16xi32>, vector<16xi32>], vector<16xf32>,
      %parallel_loop3A_681 = arith.mulf %parallel_loop3A_671, %parallel_loop3A_680 : vector<16xf32>
      %parallel_loop3A_682 = arith.addf %parallel_loop3A_662, %parallel_loop3A_681 : vector<16xf32>
      %parallel_loop3A_683 = arith.constant 21 : i32
      %parallel_loop3A_684 = vector.broadcast %parallel_loop3A_683 : i32 to vector<16xi32>
      %parallel_loop3A_685 = arith.addi %parallel_loop3A_254, %parallel_loop3A_684 : vector<16xi32>
      %parallel_loop3A_686 = arith.constant 0 : i32
      %parallel_loop3A_687 = arith.constant 0 : i32
      %parallel_loop3A_688 = arith.constant 0 : i32
      %parallel_loop3A_689 = tpu.memref_slice %arg10[%parallel_loop3A_686, %parallel_loop3A_687, %parallel_loop3A_688] : memref<2x128x128xf32, #tpu.memory_space<vmem>> -> memref<1x128x128xf32, #tpu.memory_space<vmem>>
      %parallel_loop3A_690 = tpu.memref_squeeze %parallel_loop3A_689 : memref<1x128x128xf32, #tpu.memory_space<vmem>> -> memref<128x128xf32, #tpu.memory_space<vmem>>
      %parallel_loop3A_691 = tpu.vector_load_idx %parallel_loop3A_690[%parallel_loop3A_244, %parallel_loop3A_685] : memref<128x128xf32, #tpu.memory_space<vmem>>[vector<16xi32>, vector<16xi32>], vector<16xf32>,
      %parallel_loop3A_692 = arith.constant 21 : i32
      %parallel_loop3A_693 = vector.broadcast %parallel_loop3A_692 : i32 to vector<16xi32>
      %parallel_loop3A_694 = arith.addi %parallel_loop3A_260, %parallel_loop3A_693 : vector<16xi32>
      %parallel_loop3A_695 = arith.constant 0 : i32
      %parallel_loop3A_696 = arith.constant 0 : i32
      %parallel_loop3A_697 = arith.constant 0 : i32
      %parallel_loop3A_698 = tpu.memref_slice %arg11[%parallel_loop3A_695, %parallel_loop3A_696, %parallel_loop3A_697] : memref<2x128x128xf32, #tpu.memory_space<vmem>> -> memref<1x128x128xf32, #tpu.memory_space<vmem>>
      %parallel_loop3A_699 = tpu.memref_squeeze %parallel_loop3A_698 : memref<1x128x128xf32, #tpu.memory_space<vmem>> -> memref<128x128xf32, #tpu.memory_space<vmem>>
      %parallel_loop3A_700 = tpu.vector_load_idx %parallel_loop3A_699[%parallel_loop3A_244, %parallel_loop3A_694] : memref<128x128xf32, #tpu.memory_space<vmem>>[vector<16xi32>, vector<16xi32>], vector<16xf32>,
      %parallel_loop3A_701 = arith.mulf %parallel_loop3A_691, %parallel_loop3A_700 : vector<16xf32>
      %parallel_loop3A_702 = arith.addf %parallel_loop3A_682, %parallel_loop3A_701 : vector<16xf32>
      %parallel_loop3A_703 = arith.constant 22 : i32
      %parallel_loop3A_704 = vector.broadcast %parallel_loop3A_703 : i32 to vector<16xi32>
      %parallel_loop3A_705 = arith.addi %parallel_loop3A_254, %parallel_loop3A_704 : vector<16xi32>
      %parallel_loop3A_706 = arith.constant 0 : i32
      %parallel_loop3A_707 = arith.constant 0 : i32
      %parallel_loop3A_708 = arith.constant 0 : i32
      %parallel_loop3A_709 = tpu.memref_slice %arg10[%parallel_loop3A_706, %parallel_loop3A_707, %parallel_loop3A_708] : memref<2x128x128xf32, #tpu.memory_space<vmem>> -> memref<1x128x128xf32, #tpu.memory_space<vmem>>
      %parallel_loop3A_710 = tpu.memref_squeeze %parallel_loop3A_709 : memref<1x128x128xf32, #tpu.memory_space<vmem>> -> memref<128x128xf32, #tpu.memory_space<vmem>>
      %parallel_loop3A_711 = tpu.vector_load_idx %parallel_loop3A_710[%parallel_loop3A_244, %parallel_loop3A_705] : memref<128x128xf32, #tpu.memory_space<vmem>>[vector<16xi32>, vector<16xi32>], vector<16xf32>,
      %parallel_loop3A_712 = arith.constant 22 : i32
      %parallel_loop3A_713 = vector.broadcast %parallel_loop3A_712 : i32 to vector<16xi32>
      %parallel_loop3A_714 = arith.addi %parallel_loop3A_260, %parallel_loop3A_713 : vector<16xi32>
      %parallel_loop3A_715 = arith.constant 0 : i32
      %parallel_loop3A_716 = arith.constant 0 : i32
      %parallel_loop3A_717 = arith.constant 0 : i32
      %parallel_loop3A_718 = tpu.memref_slice %arg11[%parallel_loop3A_715, %parallel_loop3A_716, %parallel_loop3A_717] : memref<2x128x128xf32, #tpu.memory_space<vmem>> -> memref<1x128x128xf32, #tpu.memory_space<vmem>>
      %parallel_loop3A_719 = tpu.memref_squeeze %parallel_loop3A_718 : memref<1x128x128xf32, #tpu.memory_space<vmem>> -> memref<128x128xf32, #tpu.memory_space<vmem>>
      %parallel_loop3A_720 = tpu.vector_load_idx %parallel_loop3A_719[%parallel_loop3A_244, %parallel_loop3A_714] : memref<128x128xf32, #tpu.memory_space<vmem>>[vector<16xi32>, vector<16xi32>], vector<16xf32>,
      %parallel_loop3A_721 = arith.mulf %parallel_loop3A_711, %parallel_loop3A_720 : vector<16xf32>
      %parallel_loop3A_722 = arith.addf %parallel_loop3A_702, %parallel_loop3A_721 : vector<16xf32>
      %parallel_loop3A_723 = arith.constant 23 : i32
      %parallel_loop3A_724 = vector.broadcast %parallel_loop3A_723 : i32 to vector<16xi32>
      %parallel_loop3A_725 = arith.addi %parallel_loop3A_254, %parallel_loop3A_724 : vector<16xi32>
      %parallel_loop3A_726 = arith.constant 0 : i32
      %parallel_loop3A_727 = arith.constant 0 : i32
      %parallel_loop3A_728 = arith.constant 0 : i32
      %parallel_loop3A_729 = tpu.memref_slice %arg10[%parallel_loop3A_726, %parallel_loop3A_727, %parallel_loop3A_728] : memref<2x128x128xf32, #tpu.memory_space<vmem>> -> memref<1x128x128xf32, #tpu.memory_space<vmem>>
      %parallel_loop3A_730 = tpu.memref_squeeze %parallel_loop3A_729 : memref<1x128x128xf32, #tpu.memory_space<vmem>> -> memref<128x128xf32, #tpu.memory_space<vmem>>
      %parallel_loop3A_731 = tpu.vector_load_idx %parallel_loop3A_730[%parallel_loop3A_244, %parallel_loop3A_725] : memref<128x128xf32, #tpu.memory_space<vmem>>[vector<16xi32>, vector<16xi32>], vector<16xf32>,
      %parallel_loop3A_732 = arith.constant 23 : i32
      %parallel_loop3A_733 = vector.broadcast %parallel_loop3A_732 : i32 to vector<16xi32>
      %parallel_loop3A_734 = arith.addi %parallel_loop3A_260, %parallel_loop3A_733 : vector<16xi32>
      %parallel_loop3A_735 = arith.constant 0 : i32
      %parallel_loop3A_736 = arith.constant 0 : i32
      %parallel_loop3A_737 = arith.constant 0 : i32
      %parallel_loop3A_738 = tpu.memref_slice %arg11[%parallel_loop3A_735, %parallel_loop3A_736, %parallel_loop3A_737] : memref<2x128x128xf32, #tpu.memory_space<vmem>> -> memref<1x128x128xf32, #tpu.memory_space<vmem>>
      %parallel_loop3A_739 = tpu.memref_squeeze %parallel_loop3A_738 : memref<1x128x128xf32, #tpu.memory_space<vmem>> -> memref<128x128xf32, #tpu.memory_space<vmem>>
      %parallel_loop3A_740 = tpu.vector_load_idx %parallel_loop3A_739[%parallel_loop3A_244, %parallel_loop3A_734] : memref<128x128xf32, #tpu.memory_space<vmem>>[vector<16xi32>, vector<16xi32>], vector<16xf32>,
      %parallel_loop3A_741 = arith.mulf %parallel_loop3A_731, %parallel_loop3A_740 : vector<16xf32>
      %parallel_loop3A_742 = arith.addf %parallel_loop3A_722, %parallel_loop3A_741 : vector<16xf32>
      %parallel_loop3A_743 = arith.constant 24 : i32
      %parallel_loop3A_744 = vector.broadcast %parallel_loop3A_743 : i32 to vector<16xi32>
      %parallel_loop3A_745 = arith.addi %parallel_loop3A_254, %parallel_loop3A_744 : vector<16xi32>
      %parallel_loop3A_746 = arith.constant 0 : i32
      %parallel_loop3A_747 = arith.constant 0 : i32
      %parallel_loop3A_748 = arith.constant 0 : i32
      %parallel_loop3A_749 = tpu.memref_slice %arg10[%parallel_loop3A_746, %parallel_loop3A_747, %parallel_loop3A_748] : memref<2x128x128xf32, #tpu.memory_space<vmem>> -> memref<1x128x128xf32, #tpu.memory_space<vmem>>
      %parallel_loop3A_750 = tpu.memref_squeeze %parallel_loop3A_749 : memref<1x128x128xf32, #tpu.memory_space<vmem>> -> memref<128x128xf32, #tpu.memory_space<vmem>>
      %parallel_loop3A_751 = tpu.vector_load_idx %parallel_loop3A_750[%parallel_loop3A_244, %parallel_loop3A_745] : memref<128x128xf32, #tpu.memory_space<vmem>>[vector<16xi32>, vector<16xi32>], vector<16xf32>,
      %parallel_loop3A_752 = arith.constant 24 : i32
      %parallel_loop3A_753 = vector.broadcast %parallel_loop3A_752 : i32 to vector<16xi32>
      %parallel_loop3A_754 = arith.addi %parallel_loop3A_260, %parallel_loop3A_753 : vector<16xi32>
      %parallel_loop3A_755 = arith.constant 0 : i32
      %parallel_loop3A_756 = arith.constant 0 : i32
      %parallel_loop3A_757 = arith.constant 0 : i32
      %parallel_loop3A_758 = tpu.memref_slice %arg11[%parallel_loop3A_755, %parallel_loop3A_756, %parallel_loop3A_757] : memref<2x128x128xf32, #tpu.memory_space<vmem>> -> memref<1x128x128xf32, #tpu.memory_space<vmem>>
      %parallel_loop3A_759 = tpu.memref_squeeze %parallel_loop3A_758 : memref<1x128x128xf32, #tpu.memory_space<vmem>> -> memref<128x128xf32, #tpu.memory_space<vmem>>
      %parallel_loop3A_760 = tpu.vector_load_idx %parallel_loop3A_759[%parallel_loop3A_244, %parallel_loop3A_754] : memref<128x128xf32, #tpu.memory_space<vmem>>[vector<16xi32>, vector<16xi32>], vector<16xf32>,
      %parallel_loop3A_761 = arith.mulf %parallel_loop3A_751, %parallel_loop3A_760 : vector<16xf32>
      %parallel_loop3A_762 = arith.addf %parallel_loop3A_742, %parallel_loop3A_761 : vector<16xf32>
      %parallel_loop3A_763 = arith.constant 25 : i32
      %parallel_loop3A_764 = vector.broadcast %parallel_loop3A_763 : i32 to vector<16xi32>
      %parallel_loop3A_765 = arith.addi %parallel_loop3A_254, %parallel_loop3A_764 : vector<16xi32>
      %parallel_loop3A_766 = arith.constant 0 : i32
      %parallel_loop3A_767 = arith.constant 0 : i32
      %parallel_loop3A_768 = arith.constant 0 : i32
      %parallel_loop3A_769 = tpu.memref_slice %arg10[%parallel_loop3A_766, %parallel_loop3A_767, %parallel_loop3A_768] : memref<2x128x128xf32, #tpu.memory_space<vmem>> -> memref<1x128x128xf32, #tpu.memory_space<vmem>>
      %parallel_loop3A_770 = tpu.memref_squeeze %parallel_loop3A_769 : memref<1x128x128xf32, #tpu.memory_space<vmem>> -> memref<128x128xf32, #tpu.memory_space<vmem>>
      %parallel_loop3A_771 = tpu.vector_load_idx %parallel_loop3A_770[%parallel_loop3A_244, %parallel_loop3A_765] : memref<128x128xf32, #tpu.memory_space<vmem>>[vector<16xi32>, vector<16xi32>], vector<16xf32>,
      %parallel_loop3A_772 = arith.constant 25 : i32
      %parallel_loop3A_773 = vector.broadcast %parallel_loop3A_772 : i32 to vector<16xi32>
      %parallel_loop3A_774 = arith.addi %parallel_loop3A_260, %parallel_loop3A_773 : vector<16xi32>
      %parallel_loop3A_775 = arith.constant 0 : i32
      %parallel_loop3A_776 = arith.constant 0 : i32
      %parallel_loop3A_777 = arith.constant 0 : i32
      %parallel_loop3A_778 = tpu.memref_slice %arg11[%parallel_loop3A_775, %parallel_loop3A_776, %parallel_loop3A_777] : memref<2x128x128xf32, #tpu.memory_space<vmem>> -> memref<1x128x128xf32, #tpu.memory_space<vmem>>
      %parallel_loop3A_779 = tpu.memref_squeeze %parallel_loop3A_778 : memref<1x128x128xf32, #tpu.memory_space<vmem>> -> memref<128x128xf32, #tpu.memory_space<vmem>>
      %parallel_loop3A_780 = tpu.vector_load_idx %parallel_loop3A_779[%parallel_loop3A_244, %parallel_loop3A_774] : memref<128x128xf32, #tpu.memory_space<vmem>>[vector<16xi32>, vector<16xi32>], vector<16xf32>,
      %parallel_loop3A_781 = arith.mulf %parallel_loop3A_771, %parallel_loop3A_780 : vector<16xf32>
      %parallel_loop3A_782 = arith.addf %parallel_loop3A_762, %parallel_loop3A_781 : vector<16xf32>
      %parallel_loop3A_783 = arith.constant 26 : i32
      %parallel_loop3A_784 = vector.broadcast %parallel_loop3A_783 : i32 to vector<16xi32>
      %parallel_loop3A_785 = arith.addi %parallel_loop3A_254, %parallel_loop3A_784 : vector<16xi32>
      %parallel_loop3A_786 = arith.constant 0 : i32
      %parallel_loop3A_787 = arith.constant 0 : i32
      %parallel_loop3A_788 = arith.constant 0 : i32
      %parallel_loop3A_789 = tpu.memref_slice %arg10[%parallel_loop3A_786, %parallel_loop3A_787, %parallel_loop3A_788] : memref<2x128x128xf32, #tpu.memory_space<vmem>> -> memref<1x128x128xf32, #tpu.memory_space<vmem>>
      %parallel_loop3A_790 = tpu.memref_squeeze %parallel_loop3A_789 : memref<1x128x128xf32, #tpu.memory_space<vmem>> -> memref<128x128xf32, #tpu.memory_space<vmem>>
      %parallel_loop3A_791 = tpu.vector_load_idx %parallel_loop3A_790[%parallel_loop3A_244, %parallel_loop3A_785] : memref<128x128xf32, #tpu.memory_space<vmem>>[vector<16xi32>, vector<16xi32>], vector<16xf32>,
      %parallel_loop3A_792 = arith.constant 26 : i32
      %parallel_loop3A_793 = vector.broadcast %parallel_loop3A_792 : i32 to vector<16xi32>
      %parallel_loop3A_794 = arith.addi %parallel_loop3A_260, %parallel_loop3A_793 : vector<16xi32>
      %parallel_loop3A_795 = arith.constant 0 : i32
      %parallel_loop3A_796 = arith.constant 0 : i32
      %parallel_loop3A_797 = arith.constant 0 : i32
      %parallel_loop3A_798 = tpu.memref_slice %arg11[%parallel_loop3A_795, %parallel_loop3A_796, %parallel_loop3A_797] : memref<2x128x128xf32, #tpu.memory_space<vmem>> -> memref<1x128x128xf32, #tpu.memory_space<vmem>>
      %parallel_loop3A_799 = tpu.memref_squeeze %parallel_loop3A_798 : memref<1x128x128xf32, #tpu.memory_space<vmem>> -> memref<128x128xf32, #tpu.memory_space<vmem>>
      %parallel_loop3A_800 = tpu.vector_load_idx %parallel_loop3A_799[%parallel_loop3A_244, %parallel_loop3A_794] : memref<128x128xf32, #tpu.memory_space<vmem>>[vector<16xi32>, vector<16xi32>], vector<16xf32>,
      %parallel_loop3A_801 = arith.mulf %parallel_loop3A_791, %parallel_loop3A_800 : vector<16xf32>
      %parallel_loop3A_802 = arith.addf %parallel_loop3A_782, %parallel_loop3A_801 : vector<16xf32>
      %parallel_loop3A_803 = arith.constant 27 : i32
      %parallel_loop3A_804 = vector.broadcast %parallel_loop3A_803 : i32 to vector<16xi32>
      %parallel_loop3A_805 = arith.addi %parallel_loop3A_254, %parallel_loop3A_804 : vector<16xi32>
      %parallel_loop3A_806 = arith.constant 0 : i32
      %parallel_loop3A_807 = arith.constant 0 : i32
      %parallel_loop3A_808 = arith.constant 0 : i32
      %parallel_loop3A_809 = tpu.memref_slice %arg10[%parallel_loop3A_806, %parallel_loop3A_807, %parallel_loop3A_808] : memref<2x128x128xf32, #tpu.memory_space<vmem>> -> memref<1x128x128xf32, #tpu.memory_space<vmem>>
      %parallel_loop3A_810 = tpu.memref_squeeze %parallel_loop3A_809 : memref<1x128x128xf32, #tpu.memory_space<vmem>> -> memref<128x128xf32, #tpu.memory_space<vmem>>
      %parallel_loop3A_811 = tpu.vector_load_idx %parallel_loop3A_810[%parallel_loop3A_244, %parallel_loop3A_805] : memref<128x128xf32, #tpu.memory_space<vmem>>[vector<16xi32>, vector<16xi32>], vector<16xf32>,
      %parallel_loop3A_812 = arith.constant 27 : i32
      %parallel_loop3A_813 = vector.broadcast %parallel_loop3A_812 : i32 to vector<16xi32>
      %parallel_loop3A_814 = arith.addi %parallel_loop3A_260, %parallel_loop3A_813 : vector<16xi32>
      %parallel_loop3A_815 = arith.constant 0 : i32
      %parallel_loop3A_816 = arith.constant 0 : i32
      %parallel_loop3A_817 = arith.constant 0 : i32
      %parallel_loop3A_818 = tpu.memref_slice %arg11[%parallel_loop3A_815, %parallel_loop3A_816, %parallel_loop3A_817] : memref<2x128x128xf32, #tpu.memory_space<vmem>> -> memref<1x128x128xf32, #tpu.memory_space<vmem>>
      %parallel_loop3A_819 = tpu.memref_squeeze %parallel_loop3A_818 : memref<1x128x128xf32, #tpu.memory_space<vmem>> -> memref<128x128xf32, #tpu.memory_space<vmem>>
      %parallel_loop3A_820 = tpu.vector_load_idx %parallel_loop3A_819[%parallel_loop3A_244, %parallel_loop3A_814] : memref<128x128xf32, #tpu.memory_space<vmem>>[vector<16xi32>, vector<16xi32>], vector<16xf32>,
      %parallel_loop3A_821 = arith.mulf %parallel_loop3A_811, %parallel_loop3A_820 : vector<16xf32>
      %parallel_loop3A_822 = arith.addf %parallel_loop3A_802, %parallel_loop3A_821 : vector<16xf32>
      %parallel_loop3A_823 = arith.constant 28 : i32
      %parallel_loop3A_824 = vector.broadcast %parallel_loop3A_823 : i32 to vector<16xi32>
      %parallel_loop3A_825 = arith.addi %parallel_loop3A_254, %parallel_loop3A_824 : vector<16xi32>
      %parallel_loop3A_826 = arith.constant 0 : i32
      %parallel_loop3A_827 = arith.constant 0 : i32
      %parallel_loop3A_828 = arith.constant 0 : i32
      %parallel_loop3A_829 = tpu.memref_slice %arg10[%parallel_loop3A_826, %parallel_loop3A_827, %parallel_loop3A_828] : memref<2x128x128xf32, #tpu.memory_space<vmem>> -> memref<1x128x128xf32, #tpu.memory_space<vmem>>
      %parallel_loop3A_830 = tpu.memref_squeeze %parallel_loop3A_829 : memref<1x128x128xf32, #tpu.memory_space<vmem>> -> memref<128x128xf32, #tpu.memory_space<vmem>>
      %parallel_loop3A_831 = tpu.vector_load_idx %parallel_loop3A_830[%parallel_loop3A_244, %parallel_loop3A_825] : memref<128x128xf32, #tpu.memory_space<vmem>>[vector<16xi32>, vector<16xi32>], vector<16xf32>,
      %parallel_loop3A_832 = arith.constant 28 : i32
      %parallel_loop3A_833 = vector.broadcast %parallel_loop3A_832 : i32 to vector<16xi32>
      %parallel_loop3A_834 = arith.addi %parallel_loop3A_260, %parallel_loop3A_833 : vector<16xi32>
      %parallel_loop3A_835 = arith.constant 0 : i32
      %parallel_loop3A_836 = arith.constant 0 : i32
      %parallel_loop3A_837 = arith.constant 0 : i32
      %parallel_loop3A_838 = tpu.memref_slice %arg11[%parallel_loop3A_835, %parallel_loop3A_836, %parallel_loop3A_837] : memref<2x128x128xf32, #tpu.memory_space<vmem>> -> memref<1x128x128xf32, #tpu.memory_space<vmem>>
      %parallel_loop3A_839 = tpu.memref_squeeze %parallel_loop3A_838 : memref<1x128x128xf32, #tpu.memory_space<vmem>> -> memref<128x128xf32, #tpu.memory_space<vmem>>
      %parallel_loop3A_840 = tpu.vector_load_idx %parallel_loop3A_839[%parallel_loop3A_244, %parallel_loop3A_834] : memref<128x128xf32, #tpu.memory_space<vmem>>[vector<16xi32>, vector<16xi32>], vector<16xf32>,
      %parallel_loop3A_841 = arith.mulf %parallel_loop3A_831, %parallel_loop3A_840 : vector<16xf32>
      %parallel_loop3A_842 = arith.addf %parallel_loop3A_822, %parallel_loop3A_841 : vector<16xf32>
      %parallel_loop3A_843 = arith.constant 29 : i32
      %parallel_loop3A_844 = vector.broadcast %parallel_loop3A_843 : i32 to vector<16xi32>
      %parallel_loop3A_845 = arith.addi %parallel_loop3A_254, %parallel_loop3A_844 : vector<16xi32>
      %parallel_loop3A_846 = arith.constant 0 : i32
      %parallel_loop3A_847 = arith.constant 0 : i32
      %parallel_loop3A_848 = arith.constant 0 : i32
      %parallel_loop3A_849 = tpu.memref_slice %arg10[%parallel_loop3A_846, %parallel_loop3A_847, %parallel_loop3A_848] : memref<2x128x128xf32, #tpu.memory_space<vmem>> -> memref<1x128x128xf32, #tpu.memory_space<vmem>>
      %parallel_loop3A_850 = tpu.memref_squeeze %parallel_loop3A_849 : memref<1x128x128xf32, #tpu.memory_space<vmem>> -> memref<128x128xf32, #tpu.memory_space<vmem>>
      %parallel_loop3A_851 = tpu.vector_load_idx %parallel_loop3A_850[%parallel_loop3A_244, %parallel_loop3A_845] : memref<128x128xf32, #tpu.memory_space<vmem>>[vector<16xi32>, vector<16xi32>], vector<16xf32>,
      %parallel_loop3A_852 = arith.constant 29 : i32
      %parallel_loop3A_853 = vector.broadcast %parallel_loop3A_852 : i32 to vector<16xi32>
      %parallel_loop3A_854 = arith.addi %parallel_loop3A_260, %parallel_loop3A_853 : vector<16xi32>
      %parallel_loop3A_855 = arith.constant 0 : i32
      %parallel_loop3A_856 = arith.constant 0 : i32
      %parallel_loop3A_857 = arith.constant 0 : i32
      %parallel_loop3A_858 = tpu.memref_slice %arg11[%parallel_loop3A_855, %parallel_loop3A_856, %parallel_loop3A_857] : memref<2x128x128xf32, #tpu.memory_space<vmem>> -> memref<1x128x128xf32, #tpu.memory_space<vmem>>
      %parallel_loop3A_859 = tpu.memref_squeeze %parallel_loop3A_858 : memref<1x128x128xf32, #tpu.memory_space<vmem>> -> memref<128x128xf32, #tpu.memory_space<vmem>>
      %parallel_loop3A_860 = tpu.vector_load_idx %parallel_loop3A_859[%parallel_loop3A_244, %parallel_loop3A_854] : memref<128x128xf32, #tpu.memory_space<vmem>>[vector<16xi32>, vector<16xi32>], vector<16xf32>,
      %parallel_loop3A_861 = arith.mulf %parallel_loop3A_851, %parallel_loop3A_860 : vector<16xf32>
      %parallel_loop3A_862 = arith.addf %parallel_loop3A_842, %parallel_loop3A_861 : vector<16xf32>
      %parallel_loop3A_863 = arith.constant 30 : i32
      %parallel_loop3A_864 = vector.broadcast %parallel_loop3A_863 : i32 to vector<16xi32>
      %parallel_loop3A_865 = arith.addi %parallel_loop3A_254, %parallel_loop3A_864 : vector<16xi32>
      %parallel_loop3A_866 = arith.constant 0 : i32
      %parallel_loop3A_867 = arith.constant 0 : i32
      %parallel_loop3A_868 = arith.constant 0 : i32
      %parallel_loop3A_869 = tpu.memref_slice %arg10[%parallel_loop3A_866, %parallel_loop3A_867, %parallel_loop3A_868] : memref<2x128x128xf32, #tpu.memory_space<vmem>> -> memref<1x128x128xf32, #tpu.memory_space<vmem>>
      %parallel_loop3A_870 = tpu.memref_squeeze %parallel_loop3A_869 : memref<1x128x128xf32, #tpu.memory_space<vmem>> -> memref<128x128xf32, #tpu.memory_space<vmem>>
      %parallel_loop3A_871 = tpu.vector_load_idx %parallel_loop3A_870[%parallel_loop3A_244, %parallel_loop3A_865] : memref<128x128xf32, #tpu.memory_space<vmem>>[vector<16xi32>, vector<16xi32>], vector<16xf32>,
      %parallel_loop3A_872 = arith.constant 30 : i32
      %parallel_loop3A_873 = vector.broadcast %parallel_loop3A_872 : i32 to vector<16xi32>
      %parallel_loop3A_874 = arith.addi %parallel_loop3A_260, %parallel_loop3A_873 : vector<16xi32>
      %parallel_loop3A_875 = arith.constant 0 : i32
      %parallel_loop3A_876 = arith.constant 0 : i32
      %parallel_loop3A_877 = arith.constant 0 : i32
      %parallel_loop3A_878 = tpu.memref_slice %arg11[%parallel_loop3A_875, %parallel_loop3A_876, %parallel_loop3A_877] : memref<2x128x128xf32, #tpu.memory_space<vmem>> -> memref<1x128x128xf32, #tpu.memory_space<vmem>>
      %parallel_loop3A_879 = tpu.memref_squeeze %parallel_loop3A_878 : memref<1x128x128xf32, #tpu.memory_space<vmem>> -> memref<128x128xf32, #tpu.memory_space<vmem>>
      %parallel_loop3A_880 = tpu.vector_load_idx %parallel_loop3A_879[%parallel_loop3A_244, %parallel_loop3A_874] : memref<128x128xf32, #tpu.memory_space<vmem>>[vector<16xi32>, vector<16xi32>], vector<16xf32>,
      %parallel_loop3A_881 = arith.mulf %parallel_loop3A_871, %parallel_loop3A_880 : vector<16xf32>
      %parallel_loop3A_882 = arith.addf %parallel_loop3A_862, %parallel_loop3A_881 : vector<16xf32>
      %parallel_loop3A_883 = arith.constant 31 : i32
      %parallel_loop3A_884 = vector.broadcast %parallel_loop3A_883 : i32 to vector<16xi32>
      %parallel_loop3A_885 = arith.addi %parallel_loop3A_254, %parallel_loop3A_884 : vector<16xi32>
      %parallel_loop3A_886 = arith.constant 0 : i32
      %parallel_loop3A_887 = arith.constant 0 : i32
      %parallel_loop3A_888 = arith.constant 0 : i32
      %parallel_loop3A_889 = tpu.memref_slice %arg10[%parallel_loop3A_886, %parallel_loop3A_887, %parallel_loop3A_888] : memref<2x128x128xf32, #tpu.memory_space<vmem>> -> memref<1x128x128xf32, #tpu.memory_space<vmem>>
      %parallel_loop3A_890 = tpu.memref_squeeze %parallel_loop3A_889 : memref<1x128x128xf32, #tpu.memory_space<vmem>> -> memref<128x128xf32, #tpu.memory_space<vmem>>
      %parallel_loop3A_891 = tpu.vector_load_idx %parallel_loop3A_890[%parallel_loop3A_244, %parallel_loop3A_885] : memref<128x128xf32, #tpu.memory_space<vmem>>[vector<16xi32>, vector<16xi32>], vector<16xf32>,
      %parallel_loop3A_892 = arith.constant 31 : i32
      %parallel_loop3A_893 = vector.broadcast %parallel_loop3A_892 : i32 to vector<16xi32>
      %parallel_loop3A_894 = arith.addi %parallel_loop3A_260, %parallel_loop3A_893 : vector<16xi32>
      %parallel_loop3A_895 = arith.constant 0 : i32
      %parallel_loop3A_896 = arith.constant 0 : i32
      %parallel_loop3A_897 = arith.constant 0 : i32
      %parallel_loop3A_898 = tpu.memref_slice %arg11[%parallel_loop3A_895, %parallel_loop3A_896, %parallel_loop3A_897] : memref<2x128x128xf32, #tpu.memory_space<vmem>> -> memref<1x128x128xf32, #tpu.memory_space<vmem>>
      %parallel_loop3A_899 = tpu.memref_squeeze %parallel_loop3A_898 : memref<1x128x128xf32, #tpu.memory_space<vmem>> -> memref<128x128xf32, #tpu.memory_space<vmem>>
      %parallel_loop3A_900 = tpu.vector_load_idx %parallel_loop3A_899[%parallel_loop3A_244, %parallel_loop3A_894] : memref<128x128xf32, #tpu.memory_space<vmem>>[vector<16xi32>, vector<16xi32>], vector<16xf32>,
      %parallel_loop3A_901 = arith.mulf %parallel_loop3A_891, %parallel_loop3A_900 : vector<16xf32>
      %parallel_loop3A_902 = arith.addf %parallel_loop3A_882, %parallel_loop3A_901 : vector<16xf32>
      %parallel_loop3A_903 = arith.index_cast %parallel_loop3A_248 : i32 to index
      %parallel_loop3A_904 = tpu.vector_load %arg12[%parallel_loop3A_903] {strides = array<i32>} : memref<512xf32, #tpu.memory_space<vmem>>, vector<16xf32>,
      tpu.vector_store %arg12[%parallel_loop3A_903], %parallel_loop3A_902 {strides = array<i32>} : memref<512xf32, #tpu.memory_space<vmem>>, vector<16xf32>,
    } {sc.loop_unroll_factor = 1 : i64, sc.parallel_access}
    %dma_start3A_91 = arith.constant 0 : i32
    %dma_start3A_92 = arith.constant 0 : i32
    %dma_start3A_93 = arith.constant 0 : i32
    %dma_start3A_94 = arith.constant 0 : i32
    %dma_start3A_95 = arith.constant 0 : i32
    %dma_start3A_96 = tpu.memref_slice %arg10[%dma_start3A_91, %dma_start3A_94, %dma_start3A_95] : memref<2x128x128xf32, #tpu.memory_space<vmem>> -> memref<1x128x128xf32, #tpu.memory_space<vmem>>
    %dma_start3A_97 = tpu.memref_squeeze %dma_start3A_96 : memref<1x128x128xf32, #tpu.memory_space<vmem>> -> memref<128x128xf32, #tpu.memory_space<vmem>>
    %dma_start3A_98 = arith.constant 256 : i32
    %dma_start3A_99 = tpu.memref_slice %arg8[%dma_start3A_98] : memref<512xi32, #tpu.memory_space<vmem>> -> memref<128xi32, #tpu.memory_space<vmem>>
    %dma_start3A_100 = arith.constant 0 : i32
    %dma_start3A_101 = arith.constant 0 : i32
    %dma_start3A_102 = tpu.memref_slice %arg4[%dma_start3A_100, %dma_start3A_101] : memref<500000x128xf32, #tpu.memory_space<hbm>> -> memref<500000x128xf32, #tpu.memory_space<hbm>>
    %dma_start3A_103 = tpu.memref_slice %arg13[%dma_start3A_92, %dma_start3A_93] : memref<2x2x!tpu.dma_semaphore, #tpu.memory_space<semaphore_mem>> -> memref<1x1x!tpu.dma_semaphore, #tpu.memory_space<semaphore_mem>>
    %dma_start3A_104 = tpu.memref_squeeze %dma_start3A_103 : memref<1x1x!tpu.dma_semaphore, #tpu.memory_space<semaphore_mem>> -> memref<!tpu.dma_semaphore, #tpu.memory_space<semaphore_mem>>
    tpu.enqueue_indirect_dma source(%dma_start3A_102 : memref<500000x128xf32, #tpu.memory_space<hbm>>) target(%dma_start3A_97 : memref<128x128xf32, #tpu.memory_space<vmem>>) offsets(%dma_start3A_99 : memref<128xi32, #tpu.memory_space<vmem>>) semaphore(%dma_start3A_104 : memref<!tpu.dma_semaphore, #tpu.memory_space<semaphore_mem>>)
    %dma_start3A_105 = arith.constant 0 : i32
    %dma_start3A_106 = arith.constant 0 : i32
    %dma_start3A_107 = arith.constant 1 : i32
    %dma_start3A_108 = arith.constant 0 : i32
    %dma_start3A_109 = arith.constant 0 : i32
    %dma_start3A_110 = tpu.memref_slice %arg11[%dma_start3A_105, %dma_start3A_108, %dma_start3A_109] : memref<2x128x128xf32, #tpu.memory_space<vmem>> -> memref<1x128x128xf32, #tpu.memory_space<vmem>>
    %dma_start3A_111 = tpu.memref_squeeze %dma_start3A_110 : memref<1x128x128xf32, #tpu.memory_space<vmem>> -> memref<128x128xf32, #tpu.memory_space<vmem>>
    %dma_start3A_112 = arith.constant 256 : i32
    %dma_start3A_113 = tpu.memref_slice %arg9[%dma_start3A_112] : memref<512xi32, #tpu.memory_space<vmem>> -> memref<128xi32, #tpu.memory_space<vmem>>
    %dma_start3A_114 = arith.constant 0 : i32
    %dma_start3A_115 = arith.constant 0 : i32
    %dma_start3A_116 = tpu.memref_slice %arg4[%dma_start3A_114, %dma_start3A_115] : memref<500000x128xf32, #tpu.memory_space<hbm>> -> memref<500000x128xf32, #tpu.memory_space<hbm>>
    %dma_start3A_117 = tpu.memref_slice %arg13[%dma_start3A_106, %dma_start3A_107] : memref<2x2x!tpu.dma_semaphore, #tpu.memory_space<semaphore_mem>> -> memref<1x1x!tpu.dma_semaphore, #tpu.memory_space<semaphore_mem>>
    %dma_start3A_118 = tpu.memref_squeeze %dma_start3A_117 : memref<1x1x!tpu.dma_semaphore, #tpu.memory_space<semaphore_mem>> -> memref<!tpu.dma_semaphore, #tpu.memory_space<semaphore_mem>>
    tpu.enqueue_indirect_dma source(%dma_start3A_116 : memref<500000x128xf32, #tpu.memory_space<hbm>>) target(%dma_start3A_111 : memref<128x128xf32, #tpu.memory_space<vmem>>) offsets(%dma_start3A_113 : memref<128xi32, #tpu.memory_space<vmem>>) semaphore(%dma_start3A_118 : memref<!tpu.dma_semaphore, #tpu.memory_space<semaphore_mem>>)
    %dma_wait3A_119 = arith.constant 1 : i32
    %dma_wait3A_120 = arith.constant 1 : i32
    %dma_wait3A_121 = arith.constant 0 : i32
    %dma_wait3A_122 = arith.constant 0 : i32
    %dma_wait3A_123 = arith.constant 0 : i32
    %dma_wait3A_124 = tpu.memref_slice %arg10[%dma_wait3A_119, %dma_wait3A_122, %dma_wait3A_123] : memref<2x128x128xf32, #tpu.memory_space<vmem>> -> memref<1x128x128xf32, #tpu.memory_space<vmem>>
    %dma_wait3A_125 = tpu.memref_squeeze %dma_wait3A_124 : memref<1x128x128xf32, #tpu.memory_space<vmem>> -> memref<128x128xf32, #tpu.memory_space<vmem>>
    %dma_wait3A_126 = arith.constant 128 : i32
    %dma_wait3A_127 = tpu.memref_slice %arg8[%dma_wait3A_126] : memref<512xi32, #tpu.memory_space<vmem>> -> memref<128xi32, #tpu.memory_space<vmem>>
    %dma_wait3A_128 = arith.constant 0 : i32
    %dma_wait3A_129 = arith.constant 0 : i32
    %dma_wait3A_130 = tpu.memref_slice %arg4[%dma_wait3A_128, %dma_wait3A_129] : memref<500000x128xf32, #tpu.memory_space<hbm>> -> memref<500000x128xf32, #tpu.memory_space<hbm>>
    %dma_wait3A_131 = tpu.memref_slice %arg13[%dma_wait3A_120, %dma_wait3A_121] : memref<2x2x!tpu.dma_semaphore, #tpu.memory_space<semaphore_mem>> -> memref<1x1x!tpu.dma_semaphore, #tpu.memory_space<semaphore_mem>>
    %dma_wait3A_132 = tpu.memref_squeeze %dma_wait3A_131 : memref<1x1x!tpu.dma_semaphore, #tpu.memory_space<semaphore_mem>> -> memref<!tpu.dma_semaphore, #tpu.memory_space<semaphore_mem>>
    tpu.wait_indirect_dma semaphore(%dma_wait3A_132 : memref<!tpu.dma_semaphore, #tpu.memory_space<semaphore_mem>>) src(%dma_wait3A_130 : memref<500000x128xf32, #tpu.memory_space<hbm>>) dst(%dma_wait3A_125 : memref<128x128xf32, #tpu.memory_space<vmem>>)
    %dma_wait3A_133 = arith.constant 1 : i32
    %dma_wait3A_134 = arith.constant 1 : i32
    %dma_wait3A_135 = arith.constant 1 : i32
    %dma_wait3A_136 = arith.constant 0 : i32
    %dma_wait3A_137 = arith.constant 0 : i32
    %dma_wait3A_138 = tpu.memref_slice %arg11[%dma_wait3A_133, %dma_wait3A_136, %dma_wait3A_137] : memref<2x128x128xf32, #tpu.memory_space<vmem>> -> memref<1x128x128xf32, #tpu.memory_space<vmem>>
    %dma_wait3A_139 = tpu.memref_squeeze %dma_wait3A_138 : memref<1x128x128xf32, #tpu.memory_space<vmem>> -> memref<128x128xf32, #tpu.memory_space<vmem>>
    %dma_wait3A_140 = arith.constant 128 : i32
    %dma_wait3A_141 = tpu.memref_slice %arg9[%dma_wait3A_140] : memref<512xi32, #tpu.memory_space<vmem>> -> memref<128xi32, #tpu.memory_space<vmem>>
    %dma_wait3A_142 = arith.constant 0 : i32
    %dma_wait3A_143 = arith.constant 0 : i32
    %dma_wait3A_144 = tpu.memref_slice %arg4[%dma_wait3A_142, %dma_wait3A_143] : memref<500000x128xf32, #tpu.memory_space<hbm>> -> memref<500000x128xf32, #tpu.memory_space<hbm>>
    %dma_wait3A_145 = tpu.memref_slice %arg13[%dma_wait3A_134, %dma_wait3A_135] : memref<2x2x!tpu.dma_semaphore, #tpu.memory_space<semaphore_mem>> -> memref<1x1x!tpu.dma_semaphore, #tpu.memory_space<semaphore_mem>>
    %dma_wait3A_146 = tpu.memref_squeeze %dma_wait3A_145 : memref<1x1x!tpu.dma_semaphore, #tpu.memory_space<semaphore_mem>> -> memref<!tpu.dma_semaphore, #tpu.memory_space<semaphore_mem>>
    tpu.wait_indirect_dma semaphore(%dma_wait3A_146 : memref<!tpu.dma_semaphore, #tpu.memory_space<semaphore_mem>>) src(%dma_wait3A_144 : memref<500000x128xf32, #tpu.memory_space<hbm>>) dst(%dma_wait3A_139 : memref<128x128xf32, #tpu.memory_space<vmem>>)
    %parallel_loop3A_147 = arith.constant 0 : i32
    %parallel_loop3A_148 = arith.constant 8 : i32
    %parallel_loop3A_149 = arith.constant 1 : i32
    scf.for %parallel_loop3A_240 = %parallel_loop3A_147 to %parallel_loop3A_148 step %parallel_loop3A_149  : i32 {
      %parallel_loop3A_241 = arith.constant 16 : i32
      %parallel_loop3A_242 = arith.muli %parallel_loop3A_240, %parallel_loop3A_241 : i32
      %parallel_loop3A_243 = vector.broadcast %parallel_loop3A_242 : i32 to vector<16xi32>
      %parallel_loop3A_244 = arith.addi %parallel_loop3A_243, %iota3A : vector<16xi32>
      %parallel_loop3A_245 = arith.constant 16 : i32
      %parallel_loop3A_246 = arith.muli %parallel_loop3A_240, %parallel_loop3A_245 : i32
      %parallel_loop3A_247 = arith.constant 128 : i32
      %parallel_loop3A_248 = arith.addi %parallel_loop3A_247, %parallel_loop3A_246 : i32
      %parallel_loop3A_249 = arith.index_cast %parallel_loop3A_248 : i32 to index
      %parallel_loop3A_250 = tpu.vector_load %arg6[%parallel_loop3A_249] {strides = array<i32>} : memref<512xi32, #tpu.memory_space<vmem>>, vector<16xi32>,
      %parallel_loop3A_251 = arith.andi %parallel_loop3A_250, %broadcast_in_dim3A_5 : vector<16xi32>
      %parallel_loop3A_252 = arith.constant 5 : i32
      %parallel_loop3A_253 = vector.broadcast %parallel_loop3A_252 : i32 to vector<16xi32>
      %parallel_loop3A_254 = arith.shli %parallel_loop3A_251, %parallel_loop3A_253 : vector<16xi32>
      %parallel_loop3A_255 = arith.index_cast %parallel_loop3A_248 : i32 to index
      %parallel_loop3A_256 = tpu.vector_load %arg7[%parallel_loop3A_255] {strides = array<i32>} : memref<512xi32, #tpu.memory_space<vmem>>, vector<16xi32>,
      %parallel_loop3A_257 = arith.andi %parallel_loop3A_256, %broadcast_in_dim3A_5 : vector<16xi32>
      %parallel_loop3A_258 = arith.constant 5 : i32
      %parallel_loop3A_259 = vector.broadcast %parallel_loop3A_258 : i32 to vector<16xi32>
      %parallel_loop3A_260 = arith.shli %parallel_loop3A_257, %parallel_loop3A_259 : vector<16xi32>
      %parallel_loop3A_261 = arith.constant 0.000000e+00 : f32
      %parallel_loop3A_262 = vector.broadcast %parallel_loop3A_261 : f32 to vector<16xf32>
      %parallel_loop3A_263 = arith.constant 0 : i32
      %parallel_loop3A_264 = vector.broadcast %parallel_loop3A_263 : i32 to vector<16xi32>
      %parallel_loop3A_265 = arith.addi %parallel_loop3A_254, %parallel_loop3A_264 : vector<16xi32>
      %parallel_loop3A_266 = arith.constant 1 : i32
      %parallel_loop3A_267 = arith.constant 0 : i32
      %parallel_loop3A_268 = arith.constant 0 : i32
      %parallel_loop3A_269 = tpu.memref_slice %arg10[%parallel_loop3A_266, %parallel_loop3A_267, %parallel_loop3A_268] : memref<2x128x128xf32, #tpu.memory_space<vmem>> -> memref<1x128x128xf32, #tpu.memory_space<vmem>>
      %parallel_loop3A_270 = tpu.memref_squeeze %parallel_loop3A_269 : memref<1x128x128xf32, #tpu.memory_space<vmem>> -> memref<128x128xf32, #tpu.memory_space<vmem>>
      %parallel_loop3A_271 = tpu.vector_load_idx %parallel_loop3A_270[%parallel_loop3A_244, %parallel_loop3A_265] : memref<128x128xf32, #tpu.memory_space<vmem>>[vector<16xi32>, vector<16xi32>], vector<16xf32>,
      %parallel_loop3A_272 = arith.constant 0 : i32
      %parallel_loop3A_273 = vector.broadcast %parallel_loop3A_272 : i32 to vector<16xi32>
      %parallel_loop3A_274 = arith.addi %parallel_loop3A_260, %parallel_loop3A_273 : vector<16xi32>
      %parallel_loop3A_275 = arith.constant 1 : i32
      %parallel_loop3A_276 = arith.constant 0 : i32
      %parallel_loop3A_277 = arith.constant 0 : i32
      %parallel_loop3A_278 = tpu.memref_slice %arg11[%parallel_loop3A_275, %parallel_loop3A_276, %parallel_loop3A_277] : memref<2x128x128xf32, #tpu.memory_space<vmem>> -> memref<1x128x128xf32, #tpu.memory_space<vmem>>
      %parallel_loop3A_279 = tpu.memref_squeeze %parallel_loop3A_278 : memref<1x128x128xf32, #tpu.memory_space<vmem>> -> memref<128x128xf32, #tpu.memory_space<vmem>>
      %parallel_loop3A_280 = tpu.vector_load_idx %parallel_loop3A_279[%parallel_loop3A_244, %parallel_loop3A_274] : memref<128x128xf32, #tpu.memory_space<vmem>>[vector<16xi32>, vector<16xi32>], vector<16xf32>,
      %parallel_loop3A_281 = arith.mulf %parallel_loop3A_271, %parallel_loop3A_280 : vector<16xf32>
      %parallel_loop3A_282 = arith.addf %parallel_loop3A_262, %parallel_loop3A_281 : vector<16xf32>
      %parallel_loop3A_283 = arith.constant 1 : i32
      %parallel_loop3A_284 = vector.broadcast %parallel_loop3A_283 : i32 to vector<16xi32>
      %parallel_loop3A_285 = arith.addi %parallel_loop3A_254, %parallel_loop3A_284 : vector<16xi32>
      %parallel_loop3A_286 = arith.constant 1 : i32
      %parallel_loop3A_287 = arith.constant 0 : i32
      %parallel_loop3A_288 = arith.constant 0 : i32
      %parallel_loop3A_289 = tpu.memref_slice %arg10[%parallel_loop3A_286, %parallel_loop3A_287, %parallel_loop3A_288] : memref<2x128x128xf32, #tpu.memory_space<vmem>> -> memref<1x128x128xf32, #tpu.memory_space<vmem>>
      %parallel_loop3A_290 = tpu.memref_squeeze %parallel_loop3A_289 : memref<1x128x128xf32, #tpu.memory_space<vmem>> -> memref<128x128xf32, #tpu.memory_space<vmem>>
      %parallel_loop3A_291 = tpu.vector_load_idx %parallel_loop3A_290[%parallel_loop3A_244, %parallel_loop3A_285] : memref<128x128xf32, #tpu.memory_space<vmem>>[vector<16xi32>, vector<16xi32>], vector<16xf32>,
      %parallel_loop3A_292 = arith.constant 1 : i32
      %parallel_loop3A_293 = vector.broadcast %parallel_loop3A_292 : i32 to vector<16xi32>
      %parallel_loop3A_294 = arith.addi %parallel_loop3A_260, %parallel_loop3A_293 : vector<16xi32>
      %parallel_loop3A_295 = arith.constant 1 : i32
      %parallel_loop3A_296 = arith.constant 0 : i32
      %parallel_loop3A_297 = arith.constant 0 : i32
      %parallel_loop3A_298 = tpu.memref_slice %arg11[%parallel_loop3A_295, %parallel_loop3A_296, %parallel_loop3A_297] : memref<2x128x128xf32, #tpu.memory_space<vmem>> -> memref<1x128x128xf32, #tpu.memory_space<vmem>>
      %parallel_loop3A_299 = tpu.memref_squeeze %parallel_loop3A_298 : memref<1x128x128xf32, #tpu.memory_space<vmem>> -> memref<128x128xf32, #tpu.memory_space<vmem>>
      %parallel_loop3A_300 = tpu.vector_load_idx %parallel_loop3A_299[%parallel_loop3A_244, %parallel_loop3A_294] : memref<128x128xf32, #tpu.memory_space<vmem>>[vector<16xi32>, vector<16xi32>], vector<16xf32>,
      %parallel_loop3A_301 = arith.mulf %parallel_loop3A_291, %parallel_loop3A_300 : vector<16xf32>
      %parallel_loop3A_302 = arith.addf %parallel_loop3A_282, %parallel_loop3A_301 : vector<16xf32>
      %parallel_loop3A_303 = arith.constant 2 : i32
      %parallel_loop3A_304 = vector.broadcast %parallel_loop3A_303 : i32 to vector<16xi32>
      %parallel_loop3A_305 = arith.addi %parallel_loop3A_254, %parallel_loop3A_304 : vector<16xi32>
      %parallel_loop3A_306 = arith.constant 1 : i32
      %parallel_loop3A_307 = arith.constant 0 : i32
      %parallel_loop3A_308 = arith.constant 0 : i32
      %parallel_loop3A_309 = tpu.memref_slice %arg10[%parallel_loop3A_306, %parallel_loop3A_307, %parallel_loop3A_308] : memref<2x128x128xf32, #tpu.memory_space<vmem>> -> memref<1x128x128xf32, #tpu.memory_space<vmem>>
      %parallel_loop3A_310 = tpu.memref_squeeze %parallel_loop3A_309 : memref<1x128x128xf32, #tpu.memory_space<vmem>> -> memref<128x128xf32, #tpu.memory_space<vmem>>
      %parallel_loop3A_311 = tpu.vector_load_idx %parallel_loop3A_310[%parallel_loop3A_244, %parallel_loop3A_305] : memref<128x128xf32, #tpu.memory_space<vmem>>[vector<16xi32>, vector<16xi32>], vector<16xf32>,
      %parallel_loop3A_312 = arith.constant 2 : i32
      %parallel_loop3A_313 = vector.broadcast %parallel_loop3A_312 : i32 to vector<16xi32>
      %parallel_loop3A_314 = arith.addi %parallel_loop3A_260, %parallel_loop3A_313 : vector<16xi32>
      %parallel_loop3A_315 = arith.constant 1 : i32
      %parallel_loop3A_316 = arith.constant 0 : i32
      %parallel_loop3A_317 = arith.constant 0 : i32
      %parallel_loop3A_318 = tpu.memref_slice %arg11[%parallel_loop3A_315, %parallel_loop3A_316, %parallel_loop3A_317] : memref<2x128x128xf32, #tpu.memory_space<vmem>> -> memref<1x128x128xf32, #tpu.memory_space<vmem>>
      %parallel_loop3A_319 = tpu.memref_squeeze %parallel_loop3A_318 : memref<1x128x128xf32, #tpu.memory_space<vmem>> -> memref<128x128xf32, #tpu.memory_space<vmem>>
      %parallel_loop3A_320 = tpu.vector_load_idx %parallel_loop3A_319[%parallel_loop3A_244, %parallel_loop3A_314] : memref<128x128xf32, #tpu.memory_space<vmem>>[vector<16xi32>, vector<16xi32>], vector<16xf32>,
      %parallel_loop3A_321 = arith.mulf %parallel_loop3A_311, %parallel_loop3A_320 : vector<16xf32>
      %parallel_loop3A_322 = arith.addf %parallel_loop3A_302, %parallel_loop3A_321 : vector<16xf32>
      %parallel_loop3A_323 = arith.constant 3 : i32
      %parallel_loop3A_324 = vector.broadcast %parallel_loop3A_323 : i32 to vector<16xi32>
      %parallel_loop3A_325 = arith.addi %parallel_loop3A_254, %parallel_loop3A_324 : vector<16xi32>
      %parallel_loop3A_326 = arith.constant 1 : i32
      %parallel_loop3A_327 = arith.constant 0 : i32
      %parallel_loop3A_328 = arith.constant 0 : i32
      %parallel_loop3A_329 = tpu.memref_slice %arg10[%parallel_loop3A_326, %parallel_loop3A_327, %parallel_loop3A_328] : memref<2x128x128xf32, #tpu.memory_space<vmem>> -> memref<1x128x128xf32, #tpu.memory_space<vmem>>
      %parallel_loop3A_330 = tpu.memref_squeeze %parallel_loop3A_329 : memref<1x128x128xf32, #tpu.memory_space<vmem>> -> memref<128x128xf32, #tpu.memory_space<vmem>>
      %parallel_loop3A_331 = tpu.vector_load_idx %parallel_loop3A_330[%parallel_loop3A_244, %parallel_loop3A_325] : memref<128x128xf32, #tpu.memory_space<vmem>>[vector<16xi32>, vector<16xi32>], vector<16xf32>,
      %parallel_loop3A_332 = arith.constant 3 : i32
      %parallel_loop3A_333 = vector.broadcast %parallel_loop3A_332 : i32 to vector<16xi32>
      %parallel_loop3A_334 = arith.addi %parallel_loop3A_260, %parallel_loop3A_333 : vector<16xi32>
      %parallel_loop3A_335 = arith.constant 1 : i32
      %parallel_loop3A_336 = arith.constant 0 : i32
      %parallel_loop3A_337 = arith.constant 0 : i32
      %parallel_loop3A_338 = tpu.memref_slice %arg11[%parallel_loop3A_335, %parallel_loop3A_336, %parallel_loop3A_337] : memref<2x128x128xf32, #tpu.memory_space<vmem>> -> memref<1x128x128xf32, #tpu.memory_space<vmem>>
      %parallel_loop3A_339 = tpu.memref_squeeze %parallel_loop3A_338 : memref<1x128x128xf32, #tpu.memory_space<vmem>> -> memref<128x128xf32, #tpu.memory_space<vmem>>
      %parallel_loop3A_340 = tpu.vector_load_idx %parallel_loop3A_339[%parallel_loop3A_244, %parallel_loop3A_334] : memref<128x128xf32, #tpu.memory_space<vmem>>[vector<16xi32>, vector<16xi32>], vector<16xf32>,
      %parallel_loop3A_341 = arith.mulf %parallel_loop3A_331, %parallel_loop3A_340 : vector<16xf32>
      %parallel_loop3A_342 = arith.addf %parallel_loop3A_322, %parallel_loop3A_341 : vector<16xf32>
      %parallel_loop3A_343 = arith.constant 4 : i32
      %parallel_loop3A_344 = vector.broadcast %parallel_loop3A_343 : i32 to vector<16xi32>
      %parallel_loop3A_345 = arith.addi %parallel_loop3A_254, %parallel_loop3A_344 : vector<16xi32>
      %parallel_loop3A_346 = arith.constant 1 : i32
      %parallel_loop3A_347 = arith.constant 0 : i32
      %parallel_loop3A_348 = arith.constant 0 : i32
      %parallel_loop3A_349 = tpu.memref_slice %arg10[%parallel_loop3A_346, %parallel_loop3A_347, %parallel_loop3A_348] : memref<2x128x128xf32, #tpu.memory_space<vmem>> -> memref<1x128x128xf32, #tpu.memory_space<vmem>>
      %parallel_loop3A_350 = tpu.memref_squeeze %parallel_loop3A_349 : memref<1x128x128xf32, #tpu.memory_space<vmem>> -> memref<128x128xf32, #tpu.memory_space<vmem>>
      %parallel_loop3A_351 = tpu.vector_load_idx %parallel_loop3A_350[%parallel_loop3A_244, %parallel_loop3A_345] : memref<128x128xf32, #tpu.memory_space<vmem>>[vector<16xi32>, vector<16xi32>], vector<16xf32>,
      %parallel_loop3A_352 = arith.constant 4 : i32
      %parallel_loop3A_353 = vector.broadcast %parallel_loop3A_352 : i32 to vector<16xi32>
      %parallel_loop3A_354 = arith.addi %parallel_loop3A_260, %parallel_loop3A_353 : vector<16xi32>
      %parallel_loop3A_355 = arith.constant 1 : i32
      %parallel_loop3A_356 = arith.constant 0 : i32
      %parallel_loop3A_357 = arith.constant 0 : i32
      %parallel_loop3A_358 = tpu.memref_slice %arg11[%parallel_loop3A_355, %parallel_loop3A_356, %parallel_loop3A_357] : memref<2x128x128xf32, #tpu.memory_space<vmem>> -> memref<1x128x128xf32, #tpu.memory_space<vmem>>
      %parallel_loop3A_359 = tpu.memref_squeeze %parallel_loop3A_358 : memref<1x128x128xf32, #tpu.memory_space<vmem>> -> memref<128x128xf32, #tpu.memory_space<vmem>>
      %parallel_loop3A_360 = tpu.vector_load_idx %parallel_loop3A_359[%parallel_loop3A_244, %parallel_loop3A_354] : memref<128x128xf32, #tpu.memory_space<vmem>>[vector<16xi32>, vector<16xi32>], vector<16xf32>,
      %parallel_loop3A_361 = arith.mulf %parallel_loop3A_351, %parallel_loop3A_360 : vector<16xf32>
      %parallel_loop3A_362 = arith.addf %parallel_loop3A_342, %parallel_loop3A_361 : vector<16xf32>
      %parallel_loop3A_363 = arith.constant 5 : i32
      %parallel_loop3A_364 = vector.broadcast %parallel_loop3A_363 : i32 to vector<16xi32>
      %parallel_loop3A_365 = arith.addi %parallel_loop3A_254, %parallel_loop3A_364 : vector<16xi32>
      %parallel_loop3A_366 = arith.constant 1 : i32
      %parallel_loop3A_367 = arith.constant 0 : i32
      %parallel_loop3A_368 = arith.constant 0 : i32
      %parallel_loop3A_369 = tpu.memref_slice %arg10[%parallel_loop3A_366, %parallel_loop3A_367, %parallel_loop3A_368] : memref<2x128x128xf32, #tpu.memory_space<vmem>> -> memref<1x128x128xf32, #tpu.memory_space<vmem>>
      %parallel_loop3A_370 = tpu.memref_squeeze %parallel_loop3A_369 : memref<1x128x128xf32, #tpu.memory_space<vmem>> -> memref<128x128xf32, #tpu.memory_space<vmem>>
      %parallel_loop3A_371 = tpu.vector_load_idx %parallel_loop3A_370[%parallel_loop3A_244, %parallel_loop3A_365] : memref<128x128xf32, #tpu.memory_space<vmem>>[vector<16xi32>, vector<16xi32>], vector<16xf32>,
      %parallel_loop3A_372 = arith.constant 5 : i32
      %parallel_loop3A_373 = vector.broadcast %parallel_loop3A_372 : i32 to vector<16xi32>
      %parallel_loop3A_374 = arith.addi %parallel_loop3A_260, %parallel_loop3A_373 : vector<16xi32>
      %parallel_loop3A_375 = arith.constant 1 : i32
      %parallel_loop3A_376 = arith.constant 0 : i32
      %parallel_loop3A_377 = arith.constant 0 : i32
      %parallel_loop3A_378 = tpu.memref_slice %arg11[%parallel_loop3A_375, %parallel_loop3A_376, %parallel_loop3A_377] : memref<2x128x128xf32, #tpu.memory_space<vmem>> -> memref<1x128x128xf32, #tpu.memory_space<vmem>>
      %parallel_loop3A_379 = tpu.memref_squeeze %parallel_loop3A_378 : memref<1x128x128xf32, #tpu.memory_space<vmem>> -> memref<128x128xf32, #tpu.memory_space<vmem>>
      %parallel_loop3A_380 = tpu.vector_load_idx %parallel_loop3A_379[%parallel_loop3A_244, %parallel_loop3A_374] : memref<128x128xf32, #tpu.memory_space<vmem>>[vector<16xi32>, vector<16xi32>], vector<16xf32>,
      %parallel_loop3A_381 = arith.mulf %parallel_loop3A_371, %parallel_loop3A_380 : vector<16xf32>
      %parallel_loop3A_382 = arith.addf %parallel_loop3A_362, %parallel_loop3A_381 : vector<16xf32>
      %parallel_loop3A_383 = arith.constant 6 : i32
      %parallel_loop3A_384 = vector.broadcast %parallel_loop3A_383 : i32 to vector<16xi32>
      %parallel_loop3A_385 = arith.addi %parallel_loop3A_254, %parallel_loop3A_384 : vector<16xi32>
      %parallel_loop3A_386 = arith.constant 1 : i32
      %parallel_loop3A_387 = arith.constant 0 : i32
      %parallel_loop3A_388 = arith.constant 0 : i32
      %parallel_loop3A_389 = tpu.memref_slice %arg10[%parallel_loop3A_386, %parallel_loop3A_387, %parallel_loop3A_388] : memref<2x128x128xf32, #tpu.memory_space<vmem>> -> memref<1x128x128xf32, #tpu.memory_space<vmem>>
      %parallel_loop3A_390 = tpu.memref_squeeze %parallel_loop3A_389 : memref<1x128x128xf32, #tpu.memory_space<vmem>> -> memref<128x128xf32, #tpu.memory_space<vmem>>
      %parallel_loop3A_391 = tpu.vector_load_idx %parallel_loop3A_390[%parallel_loop3A_244, %parallel_loop3A_385] : memref<128x128xf32, #tpu.memory_space<vmem>>[vector<16xi32>, vector<16xi32>], vector<16xf32>,
      %parallel_loop3A_392 = arith.constant 6 : i32
      %parallel_loop3A_393 = vector.broadcast %parallel_loop3A_392 : i32 to vector<16xi32>
      %parallel_loop3A_394 = arith.addi %parallel_loop3A_260, %parallel_loop3A_393 : vector<16xi32>
      %parallel_loop3A_395 = arith.constant 1 : i32
      %parallel_loop3A_396 = arith.constant 0 : i32
      %parallel_loop3A_397 = arith.constant 0 : i32
      %parallel_loop3A_398 = tpu.memref_slice %arg11[%parallel_loop3A_395, %parallel_loop3A_396, %parallel_loop3A_397] : memref<2x128x128xf32, #tpu.memory_space<vmem>> -> memref<1x128x128xf32, #tpu.memory_space<vmem>>
      %parallel_loop3A_399 = tpu.memref_squeeze %parallel_loop3A_398 : memref<1x128x128xf32, #tpu.memory_space<vmem>> -> memref<128x128xf32, #tpu.memory_space<vmem>>
      %parallel_loop3A_400 = tpu.vector_load_idx %parallel_loop3A_399[%parallel_loop3A_244, %parallel_loop3A_394] : memref<128x128xf32, #tpu.memory_space<vmem>>[vector<16xi32>, vector<16xi32>], vector<16xf32>,
      %parallel_loop3A_401 = arith.mulf %parallel_loop3A_391, %parallel_loop3A_400 : vector<16xf32>
      %parallel_loop3A_402 = arith.addf %parallel_loop3A_382, %parallel_loop3A_401 : vector<16xf32>
      %parallel_loop3A_403 = arith.constant 7 : i32
      %parallel_loop3A_404 = vector.broadcast %parallel_loop3A_403 : i32 to vector<16xi32>
      %parallel_loop3A_405 = arith.addi %parallel_loop3A_254, %parallel_loop3A_404 : vector<16xi32>
      %parallel_loop3A_406 = arith.constant 1 : i32
      %parallel_loop3A_407 = arith.constant 0 : i32
      %parallel_loop3A_408 = arith.constant 0 : i32
      %parallel_loop3A_409 = tpu.memref_slice %arg10[%parallel_loop3A_406, %parallel_loop3A_407, %parallel_loop3A_408] : memref<2x128x128xf32, #tpu.memory_space<vmem>> -> memref<1x128x128xf32, #tpu.memory_space<vmem>>
      %parallel_loop3A_410 = tpu.memref_squeeze %parallel_loop3A_409 : memref<1x128x128xf32, #tpu.memory_space<vmem>> -> memref<128x128xf32, #tpu.memory_space<vmem>>
      %parallel_loop3A_411 = tpu.vector_load_idx %parallel_loop3A_410[%parallel_loop3A_244, %parallel_loop3A_405] : memref<128x128xf32, #tpu.memory_space<vmem>>[vector<16xi32>, vector<16xi32>], vector<16xf32>,
      %parallel_loop3A_412 = arith.constant 7 : i32
      %parallel_loop3A_413 = vector.broadcast %parallel_loop3A_412 : i32 to vector<16xi32>
      %parallel_loop3A_414 = arith.addi %parallel_loop3A_260, %parallel_loop3A_413 : vector<16xi32>
      %parallel_loop3A_415 = arith.constant 1 : i32
      %parallel_loop3A_416 = arith.constant 0 : i32
      %parallel_loop3A_417 = arith.constant 0 : i32
      %parallel_loop3A_418 = tpu.memref_slice %arg11[%parallel_loop3A_415, %parallel_loop3A_416, %parallel_loop3A_417] : memref<2x128x128xf32, #tpu.memory_space<vmem>> -> memref<1x128x128xf32, #tpu.memory_space<vmem>>
      %parallel_loop3A_419 = tpu.memref_squeeze %parallel_loop3A_418 : memref<1x128x128xf32, #tpu.memory_space<vmem>> -> memref<128x128xf32, #tpu.memory_space<vmem>>
      %parallel_loop3A_420 = tpu.vector_load_idx %parallel_loop3A_419[%parallel_loop3A_244, %parallel_loop3A_414] : memref<128x128xf32, #tpu.memory_space<vmem>>[vector<16xi32>, vector<16xi32>], vector<16xf32>,
      %parallel_loop3A_421 = arith.mulf %parallel_loop3A_411, %parallel_loop3A_420 : vector<16xf32>
      %parallel_loop3A_422 = arith.addf %parallel_loop3A_402, %parallel_loop3A_421 : vector<16xf32>
      %parallel_loop3A_423 = arith.constant 8 : i32
      %parallel_loop3A_424 = vector.broadcast %parallel_loop3A_423 : i32 to vector<16xi32>
      %parallel_loop3A_425 = arith.addi %parallel_loop3A_254, %parallel_loop3A_424 : vector<16xi32>
      %parallel_loop3A_426 = arith.constant 1 : i32
      %parallel_loop3A_427 = arith.constant 0 : i32
      %parallel_loop3A_428 = arith.constant 0 : i32
      %parallel_loop3A_429 = tpu.memref_slice %arg10[%parallel_loop3A_426, %parallel_loop3A_427, %parallel_loop3A_428] : memref<2x128x128xf32, #tpu.memory_space<vmem>> -> memref<1x128x128xf32, #tpu.memory_space<vmem>>
      %parallel_loop3A_430 = tpu.memref_squeeze %parallel_loop3A_429 : memref<1x128x128xf32, #tpu.memory_space<vmem>> -> memref<128x128xf32, #tpu.memory_space<vmem>>
      %parallel_loop3A_431 = tpu.vector_load_idx %parallel_loop3A_430[%parallel_loop3A_244, %parallel_loop3A_425] : memref<128x128xf32, #tpu.memory_space<vmem>>[vector<16xi32>, vector<16xi32>], vector<16xf32>,
      %parallel_loop3A_432 = arith.constant 8 : i32
      %parallel_loop3A_433 = vector.broadcast %parallel_loop3A_432 : i32 to vector<16xi32>
      %parallel_loop3A_434 = arith.addi %parallel_loop3A_260, %parallel_loop3A_433 : vector<16xi32>
      %parallel_loop3A_435 = arith.constant 1 : i32
      %parallel_loop3A_436 = arith.constant 0 : i32
      %parallel_loop3A_437 = arith.constant 0 : i32
      %parallel_loop3A_438 = tpu.memref_slice %arg11[%parallel_loop3A_435, %parallel_loop3A_436, %parallel_loop3A_437] : memref<2x128x128xf32, #tpu.memory_space<vmem>> -> memref<1x128x128xf32, #tpu.memory_space<vmem>>
      %parallel_loop3A_439 = tpu.memref_squeeze %parallel_loop3A_438 : memref<1x128x128xf32, #tpu.memory_space<vmem>> -> memref<128x128xf32, #tpu.memory_space<vmem>>
      %parallel_loop3A_440 = tpu.vector_load_idx %parallel_loop3A_439[%parallel_loop3A_244, %parallel_loop3A_434] : memref<128x128xf32, #tpu.memory_space<vmem>>[vector<16xi32>, vector<16xi32>], vector<16xf32>,
      %parallel_loop3A_441 = arith.mulf %parallel_loop3A_431, %parallel_loop3A_440 : vector<16xf32>
      %parallel_loop3A_442 = arith.addf %parallel_loop3A_422, %parallel_loop3A_441 : vector<16xf32>
      %parallel_loop3A_443 = arith.constant 9 : i32
      %parallel_loop3A_444 = vector.broadcast %parallel_loop3A_443 : i32 to vector<16xi32>
      %parallel_loop3A_445 = arith.addi %parallel_loop3A_254, %parallel_loop3A_444 : vector<16xi32>
      %parallel_loop3A_446 = arith.constant 1 : i32
      %parallel_loop3A_447 = arith.constant 0 : i32
      %parallel_loop3A_448 = arith.constant 0 : i32
      %parallel_loop3A_449 = tpu.memref_slice %arg10[%parallel_loop3A_446, %parallel_loop3A_447, %parallel_loop3A_448] : memref<2x128x128xf32, #tpu.memory_space<vmem>> -> memref<1x128x128xf32, #tpu.memory_space<vmem>>
      %parallel_loop3A_450 = tpu.memref_squeeze %parallel_loop3A_449 : memref<1x128x128xf32, #tpu.memory_space<vmem>> -> memref<128x128xf32, #tpu.memory_space<vmem>>
      %parallel_loop3A_451 = tpu.vector_load_idx %parallel_loop3A_450[%parallel_loop3A_244, %parallel_loop3A_445] : memref<128x128xf32, #tpu.memory_space<vmem>>[vector<16xi32>, vector<16xi32>], vector<16xf32>,
      %parallel_loop3A_452 = arith.constant 9 : i32
      %parallel_loop3A_453 = vector.broadcast %parallel_loop3A_452 : i32 to vector<16xi32>
      %parallel_loop3A_454 = arith.addi %parallel_loop3A_260, %parallel_loop3A_453 : vector<16xi32>
      %parallel_loop3A_455 = arith.constant 1 : i32
      %parallel_loop3A_456 = arith.constant 0 : i32
      %parallel_loop3A_457 = arith.constant 0 : i32
      %parallel_loop3A_458 = tpu.memref_slice %arg11[%parallel_loop3A_455, %parallel_loop3A_456, %parallel_loop3A_457] : memref<2x128x128xf32, #tpu.memory_space<vmem>> -> memref<1x128x128xf32, #tpu.memory_space<vmem>>
      %parallel_loop3A_459 = tpu.memref_squeeze %parallel_loop3A_458 : memref<1x128x128xf32, #tpu.memory_space<vmem>> -> memref<128x128xf32, #tpu.memory_space<vmem>>
      %parallel_loop3A_460 = tpu.vector_load_idx %parallel_loop3A_459[%parallel_loop3A_244, %parallel_loop3A_454] : memref<128x128xf32, #tpu.memory_space<vmem>>[vector<16xi32>, vector<16xi32>], vector<16xf32>,
      %parallel_loop3A_461 = arith.mulf %parallel_loop3A_451, %parallel_loop3A_460 : vector<16xf32>
      %parallel_loop3A_462 = arith.addf %parallel_loop3A_442, %parallel_loop3A_461 : vector<16xf32>
      %parallel_loop3A_463 = arith.constant 10 : i32
      %parallel_loop3A_464 = vector.broadcast %parallel_loop3A_463 : i32 to vector<16xi32>
      %parallel_loop3A_465 = arith.addi %parallel_loop3A_254, %parallel_loop3A_464 : vector<16xi32>
      %parallel_loop3A_466 = arith.constant 1 : i32
      %parallel_loop3A_467 = arith.constant 0 : i32
      %parallel_loop3A_468 = arith.constant 0 : i32
      %parallel_loop3A_469 = tpu.memref_slice %arg10[%parallel_loop3A_466, %parallel_loop3A_467, %parallel_loop3A_468] : memref<2x128x128xf32, #tpu.memory_space<vmem>> -> memref<1x128x128xf32, #tpu.memory_space<vmem>>
      %parallel_loop3A_470 = tpu.memref_squeeze %parallel_loop3A_469 : memref<1x128x128xf32, #tpu.memory_space<vmem>> -> memref<128x128xf32, #tpu.memory_space<vmem>>
      %parallel_loop3A_471 = tpu.vector_load_idx %parallel_loop3A_470[%parallel_loop3A_244, %parallel_loop3A_465] : memref<128x128xf32, #tpu.memory_space<vmem>>[vector<16xi32>, vector<16xi32>], vector<16xf32>,
      %parallel_loop3A_472 = arith.constant 10 : i32
      %parallel_loop3A_473 = vector.broadcast %parallel_loop3A_472 : i32 to vector<16xi32>
      %parallel_loop3A_474 = arith.addi %parallel_loop3A_260, %parallel_loop3A_473 : vector<16xi32>
      %parallel_loop3A_475 = arith.constant 1 : i32
      %parallel_loop3A_476 = arith.constant 0 : i32
      %parallel_loop3A_477 = arith.constant 0 : i32
      %parallel_loop3A_478 = tpu.memref_slice %arg11[%parallel_loop3A_475, %parallel_loop3A_476, %parallel_loop3A_477] : memref<2x128x128xf32, #tpu.memory_space<vmem>> -> memref<1x128x128xf32, #tpu.memory_space<vmem>>
      %parallel_loop3A_479 = tpu.memref_squeeze %parallel_loop3A_478 : memref<1x128x128xf32, #tpu.memory_space<vmem>> -> memref<128x128xf32, #tpu.memory_space<vmem>>
      %parallel_loop3A_480 = tpu.vector_load_idx %parallel_loop3A_479[%parallel_loop3A_244, %parallel_loop3A_474] : memref<128x128xf32, #tpu.memory_space<vmem>>[vector<16xi32>, vector<16xi32>], vector<16xf32>,
      %parallel_loop3A_481 = arith.mulf %parallel_loop3A_471, %parallel_loop3A_480 : vector<16xf32>
      %parallel_loop3A_482 = arith.addf %parallel_loop3A_462, %parallel_loop3A_481 : vector<16xf32>
      %parallel_loop3A_483 = arith.constant 11 : i32
      %parallel_loop3A_484 = vector.broadcast %parallel_loop3A_483 : i32 to vector<16xi32>
      %parallel_loop3A_485 = arith.addi %parallel_loop3A_254, %parallel_loop3A_484 : vector<16xi32>
      %parallel_loop3A_486 = arith.constant 1 : i32
      %parallel_loop3A_487 = arith.constant 0 : i32
      %parallel_loop3A_488 = arith.constant 0 : i32
      %parallel_loop3A_489 = tpu.memref_slice %arg10[%parallel_loop3A_486, %parallel_loop3A_487, %parallel_loop3A_488] : memref<2x128x128xf32, #tpu.memory_space<vmem>> -> memref<1x128x128xf32, #tpu.memory_space<vmem>>
      %parallel_loop3A_490 = tpu.memref_squeeze %parallel_loop3A_489 : memref<1x128x128xf32, #tpu.memory_space<vmem>> -> memref<128x128xf32, #tpu.memory_space<vmem>>
      %parallel_loop3A_491 = tpu.vector_load_idx %parallel_loop3A_490[%parallel_loop3A_244, %parallel_loop3A_485] : memref<128x128xf32, #tpu.memory_space<vmem>>[vector<16xi32>, vector<16xi32>], vector<16xf32>,
      %parallel_loop3A_492 = arith.constant 11 : i32
      %parallel_loop3A_493 = vector.broadcast %parallel_loop3A_492 : i32 to vector<16xi32>
      %parallel_loop3A_494 = arith.addi %parallel_loop3A_260, %parallel_loop3A_493 : vector<16xi32>
      %parallel_loop3A_495 = arith.constant 1 : i32
      %parallel_loop3A_496 = arith.constant 0 : i32
      %parallel_loop3A_497 = arith.constant 0 : i32
      %parallel_loop3A_498 = tpu.memref_slice %arg11[%parallel_loop3A_495, %parallel_loop3A_496, %parallel_loop3A_497] : memref<2x128x128xf32, #tpu.memory_space<vmem>> -> memref<1x128x128xf32, #tpu.memory_space<vmem>>
      %parallel_loop3A_499 = tpu.memref_squeeze %parallel_loop3A_498 : memref<1x128x128xf32, #tpu.memory_space<vmem>> -> memref<128x128xf32, #tpu.memory_space<vmem>>
      %parallel_loop3A_500 = tpu.vector_load_idx %parallel_loop3A_499[%parallel_loop3A_244, %parallel_loop3A_494] : memref<128x128xf32, #tpu.memory_space<vmem>>[vector<16xi32>, vector<16xi32>], vector<16xf32>,
      %parallel_loop3A_501 = arith.mulf %parallel_loop3A_491, %parallel_loop3A_500 : vector<16xf32>
      %parallel_loop3A_502 = arith.addf %parallel_loop3A_482, %parallel_loop3A_501 : vector<16xf32>
      %parallel_loop3A_503 = arith.constant 12 : i32
      %parallel_loop3A_504 = vector.broadcast %parallel_loop3A_503 : i32 to vector<16xi32>
      %parallel_loop3A_505 = arith.addi %parallel_loop3A_254, %parallel_loop3A_504 : vector<16xi32>
      %parallel_loop3A_506 = arith.constant 1 : i32
      %parallel_loop3A_507 = arith.constant 0 : i32
      %parallel_loop3A_508 = arith.constant 0 : i32
      %parallel_loop3A_509 = tpu.memref_slice %arg10[%parallel_loop3A_506, %parallel_loop3A_507, %parallel_loop3A_508] : memref<2x128x128xf32, #tpu.memory_space<vmem>> -> memref<1x128x128xf32, #tpu.memory_space<vmem>>
      %parallel_loop3A_510 = tpu.memref_squeeze %parallel_loop3A_509 : memref<1x128x128xf32, #tpu.memory_space<vmem>> -> memref<128x128xf32, #tpu.memory_space<vmem>>
      %parallel_loop3A_511 = tpu.vector_load_idx %parallel_loop3A_510[%parallel_loop3A_244, %parallel_loop3A_505] : memref<128x128xf32, #tpu.memory_space<vmem>>[vector<16xi32>, vector<16xi32>], vector<16xf32>,
      %parallel_loop3A_512 = arith.constant 12 : i32
      %parallel_loop3A_513 = vector.broadcast %parallel_loop3A_512 : i32 to vector<16xi32>
      %parallel_loop3A_514 = arith.addi %parallel_loop3A_260, %parallel_loop3A_513 : vector<16xi32>
      %parallel_loop3A_515 = arith.constant 1 : i32
      %parallel_loop3A_516 = arith.constant 0 : i32
      %parallel_loop3A_517 = arith.constant 0 : i32
      %parallel_loop3A_518 = tpu.memref_slice %arg11[%parallel_loop3A_515, %parallel_loop3A_516, %parallel_loop3A_517] : memref<2x128x128xf32, #tpu.memory_space<vmem>> -> memref<1x128x128xf32, #tpu.memory_space<vmem>>
      %parallel_loop3A_519 = tpu.memref_squeeze %parallel_loop3A_518 : memref<1x128x128xf32, #tpu.memory_space<vmem>> -> memref<128x128xf32, #tpu.memory_space<vmem>>
      %parallel_loop3A_520 = tpu.vector_load_idx %parallel_loop3A_519[%parallel_loop3A_244, %parallel_loop3A_514] : memref<128x128xf32, #tpu.memory_space<vmem>>[vector<16xi32>, vector<16xi32>], vector<16xf32>,
      %parallel_loop3A_521 = arith.mulf %parallel_loop3A_511, %parallel_loop3A_520 : vector<16xf32>
      %parallel_loop3A_522 = arith.addf %parallel_loop3A_502, %parallel_loop3A_521 : vector<16xf32>
      %parallel_loop3A_523 = arith.constant 13 : i32
      %parallel_loop3A_524 = vector.broadcast %parallel_loop3A_523 : i32 to vector<16xi32>
      %parallel_loop3A_525 = arith.addi %parallel_loop3A_254, %parallel_loop3A_524 : vector<16xi32>
      %parallel_loop3A_526 = arith.constant 1 : i32
      %parallel_loop3A_527 = arith.constant 0 : i32
      %parallel_loop3A_528 = arith.constant 0 : i32
      %parallel_loop3A_529 = tpu.memref_slice %arg10[%parallel_loop3A_526, %parallel_loop3A_527, %parallel_loop3A_528] : memref<2x128x128xf32, #tpu.memory_space<vmem>> -> memref<1x128x128xf32, #tpu.memory_space<vmem>>
      %parallel_loop3A_530 = tpu.memref_squeeze %parallel_loop3A_529 : memref<1x128x128xf32, #tpu.memory_space<vmem>> -> memref<128x128xf32, #tpu.memory_space<vmem>>
      %parallel_loop3A_531 = tpu.vector_load_idx %parallel_loop3A_530[%parallel_loop3A_244, %parallel_loop3A_525] : memref<128x128xf32, #tpu.memory_space<vmem>>[vector<16xi32>, vector<16xi32>], vector<16xf32>,
      %parallel_loop3A_532 = arith.constant 13 : i32
      %parallel_loop3A_533 = vector.broadcast %parallel_loop3A_532 : i32 to vector<16xi32>
      %parallel_loop3A_534 = arith.addi %parallel_loop3A_260, %parallel_loop3A_533 : vector<16xi32>
      %parallel_loop3A_535 = arith.constant 1 : i32
      %parallel_loop3A_536 = arith.constant 0 : i32
      %parallel_loop3A_537 = arith.constant 0 : i32
      %parallel_loop3A_538 = tpu.memref_slice %arg11[%parallel_loop3A_535, %parallel_loop3A_536, %parallel_loop3A_537] : memref<2x128x128xf32, #tpu.memory_space<vmem>> -> memref<1x128x128xf32, #tpu.memory_space<vmem>>
      %parallel_loop3A_539 = tpu.memref_squeeze %parallel_loop3A_538 : memref<1x128x128xf32, #tpu.memory_space<vmem>> -> memref<128x128xf32, #tpu.memory_space<vmem>>
      %parallel_loop3A_540 = tpu.vector_load_idx %parallel_loop3A_539[%parallel_loop3A_244, %parallel_loop3A_534] : memref<128x128xf32, #tpu.memory_space<vmem>>[vector<16xi32>, vector<16xi32>], vector<16xf32>,
      %parallel_loop3A_541 = arith.mulf %parallel_loop3A_531, %parallel_loop3A_540 : vector<16xf32>
      %parallel_loop3A_542 = arith.addf %parallel_loop3A_522, %parallel_loop3A_541 : vector<16xf32>
      %parallel_loop3A_543 = arith.constant 14 : i32
      %parallel_loop3A_544 = vector.broadcast %parallel_loop3A_543 : i32 to vector<16xi32>
      %parallel_loop3A_545 = arith.addi %parallel_loop3A_254, %parallel_loop3A_544 : vector<16xi32>
      %parallel_loop3A_546 = arith.constant 1 : i32
      %parallel_loop3A_547 = arith.constant 0 : i32
      %parallel_loop3A_548 = arith.constant 0 : i32
      %parallel_loop3A_549 = tpu.memref_slice %arg10[%parallel_loop3A_546, %parallel_loop3A_547, %parallel_loop3A_548] : memref<2x128x128xf32, #tpu.memory_space<vmem>> -> memref<1x128x128xf32, #tpu.memory_space<vmem>>
      %parallel_loop3A_550 = tpu.memref_squeeze %parallel_loop3A_549 : memref<1x128x128xf32, #tpu.memory_space<vmem>> -> memref<128x128xf32, #tpu.memory_space<vmem>>
      %parallel_loop3A_551 = tpu.vector_load_idx %parallel_loop3A_550[%parallel_loop3A_244, %parallel_loop3A_545] : memref<128x128xf32, #tpu.memory_space<vmem>>[vector<16xi32>, vector<16xi32>], vector<16xf32>,
      %parallel_loop3A_552 = arith.constant 14 : i32
      %parallel_loop3A_553 = vector.broadcast %parallel_loop3A_552 : i32 to vector<16xi32>
      %parallel_loop3A_554 = arith.addi %parallel_loop3A_260, %parallel_loop3A_553 : vector<16xi32>
      %parallel_loop3A_555 = arith.constant 1 : i32
      %parallel_loop3A_556 = arith.constant 0 : i32
      %parallel_loop3A_557 = arith.constant 0 : i32
      %parallel_loop3A_558 = tpu.memref_slice %arg11[%parallel_loop3A_555, %parallel_loop3A_556, %parallel_loop3A_557] : memref<2x128x128xf32, #tpu.memory_space<vmem>> -> memref<1x128x128xf32, #tpu.memory_space<vmem>>
      %parallel_loop3A_559 = tpu.memref_squeeze %parallel_loop3A_558 : memref<1x128x128xf32, #tpu.memory_space<vmem>> -> memref<128x128xf32, #tpu.memory_space<vmem>>
      %parallel_loop3A_560 = tpu.vector_load_idx %parallel_loop3A_559[%parallel_loop3A_244, %parallel_loop3A_554] : memref<128x128xf32, #tpu.memory_space<vmem>>[vector<16xi32>, vector<16xi32>], vector<16xf32>,
      %parallel_loop3A_561 = arith.mulf %parallel_loop3A_551, %parallel_loop3A_560 : vector<16xf32>
      %parallel_loop3A_562 = arith.addf %parallel_loop3A_542, %parallel_loop3A_561 : vector<16xf32>
      %parallel_loop3A_563 = arith.constant 15 : i32
      %parallel_loop3A_564 = vector.broadcast %parallel_loop3A_563 : i32 to vector<16xi32>
      %parallel_loop3A_565 = arith.addi %parallel_loop3A_254, %parallel_loop3A_564 : vector<16xi32>
      %parallel_loop3A_566 = arith.constant 1 : i32
      %parallel_loop3A_567 = arith.constant 0 : i32
      %parallel_loop3A_568 = arith.constant 0 : i32
      %parallel_loop3A_569 = tpu.memref_slice %arg10[%parallel_loop3A_566, %parallel_loop3A_567, %parallel_loop3A_568] : memref<2x128x128xf32, #tpu.memory_space<vmem>> -> memref<1x128x128xf32, #tpu.memory_space<vmem>>
      %parallel_loop3A_570 = tpu.memref_squeeze %parallel_loop3A_569 : memref<1x128x128xf32, #tpu.memory_space<vmem>> -> memref<128x128xf32, #tpu.memory_space<vmem>>
      %parallel_loop3A_571 = tpu.vector_load_idx %parallel_loop3A_570[%parallel_loop3A_244, %parallel_loop3A_565] : memref<128x128xf32, #tpu.memory_space<vmem>>[vector<16xi32>, vector<16xi32>], vector<16xf32>,
      %parallel_loop3A_572 = arith.constant 15 : i32
      %parallel_loop3A_573 = vector.broadcast %parallel_loop3A_572 : i32 to vector<16xi32>
      %parallel_loop3A_574 = arith.addi %parallel_loop3A_260, %parallel_loop3A_573 : vector<16xi32>
      %parallel_loop3A_575 = arith.constant 1 : i32
      %parallel_loop3A_576 = arith.constant 0 : i32
      %parallel_loop3A_577 = arith.constant 0 : i32
      %parallel_loop3A_578 = tpu.memref_slice %arg11[%parallel_loop3A_575, %parallel_loop3A_576, %parallel_loop3A_577] : memref<2x128x128xf32, #tpu.memory_space<vmem>> -> memref<1x128x128xf32, #tpu.memory_space<vmem>>
      %parallel_loop3A_579 = tpu.memref_squeeze %parallel_loop3A_578 : memref<1x128x128xf32, #tpu.memory_space<vmem>> -> memref<128x128xf32, #tpu.memory_space<vmem>>
      %parallel_loop3A_580 = tpu.vector_load_idx %parallel_loop3A_579[%parallel_loop3A_244, %parallel_loop3A_574] : memref<128x128xf32, #tpu.memory_space<vmem>>[vector<16xi32>, vector<16xi32>], vector<16xf32>,
      %parallel_loop3A_581 = arith.mulf %parallel_loop3A_571, %parallel_loop3A_580 : vector<16xf32>
      %parallel_loop3A_582 = arith.addf %parallel_loop3A_562, %parallel_loop3A_581 : vector<16xf32>
      %parallel_loop3A_583 = arith.constant 16 : i32
      %parallel_loop3A_584 = vector.broadcast %parallel_loop3A_583 : i32 to vector<16xi32>
      %parallel_loop3A_585 = arith.addi %parallel_loop3A_254, %parallel_loop3A_584 : vector<16xi32>
      %parallel_loop3A_586 = arith.constant 1 : i32
      %parallel_loop3A_587 = arith.constant 0 : i32
      %parallel_loop3A_588 = arith.constant 0 : i32
      %parallel_loop3A_589 = tpu.memref_slice %arg10[%parallel_loop3A_586, %parallel_loop3A_587, %parallel_loop3A_588] : memref<2x128x128xf32, #tpu.memory_space<vmem>> -> memref<1x128x128xf32, #tpu.memory_space<vmem>>
      %parallel_loop3A_590 = tpu.memref_squeeze %parallel_loop3A_589 : memref<1x128x128xf32, #tpu.memory_space<vmem>> -> memref<128x128xf32, #tpu.memory_space<vmem>>
      %parallel_loop3A_591 = tpu.vector_load_idx %parallel_loop3A_590[%parallel_loop3A_244, %parallel_loop3A_585] : memref<128x128xf32, #tpu.memory_space<vmem>>[vector<16xi32>, vector<16xi32>], vector<16xf32>,
      %parallel_loop3A_592 = arith.constant 16 : i32
      %parallel_loop3A_593 = vector.broadcast %parallel_loop3A_592 : i32 to vector<16xi32>
      %parallel_loop3A_594 = arith.addi %parallel_loop3A_260, %parallel_loop3A_593 : vector<16xi32>
      %parallel_loop3A_595 = arith.constant 1 : i32
      %parallel_loop3A_596 = arith.constant 0 : i32
      %parallel_loop3A_597 = arith.constant 0 : i32
      %parallel_loop3A_598 = tpu.memref_slice %arg11[%parallel_loop3A_595, %parallel_loop3A_596, %parallel_loop3A_597] : memref<2x128x128xf32, #tpu.memory_space<vmem>> -> memref<1x128x128xf32, #tpu.memory_space<vmem>>
      %parallel_loop3A_599 = tpu.memref_squeeze %parallel_loop3A_598 : memref<1x128x128xf32, #tpu.memory_space<vmem>> -> memref<128x128xf32, #tpu.memory_space<vmem>>
      %parallel_loop3A_600 = tpu.vector_load_idx %parallel_loop3A_599[%parallel_loop3A_244, %parallel_loop3A_594] : memref<128x128xf32, #tpu.memory_space<vmem>>[vector<16xi32>, vector<16xi32>], vector<16xf32>,
      %parallel_loop3A_601 = arith.mulf %parallel_loop3A_591, %parallel_loop3A_600 : vector<16xf32>
      %parallel_loop3A_602 = arith.addf %parallel_loop3A_582, %parallel_loop3A_601 : vector<16xf32>
      %parallel_loop3A_603 = arith.constant 17 : i32
      %parallel_loop3A_604 = vector.broadcast %parallel_loop3A_603 : i32 to vector<16xi32>
      %parallel_loop3A_605 = arith.addi %parallel_loop3A_254, %parallel_loop3A_604 : vector<16xi32>
      %parallel_loop3A_606 = arith.constant 1 : i32
      %parallel_loop3A_607 = arith.constant 0 : i32
      %parallel_loop3A_608 = arith.constant 0 : i32
      %parallel_loop3A_609 = tpu.memref_slice %arg10[%parallel_loop3A_606, %parallel_loop3A_607, %parallel_loop3A_608] : memref<2x128x128xf32, #tpu.memory_space<vmem>> -> memref<1x128x128xf32, #tpu.memory_space<vmem>>
      %parallel_loop3A_610 = tpu.memref_squeeze %parallel_loop3A_609 : memref<1x128x128xf32, #tpu.memory_space<vmem>> -> memref<128x128xf32, #tpu.memory_space<vmem>>
      %parallel_loop3A_611 = tpu.vector_load_idx %parallel_loop3A_610[%parallel_loop3A_244, %parallel_loop3A_605] : memref<128x128xf32, #tpu.memory_space<vmem>>[vector<16xi32>, vector<16xi32>], vector<16xf32>,
      %parallel_loop3A_612 = arith.constant 17 : i32
      %parallel_loop3A_613 = vector.broadcast %parallel_loop3A_612 : i32 to vector<16xi32>
      %parallel_loop3A_614 = arith.addi %parallel_loop3A_260, %parallel_loop3A_613 : vector<16xi32>
      %parallel_loop3A_615 = arith.constant 1 : i32
      %parallel_loop3A_616 = arith.constant 0 : i32
      %parallel_loop3A_617 = arith.constant 0 : i32
      %parallel_loop3A_618 = tpu.memref_slice %arg11[%parallel_loop3A_615, %parallel_loop3A_616, %parallel_loop3A_617] : memref<2x128x128xf32, #tpu.memory_space<vmem>> -> memref<1x128x128xf32, #tpu.memory_space<vmem>>
      %parallel_loop3A_619 = tpu.memref_squeeze %parallel_loop3A_618 : memref<1x128x128xf32, #tpu.memory_space<vmem>> -> memref<128x128xf32, #tpu.memory_space<vmem>>
      %parallel_loop3A_620 = tpu.vector_load_idx %parallel_loop3A_619[%parallel_loop3A_244, %parallel_loop3A_614] : memref<128x128xf32, #tpu.memory_space<vmem>>[vector<16xi32>, vector<16xi32>], vector<16xf32>,
      %parallel_loop3A_621 = arith.mulf %parallel_loop3A_611, %parallel_loop3A_620 : vector<16xf32>
      %parallel_loop3A_622 = arith.addf %parallel_loop3A_602, %parallel_loop3A_621 : vector<16xf32>
      %parallel_loop3A_623 = arith.constant 18 : i32
      %parallel_loop3A_624 = vector.broadcast %parallel_loop3A_623 : i32 to vector<16xi32>
      %parallel_loop3A_625 = arith.addi %parallel_loop3A_254, %parallel_loop3A_624 : vector<16xi32>
      %parallel_loop3A_626 = arith.constant 1 : i32
      %parallel_loop3A_627 = arith.constant 0 : i32
      %parallel_loop3A_628 = arith.constant 0 : i32
      %parallel_loop3A_629 = tpu.memref_slice %arg10[%parallel_loop3A_626, %parallel_loop3A_627, %parallel_loop3A_628] : memref<2x128x128xf32, #tpu.memory_space<vmem>> -> memref<1x128x128xf32, #tpu.memory_space<vmem>>
      %parallel_loop3A_630 = tpu.memref_squeeze %parallel_loop3A_629 : memref<1x128x128xf32, #tpu.memory_space<vmem>> -> memref<128x128xf32, #tpu.memory_space<vmem>>
      %parallel_loop3A_631 = tpu.vector_load_idx %parallel_loop3A_630[%parallel_loop3A_244, %parallel_loop3A_625] : memref<128x128xf32, #tpu.memory_space<vmem>>[vector<16xi32>, vector<16xi32>], vector<16xf32>,
      %parallel_loop3A_632 = arith.constant 18 : i32
      %parallel_loop3A_633 = vector.broadcast %parallel_loop3A_632 : i32 to vector<16xi32>
      %parallel_loop3A_634 = arith.addi %parallel_loop3A_260, %parallel_loop3A_633 : vector<16xi32>
      %parallel_loop3A_635 = arith.constant 1 : i32
      %parallel_loop3A_636 = arith.constant 0 : i32
      %parallel_loop3A_637 = arith.constant 0 : i32
      %parallel_loop3A_638 = tpu.memref_slice %arg11[%parallel_loop3A_635, %parallel_loop3A_636, %parallel_loop3A_637] : memref<2x128x128xf32, #tpu.memory_space<vmem>> -> memref<1x128x128xf32, #tpu.memory_space<vmem>>
      %parallel_loop3A_639 = tpu.memref_squeeze %parallel_loop3A_638 : memref<1x128x128xf32, #tpu.memory_space<vmem>> -> memref<128x128xf32, #tpu.memory_space<vmem>>
      %parallel_loop3A_640 = tpu.vector_load_idx %parallel_loop3A_639[%parallel_loop3A_244, %parallel_loop3A_634] : memref<128x128xf32, #tpu.memory_space<vmem>>[vector<16xi32>, vector<16xi32>], vector<16xf32>,
      %parallel_loop3A_641 = arith.mulf %parallel_loop3A_631, %parallel_loop3A_640 : vector<16xf32>
      %parallel_loop3A_642 = arith.addf %parallel_loop3A_622, %parallel_loop3A_641 : vector<16xf32>
      %parallel_loop3A_643 = arith.constant 19 : i32
      %parallel_loop3A_644 = vector.broadcast %parallel_loop3A_643 : i32 to vector<16xi32>
      %parallel_loop3A_645 = arith.addi %parallel_loop3A_254, %parallel_loop3A_644 : vector<16xi32>
      %parallel_loop3A_646 = arith.constant 1 : i32
      %parallel_loop3A_647 = arith.constant 0 : i32
      %parallel_loop3A_648 = arith.constant 0 : i32
      %parallel_loop3A_649 = tpu.memref_slice %arg10[%parallel_loop3A_646, %parallel_loop3A_647, %parallel_loop3A_648] : memref<2x128x128xf32, #tpu.memory_space<vmem>> -> memref<1x128x128xf32, #tpu.memory_space<vmem>>
      %parallel_loop3A_650 = tpu.memref_squeeze %parallel_loop3A_649 : memref<1x128x128xf32, #tpu.memory_space<vmem>> -> memref<128x128xf32, #tpu.memory_space<vmem>>
      %parallel_loop3A_651 = tpu.vector_load_idx %parallel_loop3A_650[%parallel_loop3A_244, %parallel_loop3A_645] : memref<128x128xf32, #tpu.memory_space<vmem>>[vector<16xi32>, vector<16xi32>], vector<16xf32>,
      %parallel_loop3A_652 = arith.constant 19 : i32
      %parallel_loop3A_653 = vector.broadcast %parallel_loop3A_652 : i32 to vector<16xi32>
      %parallel_loop3A_654 = arith.addi %parallel_loop3A_260, %parallel_loop3A_653 : vector<16xi32>
      %parallel_loop3A_655 = arith.constant 1 : i32
      %parallel_loop3A_656 = arith.constant 0 : i32
      %parallel_loop3A_657 = arith.constant 0 : i32
      %parallel_loop3A_658 = tpu.memref_slice %arg11[%parallel_loop3A_655, %parallel_loop3A_656, %parallel_loop3A_657] : memref<2x128x128xf32, #tpu.memory_space<vmem>> -> memref<1x128x128xf32, #tpu.memory_space<vmem>>
      %parallel_loop3A_659 = tpu.memref_squeeze %parallel_loop3A_658 : memref<1x128x128xf32, #tpu.memory_space<vmem>> -> memref<128x128xf32, #tpu.memory_space<vmem>>
      %parallel_loop3A_660 = tpu.vector_load_idx %parallel_loop3A_659[%parallel_loop3A_244, %parallel_loop3A_654] : memref<128x128xf32, #tpu.memory_space<vmem>>[vector<16xi32>, vector<16xi32>], vector<16xf32>,
      %parallel_loop3A_661 = arith.mulf %parallel_loop3A_651, %parallel_loop3A_660 : vector<16xf32>
      %parallel_loop3A_662 = arith.addf %parallel_loop3A_642, %parallel_loop3A_661 : vector<16xf32>
      %parallel_loop3A_663 = arith.constant 20 : i32
      %parallel_loop3A_664 = vector.broadcast %parallel_loop3A_663 : i32 to vector<16xi32>
      %parallel_loop3A_665 = arith.addi %parallel_loop3A_254, %parallel_loop3A_664 : vector<16xi32>
      %parallel_loop3A_666 = arith.constant 1 : i32
      %parallel_loop3A_667 = arith.constant 0 : i32
      %parallel_loop3A_668 = arith.constant 0 : i32
      %parallel_loop3A_669 = tpu.memref_slice %arg10[%parallel_loop3A_666, %parallel_loop3A_667, %parallel_loop3A_668] : memref<2x128x128xf32, #tpu.memory_space<vmem>> -> memref<1x128x128xf32, #tpu.memory_space<vmem>>
      %parallel_loop3A_670 = tpu.memref_squeeze %parallel_loop3A_669 : memref<1x128x128xf32, #tpu.memory_space<vmem>> -> memref<128x128xf32, #tpu.memory_space<vmem>>
      %parallel_loop3A_671 = tpu.vector_load_idx %parallel_loop3A_670[%parallel_loop3A_244, %parallel_loop3A_665] : memref<128x128xf32, #tpu.memory_space<vmem>>[vector<16xi32>, vector<16xi32>], vector<16xf32>,
      %parallel_loop3A_672 = arith.constant 20 : i32
      %parallel_loop3A_673 = vector.broadcast %parallel_loop3A_672 : i32 to vector<16xi32>
      %parallel_loop3A_674 = arith.addi %parallel_loop3A_260, %parallel_loop3A_673 : vector<16xi32>
      %parallel_loop3A_675 = arith.constant 1 : i32
      %parallel_loop3A_676 = arith.constant 0 : i32
      %parallel_loop3A_677 = arith.constant 0 : i32
      %parallel_loop3A_678 = tpu.memref_slice %arg11[%parallel_loop3A_675, %parallel_loop3A_676, %parallel_loop3A_677] : memref<2x128x128xf32, #tpu.memory_space<vmem>> -> memref<1x128x128xf32, #tpu.memory_space<vmem>>
      %parallel_loop3A_679 = tpu.memref_squeeze %parallel_loop3A_678 : memref<1x128x128xf32, #tpu.memory_space<vmem>> -> memref<128x128xf32, #tpu.memory_space<vmem>>
      %parallel_loop3A_680 = tpu.vector_load_idx %parallel_loop3A_679[%parallel_loop3A_244, %parallel_loop3A_674] : memref<128x128xf32, #tpu.memory_space<vmem>>[vector<16xi32>, vector<16xi32>], vector<16xf32>,
      %parallel_loop3A_681 = arith.mulf %parallel_loop3A_671, %parallel_loop3A_680 : vector<16xf32>
      %parallel_loop3A_682 = arith.addf %parallel_loop3A_662, %parallel_loop3A_681 : vector<16xf32>
      %parallel_loop3A_683 = arith.constant 21 : i32
      %parallel_loop3A_684 = vector.broadcast %parallel_loop3A_683 : i32 to vector<16xi32>
      %parallel_loop3A_685 = arith.addi %parallel_loop3A_254, %parallel_loop3A_684 : vector<16xi32>
      %parallel_loop3A_686 = arith.constant 1 : i32
      %parallel_loop3A_687 = arith.constant 0 : i32
      %parallel_loop3A_688 = arith.constant 0 : i32
      %parallel_loop3A_689 = tpu.memref_slice %arg10[%parallel_loop3A_686, %parallel_loop3A_687, %parallel_loop3A_688] : memref<2x128x128xf32, #tpu.memory_space<vmem>> -> memref<1x128x128xf32, #tpu.memory_space<vmem>>
      %parallel_loop3A_690 = tpu.memref_squeeze %parallel_loop3A_689 : memref<1x128x128xf32, #tpu.memory_space<vmem>> -> memref<128x128xf32, #tpu.memory_space<vmem>>
      %parallel_loop3A_691 = tpu.vector_load_idx %parallel_loop3A_690[%parallel_loop3A_244, %parallel_loop3A_685] : memref<128x128xf32, #tpu.memory_space<vmem>>[vector<16xi32>, vector<16xi32>], vector<16xf32>,
      %parallel_loop3A_692 = arith.constant 21 : i32
      %parallel_loop3A_693 = vector.broadcast %parallel_loop3A_692 : i32 to vector<16xi32>
      %parallel_loop3A_694 = arith.addi %parallel_loop3A_260, %parallel_loop3A_693 : vector<16xi32>
      %parallel_loop3A_695 = arith.constant 1 : i32
      %parallel_loop3A_696 = arith.constant 0 : i32
      %parallel_loop3A_697 = arith.constant 0 : i32
      %parallel_loop3A_698 = tpu.memref_slice %arg11[%parallel_loop3A_695, %parallel_loop3A_696, %parallel_loop3A_697] : memref<2x128x128xf32, #tpu.memory_space<vmem>> -> memref<1x128x128xf32, #tpu.memory_space<vmem>>
      %parallel_loop3A_699 = tpu.memref_squeeze %parallel_loop3A_698 : memref<1x128x128xf32, #tpu.memory_space<vmem>> -> memref<128x128xf32, #tpu.memory_space<vmem>>
      %parallel_loop3A_700 = tpu.vector_load_idx %parallel_loop3A_699[%parallel_loop3A_244, %parallel_loop3A_694] : memref<128x128xf32, #tpu.memory_space<vmem>>[vector<16xi32>, vector<16xi32>], vector<16xf32>,
      %parallel_loop3A_701 = arith.mulf %parallel_loop3A_691, %parallel_loop3A_700 : vector<16xf32>
      %parallel_loop3A_702 = arith.addf %parallel_loop3A_682, %parallel_loop3A_701 : vector<16xf32>
      %parallel_loop3A_703 = arith.constant 22 : i32
      %parallel_loop3A_704 = vector.broadcast %parallel_loop3A_703 : i32 to vector<16xi32>
      %parallel_loop3A_705 = arith.addi %parallel_loop3A_254, %parallel_loop3A_704 : vector<16xi32>
      %parallel_loop3A_706 = arith.constant 1 : i32
      %parallel_loop3A_707 = arith.constant 0 : i32
      %parallel_loop3A_708 = arith.constant 0 : i32
      %parallel_loop3A_709 = tpu.memref_slice %arg10[%parallel_loop3A_706, %parallel_loop3A_707, %parallel_loop3A_708] : memref<2x128x128xf32, #tpu.memory_space<vmem>> -> memref<1x128x128xf32, #tpu.memory_space<vmem>>
      %parallel_loop3A_710 = tpu.memref_squeeze %parallel_loop3A_709 : memref<1x128x128xf32, #tpu.memory_space<vmem>> -> memref<128x128xf32, #tpu.memory_space<vmem>>
      %parallel_loop3A_711 = tpu.vector_load_idx %parallel_loop3A_710[%parallel_loop3A_244, %parallel_loop3A_705] : memref<128x128xf32, #tpu.memory_space<vmem>>[vector<16xi32>, vector<16xi32>], vector<16xf32>,
      %parallel_loop3A_712 = arith.constant 22 : i32
      %parallel_loop3A_713 = vector.broadcast %parallel_loop3A_712 : i32 to vector<16xi32>
      %parallel_loop3A_714 = arith.addi %parallel_loop3A_260, %parallel_loop3A_713 : vector<16xi32>
      %parallel_loop3A_715 = arith.constant 1 : i32
      %parallel_loop3A_716 = arith.constant 0 : i32
      %parallel_loop3A_717 = arith.constant 0 : i32
      %parallel_loop3A_718 = tpu.memref_slice %arg11[%parallel_loop3A_715, %parallel_loop3A_716, %parallel_loop3A_717] : memref<2x128x128xf32, #tpu.memory_space<vmem>> -> memref<1x128x128xf32, #tpu.memory_space<vmem>>
      %parallel_loop3A_719 = tpu.memref_squeeze %parallel_loop3A_718 : memref<1x128x128xf32, #tpu.memory_space<vmem>> -> memref<128x128xf32, #tpu.memory_space<vmem>>
      %parallel_loop3A_720 = tpu.vector_load_idx %parallel_loop3A_719[%parallel_loop3A_244, %parallel_loop3A_714] : memref<128x128xf32, #tpu.memory_space<vmem>>[vector<16xi32>, vector<16xi32>], vector<16xf32>,
      %parallel_loop3A_721 = arith.mulf %parallel_loop3A_711, %parallel_loop3A_720 : vector<16xf32>
      %parallel_loop3A_722 = arith.addf %parallel_loop3A_702, %parallel_loop3A_721 : vector<16xf32>
      %parallel_loop3A_723 = arith.constant 23 : i32
      %parallel_loop3A_724 = vector.broadcast %parallel_loop3A_723 : i32 to vector<16xi32>
      %parallel_loop3A_725 = arith.addi %parallel_loop3A_254, %parallel_loop3A_724 : vector<16xi32>
      %parallel_loop3A_726 = arith.constant 1 : i32
      %parallel_loop3A_727 = arith.constant 0 : i32
      %parallel_loop3A_728 = arith.constant 0 : i32
      %parallel_loop3A_729 = tpu.memref_slice %arg10[%parallel_loop3A_726, %parallel_loop3A_727, %parallel_loop3A_728] : memref<2x128x128xf32, #tpu.memory_space<vmem>> -> memref<1x128x128xf32, #tpu.memory_space<vmem>>
      %parallel_loop3A_730 = tpu.memref_squeeze %parallel_loop3A_729 : memref<1x128x128xf32, #tpu.memory_space<vmem>> -> memref<128x128xf32, #tpu.memory_space<vmem>>
      %parallel_loop3A_731 = tpu.vector_load_idx %parallel_loop3A_730[%parallel_loop3A_244, %parallel_loop3A_725] : memref<128x128xf32, #tpu.memory_space<vmem>>[vector<16xi32>, vector<16xi32>], vector<16xf32>,
      %parallel_loop3A_732 = arith.constant 23 : i32
      %parallel_loop3A_733 = vector.broadcast %parallel_loop3A_732 : i32 to vector<16xi32>
      %parallel_loop3A_734 = arith.addi %parallel_loop3A_260, %parallel_loop3A_733 : vector<16xi32>
      %parallel_loop3A_735 = arith.constant 1 : i32
      %parallel_loop3A_736 = arith.constant 0 : i32
      %parallel_loop3A_737 = arith.constant 0 : i32
      %parallel_loop3A_738 = tpu.memref_slice %arg11[%parallel_loop3A_735, %parallel_loop3A_736, %parallel_loop3A_737] : memref<2x128x128xf32, #tpu.memory_space<vmem>> -> memref<1x128x128xf32, #tpu.memory_space<vmem>>
      %parallel_loop3A_739 = tpu.memref_squeeze %parallel_loop3A_738 : memref<1x128x128xf32, #tpu.memory_space<vmem>> -> memref<128x128xf32, #tpu.memory_space<vmem>>
      %parallel_loop3A_740 = tpu.vector_load_idx %parallel_loop3A_739[%parallel_loop3A_244, %parallel_loop3A_734] : memref<128x128xf32, #tpu.memory_space<vmem>>[vector<16xi32>, vector<16xi32>], vector<16xf32>,
      %parallel_loop3A_741 = arith.mulf %parallel_loop3A_731, %parallel_loop3A_740 : vector<16xf32>
      %parallel_loop3A_742 = arith.addf %parallel_loop3A_722, %parallel_loop3A_741 : vector<16xf32>
      %parallel_loop3A_743 = arith.constant 24 : i32
      %parallel_loop3A_744 = vector.broadcast %parallel_loop3A_743 : i32 to vector<16xi32>
      %parallel_loop3A_745 = arith.addi %parallel_loop3A_254, %parallel_loop3A_744 : vector<16xi32>
      %parallel_loop3A_746 = arith.constant 1 : i32
      %parallel_loop3A_747 = arith.constant 0 : i32
      %parallel_loop3A_748 = arith.constant 0 : i32
      %parallel_loop3A_749 = tpu.memref_slice %arg10[%parallel_loop3A_746, %parallel_loop3A_747, %parallel_loop3A_748] : memref<2x128x128xf32, #tpu.memory_space<vmem>> -> memref<1x128x128xf32, #tpu.memory_space<vmem>>
      %parallel_loop3A_750 = tpu.memref_squeeze %parallel_loop3A_749 : memref<1x128x128xf32, #tpu.memory_space<vmem>> -> memref<128x128xf32, #tpu.memory_space<vmem>>
      %parallel_loop3A_751 = tpu.vector_load_idx %parallel_loop3A_750[%parallel_loop3A_244, %parallel_loop3A_745] : memref<128x128xf32, #tpu.memory_space<vmem>>[vector<16xi32>, vector<16xi32>], vector<16xf32>,
      %parallel_loop3A_752 = arith.constant 24 : i32
      %parallel_loop3A_753 = vector.broadcast %parallel_loop3A_752 : i32 to vector<16xi32>
      %parallel_loop3A_754 = arith.addi %parallel_loop3A_260, %parallel_loop3A_753 : vector<16xi32>
      %parallel_loop3A_755 = arith.constant 1 : i32
      %parallel_loop3A_756 = arith.constant 0 : i32
      %parallel_loop3A_757 = arith.constant 0 : i32
      %parallel_loop3A_758 = tpu.memref_slice %arg11[%parallel_loop3A_755, %parallel_loop3A_756, %parallel_loop3A_757] : memref<2x128x128xf32, #tpu.memory_space<vmem>> -> memref<1x128x128xf32, #tpu.memory_space<vmem>>
      %parallel_loop3A_759 = tpu.memref_squeeze %parallel_loop3A_758 : memref<1x128x128xf32, #tpu.memory_space<vmem>> -> memref<128x128xf32, #tpu.memory_space<vmem>>
      %parallel_loop3A_760 = tpu.vector_load_idx %parallel_loop3A_759[%parallel_loop3A_244, %parallel_loop3A_754] : memref<128x128xf32, #tpu.memory_space<vmem>>[vector<16xi32>, vector<16xi32>], vector<16xf32>,
      %parallel_loop3A_761 = arith.mulf %parallel_loop3A_751, %parallel_loop3A_760 : vector<16xf32>
      %parallel_loop3A_762 = arith.addf %parallel_loop3A_742, %parallel_loop3A_761 : vector<16xf32>
      %parallel_loop3A_763 = arith.constant 25 : i32
      %parallel_loop3A_764 = vector.broadcast %parallel_loop3A_763 : i32 to vector<16xi32>
      %parallel_loop3A_765 = arith.addi %parallel_loop3A_254, %parallel_loop3A_764 : vector<16xi32>
      %parallel_loop3A_766 = arith.constant 1 : i32
      %parallel_loop3A_767 = arith.constant 0 : i32
      %parallel_loop3A_768 = arith.constant 0 : i32
      %parallel_loop3A_769 = tpu.memref_slice %arg10[%parallel_loop3A_766, %parallel_loop3A_767, %parallel_loop3A_768] : memref<2x128x128xf32, #tpu.memory_space<vmem>> -> memref<1x128x128xf32, #tpu.memory_space<vmem>>
      %parallel_loop3A_770 = tpu.memref_squeeze %parallel_loop3A_769 : memref<1x128x128xf32, #tpu.memory_space<vmem>> -> memref<128x128xf32, #tpu.memory_space<vmem>>
      %parallel_loop3A_771 = tpu.vector_load_idx %parallel_loop3A_770[%parallel_loop3A_244, %parallel_loop3A_765] : memref<128x128xf32, #tpu.memory_space<vmem>>[vector<16xi32>, vector<16xi32>], vector<16xf32>,
      %parallel_loop3A_772 = arith.constant 25 : i32
      %parallel_loop3A_773 = vector.broadcast %parallel_loop3A_772 : i32 to vector<16xi32>
      %parallel_loop3A_774 = arith.addi %parallel_loop3A_260, %parallel_loop3A_773 : vector<16xi32>
      %parallel_loop3A_775 = arith.constant 1 : i32
      %parallel_loop3A_776 = arith.constant 0 : i32
      %parallel_loop3A_777 = arith.constant 0 : i32
      %parallel_loop3A_778 = tpu.memref_slice %arg11[%parallel_loop3A_775, %parallel_loop3A_776, %parallel_loop3A_777] : memref<2x128x128xf32, #tpu.memory_space<vmem>> -> memref<1x128x128xf32, #tpu.memory_space<vmem>>
      %parallel_loop3A_779 = tpu.memref_squeeze %parallel_loop3A_778 : memref<1x128x128xf32, #tpu.memory_space<vmem>> -> memref<128x128xf32, #tpu.memory_space<vmem>>
      %parallel_loop3A_780 = tpu.vector_load_idx %parallel_loop3A_779[%parallel_loop3A_244, %parallel_loop3A_774] : memref<128x128xf32, #tpu.memory_space<vmem>>[vector<16xi32>, vector<16xi32>], vector<16xf32>,
      %parallel_loop3A_781 = arith.mulf %parallel_loop3A_771, %parallel_loop3A_780 : vector<16xf32>
      %parallel_loop3A_782 = arith.addf %parallel_loop3A_762, %parallel_loop3A_781 : vector<16xf32>
      %parallel_loop3A_783 = arith.constant 26 : i32
      %parallel_loop3A_784 = vector.broadcast %parallel_loop3A_783 : i32 to vector<16xi32>
      %parallel_loop3A_785 = arith.addi %parallel_loop3A_254, %parallel_loop3A_784 : vector<16xi32>
      %parallel_loop3A_786 = arith.constant 1 : i32
      %parallel_loop3A_787 = arith.constant 0 : i32
      %parallel_loop3A_788 = arith.constant 0 : i32
      %parallel_loop3A_789 = tpu.memref_slice %arg10[%parallel_loop3A_786, %parallel_loop3A_787, %parallel_loop3A_788] : memref<2x128x128xf32, #tpu.memory_space<vmem>> -> memref<1x128x128xf32, #tpu.memory_space<vmem>>
      %parallel_loop3A_790 = tpu.memref_squeeze %parallel_loop3A_789 : memref<1x128x128xf32, #tpu.memory_space<vmem>> -> memref<128x128xf32, #tpu.memory_space<vmem>>
      %parallel_loop3A_791 = tpu.vector_load_idx %parallel_loop3A_790[%parallel_loop3A_244, %parallel_loop3A_785] : memref<128x128xf32, #tpu.memory_space<vmem>>[vector<16xi32>, vector<16xi32>], vector<16xf32>,
      %parallel_loop3A_792 = arith.constant 26 : i32
      %parallel_loop3A_793 = vector.broadcast %parallel_loop3A_792 : i32 to vector<16xi32>
      %parallel_loop3A_794 = arith.addi %parallel_loop3A_260, %parallel_loop3A_793 : vector<16xi32>
      %parallel_loop3A_795 = arith.constant 1 : i32
      %parallel_loop3A_796 = arith.constant 0 : i32
      %parallel_loop3A_797 = arith.constant 0 : i32
      %parallel_loop3A_798 = tpu.memref_slice %arg11[%parallel_loop3A_795, %parallel_loop3A_796, %parallel_loop3A_797] : memref<2x128x128xf32, #tpu.memory_space<vmem>> -> memref<1x128x128xf32, #tpu.memory_space<vmem>>
      %parallel_loop3A_799 = tpu.memref_squeeze %parallel_loop3A_798 : memref<1x128x128xf32, #tpu.memory_space<vmem>> -> memref<128x128xf32, #tpu.memory_space<vmem>>
      %parallel_loop3A_800 = tpu.vector_load_idx %parallel_loop3A_799[%parallel_loop3A_244, %parallel_loop3A_794] : memref<128x128xf32, #tpu.memory_space<vmem>>[vector<16xi32>, vector<16xi32>], vector<16xf32>,
      %parallel_loop3A_801 = arith.mulf %parallel_loop3A_791, %parallel_loop3A_800 : vector<16xf32>
      %parallel_loop3A_802 = arith.addf %parallel_loop3A_782, %parallel_loop3A_801 : vector<16xf32>
      %parallel_loop3A_803 = arith.constant 27 : i32
      %parallel_loop3A_804 = vector.broadcast %parallel_loop3A_803 : i32 to vector<16xi32>
      %parallel_loop3A_805 = arith.addi %parallel_loop3A_254, %parallel_loop3A_804 : vector<16xi32>
      %parallel_loop3A_806 = arith.constant 1 : i32
      %parallel_loop3A_807 = arith.constant 0 : i32
      %parallel_loop3A_808 = arith.constant 0 : i32
      %parallel_loop3A_809 = tpu.memref_slice %arg10[%parallel_loop3A_806, %parallel_loop3A_807, %parallel_loop3A_808] : memref<2x128x128xf32, #tpu.memory_space<vmem>> -> memref<1x128x128xf32, #tpu.memory_space<vmem>>
      %parallel_loop3A_810 = tpu.memref_squeeze %parallel_loop3A_809 : memref<1x128x128xf32, #tpu.memory_space<vmem>> -> memref<128x128xf32, #tpu.memory_space<vmem>>
      %parallel_loop3A_811 = tpu.vector_load_idx %parallel_loop3A_810[%parallel_loop3A_244, %parallel_loop3A_805] : memref<128x128xf32, #tpu.memory_space<vmem>>[vector<16xi32>, vector<16xi32>], vector<16xf32>,
      %parallel_loop3A_812 = arith.constant 27 : i32
      %parallel_loop3A_813 = vector.broadcast %parallel_loop3A_812 : i32 to vector<16xi32>
      %parallel_loop3A_814 = arith.addi %parallel_loop3A_260, %parallel_loop3A_813 : vector<16xi32>
      %parallel_loop3A_815 = arith.constant 1 : i32
      %parallel_loop3A_816 = arith.constant 0 : i32
      %parallel_loop3A_817 = arith.constant 0 : i32
      %parallel_loop3A_818 = tpu.memref_slice %arg11[%parallel_loop3A_815, %parallel_loop3A_816, %parallel_loop3A_817] : memref<2x128x128xf32, #tpu.memory_space<vmem>> -> memref<1x128x128xf32, #tpu.memory_space<vmem>>
      %parallel_loop3A_819 = tpu.memref_squeeze %parallel_loop3A_818 : memref<1x128x128xf32, #tpu.memory_space<vmem>> -> memref<128x128xf32, #tpu.memory_space<vmem>>
      %parallel_loop3A_820 = tpu.vector_load_idx %parallel_loop3A_819[%parallel_loop3A_244, %parallel_loop3A_814] : memref<128x128xf32, #tpu.memory_space<vmem>>[vector<16xi32>, vector<16xi32>], vector<16xf32>,
      %parallel_loop3A_821 = arith.mulf %parallel_loop3A_811, %parallel_loop3A_820 : vector<16xf32>
      %parallel_loop3A_822 = arith.addf %parallel_loop3A_802, %parallel_loop3A_821 : vector<16xf32>
      %parallel_loop3A_823 = arith.constant 28 : i32
      %parallel_loop3A_824 = vector.broadcast %parallel_loop3A_823 : i32 to vector<16xi32>
      %parallel_loop3A_825 = arith.addi %parallel_loop3A_254, %parallel_loop3A_824 : vector<16xi32>
      %parallel_loop3A_826 = arith.constant 1 : i32
      %parallel_loop3A_827 = arith.constant 0 : i32
      %parallel_loop3A_828 = arith.constant 0 : i32
      %parallel_loop3A_829 = tpu.memref_slice %arg10[%parallel_loop3A_826, %parallel_loop3A_827, %parallel_loop3A_828] : memref<2x128x128xf32, #tpu.memory_space<vmem>> -> memref<1x128x128xf32, #tpu.memory_space<vmem>>
      %parallel_loop3A_830 = tpu.memref_squeeze %parallel_loop3A_829 : memref<1x128x128xf32, #tpu.memory_space<vmem>> -> memref<128x128xf32, #tpu.memory_space<vmem>>
      %parallel_loop3A_831 = tpu.vector_load_idx %parallel_loop3A_830[%parallel_loop3A_244, %parallel_loop3A_825] : memref<128x128xf32, #tpu.memory_space<vmem>>[vector<16xi32>, vector<16xi32>], vector<16xf32>,
      %parallel_loop3A_832 = arith.constant 28 : i32
      %parallel_loop3A_833 = vector.broadcast %parallel_loop3A_832 : i32 to vector<16xi32>
      %parallel_loop3A_834 = arith.addi %parallel_loop3A_260, %parallel_loop3A_833 : vector<16xi32>
      %parallel_loop3A_835 = arith.constant 1 : i32
      %parallel_loop3A_836 = arith.constant 0 : i32
      %parallel_loop3A_837 = arith.constant 0 : i32
      %parallel_loop3A_838 = tpu.memref_slice %arg11[%parallel_loop3A_835, %parallel_loop3A_836, %parallel_loop3A_837] : memref<2x128x128xf32, #tpu.memory_space<vmem>> -> memref<1x128x128xf32, #tpu.memory_space<vmem>>
      %parallel_loop3A_839 = tpu.memref_squeeze %parallel_loop3A_838 : memref<1x128x128xf32, #tpu.memory_space<vmem>> -> memref<128x128xf32, #tpu.memory_space<vmem>>
      %parallel_loop3A_840 = tpu.vector_load_idx %parallel_loop3A_839[%parallel_loop3A_244, %parallel_loop3A_834] : memref<128x128xf32, #tpu.memory_space<vmem>>[vector<16xi32>, vector<16xi32>], vector<16xf32>,
      %parallel_loop3A_841 = arith.mulf %parallel_loop3A_831, %parallel_loop3A_840 : vector<16xf32>
      %parallel_loop3A_842 = arith.addf %parallel_loop3A_822, %parallel_loop3A_841 : vector<16xf32>
      %parallel_loop3A_843 = arith.constant 29 : i32
      %parallel_loop3A_844 = vector.broadcast %parallel_loop3A_843 : i32 to vector<16xi32>
      %parallel_loop3A_845 = arith.addi %parallel_loop3A_254, %parallel_loop3A_844 : vector<16xi32>
      %parallel_loop3A_846 = arith.constant 1 : i32
      %parallel_loop3A_847 = arith.constant 0 : i32
      %parallel_loop3A_848 = arith.constant 0 : i32
      %parallel_loop3A_849 = tpu.memref_slice %arg10[%parallel_loop3A_846, %parallel_loop3A_847, %parallel_loop3A_848] : memref<2x128x128xf32, #tpu.memory_space<vmem>> -> memref<1x128x128xf32, #tpu.memory_space<vmem>>
      %parallel_loop3A_850 = tpu.memref_squeeze %parallel_loop3A_849 : memref<1x128x128xf32, #tpu.memory_space<vmem>> -> memref<128x128xf32, #tpu.memory_space<vmem>>
      %parallel_loop3A_851 = tpu.vector_load_idx %parallel_loop3A_850[%parallel_loop3A_244, %parallel_loop3A_845] : memref<128x128xf32, #tpu.memory_space<vmem>>[vector<16xi32>, vector<16xi32>], vector<16xf32>,
      %parallel_loop3A_852 = arith.constant 29 : i32
      %parallel_loop3A_853 = vector.broadcast %parallel_loop3A_852 : i32 to vector<16xi32>
      %parallel_loop3A_854 = arith.addi %parallel_loop3A_260, %parallel_loop3A_853 : vector<16xi32>
      %parallel_loop3A_855 = arith.constant 1 : i32
      %parallel_loop3A_856 = arith.constant 0 : i32
      %parallel_loop3A_857 = arith.constant 0 : i32
      %parallel_loop3A_858 = tpu.memref_slice %arg11[%parallel_loop3A_855, %parallel_loop3A_856, %parallel_loop3A_857] : memref<2x128x128xf32, #tpu.memory_space<vmem>> -> memref<1x128x128xf32, #tpu.memory_space<vmem>>
      %parallel_loop3A_859 = tpu.memref_squeeze %parallel_loop3A_858 : memref<1x128x128xf32, #tpu.memory_space<vmem>> -> memref<128x128xf32, #tpu.memory_space<vmem>>
      %parallel_loop3A_860 = tpu.vector_load_idx %parallel_loop3A_859[%parallel_loop3A_244, %parallel_loop3A_854] : memref<128x128xf32, #tpu.memory_space<vmem>>[vector<16xi32>, vector<16xi32>], vector<16xf32>,
      %parallel_loop3A_861 = arith.mulf %parallel_loop3A_851, %parallel_loop3A_860 : vector<16xf32>
      %parallel_loop3A_862 = arith.addf %parallel_loop3A_842, %parallel_loop3A_861 : vector<16xf32>
      %parallel_loop3A_863 = arith.constant 30 : i32
      %parallel_loop3A_864 = vector.broadcast %parallel_loop3A_863 : i32 to vector<16xi32>
      %parallel_loop3A_865 = arith.addi %parallel_loop3A_254, %parallel_loop3A_864 : vector<16xi32>
      %parallel_loop3A_866 = arith.constant 1 : i32
      %parallel_loop3A_867 = arith.constant 0 : i32
      %parallel_loop3A_868 = arith.constant 0 : i32
      %parallel_loop3A_869 = tpu.memref_slice %arg10[%parallel_loop3A_866, %parallel_loop3A_867, %parallel_loop3A_868] : memref<2x128x128xf32, #tpu.memory_space<vmem>> -> memref<1x128x128xf32, #tpu.memory_space<vmem>>
      %parallel_loop3A_870 = tpu.memref_squeeze %parallel_loop3A_869 : memref<1x128x128xf32, #tpu.memory_space<vmem>> -> memref<128x128xf32, #tpu.memory_space<vmem>>
      %parallel_loop3A_871 = tpu.vector_load_idx %parallel_loop3A_870[%parallel_loop3A_244, %parallel_loop3A_865] : memref<128x128xf32, #tpu.memory_space<vmem>>[vector<16xi32>, vector<16xi32>], vector<16xf32>,
      %parallel_loop3A_872 = arith.constant 30 : i32
      %parallel_loop3A_873 = vector.broadcast %parallel_loop3A_872 : i32 to vector<16xi32>
      %parallel_loop3A_874 = arith.addi %parallel_loop3A_260, %parallel_loop3A_873 : vector<16xi32>
      %parallel_loop3A_875 = arith.constant 1 : i32
      %parallel_loop3A_876 = arith.constant 0 : i32
      %parallel_loop3A_877 = arith.constant 0 : i32
      %parallel_loop3A_878 = tpu.memref_slice %arg11[%parallel_loop3A_875, %parallel_loop3A_876, %parallel_loop3A_877] : memref<2x128x128xf32, #tpu.memory_space<vmem>> -> memref<1x128x128xf32, #tpu.memory_space<vmem>>
      %parallel_loop3A_879 = tpu.memref_squeeze %parallel_loop3A_878 : memref<1x128x128xf32, #tpu.memory_space<vmem>> -> memref<128x128xf32, #tpu.memory_space<vmem>>
      %parallel_loop3A_880 = tpu.vector_load_idx %parallel_loop3A_879[%parallel_loop3A_244, %parallel_loop3A_874] : memref<128x128xf32, #tpu.memory_space<vmem>>[vector<16xi32>, vector<16xi32>], vector<16xf32>,
      %parallel_loop3A_881 = arith.mulf %parallel_loop3A_871, %parallel_loop3A_880 : vector<16xf32>
      %parallel_loop3A_882 = arith.addf %parallel_loop3A_862, %parallel_loop3A_881 : vector<16xf32>
      %parallel_loop3A_883 = arith.constant 31 : i32
      %parallel_loop3A_884 = vector.broadcast %parallel_loop3A_883 : i32 to vector<16xi32>
      %parallel_loop3A_885 = arith.addi %parallel_loop3A_254, %parallel_loop3A_884 : vector<16xi32>
      %parallel_loop3A_886 = arith.constant 1 : i32
      %parallel_loop3A_887 = arith.constant 0 : i32
      %parallel_loop3A_888 = arith.constant 0 : i32
      %parallel_loop3A_889 = tpu.memref_slice %arg10[%parallel_loop3A_886, %parallel_loop3A_887, %parallel_loop3A_888] : memref<2x128x128xf32, #tpu.memory_space<vmem>> -> memref<1x128x128xf32, #tpu.memory_space<vmem>>
      %parallel_loop3A_890 = tpu.memref_squeeze %parallel_loop3A_889 : memref<1x128x128xf32, #tpu.memory_space<vmem>> -> memref<128x128xf32, #tpu.memory_space<vmem>>
      %parallel_loop3A_891 = tpu.vector_load_idx %parallel_loop3A_890[%parallel_loop3A_244, %parallel_loop3A_885] : memref<128x128xf32, #tpu.memory_space<vmem>>[vector<16xi32>, vector<16xi32>], vector<16xf32>,
      %parallel_loop3A_892 = arith.constant 31 : i32
      %parallel_loop3A_893 = vector.broadcast %parallel_loop3A_892 : i32 to vector<16xi32>
      %parallel_loop3A_894 = arith.addi %parallel_loop3A_260, %parallel_loop3A_893 : vector<16xi32>
      %parallel_loop3A_895 = arith.constant 1 : i32
      %parallel_loop3A_896 = arith.constant 0 : i32
      %parallel_loop3A_897 = arith.constant 0 : i32
      %parallel_loop3A_898 = tpu.memref_slice %arg11[%parallel_loop3A_895, %parallel_loop3A_896, %parallel_loop3A_897] : memref<2x128x128xf32, #tpu.memory_space<vmem>> -> memref<1x128x128xf32, #tpu.memory_space<vmem>>
      %parallel_loop3A_899 = tpu.memref_squeeze %parallel_loop3A_898 : memref<1x128x128xf32, #tpu.memory_space<vmem>> -> memref<128x128xf32, #tpu.memory_space<vmem>>
      %parallel_loop3A_900 = tpu.vector_load_idx %parallel_loop3A_899[%parallel_loop3A_244, %parallel_loop3A_894] : memref<128x128xf32, #tpu.memory_space<vmem>>[vector<16xi32>, vector<16xi32>], vector<16xf32>,
      %parallel_loop3A_901 = arith.mulf %parallel_loop3A_891, %parallel_loop3A_900 : vector<16xf32>
      %parallel_loop3A_902 = arith.addf %parallel_loop3A_882, %parallel_loop3A_901 : vector<16xf32>
      %parallel_loop3A_903 = arith.index_cast %parallel_loop3A_248 : i32 to index
      %parallel_loop3A_904 = tpu.vector_load %arg12[%parallel_loop3A_903] {strides = array<i32>} : memref<512xf32, #tpu.memory_space<vmem>>, vector<16xf32>,
      tpu.vector_store %arg12[%parallel_loop3A_903], %parallel_loop3A_902 {strides = array<i32>} : memref<512xf32, #tpu.memory_space<vmem>>, vector<16xf32>,
    } {sc.loop_unroll_factor = 1 : i64, sc.parallel_access}
    %dma_start3A_150 = arith.constant 1 : i32
    %dma_start3A_151 = arith.constant 1 : i32
    %dma_start3A_152 = arith.constant 0 : i32
    %dma_start3A_153 = arith.constant 0 : i32
    %dma_start3A_154 = arith.constant 0 : i32
    %dma_start3A_155 = tpu.memref_slice %arg10[%dma_start3A_150, %dma_start3A_153, %dma_start3A_154] : memref<2x128x128xf32, #tpu.memory_space<vmem>> -> memref<1x128x128xf32, #tpu.memory_space<vmem>>
    %dma_start3A_156 = tpu.memref_squeeze %dma_start3A_155 : memref<1x128x128xf32, #tpu.memory_space<vmem>> -> memref<128x128xf32, #tpu.memory_space<vmem>>
    %dma_start3A_157 = arith.constant 384 : i32
    %dma_start3A_158 = tpu.memref_slice %arg8[%dma_start3A_157] : memref<512xi32, #tpu.memory_space<vmem>> -> memref<128xi32, #tpu.memory_space<vmem>>
    %dma_start3A_159 = arith.constant 0 : i32
    %dma_start3A_160 = arith.constant 0 : i32
    %dma_start3A_161 = tpu.memref_slice %arg4[%dma_start3A_159, %dma_start3A_160] : memref<500000x128xf32, #tpu.memory_space<hbm>> -> memref<500000x128xf32, #tpu.memory_space<hbm>>
    %dma_start3A_162 = tpu.memref_slice %arg13[%dma_start3A_151, %dma_start3A_152] : memref<2x2x!tpu.dma_semaphore, #tpu.memory_space<semaphore_mem>> -> memref<1x1x!tpu.dma_semaphore, #tpu.memory_space<semaphore_mem>>
    %dma_start3A_163 = tpu.memref_squeeze %dma_start3A_162 : memref<1x1x!tpu.dma_semaphore, #tpu.memory_space<semaphore_mem>> -> memref<!tpu.dma_semaphore, #tpu.memory_space<semaphore_mem>>
    tpu.enqueue_indirect_dma source(%dma_start3A_161 : memref<500000x128xf32, #tpu.memory_space<hbm>>) target(%dma_start3A_156 : memref<128x128xf32, #tpu.memory_space<vmem>>) offsets(%dma_start3A_158 : memref<128xi32, #tpu.memory_space<vmem>>) semaphore(%dma_start3A_163 : memref<!tpu.dma_semaphore, #tpu.memory_space<semaphore_mem>>)
    %dma_start3A_164 = arith.constant 1 : i32
    %dma_start3A_165 = arith.constant 1 : i32
    %dma_start3A_166 = arith.constant 1 : i32
    %dma_start3A_167 = arith.constant 0 : i32
    %dma_start3A_168 = arith.constant 0 : i32
    %dma_start3A_169 = tpu.memref_slice %arg11[%dma_start3A_164, %dma_start3A_167, %dma_start3A_168] : memref<2x128x128xf32, #tpu.memory_space<vmem>> -> memref<1x128x128xf32, #tpu.memory_space<vmem>>
    %dma_start3A_170 = tpu.memref_squeeze %dma_start3A_169 : memref<1x128x128xf32, #tpu.memory_space<vmem>> -> memref<128x128xf32, #tpu.memory_space<vmem>>
    %dma_start3A_171 = arith.constant 384 : i32
    %dma_start3A_172 = tpu.memref_slice %arg9[%dma_start3A_171] : memref<512xi32, #tpu.memory_space<vmem>> -> memref<128xi32, #tpu.memory_space<vmem>>
    %dma_start3A_173 = arith.constant 0 : i32
    %dma_start3A_174 = arith.constant 0 : i32
    %dma_start3A_175 = tpu.memref_slice %arg4[%dma_start3A_173, %dma_start3A_174] : memref<500000x128xf32, #tpu.memory_space<hbm>> -> memref<500000x128xf32, #tpu.memory_space<hbm>>
    %dma_start3A_176 = tpu.memref_slice %arg13[%dma_start3A_165, %dma_start3A_166] : memref<2x2x!tpu.dma_semaphore, #tpu.memory_space<semaphore_mem>> -> memref<1x1x!tpu.dma_semaphore, #tpu.memory_space<semaphore_mem>>
    %dma_start3A_177 = tpu.memref_squeeze %dma_start3A_176 : memref<1x1x!tpu.dma_semaphore, #tpu.memory_space<semaphore_mem>> -> memref<!tpu.dma_semaphore, #tpu.memory_space<semaphore_mem>>
    tpu.enqueue_indirect_dma source(%dma_start3A_175 : memref<500000x128xf32, #tpu.memory_space<hbm>>) target(%dma_start3A_170 : memref<128x128xf32, #tpu.memory_space<vmem>>) offsets(%dma_start3A_172 : memref<128xi32, #tpu.memory_space<vmem>>) semaphore(%dma_start3A_177 : memref<!tpu.dma_semaphore, #tpu.memory_space<semaphore_mem>>)
    %dma_wait3A_178 = arith.constant 0 : i32
    %dma_wait3A_179 = arith.constant 0 : i32
    %dma_wait3A_180 = arith.constant 0 : i32
    %dma_wait3A_181 = arith.constant 0 : i32
    %dma_wait3A_182 = arith.constant 0 : i32
    %dma_wait3A_183 = tpu.memref_slice %arg10[%dma_wait3A_178, %dma_wait3A_181, %dma_wait3A_182] : memref<2x128x128xf32, #tpu.memory_space<vmem>> -> memref<1x128x128xf32, #tpu.memory_space<vmem>>
    %dma_wait3A_184 = tpu.memref_squeeze %dma_wait3A_183 : memref<1x128x128xf32, #tpu.memory_space<vmem>> -> memref<128x128xf32, #tpu.memory_space<vmem>>
    %dma_wait3A_185 = arith.constant 256 : i32
    %dma_wait3A_186 = tpu.memref_slice %arg8[%dma_wait3A_185] : memref<512xi32, #tpu.memory_space<vmem>> -> memref<128xi32, #tpu.memory_space<vmem>>
    %dma_wait3A_187 = arith.constant 0 : i32
    %dma_wait3A_188 = arith.constant 0 : i32
    %dma_wait3A_189 = tpu.memref_slice %arg4[%dma_wait3A_187, %dma_wait3A_188] : memref<500000x128xf32, #tpu.memory_space<hbm>> -> memref<500000x128xf32, #tpu.memory_space<hbm>>
    %dma_wait3A_190 = tpu.memref_slice %arg13[%dma_wait3A_179, %dma_wait3A_180] : memref<2x2x!tpu.dma_semaphore, #tpu.memory_space<semaphore_mem>> -> memref<1x1x!tpu.dma_semaphore, #tpu.memory_space<semaphore_mem>>
    %dma_wait3A_191 = tpu.memref_squeeze %dma_wait3A_190 : memref<1x1x!tpu.dma_semaphore, #tpu.memory_space<semaphore_mem>> -> memref<!tpu.dma_semaphore, #tpu.memory_space<semaphore_mem>>
    tpu.wait_indirect_dma semaphore(%dma_wait3A_191 : memref<!tpu.dma_semaphore, #tpu.memory_space<semaphore_mem>>) src(%dma_wait3A_189 : memref<500000x128xf32, #tpu.memory_space<hbm>>) dst(%dma_wait3A_184 : memref<128x128xf32, #tpu.memory_space<vmem>>)
    %dma_wait3A_192 = arith.constant 0 : i32
    %dma_wait3A_193 = arith.constant 0 : i32
    %dma_wait3A_194 = arith.constant 1 : i32
    %dma_wait3A_195 = arith.constant 0 : i32
    %dma_wait3A_196 = arith.constant 0 : i32
    %dma_wait3A_197 = tpu.memref_slice %arg11[%dma_wait3A_192, %dma_wait3A_195, %dma_wait3A_196] : memref<2x128x128xf32, #tpu.memory_space<vmem>> -> memref<1x128x128xf32, #tpu.memory_space<vmem>>
    %dma_wait3A_198 = tpu.memref_squeeze %dma_wait3A_197 : memref<1x128x128xf32, #tpu.memory_space<vmem>> -> memref<128x128xf32, #tpu.memory_space<vmem>>
    %dma_wait3A_199 = arith.constant 256 : i32
    %dma_wait3A_200 = tpu.memref_slice %arg9[%dma_wait3A_199] : memref<512xi32, #tpu.memory_space<vmem>> -> memref<128xi32, #tpu.memory_space<vmem>>
    %dma_wait3A_201 = arith.constant 0 : i32
    %dma_wait3A_202 = arith.constant 0 : i32
    %dma_wait3A_203 = tpu.memref_slice %arg4[%dma_wait3A_201, %dma_wait3A_202] : memref<500000x128xf32, #tpu.memory_space<hbm>> -> memref<500000x128xf32, #tpu.memory_space<hbm>>
    %dma_wait3A_204 = tpu.memref_slice %arg13[%dma_wait3A_193, %dma_wait3A_194] : memref<2x2x!tpu.dma_semaphore, #tpu.memory_space<semaphore_mem>> -> memref<1x1x!tpu.dma_semaphore, #tpu.memory_space<semaphore_mem>>
    %dma_wait3A_205 = tpu.memref_squeeze %dma_wait3A_204 : memref<1x1x!tpu.dma_semaphore, #tpu.memory_space<semaphore_mem>> -> memref<!tpu.dma_semaphore, #tpu.memory_space<semaphore_mem>>
    tpu.wait_indirect_dma semaphore(%dma_wait3A_205 : memref<!tpu.dma_semaphore, #tpu.memory_space<semaphore_mem>>) src(%dma_wait3A_203 : memref<500000x128xf32, #tpu.memory_space<hbm>>) dst(%dma_wait3A_198 : memref<128x128xf32, #tpu.memory_space<vmem>>)
    %parallel_loop3A_206 = arith.constant 0 : i32
    %parallel_loop3A_207 = arith.constant 8 : i32
    %parallel_loop3A_208 = arith.constant 1 : i32
    scf.for %parallel_loop3A_240 = %parallel_loop3A_206 to %parallel_loop3A_207 step %parallel_loop3A_208  : i32 {
      %parallel_loop3A_241 = arith.constant 16 : i32
      %parallel_loop3A_242 = arith.muli %parallel_loop3A_240, %parallel_loop3A_241 : i32
      %parallel_loop3A_243 = vector.broadcast %parallel_loop3A_242 : i32 to vector<16xi32>
      %parallel_loop3A_244 = arith.addi %parallel_loop3A_243, %iota3A : vector<16xi32>
      %parallel_loop3A_245 = arith.constant 16 : i32
      %parallel_loop3A_246 = arith.muli %parallel_loop3A_240, %parallel_loop3A_245 : i32
      %parallel_loop3A_247 = arith.constant 256 : i32
      %parallel_loop3A_248 = arith.addi %parallel_loop3A_247, %parallel_loop3A_246 : i32
      %parallel_loop3A_249 = arith.index_cast %parallel_loop3A_248 : i32 to index
      %parallel_loop3A_250 = tpu.vector_load %arg6[%parallel_loop3A_249] {strides = array<i32>} : memref<512xi32, #tpu.memory_space<vmem>>, vector<16xi32>,
      %parallel_loop3A_251 = arith.andi %parallel_loop3A_250, %broadcast_in_dim3A_5 : vector<16xi32>
      %parallel_loop3A_252 = arith.constant 5 : i32
      %parallel_loop3A_253 = vector.broadcast %parallel_loop3A_252 : i32 to vector<16xi32>
      %parallel_loop3A_254 = arith.shli %parallel_loop3A_251, %parallel_loop3A_253 : vector<16xi32>
      %parallel_loop3A_255 = arith.index_cast %parallel_loop3A_248 : i32 to index
      %parallel_loop3A_256 = tpu.vector_load %arg7[%parallel_loop3A_255] {strides = array<i32>} : memref<512xi32, #tpu.memory_space<vmem>>, vector<16xi32>,
      %parallel_loop3A_257 = arith.andi %parallel_loop3A_256, %broadcast_in_dim3A_5 : vector<16xi32>
      %parallel_loop3A_258 = arith.constant 5 : i32
      %parallel_loop3A_259 = vector.broadcast %parallel_loop3A_258 : i32 to vector<16xi32>
      %parallel_loop3A_260 = arith.shli %parallel_loop3A_257, %parallel_loop3A_259 : vector<16xi32>
      %parallel_loop3A_261 = arith.constant 0.000000e+00 : f32
      %parallel_loop3A_262 = vector.broadcast %parallel_loop3A_261 : f32 to vector<16xf32>
      %parallel_loop3A_263 = arith.constant 0 : i32
      %parallel_loop3A_264 = vector.broadcast %parallel_loop3A_263 : i32 to vector<16xi32>
      %parallel_loop3A_265 = arith.addi %parallel_loop3A_254, %parallel_loop3A_264 : vector<16xi32>
      %parallel_loop3A_266 = arith.constant 0 : i32
      %parallel_loop3A_267 = arith.constant 0 : i32
      %parallel_loop3A_268 = arith.constant 0 : i32
      %parallel_loop3A_269 = tpu.memref_slice %arg10[%parallel_loop3A_266, %parallel_loop3A_267, %parallel_loop3A_268] : memref<2x128x128xf32, #tpu.memory_space<vmem>> -> memref<1x128x128xf32, #tpu.memory_space<vmem>>
      %parallel_loop3A_270 = tpu.memref_squeeze %parallel_loop3A_269 : memref<1x128x128xf32, #tpu.memory_space<vmem>> -> memref<128x128xf32, #tpu.memory_space<vmem>>
      %parallel_loop3A_271 = tpu.vector_load_idx %parallel_loop3A_270[%parallel_loop3A_244, %parallel_loop3A_265] : memref<128x128xf32, #tpu.memory_space<vmem>>[vector<16xi32>, vector<16xi32>], vector<16xf32>,
      %parallel_loop3A_272 = arith.constant 0 : i32
      %parallel_loop3A_273 = vector.broadcast %parallel_loop3A_272 : i32 to vector<16xi32>
      %parallel_loop3A_274 = arith.addi %parallel_loop3A_260, %parallel_loop3A_273 : vector<16xi32>
      %parallel_loop3A_275 = arith.constant 0 : i32
      %parallel_loop3A_276 = arith.constant 0 : i32
      %parallel_loop3A_277 = arith.constant 0 : i32
      %parallel_loop3A_278 = tpu.memref_slice %arg11[%parallel_loop3A_275, %parallel_loop3A_276, %parallel_loop3A_277] : memref<2x128x128xf32, #tpu.memory_space<vmem>> -> memref<1x128x128xf32, #tpu.memory_space<vmem>>
      %parallel_loop3A_279 = tpu.memref_squeeze %parallel_loop3A_278 : memref<1x128x128xf32, #tpu.memory_space<vmem>> -> memref<128x128xf32, #tpu.memory_space<vmem>>
      %parallel_loop3A_280 = tpu.vector_load_idx %parallel_loop3A_279[%parallel_loop3A_244, %parallel_loop3A_274] : memref<128x128xf32, #tpu.memory_space<vmem>>[vector<16xi32>, vector<16xi32>], vector<16xf32>,
      %parallel_loop3A_281 = arith.mulf %parallel_loop3A_271, %parallel_loop3A_280 : vector<16xf32>
      %parallel_loop3A_282 = arith.addf %parallel_loop3A_262, %parallel_loop3A_281 : vector<16xf32>
      %parallel_loop3A_283 = arith.constant 1 : i32
      %parallel_loop3A_284 = vector.broadcast %parallel_loop3A_283 : i32 to vector<16xi32>
      %parallel_loop3A_285 = arith.addi %parallel_loop3A_254, %parallel_loop3A_284 : vector<16xi32>
      %parallel_loop3A_286 = arith.constant 0 : i32
      %parallel_loop3A_287 = arith.constant 0 : i32
      %parallel_loop3A_288 = arith.constant 0 : i32
      %parallel_loop3A_289 = tpu.memref_slice %arg10[%parallel_loop3A_286, %parallel_loop3A_287, %parallel_loop3A_288] : memref<2x128x128xf32, #tpu.memory_space<vmem>> -> memref<1x128x128xf32, #tpu.memory_space<vmem>>
      %parallel_loop3A_290 = tpu.memref_squeeze %parallel_loop3A_289 : memref<1x128x128xf32, #tpu.memory_space<vmem>> -> memref<128x128xf32, #tpu.memory_space<vmem>>
      %parallel_loop3A_291 = tpu.vector_load_idx %parallel_loop3A_290[%parallel_loop3A_244, %parallel_loop3A_285] : memref<128x128xf32, #tpu.memory_space<vmem>>[vector<16xi32>, vector<16xi32>], vector<16xf32>,
      %parallel_loop3A_292 = arith.constant 1 : i32
      %parallel_loop3A_293 = vector.broadcast %parallel_loop3A_292 : i32 to vector<16xi32>
      %parallel_loop3A_294 = arith.addi %parallel_loop3A_260, %parallel_loop3A_293 : vector<16xi32>
      %parallel_loop3A_295 = arith.constant 0 : i32
      %parallel_loop3A_296 = arith.constant 0 : i32
      %parallel_loop3A_297 = arith.constant 0 : i32
      %parallel_loop3A_298 = tpu.memref_slice %arg11[%parallel_loop3A_295, %parallel_loop3A_296, %parallel_loop3A_297] : memref<2x128x128xf32, #tpu.memory_space<vmem>> -> memref<1x128x128xf32, #tpu.memory_space<vmem>>
      %parallel_loop3A_299 = tpu.memref_squeeze %parallel_loop3A_298 : memref<1x128x128xf32, #tpu.memory_space<vmem>> -> memref<128x128xf32, #tpu.memory_space<vmem>>
      %parallel_loop3A_300 = tpu.vector_load_idx %parallel_loop3A_299[%parallel_loop3A_244, %parallel_loop3A_294] : memref<128x128xf32, #tpu.memory_space<vmem>>[vector<16xi32>, vector<16xi32>], vector<16xf32>,
      %parallel_loop3A_301 = arith.mulf %parallel_loop3A_291, %parallel_loop3A_300 : vector<16xf32>
      %parallel_loop3A_302 = arith.addf %parallel_loop3A_282, %parallel_loop3A_301 : vector<16xf32>
      %parallel_loop3A_303 = arith.constant 2 : i32
      %parallel_loop3A_304 = vector.broadcast %parallel_loop3A_303 : i32 to vector<16xi32>
      %parallel_loop3A_305 = arith.addi %parallel_loop3A_254, %parallel_loop3A_304 : vector<16xi32>
      %parallel_loop3A_306 = arith.constant 0 : i32
      %parallel_loop3A_307 = arith.constant 0 : i32
      %parallel_loop3A_308 = arith.constant 0 : i32
      %parallel_loop3A_309 = tpu.memref_slice %arg10[%parallel_loop3A_306, %parallel_loop3A_307, %parallel_loop3A_308] : memref<2x128x128xf32, #tpu.memory_space<vmem>> -> memref<1x128x128xf32, #tpu.memory_space<vmem>>
      %parallel_loop3A_310 = tpu.memref_squeeze %parallel_loop3A_309 : memref<1x128x128xf32, #tpu.memory_space<vmem>> -> memref<128x128xf32, #tpu.memory_space<vmem>>
      %parallel_loop3A_311 = tpu.vector_load_idx %parallel_loop3A_310[%parallel_loop3A_244, %parallel_loop3A_305] : memref<128x128xf32, #tpu.memory_space<vmem>>[vector<16xi32>, vector<16xi32>], vector<16xf32>,
      %parallel_loop3A_312 = arith.constant 2 : i32
      %parallel_loop3A_313 = vector.broadcast %parallel_loop3A_312 : i32 to vector<16xi32>
      %parallel_loop3A_314 = arith.addi %parallel_loop3A_260, %parallel_loop3A_313 : vector<16xi32>
      %parallel_loop3A_315 = arith.constant 0 : i32
      %parallel_loop3A_316 = arith.constant 0 : i32
      %parallel_loop3A_317 = arith.constant 0 : i32
      %parallel_loop3A_318 = tpu.memref_slice %arg11[%parallel_loop3A_315, %parallel_loop3A_316, %parallel_loop3A_317] : memref<2x128x128xf32, #tpu.memory_space<vmem>> -> memref<1x128x128xf32, #tpu.memory_space<vmem>>
      %parallel_loop3A_319 = tpu.memref_squeeze %parallel_loop3A_318 : memref<1x128x128xf32, #tpu.memory_space<vmem>> -> memref<128x128xf32, #tpu.memory_space<vmem>>
      %parallel_loop3A_320 = tpu.vector_load_idx %parallel_loop3A_319[%parallel_loop3A_244, %parallel_loop3A_314] : memref<128x128xf32, #tpu.memory_space<vmem>>[vector<16xi32>, vector<16xi32>], vector<16xf32>,
      %parallel_loop3A_321 = arith.mulf %parallel_loop3A_311, %parallel_loop3A_320 : vector<16xf32>
      %parallel_loop3A_322 = arith.addf %parallel_loop3A_302, %parallel_loop3A_321 : vector<16xf32>
      %parallel_loop3A_323 = arith.constant 3 : i32
      %parallel_loop3A_324 = vector.broadcast %parallel_loop3A_323 : i32 to vector<16xi32>
      %parallel_loop3A_325 = arith.addi %parallel_loop3A_254, %parallel_loop3A_324 : vector<16xi32>
      %parallel_loop3A_326 = arith.constant 0 : i32
      %parallel_loop3A_327 = arith.constant 0 : i32
      %parallel_loop3A_328 = arith.constant 0 : i32
      %parallel_loop3A_329 = tpu.memref_slice %arg10[%parallel_loop3A_326, %parallel_loop3A_327, %parallel_loop3A_328] : memref<2x128x128xf32, #tpu.memory_space<vmem>> -> memref<1x128x128xf32, #tpu.memory_space<vmem>>
      %parallel_loop3A_330 = tpu.memref_squeeze %parallel_loop3A_329 : memref<1x128x128xf32, #tpu.memory_space<vmem>> -> memref<128x128xf32, #tpu.memory_space<vmem>>
      %parallel_loop3A_331 = tpu.vector_load_idx %parallel_loop3A_330[%parallel_loop3A_244, %parallel_loop3A_325] : memref<128x128xf32, #tpu.memory_space<vmem>>[vector<16xi32>, vector<16xi32>], vector<16xf32>,
      %parallel_loop3A_332 = arith.constant 3 : i32
      %parallel_loop3A_333 = vector.broadcast %parallel_loop3A_332 : i32 to vector<16xi32>
      %parallel_loop3A_334 = arith.addi %parallel_loop3A_260, %parallel_loop3A_333 : vector<16xi32>
      %parallel_loop3A_335 = arith.constant 0 : i32
      %parallel_loop3A_336 = arith.constant 0 : i32
      %parallel_loop3A_337 = arith.constant 0 : i32
      %parallel_loop3A_338 = tpu.memref_slice %arg11[%parallel_loop3A_335, %parallel_loop3A_336, %parallel_loop3A_337] : memref<2x128x128xf32, #tpu.memory_space<vmem>> -> memref<1x128x128xf32, #tpu.memory_space<vmem>>
      %parallel_loop3A_339 = tpu.memref_squeeze %parallel_loop3A_338 : memref<1x128x128xf32, #tpu.memory_space<vmem>> -> memref<128x128xf32, #tpu.memory_space<vmem>>
      %parallel_loop3A_340 = tpu.vector_load_idx %parallel_loop3A_339[%parallel_loop3A_244, %parallel_loop3A_334] : memref<128x128xf32, #tpu.memory_space<vmem>>[vector<16xi32>, vector<16xi32>], vector<16xf32>,
      %parallel_loop3A_341 = arith.mulf %parallel_loop3A_331, %parallel_loop3A_340 : vector<16xf32>
      %parallel_loop3A_342 = arith.addf %parallel_loop3A_322, %parallel_loop3A_341 : vector<16xf32>
      %parallel_loop3A_343 = arith.constant 4 : i32
      %parallel_loop3A_344 = vector.broadcast %parallel_loop3A_343 : i32 to vector<16xi32>
      %parallel_loop3A_345 = arith.addi %parallel_loop3A_254, %parallel_loop3A_344 : vector<16xi32>
      %parallel_loop3A_346 = arith.constant 0 : i32
      %parallel_loop3A_347 = arith.constant 0 : i32
      %parallel_loop3A_348 = arith.constant 0 : i32
      %parallel_loop3A_349 = tpu.memref_slice %arg10[%parallel_loop3A_346, %parallel_loop3A_347, %parallel_loop3A_348] : memref<2x128x128xf32, #tpu.memory_space<vmem>> -> memref<1x128x128xf32, #tpu.memory_space<vmem>>
      %parallel_loop3A_350 = tpu.memref_squeeze %parallel_loop3A_349 : memref<1x128x128xf32, #tpu.memory_space<vmem>> -> memref<128x128xf32, #tpu.memory_space<vmem>>
      %parallel_loop3A_351 = tpu.vector_load_idx %parallel_loop3A_350[%parallel_loop3A_244, %parallel_loop3A_345] : memref<128x128xf32, #tpu.memory_space<vmem>>[vector<16xi32>, vector<16xi32>], vector<16xf32>,
      %parallel_loop3A_352 = arith.constant 4 : i32
      %parallel_loop3A_353 = vector.broadcast %parallel_loop3A_352 : i32 to vector<16xi32>
      %parallel_loop3A_354 = arith.addi %parallel_loop3A_260, %parallel_loop3A_353 : vector<16xi32>
      %parallel_loop3A_355 = arith.constant 0 : i32
      %parallel_loop3A_356 = arith.constant 0 : i32
      %parallel_loop3A_357 = arith.constant 0 : i32
      %parallel_loop3A_358 = tpu.memref_slice %arg11[%parallel_loop3A_355, %parallel_loop3A_356, %parallel_loop3A_357] : memref<2x128x128xf32, #tpu.memory_space<vmem>> -> memref<1x128x128xf32, #tpu.memory_space<vmem>>
      %parallel_loop3A_359 = tpu.memref_squeeze %parallel_loop3A_358 : memref<1x128x128xf32, #tpu.memory_space<vmem>> -> memref<128x128xf32, #tpu.memory_space<vmem>>
      %parallel_loop3A_360 = tpu.vector_load_idx %parallel_loop3A_359[%parallel_loop3A_244, %parallel_loop3A_354] : memref<128x128xf32, #tpu.memory_space<vmem>>[vector<16xi32>, vector<16xi32>], vector<16xf32>,
      %parallel_loop3A_361 = arith.mulf %parallel_loop3A_351, %parallel_loop3A_360 : vector<16xf32>
      %parallel_loop3A_362 = arith.addf %parallel_loop3A_342, %parallel_loop3A_361 : vector<16xf32>
      %parallel_loop3A_363 = arith.constant 5 : i32
      %parallel_loop3A_364 = vector.broadcast %parallel_loop3A_363 : i32 to vector<16xi32>
      %parallel_loop3A_365 = arith.addi %parallel_loop3A_254, %parallel_loop3A_364 : vector<16xi32>
      %parallel_loop3A_366 = arith.constant 0 : i32
      %parallel_loop3A_367 = arith.constant 0 : i32
      %parallel_loop3A_368 = arith.constant 0 : i32
      %parallel_loop3A_369 = tpu.memref_slice %arg10[%parallel_loop3A_366, %parallel_loop3A_367, %parallel_loop3A_368] : memref<2x128x128xf32, #tpu.memory_space<vmem>> -> memref<1x128x128xf32, #tpu.memory_space<vmem>>
      %parallel_loop3A_370 = tpu.memref_squeeze %parallel_loop3A_369 : memref<1x128x128xf32, #tpu.memory_space<vmem>> -> memref<128x128xf32, #tpu.memory_space<vmem>>
      %parallel_loop3A_371 = tpu.vector_load_idx %parallel_loop3A_370[%parallel_loop3A_244, %parallel_loop3A_365] : memref<128x128xf32, #tpu.memory_space<vmem>>[vector<16xi32>, vector<16xi32>], vector<16xf32>,
      %parallel_loop3A_372 = arith.constant 5 : i32
      %parallel_loop3A_373 = vector.broadcast %parallel_loop3A_372 : i32 to vector<16xi32>
      %parallel_loop3A_374 = arith.addi %parallel_loop3A_260, %parallel_loop3A_373 : vector<16xi32>
      %parallel_loop3A_375 = arith.constant 0 : i32
      %parallel_loop3A_376 = arith.constant 0 : i32
      %parallel_loop3A_377 = arith.constant 0 : i32
      %parallel_loop3A_378 = tpu.memref_slice %arg11[%parallel_loop3A_375, %parallel_loop3A_376, %parallel_loop3A_377] : memref<2x128x128xf32, #tpu.memory_space<vmem>> -> memref<1x128x128xf32, #tpu.memory_space<vmem>>
      %parallel_loop3A_379 = tpu.memref_squeeze %parallel_loop3A_378 : memref<1x128x128xf32, #tpu.memory_space<vmem>> -> memref<128x128xf32, #tpu.memory_space<vmem>>
      %parallel_loop3A_380 = tpu.vector_load_idx %parallel_loop3A_379[%parallel_loop3A_244, %parallel_loop3A_374] : memref<128x128xf32, #tpu.memory_space<vmem>>[vector<16xi32>, vector<16xi32>], vector<16xf32>,
      %parallel_loop3A_381 = arith.mulf %parallel_loop3A_371, %parallel_loop3A_380 : vector<16xf32>
      %parallel_loop3A_382 = arith.addf %parallel_loop3A_362, %parallel_loop3A_381 : vector<16xf32>
      %parallel_loop3A_383 = arith.constant 6 : i32
      %parallel_loop3A_384 = vector.broadcast %parallel_loop3A_383 : i32 to vector<16xi32>
      %parallel_loop3A_385 = arith.addi %parallel_loop3A_254, %parallel_loop3A_384 : vector<16xi32>
      %parallel_loop3A_386 = arith.constant 0 : i32
      %parallel_loop3A_387 = arith.constant 0 : i32
      %parallel_loop3A_388 = arith.constant 0 : i32
      %parallel_loop3A_389 = tpu.memref_slice %arg10[%parallel_loop3A_386, %parallel_loop3A_387, %parallel_loop3A_388] : memref<2x128x128xf32, #tpu.memory_space<vmem>> -> memref<1x128x128xf32, #tpu.memory_space<vmem>>
      %parallel_loop3A_390 = tpu.memref_squeeze %parallel_loop3A_389 : memref<1x128x128xf32, #tpu.memory_space<vmem>> -> memref<128x128xf32, #tpu.memory_space<vmem>>
      %parallel_loop3A_391 = tpu.vector_load_idx %parallel_loop3A_390[%parallel_loop3A_244, %parallel_loop3A_385] : memref<128x128xf32, #tpu.memory_space<vmem>>[vector<16xi32>, vector<16xi32>], vector<16xf32>,
      %parallel_loop3A_392 = arith.constant 6 : i32
      %parallel_loop3A_393 = vector.broadcast %parallel_loop3A_392 : i32 to vector<16xi32>
      %parallel_loop3A_394 = arith.addi %parallel_loop3A_260, %parallel_loop3A_393 : vector<16xi32>
      %parallel_loop3A_395 = arith.constant 0 : i32
      %parallel_loop3A_396 = arith.constant 0 : i32
      %parallel_loop3A_397 = arith.constant 0 : i32
      %parallel_loop3A_398 = tpu.memref_slice %arg11[%parallel_loop3A_395, %parallel_loop3A_396, %parallel_loop3A_397] : memref<2x128x128xf32, #tpu.memory_space<vmem>> -> memref<1x128x128xf32, #tpu.memory_space<vmem>>
      %parallel_loop3A_399 = tpu.memref_squeeze %parallel_loop3A_398 : memref<1x128x128xf32, #tpu.memory_space<vmem>> -> memref<128x128xf32, #tpu.memory_space<vmem>>
      %parallel_loop3A_400 = tpu.vector_load_idx %parallel_loop3A_399[%parallel_loop3A_244, %parallel_loop3A_394] : memref<128x128xf32, #tpu.memory_space<vmem>>[vector<16xi32>, vector<16xi32>], vector<16xf32>,
      %parallel_loop3A_401 = arith.mulf %parallel_loop3A_391, %parallel_loop3A_400 : vector<16xf32>
      %parallel_loop3A_402 = arith.addf %parallel_loop3A_382, %parallel_loop3A_401 : vector<16xf32>
      %parallel_loop3A_403 = arith.constant 7 : i32
      %parallel_loop3A_404 = vector.broadcast %parallel_loop3A_403 : i32 to vector<16xi32>
      %parallel_loop3A_405 = arith.addi %parallel_loop3A_254, %parallel_loop3A_404 : vector<16xi32>
      %parallel_loop3A_406 = arith.constant 0 : i32
      %parallel_loop3A_407 = arith.constant 0 : i32
      %parallel_loop3A_408 = arith.constant 0 : i32
      %parallel_loop3A_409 = tpu.memref_slice %arg10[%parallel_loop3A_406, %parallel_loop3A_407, %parallel_loop3A_408] : memref<2x128x128xf32, #tpu.memory_space<vmem>> -> memref<1x128x128xf32, #tpu.memory_space<vmem>>
      %parallel_loop3A_410 = tpu.memref_squeeze %parallel_loop3A_409 : memref<1x128x128xf32, #tpu.memory_space<vmem>> -> memref<128x128xf32, #tpu.memory_space<vmem>>
      %parallel_loop3A_411 = tpu.vector_load_idx %parallel_loop3A_410[%parallel_loop3A_244, %parallel_loop3A_405] : memref<128x128xf32, #tpu.memory_space<vmem>>[vector<16xi32>, vector<16xi32>], vector<16xf32>,
      %parallel_loop3A_412 = arith.constant 7 : i32
      %parallel_loop3A_413 = vector.broadcast %parallel_loop3A_412 : i32 to vector<16xi32>
      %parallel_loop3A_414 = arith.addi %parallel_loop3A_260, %parallel_loop3A_413 : vector<16xi32>
      %parallel_loop3A_415 = arith.constant 0 : i32
      %parallel_loop3A_416 = arith.constant 0 : i32
      %parallel_loop3A_417 = arith.constant 0 : i32
      %parallel_loop3A_418 = tpu.memref_slice %arg11[%parallel_loop3A_415, %parallel_loop3A_416, %parallel_loop3A_417] : memref<2x128x128xf32, #tpu.memory_space<vmem>> -> memref<1x128x128xf32, #tpu.memory_space<vmem>>
      %parallel_loop3A_419 = tpu.memref_squeeze %parallel_loop3A_418 : memref<1x128x128xf32, #tpu.memory_space<vmem>> -> memref<128x128xf32, #tpu.memory_space<vmem>>
      %parallel_loop3A_420 = tpu.vector_load_idx %parallel_loop3A_419[%parallel_loop3A_244, %parallel_loop3A_414] : memref<128x128xf32, #tpu.memory_space<vmem>>[vector<16xi32>, vector<16xi32>], vector<16xf32>,
      %parallel_loop3A_421 = arith.mulf %parallel_loop3A_411, %parallel_loop3A_420 : vector<16xf32>
      %parallel_loop3A_422 = arith.addf %parallel_loop3A_402, %parallel_loop3A_421 : vector<16xf32>
      %parallel_loop3A_423 = arith.constant 8 : i32
      %parallel_loop3A_424 = vector.broadcast %parallel_loop3A_423 : i32 to vector<16xi32>
      %parallel_loop3A_425 = arith.addi %parallel_loop3A_254, %parallel_loop3A_424 : vector<16xi32>
      %parallel_loop3A_426 = arith.constant 0 : i32
      %parallel_loop3A_427 = arith.constant 0 : i32
      %parallel_loop3A_428 = arith.constant 0 : i32
      %parallel_loop3A_429 = tpu.memref_slice %arg10[%parallel_loop3A_426, %parallel_loop3A_427, %parallel_loop3A_428] : memref<2x128x128xf32, #tpu.memory_space<vmem>> -> memref<1x128x128xf32, #tpu.memory_space<vmem>>
      %parallel_loop3A_430 = tpu.memref_squeeze %parallel_loop3A_429 : memref<1x128x128xf32, #tpu.memory_space<vmem>> -> memref<128x128xf32, #tpu.memory_space<vmem>>
      %parallel_loop3A_431 = tpu.vector_load_idx %parallel_loop3A_430[%parallel_loop3A_244, %parallel_loop3A_425] : memref<128x128xf32, #tpu.memory_space<vmem>>[vector<16xi32>, vector<16xi32>], vector<16xf32>,
      %parallel_loop3A_432 = arith.constant 8 : i32
      %parallel_loop3A_433 = vector.broadcast %parallel_loop3A_432 : i32 to vector<16xi32>
      %parallel_loop3A_434 = arith.addi %parallel_loop3A_260, %parallel_loop3A_433 : vector<16xi32>
      %parallel_loop3A_435 = arith.constant 0 : i32
      %parallel_loop3A_436 = arith.constant 0 : i32
      %parallel_loop3A_437 = arith.constant 0 : i32
      %parallel_loop3A_438 = tpu.memref_slice %arg11[%parallel_loop3A_435, %parallel_loop3A_436, %parallel_loop3A_437] : memref<2x128x128xf32, #tpu.memory_space<vmem>> -> memref<1x128x128xf32, #tpu.memory_space<vmem>>
      %parallel_loop3A_439 = tpu.memref_squeeze %parallel_loop3A_438 : memref<1x128x128xf32, #tpu.memory_space<vmem>> -> memref<128x128xf32, #tpu.memory_space<vmem>>
      %parallel_loop3A_440 = tpu.vector_load_idx %parallel_loop3A_439[%parallel_loop3A_244, %parallel_loop3A_434] : memref<128x128xf32, #tpu.memory_space<vmem>>[vector<16xi32>, vector<16xi32>], vector<16xf32>,
      %parallel_loop3A_441 = arith.mulf %parallel_loop3A_431, %parallel_loop3A_440 : vector<16xf32>
      %parallel_loop3A_442 = arith.addf %parallel_loop3A_422, %parallel_loop3A_441 : vector<16xf32>
      %parallel_loop3A_443 = arith.constant 9 : i32
      %parallel_loop3A_444 = vector.broadcast %parallel_loop3A_443 : i32 to vector<16xi32>
      %parallel_loop3A_445 = arith.addi %parallel_loop3A_254, %parallel_loop3A_444 : vector<16xi32>
      %parallel_loop3A_446 = arith.constant 0 : i32
      %parallel_loop3A_447 = arith.constant 0 : i32
      %parallel_loop3A_448 = arith.constant 0 : i32
      %parallel_loop3A_449 = tpu.memref_slice %arg10[%parallel_loop3A_446, %parallel_loop3A_447, %parallel_loop3A_448] : memref<2x128x128xf32, #tpu.memory_space<vmem>> -> memref<1x128x128xf32, #tpu.memory_space<vmem>>
      %parallel_loop3A_450 = tpu.memref_squeeze %parallel_loop3A_449 : memref<1x128x128xf32, #tpu.memory_space<vmem>> -> memref<128x128xf32, #tpu.memory_space<vmem>>
      %parallel_loop3A_451 = tpu.vector_load_idx %parallel_loop3A_450[%parallel_loop3A_244, %parallel_loop3A_445] : memref<128x128xf32, #tpu.memory_space<vmem>>[vector<16xi32>, vector<16xi32>], vector<16xf32>,
      %parallel_loop3A_452 = arith.constant 9 : i32
      %parallel_loop3A_453 = vector.broadcast %parallel_loop3A_452 : i32 to vector<16xi32>
      %parallel_loop3A_454 = arith.addi %parallel_loop3A_260, %parallel_loop3A_453 : vector<16xi32>
      %parallel_loop3A_455 = arith.constant 0 : i32
      %parallel_loop3A_456 = arith.constant 0 : i32
      %parallel_loop3A_457 = arith.constant 0 : i32
      %parallel_loop3A_458 = tpu.memref_slice %arg11[%parallel_loop3A_455, %parallel_loop3A_456, %parallel_loop3A_457] : memref<2x128x128xf32, #tpu.memory_space<vmem>> -> memref<1x128x128xf32, #tpu.memory_space<vmem>>
      %parallel_loop3A_459 = tpu.memref_squeeze %parallel_loop3A_458 : memref<1x128x128xf32, #tpu.memory_space<vmem>> -> memref<128x128xf32, #tpu.memory_space<vmem>>
      %parallel_loop3A_460 = tpu.vector_load_idx %parallel_loop3A_459[%parallel_loop3A_244, %parallel_loop3A_454] : memref<128x128xf32, #tpu.memory_space<vmem>>[vector<16xi32>, vector<16xi32>], vector<16xf32>,
      %parallel_loop3A_461 = arith.mulf %parallel_loop3A_451, %parallel_loop3A_460 : vector<16xf32>
      %parallel_loop3A_462 = arith.addf %parallel_loop3A_442, %parallel_loop3A_461 : vector<16xf32>
      %parallel_loop3A_463 = arith.constant 10 : i32
      %parallel_loop3A_464 = vector.broadcast %parallel_loop3A_463 : i32 to vector<16xi32>
      %parallel_loop3A_465 = arith.addi %parallel_loop3A_254, %parallel_loop3A_464 : vector<16xi32>
      %parallel_loop3A_466 = arith.constant 0 : i32
      %parallel_loop3A_467 = arith.constant 0 : i32
      %parallel_loop3A_468 = arith.constant 0 : i32
      %parallel_loop3A_469 = tpu.memref_slice %arg10[%parallel_loop3A_466, %parallel_loop3A_467, %parallel_loop3A_468] : memref<2x128x128xf32, #tpu.memory_space<vmem>> -> memref<1x128x128xf32, #tpu.memory_space<vmem>>
      %parallel_loop3A_470 = tpu.memref_squeeze %parallel_loop3A_469 : memref<1x128x128xf32, #tpu.memory_space<vmem>> -> memref<128x128xf32, #tpu.memory_space<vmem>>
      %parallel_loop3A_471 = tpu.vector_load_idx %parallel_loop3A_470[%parallel_loop3A_244, %parallel_loop3A_465] : memref<128x128xf32, #tpu.memory_space<vmem>>[vector<16xi32>, vector<16xi32>], vector<16xf32>,
      %parallel_loop3A_472 = arith.constant 10 : i32
      %parallel_loop3A_473 = vector.broadcast %parallel_loop3A_472 : i32 to vector<16xi32>
      %parallel_loop3A_474 = arith.addi %parallel_loop3A_260, %parallel_loop3A_473 : vector<16xi32>
      %parallel_loop3A_475 = arith.constant 0 : i32
      %parallel_loop3A_476 = arith.constant 0 : i32
      %parallel_loop3A_477 = arith.constant 0 : i32
      %parallel_loop3A_478 = tpu.memref_slice %arg11[%parallel_loop3A_475, %parallel_loop3A_476, %parallel_loop3A_477] : memref<2x128x128xf32, #tpu.memory_space<vmem>> -> memref<1x128x128xf32, #tpu.memory_space<vmem>>
      %parallel_loop3A_479 = tpu.memref_squeeze %parallel_loop3A_478 : memref<1x128x128xf32, #tpu.memory_space<vmem>> -> memref<128x128xf32, #tpu.memory_space<vmem>>
      %parallel_loop3A_480 = tpu.vector_load_idx %parallel_loop3A_479[%parallel_loop3A_244, %parallel_loop3A_474] : memref<128x128xf32, #tpu.memory_space<vmem>>[vector<16xi32>, vector<16xi32>], vector<16xf32>,
      %parallel_loop3A_481 = arith.mulf %parallel_loop3A_471, %parallel_loop3A_480 : vector<16xf32>
      %parallel_loop3A_482 = arith.addf %parallel_loop3A_462, %parallel_loop3A_481 : vector<16xf32>
      %parallel_loop3A_483 = arith.constant 11 : i32
      %parallel_loop3A_484 = vector.broadcast %parallel_loop3A_483 : i32 to vector<16xi32>
      %parallel_loop3A_485 = arith.addi %parallel_loop3A_254, %parallel_loop3A_484 : vector<16xi32>
      %parallel_loop3A_486 = arith.constant 0 : i32
      %parallel_loop3A_487 = arith.constant 0 : i32
      %parallel_loop3A_488 = arith.constant 0 : i32
      %parallel_loop3A_489 = tpu.memref_slice %arg10[%parallel_loop3A_486, %parallel_loop3A_487, %parallel_loop3A_488] : memref<2x128x128xf32, #tpu.memory_space<vmem>> -> memref<1x128x128xf32, #tpu.memory_space<vmem>>
      %parallel_loop3A_490 = tpu.memref_squeeze %parallel_loop3A_489 : memref<1x128x128xf32, #tpu.memory_space<vmem>> -> memref<128x128xf32, #tpu.memory_space<vmem>>
      %parallel_loop3A_491 = tpu.vector_load_idx %parallel_loop3A_490[%parallel_loop3A_244, %parallel_loop3A_485] : memref<128x128xf32, #tpu.memory_space<vmem>>[vector<16xi32>, vector<16xi32>], vector<16xf32>,
      %parallel_loop3A_492 = arith.constant 11 : i32
      %parallel_loop3A_493 = vector.broadcast %parallel_loop3A_492 : i32 to vector<16xi32>
      %parallel_loop3A_494 = arith.addi %parallel_loop3A_260, %parallel_loop3A_493 : vector<16xi32>
      %parallel_loop3A_495 = arith.constant 0 : i32
      %parallel_loop3A_496 = arith.constant 0 : i32
      %parallel_loop3A_497 = arith.constant 0 : i32
      %parallel_loop3A_498 = tpu.memref_slice %arg11[%parallel_loop3A_495, %parallel_loop3A_496, %parallel_loop3A_497] : memref<2x128x128xf32, #tpu.memory_space<vmem>> -> memref<1x128x128xf32, #tpu.memory_space<vmem>>
      %parallel_loop3A_499 = tpu.memref_squeeze %parallel_loop3A_498 : memref<1x128x128xf32, #tpu.memory_space<vmem>> -> memref<128x128xf32, #tpu.memory_space<vmem>>
      %parallel_loop3A_500 = tpu.vector_load_idx %parallel_loop3A_499[%parallel_loop3A_244, %parallel_loop3A_494] : memref<128x128xf32, #tpu.memory_space<vmem>>[vector<16xi32>, vector<16xi32>], vector<16xf32>,
      %parallel_loop3A_501 = arith.mulf %parallel_loop3A_491, %parallel_loop3A_500 : vector<16xf32>
      %parallel_loop3A_502 = arith.addf %parallel_loop3A_482, %parallel_loop3A_501 : vector<16xf32>
      %parallel_loop3A_503 = arith.constant 12 : i32
      %parallel_loop3A_504 = vector.broadcast %parallel_loop3A_503 : i32 to vector<16xi32>
      %parallel_loop3A_505 = arith.addi %parallel_loop3A_254, %parallel_loop3A_504 : vector<16xi32>
      %parallel_loop3A_506 = arith.constant 0 : i32
      %parallel_loop3A_507 = arith.constant 0 : i32
      %parallel_loop3A_508 = arith.constant 0 : i32
      %parallel_loop3A_509 = tpu.memref_slice %arg10[%parallel_loop3A_506, %parallel_loop3A_507, %parallel_loop3A_508] : memref<2x128x128xf32, #tpu.memory_space<vmem>> -> memref<1x128x128xf32, #tpu.memory_space<vmem>>
      %parallel_loop3A_510 = tpu.memref_squeeze %parallel_loop3A_509 : memref<1x128x128xf32, #tpu.memory_space<vmem>> -> memref<128x128xf32, #tpu.memory_space<vmem>>
      %parallel_loop3A_511 = tpu.vector_load_idx %parallel_loop3A_510[%parallel_loop3A_244, %parallel_loop3A_505] : memref<128x128xf32, #tpu.memory_space<vmem>>[vector<16xi32>, vector<16xi32>], vector<16xf32>,
      %parallel_loop3A_512 = arith.constant 12 : i32
      %parallel_loop3A_513 = vector.broadcast %parallel_loop3A_512 : i32 to vector<16xi32>
      %parallel_loop3A_514 = arith.addi %parallel_loop3A_260, %parallel_loop3A_513 : vector<16xi32>
      %parallel_loop3A_515 = arith.constant 0 : i32
      %parallel_loop3A_516 = arith.constant 0 : i32
      %parallel_loop3A_517 = arith.constant 0 : i32
      %parallel_loop3A_518 = tpu.memref_slice %arg11[%parallel_loop3A_515, %parallel_loop3A_516, %parallel_loop3A_517] : memref<2x128x128xf32, #tpu.memory_space<vmem>> -> memref<1x128x128xf32, #tpu.memory_space<vmem>>
      %parallel_loop3A_519 = tpu.memref_squeeze %parallel_loop3A_518 : memref<1x128x128xf32, #tpu.memory_space<vmem>> -> memref<128x128xf32, #tpu.memory_space<vmem>>
      %parallel_loop3A_520 = tpu.vector_load_idx %parallel_loop3A_519[%parallel_loop3A_244, %parallel_loop3A_514] : memref<128x128xf32, #tpu.memory_space<vmem>>[vector<16xi32>, vector<16xi32>], vector<16xf32>,
      %parallel_loop3A_521 = arith.mulf %parallel_loop3A_511, %parallel_loop3A_520 : vector<16xf32>
      %parallel_loop3A_522 = arith.addf %parallel_loop3A_502, %parallel_loop3A_521 : vector<16xf32>
      %parallel_loop3A_523 = arith.constant 13 : i32
      %parallel_loop3A_524 = vector.broadcast %parallel_loop3A_523 : i32 to vector<16xi32>
      %parallel_loop3A_525 = arith.addi %parallel_loop3A_254, %parallel_loop3A_524 : vector<16xi32>
      %parallel_loop3A_526 = arith.constant 0 : i32
      %parallel_loop3A_527 = arith.constant 0 : i32
      %parallel_loop3A_528 = arith.constant 0 : i32
      %parallel_loop3A_529 = tpu.memref_slice %arg10[%parallel_loop3A_526, %parallel_loop3A_527, %parallel_loop3A_528] : memref<2x128x128xf32, #tpu.memory_space<vmem>> -> memref<1x128x128xf32, #tpu.memory_space<vmem>>
      %parallel_loop3A_530 = tpu.memref_squeeze %parallel_loop3A_529 : memref<1x128x128xf32, #tpu.memory_space<vmem>> -> memref<128x128xf32, #tpu.memory_space<vmem>>
      %parallel_loop3A_531 = tpu.vector_load_idx %parallel_loop3A_530[%parallel_loop3A_244, %parallel_loop3A_525] : memref<128x128xf32, #tpu.memory_space<vmem>>[vector<16xi32>, vector<16xi32>], vector<16xf32>,
      %parallel_loop3A_532 = arith.constant 13 : i32
      %parallel_loop3A_533 = vector.broadcast %parallel_loop3A_532 : i32 to vector<16xi32>
      %parallel_loop3A_534 = arith.addi %parallel_loop3A_260, %parallel_loop3A_533 : vector<16xi32>
      %parallel_loop3A_535 = arith.constant 0 : i32
      %parallel_loop3A_536 = arith.constant 0 : i32
      %parallel_loop3A_537 = arith.constant 0 : i32
      %parallel_loop3A_538 = tpu.memref_slice %arg11[%parallel_loop3A_535, %parallel_loop3A_536, %parallel_loop3A_537] : memref<2x128x128xf32, #tpu.memory_space<vmem>> -> memref<1x128x128xf32, #tpu.memory_space<vmem>>
      %parallel_loop3A_539 = tpu.memref_squeeze %parallel_loop3A_538 : memref<1x128x128xf32, #tpu.memory_space<vmem>> -> memref<128x128xf32, #tpu.memory_space<vmem>>
      %parallel_loop3A_540 = tpu.vector_load_idx %parallel_loop3A_539[%parallel_loop3A_244, %parallel_loop3A_534] : memref<128x128xf32, #tpu.memory_space<vmem>>[vector<16xi32>, vector<16xi32>], vector<16xf32>,
      %parallel_loop3A_541 = arith.mulf %parallel_loop3A_531, %parallel_loop3A_540 : vector<16xf32>
      %parallel_loop3A_542 = arith.addf %parallel_loop3A_522, %parallel_loop3A_541 : vector<16xf32>
      %parallel_loop3A_543 = arith.constant 14 : i32
      %parallel_loop3A_544 = vector.broadcast %parallel_loop3A_543 : i32 to vector<16xi32>
      %parallel_loop3A_545 = arith.addi %parallel_loop3A_254, %parallel_loop3A_544 : vector<16xi32>
      %parallel_loop3A_546 = arith.constant 0 : i32
      %parallel_loop3A_547 = arith.constant 0 : i32
      %parallel_loop3A_548 = arith.constant 0 : i32
      %parallel_loop3A_549 = tpu.memref_slice %arg10[%parallel_loop3A_546, %parallel_loop3A_547, %parallel_loop3A_548] : memref<2x128x128xf32, #tpu.memory_space<vmem>> -> memref<1x128x128xf32, #tpu.memory_space<vmem>>
      %parallel_loop3A_550 = tpu.memref_squeeze %parallel_loop3A_549 : memref<1x128x128xf32, #tpu.memory_space<vmem>> -> memref<128x128xf32, #tpu.memory_space<vmem>>
      %parallel_loop3A_551 = tpu.vector_load_idx %parallel_loop3A_550[%parallel_loop3A_244, %parallel_loop3A_545] : memref<128x128xf32, #tpu.memory_space<vmem>>[vector<16xi32>, vector<16xi32>], vector<16xf32>,
      %parallel_loop3A_552 = arith.constant 14 : i32
      %parallel_loop3A_553 = vector.broadcast %parallel_loop3A_552 : i32 to vector<16xi32>
      %parallel_loop3A_554 = arith.addi %parallel_loop3A_260, %parallel_loop3A_553 : vector<16xi32>
      %parallel_loop3A_555 = arith.constant 0 : i32
      %parallel_loop3A_556 = arith.constant 0 : i32
      %parallel_loop3A_557 = arith.constant 0 : i32
      %parallel_loop3A_558 = tpu.memref_slice %arg11[%parallel_loop3A_555, %parallel_loop3A_556, %parallel_loop3A_557] : memref<2x128x128xf32, #tpu.memory_space<vmem>> -> memref<1x128x128xf32, #tpu.memory_space<vmem>>
      %parallel_loop3A_559 = tpu.memref_squeeze %parallel_loop3A_558 : memref<1x128x128xf32, #tpu.memory_space<vmem>> -> memref<128x128xf32, #tpu.memory_space<vmem>>
      %parallel_loop3A_560 = tpu.vector_load_idx %parallel_loop3A_559[%parallel_loop3A_244, %parallel_loop3A_554] : memref<128x128xf32, #tpu.memory_space<vmem>>[vector<16xi32>, vector<16xi32>], vector<16xf32>,
      %parallel_loop3A_561 = arith.mulf %parallel_loop3A_551, %parallel_loop3A_560 : vector<16xf32>
      %parallel_loop3A_562 = arith.addf %parallel_loop3A_542, %parallel_loop3A_561 : vector<16xf32>
      %parallel_loop3A_563 = arith.constant 15 : i32
      %parallel_loop3A_564 = vector.broadcast %parallel_loop3A_563 : i32 to vector<16xi32>
      %parallel_loop3A_565 = arith.addi %parallel_loop3A_254, %parallel_loop3A_564 : vector<16xi32>
      %parallel_loop3A_566 = arith.constant 0 : i32
      %parallel_loop3A_567 = arith.constant 0 : i32
      %parallel_loop3A_568 = arith.constant 0 : i32
      %parallel_loop3A_569 = tpu.memref_slice %arg10[%parallel_loop3A_566, %parallel_loop3A_567, %parallel_loop3A_568] : memref<2x128x128xf32, #tpu.memory_space<vmem>> -> memref<1x128x128xf32, #tpu.memory_space<vmem>>
      %parallel_loop3A_570 = tpu.memref_squeeze %parallel_loop3A_569 : memref<1x128x128xf32, #tpu.memory_space<vmem>> -> memref<128x128xf32, #tpu.memory_space<vmem>>
      %parallel_loop3A_571 = tpu.vector_load_idx %parallel_loop3A_570[%parallel_loop3A_244, %parallel_loop3A_565] : memref<128x128xf32, #tpu.memory_space<vmem>>[vector<16xi32>, vector<16xi32>], vector<16xf32>,
      %parallel_loop3A_572 = arith.constant 15 : i32
      %parallel_loop3A_573 = vector.broadcast %parallel_loop3A_572 : i32 to vector<16xi32>
      %parallel_loop3A_574 = arith.addi %parallel_loop3A_260, %parallel_loop3A_573 : vector<16xi32>
      %parallel_loop3A_575 = arith.constant 0 : i32
      %parallel_loop3A_576 = arith.constant 0 : i32
      %parallel_loop3A_577 = arith.constant 0 : i32
      %parallel_loop3A_578 = tpu.memref_slice %arg11[%parallel_loop3A_575, %parallel_loop3A_576, %parallel_loop3A_577] : memref<2x128x128xf32, #tpu.memory_space<vmem>> -> memref<1x128x128xf32, #tpu.memory_space<vmem>>
      %parallel_loop3A_579 = tpu.memref_squeeze %parallel_loop3A_578 : memref<1x128x128xf32, #tpu.memory_space<vmem>> -> memref<128x128xf32, #tpu.memory_space<vmem>>
      %parallel_loop3A_580 = tpu.vector_load_idx %parallel_loop3A_579[%parallel_loop3A_244, %parallel_loop3A_574] : memref<128x128xf32, #tpu.memory_space<vmem>>[vector<16xi32>, vector<16xi32>], vector<16xf32>,
      %parallel_loop3A_581 = arith.mulf %parallel_loop3A_571, %parallel_loop3A_580 : vector<16xf32>
      %parallel_loop3A_582 = arith.addf %parallel_loop3A_562, %parallel_loop3A_581 : vector<16xf32>
      %parallel_loop3A_583 = arith.constant 16 : i32
      %parallel_loop3A_584 = vector.broadcast %parallel_loop3A_583 : i32 to vector<16xi32>
      %parallel_loop3A_585 = arith.addi %parallel_loop3A_254, %parallel_loop3A_584 : vector<16xi32>
      %parallel_loop3A_586 = arith.constant 0 : i32
      %parallel_loop3A_587 = arith.constant 0 : i32
      %parallel_loop3A_588 = arith.constant 0 : i32
      %parallel_loop3A_589 = tpu.memref_slice %arg10[%parallel_loop3A_586, %parallel_loop3A_587, %parallel_loop3A_588] : memref<2x128x128xf32, #tpu.memory_space<vmem>> -> memref<1x128x128xf32, #tpu.memory_space<vmem>>
      %parallel_loop3A_590 = tpu.memref_squeeze %parallel_loop3A_589 : memref<1x128x128xf32, #tpu.memory_space<vmem>> -> memref<128x128xf32, #tpu.memory_space<vmem>>
      %parallel_loop3A_591 = tpu.vector_load_idx %parallel_loop3A_590[%parallel_loop3A_244, %parallel_loop3A_585] : memref<128x128xf32, #tpu.memory_space<vmem>>[vector<16xi32>, vector<16xi32>], vector<16xf32>,
      %parallel_loop3A_592 = arith.constant 16 : i32
      %parallel_loop3A_593 = vector.broadcast %parallel_loop3A_592 : i32 to vector<16xi32>
      %parallel_loop3A_594 = arith.addi %parallel_loop3A_260, %parallel_loop3A_593 : vector<16xi32>
      %parallel_loop3A_595 = arith.constant 0 : i32
      %parallel_loop3A_596 = arith.constant 0 : i32
      %parallel_loop3A_597 = arith.constant 0 : i32
      %parallel_loop3A_598 = tpu.memref_slice %arg11[%parallel_loop3A_595, %parallel_loop3A_596, %parallel_loop3A_597] : memref<2x128x128xf32, #tpu.memory_space<vmem>> -> memref<1x128x128xf32, #tpu.memory_space<vmem>>
      %parallel_loop3A_599 = tpu.memref_squeeze %parallel_loop3A_598 : memref<1x128x128xf32, #tpu.memory_space<vmem>> -> memref<128x128xf32, #tpu.memory_space<vmem>>
      %parallel_loop3A_600 = tpu.vector_load_idx %parallel_loop3A_599[%parallel_loop3A_244, %parallel_loop3A_594] : memref<128x128xf32, #tpu.memory_space<vmem>>[vector<16xi32>, vector<16xi32>], vector<16xf32>,
      %parallel_loop3A_601 = arith.mulf %parallel_loop3A_591, %parallel_loop3A_600 : vector<16xf32>
      %parallel_loop3A_602 = arith.addf %parallel_loop3A_582, %parallel_loop3A_601 : vector<16xf32>
      %parallel_loop3A_603 = arith.constant 17 : i32
      %parallel_loop3A_604 = vector.broadcast %parallel_loop3A_603 : i32 to vector<16xi32>
      %parallel_loop3A_605 = arith.addi %parallel_loop3A_254, %parallel_loop3A_604 : vector<16xi32>
      %parallel_loop3A_606 = arith.constant 0 : i32
      %parallel_loop3A_607 = arith.constant 0 : i32
      %parallel_loop3A_608 = arith.constant 0 : i32
      %parallel_loop3A_609 = tpu.memref_slice %arg10[%parallel_loop3A_606, %parallel_loop3A_607, %parallel_loop3A_608] : memref<2x128x128xf32, #tpu.memory_space<vmem>> -> memref<1x128x128xf32, #tpu.memory_space<vmem>>
      %parallel_loop3A_610 = tpu.memref_squeeze %parallel_loop3A_609 : memref<1x128x128xf32, #tpu.memory_space<vmem>> -> memref<128x128xf32, #tpu.memory_space<vmem>>
      %parallel_loop3A_611 = tpu.vector_load_idx %parallel_loop3A_610[%parallel_loop3A_244, %parallel_loop3A_605] : memref<128x128xf32, #tpu.memory_space<vmem>>[vector<16xi32>, vector<16xi32>], vector<16xf32>,
      %parallel_loop3A_612 = arith.constant 17 : i32
      %parallel_loop3A_613 = vector.broadcast %parallel_loop3A_612 : i32 to vector<16xi32>
      %parallel_loop3A_614 = arith.addi %parallel_loop3A_260, %parallel_loop3A_613 : vector<16xi32>
      %parallel_loop3A_615 = arith.constant 0 : i32
      %parallel_loop3A_616 = arith.constant 0 : i32
      %parallel_loop3A_617 = arith.constant 0 : i32
      %parallel_loop3A_618 = tpu.memref_slice %arg11[%parallel_loop3A_615, %parallel_loop3A_616, %parallel_loop3A_617] : memref<2x128x128xf32, #tpu.memory_space<vmem>> -> memref<1x128x128xf32, #tpu.memory_space<vmem>>
      %parallel_loop3A_619 = tpu.memref_squeeze %parallel_loop3A_618 : memref<1x128x128xf32, #tpu.memory_space<vmem>> -> memref<128x128xf32, #tpu.memory_space<vmem>>
      %parallel_loop3A_620 = tpu.vector_load_idx %parallel_loop3A_619[%parallel_loop3A_244, %parallel_loop3A_614] : memref<128x128xf32, #tpu.memory_space<vmem>>[vector<16xi32>, vector<16xi32>], vector<16xf32>,
      %parallel_loop3A_621 = arith.mulf %parallel_loop3A_611, %parallel_loop3A_620 : vector<16xf32>
      %parallel_loop3A_622 = arith.addf %parallel_loop3A_602, %parallel_loop3A_621 : vector<16xf32>
      %parallel_loop3A_623 = arith.constant 18 : i32
      %parallel_loop3A_624 = vector.broadcast %parallel_loop3A_623 : i32 to vector<16xi32>
      %parallel_loop3A_625 = arith.addi %parallel_loop3A_254, %parallel_loop3A_624 : vector<16xi32>
      %parallel_loop3A_626 = arith.constant 0 : i32
      %parallel_loop3A_627 = arith.constant 0 : i32
      %parallel_loop3A_628 = arith.constant 0 : i32
      %parallel_loop3A_629 = tpu.memref_slice %arg10[%parallel_loop3A_626, %parallel_loop3A_627, %parallel_loop3A_628] : memref<2x128x128xf32, #tpu.memory_space<vmem>> -> memref<1x128x128xf32, #tpu.memory_space<vmem>>
      %parallel_loop3A_630 = tpu.memref_squeeze %parallel_loop3A_629 : memref<1x128x128xf32, #tpu.memory_space<vmem>> -> memref<128x128xf32, #tpu.memory_space<vmem>>
      %parallel_loop3A_631 = tpu.vector_load_idx %parallel_loop3A_630[%parallel_loop3A_244, %parallel_loop3A_625] : memref<128x128xf32, #tpu.memory_space<vmem>>[vector<16xi32>, vector<16xi32>], vector<16xf32>,
      %parallel_loop3A_632 = arith.constant 18 : i32
      %parallel_loop3A_633 = vector.broadcast %parallel_loop3A_632 : i32 to vector<16xi32>
      %parallel_loop3A_634 = arith.addi %parallel_loop3A_260, %parallel_loop3A_633 : vector<16xi32>
      %parallel_loop3A_635 = arith.constant 0 : i32
      %parallel_loop3A_636 = arith.constant 0 : i32
      %parallel_loop3A_637 = arith.constant 0 : i32
      %parallel_loop3A_638 = tpu.memref_slice %arg11[%parallel_loop3A_635, %parallel_loop3A_636, %parallel_loop3A_637] : memref<2x128x128xf32, #tpu.memory_space<vmem>> -> memref<1x128x128xf32, #tpu.memory_space<vmem>>
      %parallel_loop3A_639 = tpu.memref_squeeze %parallel_loop3A_638 : memref<1x128x128xf32, #tpu.memory_space<vmem>> -> memref<128x128xf32, #tpu.memory_space<vmem>>
      %parallel_loop3A_640 = tpu.vector_load_idx %parallel_loop3A_639[%parallel_loop3A_244, %parallel_loop3A_634] : memref<128x128xf32, #tpu.memory_space<vmem>>[vector<16xi32>, vector<16xi32>], vector<16xf32>,
      %parallel_loop3A_641 = arith.mulf %parallel_loop3A_631, %parallel_loop3A_640 : vector<16xf32>
      %parallel_loop3A_642 = arith.addf %parallel_loop3A_622, %parallel_loop3A_641 : vector<16xf32>
      %parallel_loop3A_643 = arith.constant 19 : i32
      %parallel_loop3A_644 = vector.broadcast %parallel_loop3A_643 : i32 to vector<16xi32>
      %parallel_loop3A_645 = arith.addi %parallel_loop3A_254, %parallel_loop3A_644 : vector<16xi32>
      %parallel_loop3A_646 = arith.constant 0 : i32
      %parallel_loop3A_647 = arith.constant 0 : i32
      %parallel_loop3A_648 = arith.constant 0 : i32
      %parallel_loop3A_649 = tpu.memref_slice %arg10[%parallel_loop3A_646, %parallel_loop3A_647, %parallel_loop3A_648] : memref<2x128x128xf32, #tpu.memory_space<vmem>> -> memref<1x128x128xf32, #tpu.memory_space<vmem>>
      %parallel_loop3A_650 = tpu.memref_squeeze %parallel_loop3A_649 : memref<1x128x128xf32, #tpu.memory_space<vmem>> -> memref<128x128xf32, #tpu.memory_space<vmem>>
      %parallel_loop3A_651 = tpu.vector_load_idx %parallel_loop3A_650[%parallel_loop3A_244, %parallel_loop3A_645] : memref<128x128xf32, #tpu.memory_space<vmem>>[vector<16xi32>, vector<16xi32>], vector<16xf32>,
      %parallel_loop3A_652 = arith.constant 19 : i32
      %parallel_loop3A_653 = vector.broadcast %parallel_loop3A_652 : i32 to vector<16xi32>
      %parallel_loop3A_654 = arith.addi %parallel_loop3A_260, %parallel_loop3A_653 : vector<16xi32>
      %parallel_loop3A_655 = arith.constant 0 : i32
      %parallel_loop3A_656 = arith.constant 0 : i32
      %parallel_loop3A_657 = arith.constant 0 : i32
      %parallel_loop3A_658 = tpu.memref_slice %arg11[%parallel_loop3A_655, %parallel_loop3A_656, %parallel_loop3A_657] : memref<2x128x128xf32, #tpu.memory_space<vmem>> -> memref<1x128x128xf32, #tpu.memory_space<vmem>>
      %parallel_loop3A_659 = tpu.memref_squeeze %parallel_loop3A_658 : memref<1x128x128xf32, #tpu.memory_space<vmem>> -> memref<128x128xf32, #tpu.memory_space<vmem>>
      %parallel_loop3A_660 = tpu.vector_load_idx %parallel_loop3A_659[%parallel_loop3A_244, %parallel_loop3A_654] : memref<128x128xf32, #tpu.memory_space<vmem>>[vector<16xi32>, vector<16xi32>], vector<16xf32>,
      %parallel_loop3A_661 = arith.mulf %parallel_loop3A_651, %parallel_loop3A_660 : vector<16xf32>
      %parallel_loop3A_662 = arith.addf %parallel_loop3A_642, %parallel_loop3A_661 : vector<16xf32>
      %parallel_loop3A_663 = arith.constant 20 : i32
      %parallel_loop3A_664 = vector.broadcast %parallel_loop3A_663 : i32 to vector<16xi32>
      %parallel_loop3A_665 = arith.addi %parallel_loop3A_254, %parallel_loop3A_664 : vector<16xi32>
      %parallel_loop3A_666 = arith.constant 0 : i32
      %parallel_loop3A_667 = arith.constant 0 : i32
      %parallel_loop3A_668 = arith.constant 0 : i32
      %parallel_loop3A_669 = tpu.memref_slice %arg10[%parallel_loop3A_666, %parallel_loop3A_667, %parallel_loop3A_668] : memref<2x128x128xf32, #tpu.memory_space<vmem>> -> memref<1x128x128xf32, #tpu.memory_space<vmem>>
      %parallel_loop3A_670 = tpu.memref_squeeze %parallel_loop3A_669 : memref<1x128x128xf32, #tpu.memory_space<vmem>> -> memref<128x128xf32, #tpu.memory_space<vmem>>
      %parallel_loop3A_671 = tpu.vector_load_idx %parallel_loop3A_670[%parallel_loop3A_244, %parallel_loop3A_665] : memref<128x128xf32, #tpu.memory_space<vmem>>[vector<16xi32>, vector<16xi32>], vector<16xf32>,
      %parallel_loop3A_672 = arith.constant 20 : i32
      %parallel_loop3A_673 = vector.broadcast %parallel_loop3A_672 : i32 to vector<16xi32>
      %parallel_loop3A_674 = arith.addi %parallel_loop3A_260, %parallel_loop3A_673 : vector<16xi32>
      %parallel_loop3A_675 = arith.constant 0 : i32
      %parallel_loop3A_676 = arith.constant 0 : i32
      %parallel_loop3A_677 = arith.constant 0 : i32
      %parallel_loop3A_678 = tpu.memref_slice %arg11[%parallel_loop3A_675, %parallel_loop3A_676, %parallel_loop3A_677] : memref<2x128x128xf32, #tpu.memory_space<vmem>> -> memref<1x128x128xf32, #tpu.memory_space<vmem>>
      %parallel_loop3A_679 = tpu.memref_squeeze %parallel_loop3A_678 : memref<1x128x128xf32, #tpu.memory_space<vmem>> -> memref<128x128xf32, #tpu.memory_space<vmem>>
      %parallel_loop3A_680 = tpu.vector_load_idx %parallel_loop3A_679[%parallel_loop3A_244, %parallel_loop3A_674] : memref<128x128xf32, #tpu.memory_space<vmem>>[vector<16xi32>, vector<16xi32>], vector<16xf32>,
      %parallel_loop3A_681 = arith.mulf %parallel_loop3A_671, %parallel_loop3A_680 : vector<16xf32>
      %parallel_loop3A_682 = arith.addf %parallel_loop3A_662, %parallel_loop3A_681 : vector<16xf32>
      %parallel_loop3A_683 = arith.constant 21 : i32
      %parallel_loop3A_684 = vector.broadcast %parallel_loop3A_683 : i32 to vector<16xi32>
      %parallel_loop3A_685 = arith.addi %parallel_loop3A_254, %parallel_loop3A_684 : vector<16xi32>
      %parallel_loop3A_686 = arith.constant 0 : i32
      %parallel_loop3A_687 = arith.constant 0 : i32
      %parallel_loop3A_688 = arith.constant 0 : i32
      %parallel_loop3A_689 = tpu.memref_slice %arg10[%parallel_loop3A_686, %parallel_loop3A_687, %parallel_loop3A_688] : memref<2x128x128xf32, #tpu.memory_space<vmem>> -> memref<1x128x128xf32, #tpu.memory_space<vmem>>
      %parallel_loop3A_690 = tpu.memref_squeeze %parallel_loop3A_689 : memref<1x128x128xf32, #tpu.memory_space<vmem>> -> memref<128x128xf32, #tpu.memory_space<vmem>>
      %parallel_loop3A_691 = tpu.vector_load_idx %parallel_loop3A_690[%parallel_loop3A_244, %parallel_loop3A_685] : memref<128x128xf32, #tpu.memory_space<vmem>>[vector<16xi32>, vector<16xi32>], vector<16xf32>,
      %parallel_loop3A_692 = arith.constant 21 : i32
      %parallel_loop3A_693 = vector.broadcast %parallel_loop3A_692 : i32 to vector<16xi32>
      %parallel_loop3A_694 = arith.addi %parallel_loop3A_260, %parallel_loop3A_693 : vector<16xi32>
      %parallel_loop3A_695 = arith.constant 0 : i32
      %parallel_loop3A_696 = arith.constant 0 : i32
      %parallel_loop3A_697 = arith.constant 0 : i32
      %parallel_loop3A_698 = tpu.memref_slice %arg11[%parallel_loop3A_695, %parallel_loop3A_696, %parallel_loop3A_697] : memref<2x128x128xf32, #tpu.memory_space<vmem>> -> memref<1x128x128xf32, #tpu.memory_space<vmem>>
      %parallel_loop3A_699 = tpu.memref_squeeze %parallel_loop3A_698 : memref<1x128x128xf32, #tpu.memory_space<vmem>> -> memref<128x128xf32, #tpu.memory_space<vmem>>
      %parallel_loop3A_700 = tpu.vector_load_idx %parallel_loop3A_699[%parallel_loop3A_244, %parallel_loop3A_694] : memref<128x128xf32, #tpu.memory_space<vmem>>[vector<16xi32>, vector<16xi32>], vector<16xf32>,
      %parallel_loop3A_701 = arith.mulf %parallel_loop3A_691, %parallel_loop3A_700 : vector<16xf32>
      %parallel_loop3A_702 = arith.addf %parallel_loop3A_682, %parallel_loop3A_701 : vector<16xf32>
      %parallel_loop3A_703 = arith.constant 22 : i32
      %parallel_loop3A_704 = vector.broadcast %parallel_loop3A_703 : i32 to vector<16xi32>
      %parallel_loop3A_705 = arith.addi %parallel_loop3A_254, %parallel_loop3A_704 : vector<16xi32>
      %parallel_loop3A_706 = arith.constant 0 : i32
      %parallel_loop3A_707 = arith.constant 0 : i32
      %parallel_loop3A_708 = arith.constant 0 : i32
      %parallel_loop3A_709 = tpu.memref_slice %arg10[%parallel_loop3A_706, %parallel_loop3A_707, %parallel_loop3A_708] : memref<2x128x128xf32, #tpu.memory_space<vmem>> -> memref<1x128x128xf32, #tpu.memory_space<vmem>>
      %parallel_loop3A_710 = tpu.memref_squeeze %parallel_loop3A_709 : memref<1x128x128xf32, #tpu.memory_space<vmem>> -> memref<128x128xf32, #tpu.memory_space<vmem>>
      %parallel_loop3A_711 = tpu.vector_load_idx %parallel_loop3A_710[%parallel_loop3A_244, %parallel_loop3A_705] : memref<128x128xf32, #tpu.memory_space<vmem>>[vector<16xi32>, vector<16xi32>], vector<16xf32>,
      %parallel_loop3A_712 = arith.constant 22 : i32
      %parallel_loop3A_713 = vector.broadcast %parallel_loop3A_712 : i32 to vector<16xi32>
      %parallel_loop3A_714 = arith.addi %parallel_loop3A_260, %parallel_loop3A_713 : vector<16xi32>
      %parallel_loop3A_715 = arith.constant 0 : i32
      %parallel_loop3A_716 = arith.constant 0 : i32
      %parallel_loop3A_717 = arith.constant 0 : i32
      %parallel_loop3A_718 = tpu.memref_slice %arg11[%parallel_loop3A_715, %parallel_loop3A_716, %parallel_loop3A_717] : memref<2x128x128xf32, #tpu.memory_space<vmem>> -> memref<1x128x128xf32, #tpu.memory_space<vmem>>
      %parallel_loop3A_719 = tpu.memref_squeeze %parallel_loop3A_718 : memref<1x128x128xf32, #tpu.memory_space<vmem>> -> memref<128x128xf32, #tpu.memory_space<vmem>>
      %parallel_loop3A_720 = tpu.vector_load_idx %parallel_loop3A_719[%parallel_loop3A_244, %parallel_loop3A_714] : memref<128x128xf32, #tpu.memory_space<vmem>>[vector<16xi32>, vector<16xi32>], vector<16xf32>,
      %parallel_loop3A_721 = arith.mulf %parallel_loop3A_711, %parallel_loop3A_720 : vector<16xf32>
      %parallel_loop3A_722 = arith.addf %parallel_loop3A_702, %parallel_loop3A_721 : vector<16xf32>
      %parallel_loop3A_723 = arith.constant 23 : i32
      %parallel_loop3A_724 = vector.broadcast %parallel_loop3A_723 : i32 to vector<16xi32>
      %parallel_loop3A_725 = arith.addi %parallel_loop3A_254, %parallel_loop3A_724 : vector<16xi32>
      %parallel_loop3A_726 = arith.constant 0 : i32
      %parallel_loop3A_727 = arith.constant 0 : i32
      %parallel_loop3A_728 = arith.constant 0 : i32
      %parallel_loop3A_729 = tpu.memref_slice %arg10[%parallel_loop3A_726, %parallel_loop3A_727, %parallel_loop3A_728] : memref<2x128x128xf32, #tpu.memory_space<vmem>> -> memref<1x128x128xf32, #tpu.memory_space<vmem>>
      %parallel_loop3A_730 = tpu.memref_squeeze %parallel_loop3A_729 : memref<1x128x128xf32, #tpu.memory_space<vmem>> -> memref<128x128xf32, #tpu.memory_space<vmem>>
      %parallel_loop3A_731 = tpu.vector_load_idx %parallel_loop3A_730[%parallel_loop3A_244, %parallel_loop3A_725] : memref<128x128xf32, #tpu.memory_space<vmem>>[vector<16xi32>, vector<16xi32>], vector<16xf32>,
      %parallel_loop3A_732 = arith.constant 23 : i32
      %parallel_loop3A_733 = vector.broadcast %parallel_loop3A_732 : i32 to vector<16xi32>
      %parallel_loop3A_734 = arith.addi %parallel_loop3A_260, %parallel_loop3A_733 : vector<16xi32>
      %parallel_loop3A_735 = arith.constant 0 : i32
      %parallel_loop3A_736 = arith.constant 0 : i32
      %parallel_loop3A_737 = arith.constant 0 : i32
      %parallel_loop3A_738 = tpu.memref_slice %arg11[%parallel_loop3A_735, %parallel_loop3A_736, %parallel_loop3A_737] : memref<2x128x128xf32, #tpu.memory_space<vmem>> -> memref<1x128x128xf32, #tpu.memory_space<vmem>>
      %parallel_loop3A_739 = tpu.memref_squeeze %parallel_loop3A_738 : memref<1x128x128xf32, #tpu.memory_space<vmem>> -> memref<128x128xf32, #tpu.memory_space<vmem>>
      %parallel_loop3A_740 = tpu.vector_load_idx %parallel_loop3A_739[%parallel_loop3A_244, %parallel_loop3A_734] : memref<128x128xf32, #tpu.memory_space<vmem>>[vector<16xi32>, vector<16xi32>], vector<16xf32>,
      %parallel_loop3A_741 = arith.mulf %parallel_loop3A_731, %parallel_loop3A_740 : vector<16xf32>
      %parallel_loop3A_742 = arith.addf %parallel_loop3A_722, %parallel_loop3A_741 : vector<16xf32>
      %parallel_loop3A_743 = arith.constant 24 : i32
      %parallel_loop3A_744 = vector.broadcast %parallel_loop3A_743 : i32 to vector<16xi32>
      %parallel_loop3A_745 = arith.addi %parallel_loop3A_254, %parallel_loop3A_744 : vector<16xi32>
      %parallel_loop3A_746 = arith.constant 0 : i32
      %parallel_loop3A_747 = arith.constant 0 : i32
      %parallel_loop3A_748 = arith.constant 0 : i32
      %parallel_loop3A_749 = tpu.memref_slice %arg10[%parallel_loop3A_746, %parallel_loop3A_747, %parallel_loop3A_748] : memref<2x128x128xf32, #tpu.memory_space<vmem>> -> memref<1x128x128xf32, #tpu.memory_space<vmem>>
      %parallel_loop3A_750 = tpu.memref_squeeze %parallel_loop3A_749 : memref<1x128x128xf32, #tpu.memory_space<vmem>> -> memref<128x128xf32, #tpu.memory_space<vmem>>
      %parallel_loop3A_751 = tpu.vector_load_idx %parallel_loop3A_750[%parallel_loop3A_244, %parallel_loop3A_745] : memref<128x128xf32, #tpu.memory_space<vmem>>[vector<16xi32>, vector<16xi32>], vector<16xf32>,
      %parallel_loop3A_752 = arith.constant 24 : i32
      %parallel_loop3A_753 = vector.broadcast %parallel_loop3A_752 : i32 to vector<16xi32>
      %parallel_loop3A_754 = arith.addi %parallel_loop3A_260, %parallel_loop3A_753 : vector<16xi32>
      %parallel_loop3A_755 = arith.constant 0 : i32
      %parallel_loop3A_756 = arith.constant 0 : i32
      %parallel_loop3A_757 = arith.constant 0 : i32
      %parallel_loop3A_758 = tpu.memref_slice %arg11[%parallel_loop3A_755, %parallel_loop3A_756, %parallel_loop3A_757] : memref<2x128x128xf32, #tpu.memory_space<vmem>> -> memref<1x128x128xf32, #tpu.memory_space<vmem>>
      %parallel_loop3A_759 = tpu.memref_squeeze %parallel_loop3A_758 : memref<1x128x128xf32, #tpu.memory_space<vmem>> -> memref<128x128xf32, #tpu.memory_space<vmem>>
      %parallel_loop3A_760 = tpu.vector_load_idx %parallel_loop3A_759[%parallel_loop3A_244, %parallel_loop3A_754] : memref<128x128xf32, #tpu.memory_space<vmem>>[vector<16xi32>, vector<16xi32>], vector<16xf32>,
      %parallel_loop3A_761 = arith.mulf %parallel_loop3A_751, %parallel_loop3A_760 : vector<16xf32>
      %parallel_loop3A_762 = arith.addf %parallel_loop3A_742, %parallel_loop3A_761 : vector<16xf32>
      %parallel_loop3A_763 = arith.constant 25 : i32
      %parallel_loop3A_764 = vector.broadcast %parallel_loop3A_763 : i32 to vector<16xi32>
      %parallel_loop3A_765 = arith.addi %parallel_loop3A_254, %parallel_loop3A_764 : vector<16xi32>
      %parallel_loop3A_766 = arith.constant 0 : i32
      %parallel_loop3A_767 = arith.constant 0 : i32
      %parallel_loop3A_768 = arith.constant 0 : i32
      %parallel_loop3A_769 = tpu.memref_slice %arg10[%parallel_loop3A_766, %parallel_loop3A_767, %parallel_loop3A_768] : memref<2x128x128xf32, #tpu.memory_space<vmem>> -> memref<1x128x128xf32, #tpu.memory_space<vmem>>
      %parallel_loop3A_770 = tpu.memref_squeeze %parallel_loop3A_769 : memref<1x128x128xf32, #tpu.memory_space<vmem>> -> memref<128x128xf32, #tpu.memory_space<vmem>>
      %parallel_loop3A_771 = tpu.vector_load_idx %parallel_loop3A_770[%parallel_loop3A_244, %parallel_loop3A_765] : memref<128x128xf32, #tpu.memory_space<vmem>>[vector<16xi32>, vector<16xi32>], vector<16xf32>,
      %parallel_loop3A_772 = arith.constant 25 : i32
      %parallel_loop3A_773 = vector.broadcast %parallel_loop3A_772 : i32 to vector<16xi32>
      %parallel_loop3A_774 = arith.addi %parallel_loop3A_260, %parallel_loop3A_773 : vector<16xi32>
      %parallel_loop3A_775 = arith.constant 0 : i32
      %parallel_loop3A_776 = arith.constant 0 : i32
      %parallel_loop3A_777 = arith.constant 0 : i32
      %parallel_loop3A_778 = tpu.memref_slice %arg11[%parallel_loop3A_775, %parallel_loop3A_776, %parallel_loop3A_777] : memref<2x128x128xf32, #tpu.memory_space<vmem>> -> memref<1x128x128xf32, #tpu.memory_space<vmem>>
      %parallel_loop3A_779 = tpu.memref_squeeze %parallel_loop3A_778 : memref<1x128x128xf32, #tpu.memory_space<vmem>> -> memref<128x128xf32, #tpu.memory_space<vmem>>
      %parallel_loop3A_780 = tpu.vector_load_idx %parallel_loop3A_779[%parallel_loop3A_244, %parallel_loop3A_774] : memref<128x128xf32, #tpu.memory_space<vmem>>[vector<16xi32>, vector<16xi32>], vector<16xf32>,
      %parallel_loop3A_781 = arith.mulf %parallel_loop3A_771, %parallel_loop3A_780 : vector<16xf32>
      %parallel_loop3A_782 = arith.addf %parallel_loop3A_762, %parallel_loop3A_781 : vector<16xf32>
      %parallel_loop3A_783 = arith.constant 26 : i32
      %parallel_loop3A_784 = vector.broadcast %parallel_loop3A_783 : i32 to vector<16xi32>
      %parallel_loop3A_785 = arith.addi %parallel_loop3A_254, %parallel_loop3A_784 : vector<16xi32>
      %parallel_loop3A_786 = arith.constant 0 : i32
      %parallel_loop3A_787 = arith.constant 0 : i32
      %parallel_loop3A_788 = arith.constant 0 : i32
      %parallel_loop3A_789 = tpu.memref_slice %arg10[%parallel_loop3A_786, %parallel_loop3A_787, %parallel_loop3A_788] : memref<2x128x128xf32, #tpu.memory_space<vmem>> -> memref<1x128x128xf32, #tpu.memory_space<vmem>>
      %parallel_loop3A_790 = tpu.memref_squeeze %parallel_loop3A_789 : memref<1x128x128xf32, #tpu.memory_space<vmem>> -> memref<128x128xf32, #tpu.memory_space<vmem>>
      %parallel_loop3A_791 = tpu.vector_load_idx %parallel_loop3A_790[%parallel_loop3A_244, %parallel_loop3A_785] : memref<128x128xf32, #tpu.memory_space<vmem>>[vector<16xi32>, vector<16xi32>], vector<16xf32>,
      %parallel_loop3A_792 = arith.constant 26 : i32
      %parallel_loop3A_793 = vector.broadcast %parallel_loop3A_792 : i32 to vector<16xi32>
      %parallel_loop3A_794 = arith.addi %parallel_loop3A_260, %parallel_loop3A_793 : vector<16xi32>
      %parallel_loop3A_795 = arith.constant 0 : i32
      %parallel_loop3A_796 = arith.constant 0 : i32
      %parallel_loop3A_797 = arith.constant 0 : i32
      %parallel_loop3A_798 = tpu.memref_slice %arg11[%parallel_loop3A_795, %parallel_loop3A_796, %parallel_loop3A_797] : memref<2x128x128xf32, #tpu.memory_space<vmem>> -> memref<1x128x128xf32, #tpu.memory_space<vmem>>
      %parallel_loop3A_799 = tpu.memref_squeeze %parallel_loop3A_798 : memref<1x128x128xf32, #tpu.memory_space<vmem>> -> memref<128x128xf32, #tpu.memory_space<vmem>>
      %parallel_loop3A_800 = tpu.vector_load_idx %parallel_loop3A_799[%parallel_loop3A_244, %parallel_loop3A_794] : memref<128x128xf32, #tpu.memory_space<vmem>>[vector<16xi32>, vector<16xi32>], vector<16xf32>,
      %parallel_loop3A_801 = arith.mulf %parallel_loop3A_791, %parallel_loop3A_800 : vector<16xf32>
      %parallel_loop3A_802 = arith.addf %parallel_loop3A_782, %parallel_loop3A_801 : vector<16xf32>
      %parallel_loop3A_803 = arith.constant 27 : i32
      %parallel_loop3A_804 = vector.broadcast %parallel_loop3A_803 : i32 to vector<16xi32>
      %parallel_loop3A_805 = arith.addi %parallel_loop3A_254, %parallel_loop3A_804 : vector<16xi32>
      %parallel_loop3A_806 = arith.constant 0 : i32
      %parallel_loop3A_807 = arith.constant 0 : i32
      %parallel_loop3A_808 = arith.constant 0 : i32
      %parallel_loop3A_809 = tpu.memref_slice %arg10[%parallel_loop3A_806, %parallel_loop3A_807, %parallel_loop3A_808] : memref<2x128x128xf32, #tpu.memory_space<vmem>> -> memref<1x128x128xf32, #tpu.memory_space<vmem>>
      %parallel_loop3A_810 = tpu.memref_squeeze %parallel_loop3A_809 : memref<1x128x128xf32, #tpu.memory_space<vmem>> -> memref<128x128xf32, #tpu.memory_space<vmem>>
      %parallel_loop3A_811 = tpu.vector_load_idx %parallel_loop3A_810[%parallel_loop3A_244, %parallel_loop3A_805] : memref<128x128xf32, #tpu.memory_space<vmem>>[vector<16xi32>, vector<16xi32>], vector<16xf32>,
      %parallel_loop3A_812 = arith.constant 27 : i32
      %parallel_loop3A_813 = vector.broadcast %parallel_loop3A_812 : i32 to vector<16xi32>
      %parallel_loop3A_814 = arith.addi %parallel_loop3A_260, %parallel_loop3A_813 : vector<16xi32>
      %parallel_loop3A_815 = arith.constant 0 : i32
      %parallel_loop3A_816 = arith.constant 0 : i32
      %parallel_loop3A_817 = arith.constant 0 : i32
      %parallel_loop3A_818 = tpu.memref_slice %arg11[%parallel_loop3A_815, %parallel_loop3A_816, %parallel_loop3A_817] : memref<2x128x128xf32, #tpu.memory_space<vmem>> -> memref<1x128x128xf32, #tpu.memory_space<vmem>>
      %parallel_loop3A_819 = tpu.memref_squeeze %parallel_loop3A_818 : memref<1x128x128xf32, #tpu.memory_space<vmem>> -> memref<128x128xf32, #tpu.memory_space<vmem>>
      %parallel_loop3A_820 = tpu.vector_load_idx %parallel_loop3A_819[%parallel_loop3A_244, %parallel_loop3A_814] : memref<128x128xf32, #tpu.memory_space<vmem>>[vector<16xi32>, vector<16xi32>], vector<16xf32>,
      %parallel_loop3A_821 = arith.mulf %parallel_loop3A_811, %parallel_loop3A_820 : vector<16xf32>
      %parallel_loop3A_822 = arith.addf %parallel_loop3A_802, %parallel_loop3A_821 : vector<16xf32>
      %parallel_loop3A_823 = arith.constant 28 : i32
      %parallel_loop3A_824 = vector.broadcast %parallel_loop3A_823 : i32 to vector<16xi32>
      %parallel_loop3A_825 = arith.addi %parallel_loop3A_254, %parallel_loop3A_824 : vector<16xi32>
      %parallel_loop3A_826 = arith.constant 0 : i32
      %parallel_loop3A_827 = arith.constant 0 : i32
      %parallel_loop3A_828 = arith.constant 0 : i32
      %parallel_loop3A_829 = tpu.memref_slice %arg10[%parallel_loop3A_826, %parallel_loop3A_827, %parallel_loop3A_828] : memref<2x128x128xf32, #tpu.memory_space<vmem>> -> memref<1x128x128xf32, #tpu.memory_space<vmem>>
      %parallel_loop3A_830 = tpu.memref_squeeze %parallel_loop3A_829 : memref<1x128x128xf32, #tpu.memory_space<vmem>> -> memref<128x128xf32, #tpu.memory_space<vmem>>
      %parallel_loop3A_831 = tpu.vector_load_idx %parallel_loop3A_830[%parallel_loop3A_244, %parallel_loop3A_825] : memref<128x128xf32, #tpu.memory_space<vmem>>[vector<16xi32>, vector<16xi32>], vector<16xf32>,
      %parallel_loop3A_832 = arith.constant 28 : i32
      %parallel_loop3A_833 = vector.broadcast %parallel_loop3A_832 : i32 to vector<16xi32>
      %parallel_loop3A_834 = arith.addi %parallel_loop3A_260, %parallel_loop3A_833 : vector<16xi32>
      %parallel_loop3A_835 = arith.constant 0 : i32
      %parallel_loop3A_836 = arith.constant 0 : i32
      %parallel_loop3A_837 = arith.constant 0 : i32
      %parallel_loop3A_838 = tpu.memref_slice %arg11[%parallel_loop3A_835, %parallel_loop3A_836, %parallel_loop3A_837] : memref<2x128x128xf32, #tpu.memory_space<vmem>> -> memref<1x128x128xf32, #tpu.memory_space<vmem>>
      %parallel_loop3A_839 = tpu.memref_squeeze %parallel_loop3A_838 : memref<1x128x128xf32, #tpu.memory_space<vmem>> -> memref<128x128xf32, #tpu.memory_space<vmem>>
      %parallel_loop3A_840 = tpu.vector_load_idx %parallel_loop3A_839[%parallel_loop3A_244, %parallel_loop3A_834] : memref<128x128xf32, #tpu.memory_space<vmem>>[vector<16xi32>, vector<16xi32>], vector<16xf32>,
      %parallel_loop3A_841 = arith.mulf %parallel_loop3A_831, %parallel_loop3A_840 : vector<16xf32>
      %parallel_loop3A_842 = arith.addf %parallel_loop3A_822, %parallel_loop3A_841 : vector<16xf32>
      %parallel_loop3A_843 = arith.constant 29 : i32
      %parallel_loop3A_844 = vector.broadcast %parallel_loop3A_843 : i32 to vector<16xi32>
      %parallel_loop3A_845 = arith.addi %parallel_loop3A_254, %parallel_loop3A_844 : vector<16xi32>
      %parallel_loop3A_846 = arith.constant 0 : i32
      %parallel_loop3A_847 = arith.constant 0 : i32
      %parallel_loop3A_848 = arith.constant 0 : i32
      %parallel_loop3A_849 = tpu.memref_slice %arg10[%parallel_loop3A_846, %parallel_loop3A_847, %parallel_loop3A_848] : memref<2x128x128xf32, #tpu.memory_space<vmem>> -> memref<1x128x128xf32, #tpu.memory_space<vmem>>
      %parallel_loop3A_850 = tpu.memref_squeeze %parallel_loop3A_849 : memref<1x128x128xf32, #tpu.memory_space<vmem>> -> memref<128x128xf32, #tpu.memory_space<vmem>>
      %parallel_loop3A_851 = tpu.vector_load_idx %parallel_loop3A_850[%parallel_loop3A_244, %parallel_loop3A_845] : memref<128x128xf32, #tpu.memory_space<vmem>>[vector<16xi32>, vector<16xi32>], vector<16xf32>,
      %parallel_loop3A_852 = arith.constant 29 : i32
      %parallel_loop3A_853 = vector.broadcast %parallel_loop3A_852 : i32 to vector<16xi32>
      %parallel_loop3A_854 = arith.addi %parallel_loop3A_260, %parallel_loop3A_853 : vector<16xi32>
      %parallel_loop3A_855 = arith.constant 0 : i32
      %parallel_loop3A_856 = arith.constant 0 : i32
      %parallel_loop3A_857 = arith.constant 0 : i32
      %parallel_loop3A_858 = tpu.memref_slice %arg11[%parallel_loop3A_855, %parallel_loop3A_856, %parallel_loop3A_857] : memref<2x128x128xf32, #tpu.memory_space<vmem>> -> memref<1x128x128xf32, #tpu.memory_space<vmem>>
      %parallel_loop3A_859 = tpu.memref_squeeze %parallel_loop3A_858 : memref<1x128x128xf32, #tpu.memory_space<vmem>> -> memref<128x128xf32, #tpu.memory_space<vmem>>
      %parallel_loop3A_860 = tpu.vector_load_idx %parallel_loop3A_859[%parallel_loop3A_244, %parallel_loop3A_854] : memref<128x128xf32, #tpu.memory_space<vmem>>[vector<16xi32>, vector<16xi32>], vector<16xf32>,
      %parallel_loop3A_861 = arith.mulf %parallel_loop3A_851, %parallel_loop3A_860 : vector<16xf32>
      %parallel_loop3A_862 = arith.addf %parallel_loop3A_842, %parallel_loop3A_861 : vector<16xf32>
      %parallel_loop3A_863 = arith.constant 30 : i32
      %parallel_loop3A_864 = vector.broadcast %parallel_loop3A_863 : i32 to vector<16xi32>
      %parallel_loop3A_865 = arith.addi %parallel_loop3A_254, %parallel_loop3A_864 : vector<16xi32>
      %parallel_loop3A_866 = arith.constant 0 : i32
      %parallel_loop3A_867 = arith.constant 0 : i32
      %parallel_loop3A_868 = arith.constant 0 : i32
      %parallel_loop3A_869 = tpu.memref_slice %arg10[%parallel_loop3A_866, %parallel_loop3A_867, %parallel_loop3A_868] : memref<2x128x128xf32, #tpu.memory_space<vmem>> -> memref<1x128x128xf32, #tpu.memory_space<vmem>>
      %parallel_loop3A_870 = tpu.memref_squeeze %parallel_loop3A_869 : memref<1x128x128xf32, #tpu.memory_space<vmem>> -> memref<128x128xf32, #tpu.memory_space<vmem>>
      %parallel_loop3A_871 = tpu.vector_load_idx %parallel_loop3A_870[%parallel_loop3A_244, %parallel_loop3A_865] : memref<128x128xf32, #tpu.memory_space<vmem>>[vector<16xi32>, vector<16xi32>], vector<16xf32>,
      %parallel_loop3A_872 = arith.constant 30 : i32
      %parallel_loop3A_873 = vector.broadcast %parallel_loop3A_872 : i32 to vector<16xi32>
      %parallel_loop3A_874 = arith.addi %parallel_loop3A_260, %parallel_loop3A_873 : vector<16xi32>
      %parallel_loop3A_875 = arith.constant 0 : i32
      %parallel_loop3A_876 = arith.constant 0 : i32
      %parallel_loop3A_877 = arith.constant 0 : i32
      %parallel_loop3A_878 = tpu.memref_slice %arg11[%parallel_loop3A_875, %parallel_loop3A_876, %parallel_loop3A_877] : memref<2x128x128xf32, #tpu.memory_space<vmem>> -> memref<1x128x128xf32, #tpu.memory_space<vmem>>
      %parallel_loop3A_879 = tpu.memref_squeeze %parallel_loop3A_878 : memref<1x128x128xf32, #tpu.memory_space<vmem>> -> memref<128x128xf32, #tpu.memory_space<vmem>>
      %parallel_loop3A_880 = tpu.vector_load_idx %parallel_loop3A_879[%parallel_loop3A_244, %parallel_loop3A_874] : memref<128x128xf32, #tpu.memory_space<vmem>>[vector<16xi32>, vector<16xi32>], vector<16xf32>,
      %parallel_loop3A_881 = arith.mulf %parallel_loop3A_871, %parallel_loop3A_880 : vector<16xf32>
      %parallel_loop3A_882 = arith.addf %parallel_loop3A_862, %parallel_loop3A_881 : vector<16xf32>
      %parallel_loop3A_883 = arith.constant 31 : i32
      %parallel_loop3A_884 = vector.broadcast %parallel_loop3A_883 : i32 to vector<16xi32>
      %parallel_loop3A_885 = arith.addi %parallel_loop3A_254, %parallel_loop3A_884 : vector<16xi32>
      %parallel_loop3A_886 = arith.constant 0 : i32
      %parallel_loop3A_887 = arith.constant 0 : i32
      %parallel_loop3A_888 = arith.constant 0 : i32
      %parallel_loop3A_889 = tpu.memref_slice %arg10[%parallel_loop3A_886, %parallel_loop3A_887, %parallel_loop3A_888] : memref<2x128x128xf32, #tpu.memory_space<vmem>> -> memref<1x128x128xf32, #tpu.memory_space<vmem>>
      %parallel_loop3A_890 = tpu.memref_squeeze %parallel_loop3A_889 : memref<1x128x128xf32, #tpu.memory_space<vmem>> -> memref<128x128xf32, #tpu.memory_space<vmem>>
      %parallel_loop3A_891 = tpu.vector_load_idx %parallel_loop3A_890[%parallel_loop3A_244, %parallel_loop3A_885] : memref<128x128xf32, #tpu.memory_space<vmem>>[vector<16xi32>, vector<16xi32>], vector<16xf32>,
      %parallel_loop3A_892 = arith.constant 31 : i32
      %parallel_loop3A_893 = vector.broadcast %parallel_loop3A_892 : i32 to vector<16xi32>
      %parallel_loop3A_894 = arith.addi %parallel_loop3A_260, %parallel_loop3A_893 : vector<16xi32>
      %parallel_loop3A_895 = arith.constant 0 : i32
      %parallel_loop3A_896 = arith.constant 0 : i32
      %parallel_loop3A_897 = arith.constant 0 : i32
      %parallel_loop3A_898 = tpu.memref_slice %arg11[%parallel_loop3A_895, %parallel_loop3A_896, %parallel_loop3A_897] : memref<2x128x128xf32, #tpu.memory_space<vmem>> -> memref<1x128x128xf32, #tpu.memory_space<vmem>>
      %parallel_loop3A_899 = tpu.memref_squeeze %parallel_loop3A_898 : memref<1x128x128xf32, #tpu.memory_space<vmem>> -> memref<128x128xf32, #tpu.memory_space<vmem>>
      %parallel_loop3A_900 = tpu.vector_load_idx %parallel_loop3A_899[%parallel_loop3A_244, %parallel_loop3A_894] : memref<128x128xf32, #tpu.memory_space<vmem>>[vector<16xi32>, vector<16xi32>], vector<16xf32>,
      %parallel_loop3A_901 = arith.mulf %parallel_loop3A_891, %parallel_loop3A_900 : vector<16xf32>
      %parallel_loop3A_902 = arith.addf %parallel_loop3A_882, %parallel_loop3A_901 : vector<16xf32>
      %parallel_loop3A_903 = arith.index_cast %parallel_loop3A_248 : i32 to index
      %parallel_loop3A_904 = tpu.vector_load %arg12[%parallel_loop3A_903] {strides = array<i32>} : memref<512xf32, #tpu.memory_space<vmem>>, vector<16xf32>,
      tpu.vector_store %arg12[%parallel_loop3A_903], %parallel_loop3A_902 {strides = array<i32>} : memref<512xf32, #tpu.memory_space<vmem>>, vector<16xf32>,
    } {sc.loop_unroll_factor = 1 : i64, sc.parallel_access}
    %dma_wait3A_209 = arith.constant 1 : i32
    %dma_wait3A_210 = arith.constant 1 : i32
    %dma_wait3A_211 = arith.constant 0 : i32
    %dma_wait3A_212 = arith.constant 0 : i32
    %dma_wait3A_213 = arith.constant 0 : i32
    %dma_wait3A_214 = tpu.memref_slice %arg10[%dma_wait3A_209, %dma_wait3A_212, %dma_wait3A_213] : memref<2x128x128xf32, #tpu.memory_space<vmem>> -> memref<1x128x128xf32, #tpu.memory_space<vmem>>
    %dma_wait3A_215 = tpu.memref_squeeze %dma_wait3A_214 : memref<1x128x128xf32, #tpu.memory_space<vmem>> -> memref<128x128xf32, #tpu.memory_space<vmem>>
    %dma_wait3A_216 = arith.constant 384 : i32
    %dma_wait3A_217 = tpu.memref_slice %arg8[%dma_wait3A_216] : memref<512xi32, #tpu.memory_space<vmem>> -> memref<128xi32, #tpu.memory_space<vmem>>
    %dma_wait3A_218 = arith.constant 0 : i32
    %dma_wait3A_219 = arith.constant 0 : i32
    %dma_wait3A_220 = tpu.memref_slice %arg4[%dma_wait3A_218, %dma_wait3A_219] : memref<500000x128xf32, #tpu.memory_space<hbm>> -> memref<500000x128xf32, #tpu.memory_space<hbm>>
    %dma_wait3A_221 = tpu.memref_slice %arg13[%dma_wait3A_210, %dma_wait3A_211] : memref<2x2x!tpu.dma_semaphore, #tpu.memory_space<semaphore_mem>> -> memref<1x1x!tpu.dma_semaphore, #tpu.memory_space<semaphore_mem>>
    %dma_wait3A_222 = tpu.memref_squeeze %dma_wait3A_221 : memref<1x1x!tpu.dma_semaphore, #tpu.memory_space<semaphore_mem>> -> memref<!tpu.dma_semaphore, #tpu.memory_space<semaphore_mem>>
    tpu.wait_indirect_dma semaphore(%dma_wait3A_222 : memref<!tpu.dma_semaphore, #tpu.memory_space<semaphore_mem>>) src(%dma_wait3A_220 : memref<500000x128xf32, #tpu.memory_space<hbm>>) dst(%dma_wait3A_215 : memref<128x128xf32, #tpu.memory_space<vmem>>)
    %dma_wait3A_223 = arith.constant 1 : i32
    %dma_wait3A_224 = arith.constant 1 : i32
    %dma_wait3A_225 = arith.constant 1 : i32
    %dma_wait3A_226 = arith.constant 0 : i32
    %dma_wait3A_227 = arith.constant 0 : i32
    %dma_wait3A_228 = tpu.memref_slice %arg11[%dma_wait3A_223, %dma_wait3A_226, %dma_wait3A_227] : memref<2x128x128xf32, #tpu.memory_space<vmem>> -> memref<1x128x128xf32, #tpu.memory_space<vmem>>
    %dma_wait3A_229 = tpu.memref_squeeze %dma_wait3A_228 : memref<1x128x128xf32, #tpu.memory_space<vmem>> -> memref<128x128xf32, #tpu.memory_space<vmem>>
    %dma_wait3A_230 = arith.constant 384 : i32
    %dma_wait3A_231 = tpu.memref_slice %arg9[%dma_wait3A_230] : memref<512xi32, #tpu.memory_space<vmem>> -> memref<128xi32, #tpu.memory_space<vmem>>
    %dma_wait3A_232 = arith.constant 0 : i32
    %dma_wait3A_233 = arith.constant 0 : i32
    %dma_wait3A_234 = tpu.memref_slice %arg4[%dma_wait3A_232, %dma_wait3A_233] : memref<500000x128xf32, #tpu.memory_space<hbm>> -> memref<500000x128xf32, #tpu.memory_space<hbm>>
    %dma_wait3A_235 = tpu.memref_slice %arg13[%dma_wait3A_224, %dma_wait3A_225] : memref<2x2x!tpu.dma_semaphore, #tpu.memory_space<semaphore_mem>> -> memref<1x1x!tpu.dma_semaphore, #tpu.memory_space<semaphore_mem>>
    %dma_wait3A_236 = tpu.memref_squeeze %dma_wait3A_235 : memref<1x1x!tpu.dma_semaphore, #tpu.memory_space<semaphore_mem>> -> memref<!tpu.dma_semaphore, #tpu.memory_space<semaphore_mem>>
    tpu.wait_indirect_dma semaphore(%dma_wait3A_236 : memref<!tpu.dma_semaphore, #tpu.memory_space<semaphore_mem>>) src(%dma_wait3A_234 : memref<500000x128xf32, #tpu.memory_space<hbm>>) dst(%dma_wait3A_229 : memref<128x128xf32, #tpu.memory_space<vmem>>)
    %parallel_loop3A_237 = arith.constant 0 : i32
    %parallel_loop3A_238 = arith.constant 8 : i32
    %parallel_loop3A_239 = arith.constant 1 : i32
    scf.for %parallel_loop3A_240 = %parallel_loop3A_237 to %parallel_loop3A_238 step %parallel_loop3A_239  : i32 {
      %parallel_loop3A_241 = arith.constant 16 : i32
      %parallel_loop3A_242 = arith.muli %parallel_loop3A_240, %parallel_loop3A_241 : i32
      %parallel_loop3A_243 = vector.broadcast %parallel_loop3A_242 : i32 to vector<16xi32>
      %parallel_loop3A_244 = arith.addi %parallel_loop3A_243, %iota3A : vector<16xi32>
      %parallel_loop3A_245 = arith.constant 16 : i32
      %parallel_loop3A_246 = arith.muli %parallel_loop3A_240, %parallel_loop3A_245 : i32
      %parallel_loop3A_247 = arith.constant 384 : i32
      %parallel_loop3A_248 = arith.addi %parallel_loop3A_247, %parallel_loop3A_246 : i32
      %parallel_loop3A_249 = arith.index_cast %parallel_loop3A_248 : i32 to index
      %parallel_loop3A_250 = tpu.vector_load %arg6[%parallel_loop3A_249] {strides = array<i32>} : memref<512xi32, #tpu.memory_space<vmem>>, vector<16xi32>,
      %parallel_loop3A_251 = arith.andi %parallel_loop3A_250, %broadcast_in_dim3A_5 : vector<16xi32>
      %parallel_loop3A_252 = arith.constant 5 : i32
      %parallel_loop3A_253 = vector.broadcast %parallel_loop3A_252 : i32 to vector<16xi32>
      %parallel_loop3A_254 = arith.shli %parallel_loop3A_251, %parallel_loop3A_253 : vector<16xi32>
      %parallel_loop3A_255 = arith.index_cast %parallel_loop3A_248 : i32 to index
      %parallel_loop3A_256 = tpu.vector_load %arg7[%parallel_loop3A_255] {strides = array<i32>} : memref<512xi32, #tpu.memory_space<vmem>>, vector<16xi32>,
      %parallel_loop3A_257 = arith.andi %parallel_loop3A_256, %broadcast_in_dim3A_5 : vector<16xi32>
      %parallel_loop3A_258 = arith.constant 5 : i32
      %parallel_loop3A_259 = vector.broadcast %parallel_loop3A_258 : i32 to vector<16xi32>
      %parallel_loop3A_260 = arith.shli %parallel_loop3A_257, %parallel_loop3A_259 : vector<16xi32>
      %parallel_loop3A_261 = arith.constant 0.000000e+00 : f32
      %parallel_loop3A_262 = vector.broadcast %parallel_loop3A_261 : f32 to vector<16xf32>
      %parallel_loop3A_263 = arith.constant 0 : i32
      %parallel_loop3A_264 = vector.broadcast %parallel_loop3A_263 : i32 to vector<16xi32>
      %parallel_loop3A_265 = arith.addi %parallel_loop3A_254, %parallel_loop3A_264 : vector<16xi32>
      %parallel_loop3A_266 = arith.constant 1 : i32
      %parallel_loop3A_267 = arith.constant 0 : i32
      %parallel_loop3A_268 = arith.constant 0 : i32
      %parallel_loop3A_269 = tpu.memref_slice %arg10[%parallel_loop3A_266, %parallel_loop3A_267, %parallel_loop3A_268] : memref<2x128x128xf32, #tpu.memory_space<vmem>> -> memref<1x128x128xf32, #tpu.memory_space<vmem>>
      %parallel_loop3A_270 = tpu.memref_squeeze %parallel_loop3A_269 : memref<1x128x128xf32, #tpu.memory_space<vmem>> -> memref<128x128xf32, #tpu.memory_space<vmem>>
      %parallel_loop3A_271 = tpu.vector_load_idx %parallel_loop3A_270[%parallel_loop3A_244, %parallel_loop3A_265] : memref<128x128xf32, #tpu.memory_space<vmem>>[vector<16xi32>, vector<16xi32>], vector<16xf32>,
      %parallel_loop3A_272 = arith.constant 0 : i32
      %parallel_loop3A_273 = vector.broadcast %parallel_loop3A_272 : i32 to vector<16xi32>
      %parallel_loop3A_274 = arith.addi %parallel_loop3A_260, %parallel_loop3A_273 : vector<16xi32>
      %parallel_loop3A_275 = arith.constant 1 : i32
      %parallel_loop3A_276 = arith.constant 0 : i32
      %parallel_loop3A_277 = arith.constant 0 : i32
      %parallel_loop3A_278 = tpu.memref_slice %arg11[%parallel_loop3A_275, %parallel_loop3A_276, %parallel_loop3A_277] : memref<2x128x128xf32, #tpu.memory_space<vmem>> -> memref<1x128x128xf32, #tpu.memory_space<vmem>>
      %parallel_loop3A_279 = tpu.memref_squeeze %parallel_loop3A_278 : memref<1x128x128xf32, #tpu.memory_space<vmem>> -> memref<128x128xf32, #tpu.memory_space<vmem>>
      %parallel_loop3A_280 = tpu.vector_load_idx %parallel_loop3A_279[%parallel_loop3A_244, %parallel_loop3A_274] : memref<128x128xf32, #tpu.memory_space<vmem>>[vector<16xi32>, vector<16xi32>], vector<16xf32>,
      %parallel_loop3A_281 = arith.mulf %parallel_loop3A_271, %parallel_loop3A_280 : vector<16xf32>
      %parallel_loop3A_282 = arith.addf %parallel_loop3A_262, %parallel_loop3A_281 : vector<16xf32>
      %parallel_loop3A_283 = arith.constant 1 : i32
      %parallel_loop3A_284 = vector.broadcast %parallel_loop3A_283 : i32 to vector<16xi32>
      %parallel_loop3A_285 = arith.addi %parallel_loop3A_254, %parallel_loop3A_284 : vector<16xi32>
      %parallel_loop3A_286 = arith.constant 1 : i32
      %parallel_loop3A_287 = arith.constant 0 : i32
      %parallel_loop3A_288 = arith.constant 0 : i32
      %parallel_loop3A_289 = tpu.memref_slice %arg10[%parallel_loop3A_286, %parallel_loop3A_287, %parallel_loop3A_288] : memref<2x128x128xf32, #tpu.memory_space<vmem>> -> memref<1x128x128xf32, #tpu.memory_space<vmem>>
      %parallel_loop3A_290 = tpu.memref_squeeze %parallel_loop3A_289 : memref<1x128x128xf32, #tpu.memory_space<vmem>> -> memref<128x128xf32, #tpu.memory_space<vmem>>
      %parallel_loop3A_291 = tpu.vector_load_idx %parallel_loop3A_290[%parallel_loop3A_244, %parallel_loop3A_285] : memref<128x128xf32, #tpu.memory_space<vmem>>[vector<16xi32>, vector<16xi32>], vector<16xf32>,
      %parallel_loop3A_292 = arith.constant 1 : i32
      %parallel_loop3A_293 = vector.broadcast %parallel_loop3A_292 : i32 to vector<16xi32>
      %parallel_loop3A_294 = arith.addi %parallel_loop3A_260, %parallel_loop3A_293 : vector<16xi32>
      %parallel_loop3A_295 = arith.constant 1 : i32
      %parallel_loop3A_296 = arith.constant 0 : i32
      %parallel_loop3A_297 = arith.constant 0 : i32
      %parallel_loop3A_298 = tpu.memref_slice %arg11[%parallel_loop3A_295, %parallel_loop3A_296, %parallel_loop3A_297] : memref<2x128x128xf32, #tpu.memory_space<vmem>> -> memref<1x128x128xf32, #tpu.memory_space<vmem>>
      %parallel_loop3A_299 = tpu.memref_squeeze %parallel_loop3A_298 : memref<1x128x128xf32, #tpu.memory_space<vmem>> -> memref<128x128xf32, #tpu.memory_space<vmem>>
      %parallel_loop3A_300 = tpu.vector_load_idx %parallel_loop3A_299[%parallel_loop3A_244, %parallel_loop3A_294] : memref<128x128xf32, #tpu.memory_space<vmem>>[vector<16xi32>, vector<16xi32>], vector<16xf32>,
      %parallel_loop3A_301 = arith.mulf %parallel_loop3A_291, %parallel_loop3A_300 : vector<16xf32>
      %parallel_loop3A_302 = arith.addf %parallel_loop3A_282, %parallel_loop3A_301 : vector<16xf32>
      %parallel_loop3A_303 = arith.constant 2 : i32
      %parallel_loop3A_304 = vector.broadcast %parallel_loop3A_303 : i32 to vector<16xi32>
      %parallel_loop3A_305 = arith.addi %parallel_loop3A_254, %parallel_loop3A_304 : vector<16xi32>
      %parallel_loop3A_306 = arith.constant 1 : i32
      %parallel_loop3A_307 = arith.constant 0 : i32
      %parallel_loop3A_308 = arith.constant 0 : i32
      %parallel_loop3A_309 = tpu.memref_slice %arg10[%parallel_loop3A_306, %parallel_loop3A_307, %parallel_loop3A_308] : memref<2x128x128xf32, #tpu.memory_space<vmem>> -> memref<1x128x128xf32, #tpu.memory_space<vmem>>
      %parallel_loop3A_310 = tpu.memref_squeeze %parallel_loop3A_309 : memref<1x128x128xf32, #tpu.memory_space<vmem>> -> memref<128x128xf32, #tpu.memory_space<vmem>>
      %parallel_loop3A_311 = tpu.vector_load_idx %parallel_loop3A_310[%parallel_loop3A_244, %parallel_loop3A_305] : memref<128x128xf32, #tpu.memory_space<vmem>>[vector<16xi32>, vector<16xi32>], vector<16xf32>,
      %parallel_loop3A_312 = arith.constant 2 : i32
      %parallel_loop3A_313 = vector.broadcast %parallel_loop3A_312 : i32 to vector<16xi32>
      %parallel_loop3A_314 = arith.addi %parallel_loop3A_260, %parallel_loop3A_313 : vector<16xi32>
      %parallel_loop3A_315 = arith.constant 1 : i32
      %parallel_loop3A_316 = arith.constant 0 : i32
      %parallel_loop3A_317 = arith.constant 0 : i32
      %parallel_loop3A_318 = tpu.memref_slice %arg11[%parallel_loop3A_315, %parallel_loop3A_316, %parallel_loop3A_317] : memref<2x128x128xf32, #tpu.memory_space<vmem>> -> memref<1x128x128xf32, #tpu.memory_space<vmem>>
      %parallel_loop3A_319 = tpu.memref_squeeze %parallel_loop3A_318 : memref<1x128x128xf32, #tpu.memory_space<vmem>> -> memref<128x128xf32, #tpu.memory_space<vmem>>
      %parallel_loop3A_320 = tpu.vector_load_idx %parallel_loop3A_319[%parallel_loop3A_244, %parallel_loop3A_314] : memref<128x128xf32, #tpu.memory_space<vmem>>[vector<16xi32>, vector<16xi32>], vector<16xf32>,
      %parallel_loop3A_321 = arith.mulf %parallel_loop3A_311, %parallel_loop3A_320 : vector<16xf32>
      %parallel_loop3A_322 = arith.addf %parallel_loop3A_302, %parallel_loop3A_321 : vector<16xf32>
      %parallel_loop3A_323 = arith.constant 3 : i32
      %parallel_loop3A_324 = vector.broadcast %parallel_loop3A_323 : i32 to vector<16xi32>
      %parallel_loop3A_325 = arith.addi %parallel_loop3A_254, %parallel_loop3A_324 : vector<16xi32>
      %parallel_loop3A_326 = arith.constant 1 : i32
      %parallel_loop3A_327 = arith.constant 0 : i32
      %parallel_loop3A_328 = arith.constant 0 : i32
      %parallel_loop3A_329 = tpu.memref_slice %arg10[%parallel_loop3A_326, %parallel_loop3A_327, %parallel_loop3A_328] : memref<2x128x128xf32, #tpu.memory_space<vmem>> -> memref<1x128x128xf32, #tpu.memory_space<vmem>>
      %parallel_loop3A_330 = tpu.memref_squeeze %parallel_loop3A_329 : memref<1x128x128xf32, #tpu.memory_space<vmem>> -> memref<128x128xf32, #tpu.memory_space<vmem>>
      %parallel_loop3A_331 = tpu.vector_load_idx %parallel_loop3A_330[%parallel_loop3A_244, %parallel_loop3A_325] : memref<128x128xf32, #tpu.memory_space<vmem>>[vector<16xi32>, vector<16xi32>], vector<16xf32>,
      %parallel_loop3A_332 = arith.constant 3 : i32
      %parallel_loop3A_333 = vector.broadcast %parallel_loop3A_332 : i32 to vector<16xi32>
      %parallel_loop3A_334 = arith.addi %parallel_loop3A_260, %parallel_loop3A_333 : vector<16xi32>
      %parallel_loop3A_335 = arith.constant 1 : i32
      %parallel_loop3A_336 = arith.constant 0 : i32
      %parallel_loop3A_337 = arith.constant 0 : i32
      %parallel_loop3A_338 = tpu.memref_slice %arg11[%parallel_loop3A_335, %parallel_loop3A_336, %parallel_loop3A_337] : memref<2x128x128xf32, #tpu.memory_space<vmem>> -> memref<1x128x128xf32, #tpu.memory_space<vmem>>
      %parallel_loop3A_339 = tpu.memref_squeeze %parallel_loop3A_338 : memref<1x128x128xf32, #tpu.memory_space<vmem>> -> memref<128x128xf32, #tpu.memory_space<vmem>>
      %parallel_loop3A_340 = tpu.vector_load_idx %parallel_loop3A_339[%parallel_loop3A_244, %parallel_loop3A_334] : memref<128x128xf32, #tpu.memory_space<vmem>>[vector<16xi32>, vector<16xi32>], vector<16xf32>,
      %parallel_loop3A_341 = arith.mulf %parallel_loop3A_331, %parallel_loop3A_340 : vector<16xf32>
      %parallel_loop3A_342 = arith.addf %parallel_loop3A_322, %parallel_loop3A_341 : vector<16xf32>
      %parallel_loop3A_343 = arith.constant 4 : i32
      %parallel_loop3A_344 = vector.broadcast %parallel_loop3A_343 : i32 to vector<16xi32>
      %parallel_loop3A_345 = arith.addi %parallel_loop3A_254, %parallel_loop3A_344 : vector<16xi32>
      %parallel_loop3A_346 = arith.constant 1 : i32
      %parallel_loop3A_347 = arith.constant 0 : i32
      %parallel_loop3A_348 = arith.constant 0 : i32
      %parallel_loop3A_349 = tpu.memref_slice %arg10[%parallel_loop3A_346, %parallel_loop3A_347, %parallel_loop3A_348] : memref<2x128x128xf32, #tpu.memory_space<vmem>> -> memref<1x128x128xf32, #tpu.memory_space<vmem>>
      %parallel_loop3A_350 = tpu.memref_squeeze %parallel_loop3A_349 : memref<1x128x128xf32, #tpu.memory_space<vmem>> -> memref<128x128xf32, #tpu.memory_space<vmem>>
      %parallel_loop3A_351 = tpu.vector_load_idx %parallel_loop3A_350[%parallel_loop3A_244, %parallel_loop3A_345] : memref<128x128xf32, #tpu.memory_space<vmem>>[vector<16xi32>, vector<16xi32>], vector<16xf32>,
      %parallel_loop3A_352 = arith.constant 4 : i32
      %parallel_loop3A_353 = vector.broadcast %parallel_loop3A_352 : i32 to vector<16xi32>
      %parallel_loop3A_354 = arith.addi %parallel_loop3A_260, %parallel_loop3A_353 : vector<16xi32>
      %parallel_loop3A_355 = arith.constant 1 : i32
      %parallel_loop3A_356 = arith.constant 0 : i32
      %parallel_loop3A_357 = arith.constant 0 : i32
      %parallel_loop3A_358 = tpu.memref_slice %arg11[%parallel_loop3A_355, %parallel_loop3A_356, %parallel_loop3A_357] : memref<2x128x128xf32, #tpu.memory_space<vmem>> -> memref<1x128x128xf32, #tpu.memory_space<vmem>>
      %parallel_loop3A_359 = tpu.memref_squeeze %parallel_loop3A_358 : memref<1x128x128xf32, #tpu.memory_space<vmem>> -> memref<128x128xf32, #tpu.memory_space<vmem>>
      %parallel_loop3A_360 = tpu.vector_load_idx %parallel_loop3A_359[%parallel_loop3A_244, %parallel_loop3A_354] : memref<128x128xf32, #tpu.memory_space<vmem>>[vector<16xi32>, vector<16xi32>], vector<16xf32>,
      %parallel_loop3A_361 = arith.mulf %parallel_loop3A_351, %parallel_loop3A_360 : vector<16xf32>
      %parallel_loop3A_362 = arith.addf %parallel_loop3A_342, %parallel_loop3A_361 : vector<16xf32>
      %parallel_loop3A_363 = arith.constant 5 : i32
      %parallel_loop3A_364 = vector.broadcast %parallel_loop3A_363 : i32 to vector<16xi32>
      %parallel_loop3A_365 = arith.addi %parallel_loop3A_254, %parallel_loop3A_364 : vector<16xi32>
      %parallel_loop3A_366 = arith.constant 1 : i32
      %parallel_loop3A_367 = arith.constant 0 : i32
      %parallel_loop3A_368 = arith.constant 0 : i32
      %parallel_loop3A_369 = tpu.memref_slice %arg10[%parallel_loop3A_366, %parallel_loop3A_367, %parallel_loop3A_368] : memref<2x128x128xf32, #tpu.memory_space<vmem>> -> memref<1x128x128xf32, #tpu.memory_space<vmem>>
      %parallel_loop3A_370 = tpu.memref_squeeze %parallel_loop3A_369 : memref<1x128x128xf32, #tpu.memory_space<vmem>> -> memref<128x128xf32, #tpu.memory_space<vmem>>
      %parallel_loop3A_371 = tpu.vector_load_idx %parallel_loop3A_370[%parallel_loop3A_244, %parallel_loop3A_365] : memref<128x128xf32, #tpu.memory_space<vmem>>[vector<16xi32>, vector<16xi32>], vector<16xf32>,
      %parallel_loop3A_372 = arith.constant 5 : i32
      %parallel_loop3A_373 = vector.broadcast %parallel_loop3A_372 : i32 to vector<16xi32>
      %parallel_loop3A_374 = arith.addi %parallel_loop3A_260, %parallel_loop3A_373 : vector<16xi32>
      %parallel_loop3A_375 = arith.constant 1 : i32
      %parallel_loop3A_376 = arith.constant 0 : i32
      %parallel_loop3A_377 = arith.constant 0 : i32
      %parallel_loop3A_378 = tpu.memref_slice %arg11[%parallel_loop3A_375, %parallel_loop3A_376, %parallel_loop3A_377] : memref<2x128x128xf32, #tpu.memory_space<vmem>> -> memref<1x128x128xf32, #tpu.memory_space<vmem>>
      %parallel_loop3A_379 = tpu.memref_squeeze %parallel_loop3A_378 : memref<1x128x128xf32, #tpu.memory_space<vmem>> -> memref<128x128xf32, #tpu.memory_space<vmem>>
      %parallel_loop3A_380 = tpu.vector_load_idx %parallel_loop3A_379[%parallel_loop3A_244, %parallel_loop3A_374] : memref<128x128xf32, #tpu.memory_space<vmem>>[vector<16xi32>, vector<16xi32>], vector<16xf32>,
      %parallel_loop3A_381 = arith.mulf %parallel_loop3A_371, %parallel_loop3A_380 : vector<16xf32>
      %parallel_loop3A_382 = arith.addf %parallel_loop3A_362, %parallel_loop3A_381 : vector<16xf32>
      %parallel_loop3A_383 = arith.constant 6 : i32
      %parallel_loop3A_384 = vector.broadcast %parallel_loop3A_383 : i32 to vector<16xi32>
      %parallel_loop3A_385 = arith.addi %parallel_loop3A_254, %parallel_loop3A_384 : vector<16xi32>
      %parallel_loop3A_386 = arith.constant 1 : i32
      %parallel_loop3A_387 = arith.constant 0 : i32
      %parallel_loop3A_388 = arith.constant 0 : i32
      %parallel_loop3A_389 = tpu.memref_slice %arg10[%parallel_loop3A_386, %parallel_loop3A_387, %parallel_loop3A_388] : memref<2x128x128xf32, #tpu.memory_space<vmem>> -> memref<1x128x128xf32, #tpu.memory_space<vmem>>
      %parallel_loop3A_390 = tpu.memref_squeeze %parallel_loop3A_389 : memref<1x128x128xf32, #tpu.memory_space<vmem>> -> memref<128x128xf32, #tpu.memory_space<vmem>>
      %parallel_loop3A_391 = tpu.vector_load_idx %parallel_loop3A_390[%parallel_loop3A_244, %parallel_loop3A_385] : memref<128x128xf32, #tpu.memory_space<vmem>>[vector<16xi32>, vector<16xi32>], vector<16xf32>,
      %parallel_loop3A_392 = arith.constant 6 : i32
      %parallel_loop3A_393 = vector.broadcast %parallel_loop3A_392 : i32 to vector<16xi32>
      %parallel_loop3A_394 = arith.addi %parallel_loop3A_260, %parallel_loop3A_393 : vector<16xi32>
      %parallel_loop3A_395 = arith.constant 1 : i32
      %parallel_loop3A_396 = arith.constant 0 : i32
      %parallel_loop3A_397 = arith.constant 0 : i32
      %parallel_loop3A_398 = tpu.memref_slice %arg11[%parallel_loop3A_395, %parallel_loop3A_396, %parallel_loop3A_397] : memref<2x128x128xf32, #tpu.memory_space<vmem>> -> memref<1x128x128xf32, #tpu.memory_space<vmem>>
      %parallel_loop3A_399 = tpu.memref_squeeze %parallel_loop3A_398 : memref<1x128x128xf32, #tpu.memory_space<vmem>> -> memref<128x128xf32, #tpu.memory_space<vmem>>
      %parallel_loop3A_400 = tpu.vector_load_idx %parallel_loop3A_399[%parallel_loop3A_244, %parallel_loop3A_394] : memref<128x128xf32, #tpu.memory_space<vmem>>[vector<16xi32>, vector<16xi32>], vector<16xf32>,
      %parallel_loop3A_401 = arith.mulf %parallel_loop3A_391, %parallel_loop3A_400 : vector<16xf32>
      %parallel_loop3A_402 = arith.addf %parallel_loop3A_382, %parallel_loop3A_401 : vector<16xf32>
      %parallel_loop3A_403 = arith.constant 7 : i32
      %parallel_loop3A_404 = vector.broadcast %parallel_loop3A_403 : i32 to vector<16xi32>
      %parallel_loop3A_405 = arith.addi %parallel_loop3A_254, %parallel_loop3A_404 : vector<16xi32>
      %parallel_loop3A_406 = arith.constant 1 : i32
      %parallel_loop3A_407 = arith.constant 0 : i32
      %parallel_loop3A_408 = arith.constant 0 : i32
      %parallel_loop3A_409 = tpu.memref_slice %arg10[%parallel_loop3A_406, %parallel_loop3A_407, %parallel_loop3A_408] : memref<2x128x128xf32, #tpu.memory_space<vmem>> -> memref<1x128x128xf32, #tpu.memory_space<vmem>>
      %parallel_loop3A_410 = tpu.memref_squeeze %parallel_loop3A_409 : memref<1x128x128xf32, #tpu.memory_space<vmem>> -> memref<128x128xf32, #tpu.memory_space<vmem>>
      %parallel_loop3A_411 = tpu.vector_load_idx %parallel_loop3A_410[%parallel_loop3A_244, %parallel_loop3A_405] : memref<128x128xf32, #tpu.memory_space<vmem>>[vector<16xi32>, vector<16xi32>], vector<16xf32>,
      %parallel_loop3A_412 = arith.constant 7 : i32
      %parallel_loop3A_413 = vector.broadcast %parallel_loop3A_412 : i32 to vector<16xi32>
      %parallel_loop3A_414 = arith.addi %parallel_loop3A_260, %parallel_loop3A_413 : vector<16xi32>
      %parallel_loop3A_415 = arith.constant 1 : i32
      %parallel_loop3A_416 = arith.constant 0 : i32
      %parallel_loop3A_417 = arith.constant 0 : i32
      %parallel_loop3A_418 = tpu.memref_slice %arg11[%parallel_loop3A_415, %parallel_loop3A_416, %parallel_loop3A_417] : memref<2x128x128xf32, #tpu.memory_space<vmem>> -> memref<1x128x128xf32, #tpu.memory_space<vmem>>
      %parallel_loop3A_419 = tpu.memref_squeeze %parallel_loop3A_418 : memref<1x128x128xf32, #tpu.memory_space<vmem>> -> memref<128x128xf32, #tpu.memory_space<vmem>>
      %parallel_loop3A_420 = tpu.vector_load_idx %parallel_loop3A_419[%parallel_loop3A_244, %parallel_loop3A_414] : memref<128x128xf32, #tpu.memory_space<vmem>>[vector<16xi32>, vector<16xi32>], vector<16xf32>,
      %parallel_loop3A_421 = arith.mulf %parallel_loop3A_411, %parallel_loop3A_420 : vector<16xf32>
      %parallel_loop3A_422 = arith.addf %parallel_loop3A_402, %parallel_loop3A_421 : vector<16xf32>
      %parallel_loop3A_423 = arith.constant 8 : i32
      %parallel_loop3A_424 = vector.broadcast %parallel_loop3A_423 : i32 to vector<16xi32>
      %parallel_loop3A_425 = arith.addi %parallel_loop3A_254, %parallel_loop3A_424 : vector<16xi32>
      %parallel_loop3A_426 = arith.constant 1 : i32
      %parallel_loop3A_427 = arith.constant 0 : i32
      %parallel_loop3A_428 = arith.constant 0 : i32
      %parallel_loop3A_429 = tpu.memref_slice %arg10[%parallel_loop3A_426, %parallel_loop3A_427, %parallel_loop3A_428] : memref<2x128x128xf32, #tpu.memory_space<vmem>> -> memref<1x128x128xf32, #tpu.memory_space<vmem>>
      %parallel_loop3A_430 = tpu.memref_squeeze %parallel_loop3A_429 : memref<1x128x128xf32, #tpu.memory_space<vmem>> -> memref<128x128xf32, #tpu.memory_space<vmem>>
      %parallel_loop3A_431 = tpu.vector_load_idx %parallel_loop3A_430[%parallel_loop3A_244, %parallel_loop3A_425] : memref<128x128xf32, #tpu.memory_space<vmem>>[vector<16xi32>, vector<16xi32>], vector<16xf32>,
      %parallel_loop3A_432 = arith.constant 8 : i32
      %parallel_loop3A_433 = vector.broadcast %parallel_loop3A_432 : i32 to vector<16xi32>
      %parallel_loop3A_434 = arith.addi %parallel_loop3A_260, %parallel_loop3A_433 : vector<16xi32>
      %parallel_loop3A_435 = arith.constant 1 : i32
      %parallel_loop3A_436 = arith.constant 0 : i32
      %parallel_loop3A_437 = arith.constant 0 : i32
      %parallel_loop3A_438 = tpu.memref_slice %arg11[%parallel_loop3A_435, %parallel_loop3A_436, %parallel_loop3A_437] : memref<2x128x128xf32, #tpu.memory_space<vmem>> -> memref<1x128x128xf32, #tpu.memory_space<vmem>>
      %parallel_loop3A_439 = tpu.memref_squeeze %parallel_loop3A_438 : memref<1x128x128xf32, #tpu.memory_space<vmem>> -> memref<128x128xf32, #tpu.memory_space<vmem>>
      %parallel_loop3A_440 = tpu.vector_load_idx %parallel_loop3A_439[%parallel_loop3A_244, %parallel_loop3A_434] : memref<128x128xf32, #tpu.memory_space<vmem>>[vector<16xi32>, vector<16xi32>], vector<16xf32>,
      %parallel_loop3A_441 = arith.mulf %parallel_loop3A_431, %parallel_loop3A_440 : vector<16xf32>
      %parallel_loop3A_442 = arith.addf %parallel_loop3A_422, %parallel_loop3A_441 : vector<16xf32>
      %parallel_loop3A_443 = arith.constant 9 : i32
      %parallel_loop3A_444 = vector.broadcast %parallel_loop3A_443 : i32 to vector<16xi32>
      %parallel_loop3A_445 = arith.addi %parallel_loop3A_254, %parallel_loop3A_444 : vector<16xi32>
      %parallel_loop3A_446 = arith.constant 1 : i32
      %parallel_loop3A_447 = arith.constant 0 : i32
      %parallel_loop3A_448 = arith.constant 0 : i32
      %parallel_loop3A_449 = tpu.memref_slice %arg10[%parallel_loop3A_446, %parallel_loop3A_447, %parallel_loop3A_448] : memref<2x128x128xf32, #tpu.memory_space<vmem>> -> memref<1x128x128xf32, #tpu.memory_space<vmem>>
      %parallel_loop3A_450 = tpu.memref_squeeze %parallel_loop3A_449 : memref<1x128x128xf32, #tpu.memory_space<vmem>> -> memref<128x128xf32, #tpu.memory_space<vmem>>
      %parallel_loop3A_451 = tpu.vector_load_idx %parallel_loop3A_450[%parallel_loop3A_244, %parallel_loop3A_445] : memref<128x128xf32, #tpu.memory_space<vmem>>[vector<16xi32>, vector<16xi32>], vector<16xf32>,
      %parallel_loop3A_452 = arith.constant 9 : i32
      %parallel_loop3A_453 = vector.broadcast %parallel_loop3A_452 : i32 to vector<16xi32>
      %parallel_loop3A_454 = arith.addi %parallel_loop3A_260, %parallel_loop3A_453 : vector<16xi32>
      %parallel_loop3A_455 = arith.constant 1 : i32
      %parallel_loop3A_456 = arith.constant 0 : i32
      %parallel_loop3A_457 = arith.constant 0 : i32
      %parallel_loop3A_458 = tpu.memref_slice %arg11[%parallel_loop3A_455, %parallel_loop3A_456, %parallel_loop3A_457] : memref<2x128x128xf32, #tpu.memory_space<vmem>> -> memref<1x128x128xf32, #tpu.memory_space<vmem>>
      %parallel_loop3A_459 = tpu.memref_squeeze %parallel_loop3A_458 : memref<1x128x128xf32, #tpu.memory_space<vmem>> -> memref<128x128xf32, #tpu.memory_space<vmem>>
      %parallel_loop3A_460 = tpu.vector_load_idx %parallel_loop3A_459[%parallel_loop3A_244, %parallel_loop3A_454] : memref<128x128xf32, #tpu.memory_space<vmem>>[vector<16xi32>, vector<16xi32>], vector<16xf32>,
      %parallel_loop3A_461 = arith.mulf %parallel_loop3A_451, %parallel_loop3A_460 : vector<16xf32>
      %parallel_loop3A_462 = arith.addf %parallel_loop3A_442, %parallel_loop3A_461 : vector<16xf32>
      %parallel_loop3A_463 = arith.constant 10 : i32
      %parallel_loop3A_464 = vector.broadcast %parallel_loop3A_463 : i32 to vector<16xi32>
      %parallel_loop3A_465 = arith.addi %parallel_loop3A_254, %parallel_loop3A_464 : vector<16xi32>
      %parallel_loop3A_466 = arith.constant 1 : i32
      %parallel_loop3A_467 = arith.constant 0 : i32
      %parallel_loop3A_468 = arith.constant 0 : i32
      %parallel_loop3A_469 = tpu.memref_slice %arg10[%parallel_loop3A_466, %parallel_loop3A_467, %parallel_loop3A_468] : memref<2x128x128xf32, #tpu.memory_space<vmem>> -> memref<1x128x128xf32, #tpu.memory_space<vmem>>
      %parallel_loop3A_470 = tpu.memref_squeeze %parallel_loop3A_469 : memref<1x128x128xf32, #tpu.memory_space<vmem>> -> memref<128x128xf32, #tpu.memory_space<vmem>>
      %parallel_loop3A_471 = tpu.vector_load_idx %parallel_loop3A_470[%parallel_loop3A_244, %parallel_loop3A_465] : memref<128x128xf32, #tpu.memory_space<vmem>>[vector<16xi32>, vector<16xi32>], vector<16xf32>,
      %parallel_loop3A_472 = arith.constant 10 : i32
      %parallel_loop3A_473 = vector.broadcast %parallel_loop3A_472 : i32 to vector<16xi32>
      %parallel_loop3A_474 = arith.addi %parallel_loop3A_260, %parallel_loop3A_473 : vector<16xi32>
      %parallel_loop3A_475 = arith.constant 1 : i32
      %parallel_loop3A_476 = arith.constant 0 : i32
      %parallel_loop3A_477 = arith.constant 0 : i32
      %parallel_loop3A_478 = tpu.memref_slice %arg11[%parallel_loop3A_475, %parallel_loop3A_476, %parallel_loop3A_477] : memref<2x128x128xf32, #tpu.memory_space<vmem>> -> memref<1x128x128xf32, #tpu.memory_space<vmem>>
      %parallel_loop3A_479 = tpu.memref_squeeze %parallel_loop3A_478 : memref<1x128x128xf32, #tpu.memory_space<vmem>> -> memref<128x128xf32, #tpu.memory_space<vmem>>
      %parallel_loop3A_480 = tpu.vector_load_idx %parallel_loop3A_479[%parallel_loop3A_244, %parallel_loop3A_474] : memref<128x128xf32, #tpu.memory_space<vmem>>[vector<16xi32>, vector<16xi32>], vector<16xf32>,
      %parallel_loop3A_481 = arith.mulf %parallel_loop3A_471, %parallel_loop3A_480 : vector<16xf32>
      %parallel_loop3A_482 = arith.addf %parallel_loop3A_462, %parallel_loop3A_481 : vector<16xf32>
      %parallel_loop3A_483 = arith.constant 11 : i32
      %parallel_loop3A_484 = vector.broadcast %parallel_loop3A_483 : i32 to vector<16xi32>
      %parallel_loop3A_485 = arith.addi %parallel_loop3A_254, %parallel_loop3A_484 : vector<16xi32>
      %parallel_loop3A_486 = arith.constant 1 : i32
      %parallel_loop3A_487 = arith.constant 0 : i32
      %parallel_loop3A_488 = arith.constant 0 : i32
      %parallel_loop3A_489 = tpu.memref_slice %arg10[%parallel_loop3A_486, %parallel_loop3A_487, %parallel_loop3A_488] : memref<2x128x128xf32, #tpu.memory_space<vmem>> -> memref<1x128x128xf32, #tpu.memory_space<vmem>>
      %parallel_loop3A_490 = tpu.memref_squeeze %parallel_loop3A_489 : memref<1x128x128xf32, #tpu.memory_space<vmem>> -> memref<128x128xf32, #tpu.memory_space<vmem>>
      %parallel_loop3A_491 = tpu.vector_load_idx %parallel_loop3A_490[%parallel_loop3A_244, %parallel_loop3A_485] : memref<128x128xf32, #tpu.memory_space<vmem>>[vector<16xi32>, vector<16xi32>], vector<16xf32>,
      %parallel_loop3A_492 = arith.constant 11 : i32
      %parallel_loop3A_493 = vector.broadcast %parallel_loop3A_492 : i32 to vector<16xi32>
      %parallel_loop3A_494 = arith.addi %parallel_loop3A_260, %parallel_loop3A_493 : vector<16xi32>
      %parallel_loop3A_495 = arith.constant 1 : i32
      %parallel_loop3A_496 = arith.constant 0 : i32
      %parallel_loop3A_497 = arith.constant 0 : i32
      %parallel_loop3A_498 = tpu.memref_slice %arg11[%parallel_loop3A_495, %parallel_loop3A_496, %parallel_loop3A_497] : memref<2x128x128xf32, #tpu.memory_space<vmem>> -> memref<1x128x128xf32, #tpu.memory_space<vmem>>
      %parallel_loop3A_499 = tpu.memref_squeeze %parallel_loop3A_498 : memref<1x128x128xf32, #tpu.memory_space<vmem>> -> memref<128x128xf32, #tpu.memory_space<vmem>>
      %parallel_loop3A_500 = tpu.vector_load_idx %parallel_loop3A_499[%parallel_loop3A_244, %parallel_loop3A_494] : memref<128x128xf32, #tpu.memory_space<vmem>>[vector<16xi32>, vector<16xi32>], vector<16xf32>,
      %parallel_loop3A_501 = arith.mulf %parallel_loop3A_491, %parallel_loop3A_500 : vector<16xf32>
      %parallel_loop3A_502 = arith.addf %parallel_loop3A_482, %parallel_loop3A_501 : vector<16xf32>
      %parallel_loop3A_503 = arith.constant 12 : i32
      %parallel_loop3A_504 = vector.broadcast %parallel_loop3A_503 : i32 to vector<16xi32>
      %parallel_loop3A_505 = arith.addi %parallel_loop3A_254, %parallel_loop3A_504 : vector<16xi32>
      %parallel_loop3A_506 = arith.constant 1 : i32
      %parallel_loop3A_507 = arith.constant 0 : i32
      %parallel_loop3A_508 = arith.constant 0 : i32
      %parallel_loop3A_509 = tpu.memref_slice %arg10[%parallel_loop3A_506, %parallel_loop3A_507, %parallel_loop3A_508] : memref<2x128x128xf32, #tpu.memory_space<vmem>> -> memref<1x128x128xf32, #tpu.memory_space<vmem>>
      %parallel_loop3A_510 = tpu.memref_squeeze %parallel_loop3A_509 : memref<1x128x128xf32, #tpu.memory_space<vmem>> -> memref<128x128xf32, #tpu.memory_space<vmem>>
      %parallel_loop3A_511 = tpu.vector_load_idx %parallel_loop3A_510[%parallel_loop3A_244, %parallel_loop3A_505] : memref<128x128xf32, #tpu.memory_space<vmem>>[vector<16xi32>, vector<16xi32>], vector<16xf32>,
      %parallel_loop3A_512 = arith.constant 12 : i32
      %parallel_loop3A_513 = vector.broadcast %parallel_loop3A_512 : i32 to vector<16xi32>
      %parallel_loop3A_514 = arith.addi %parallel_loop3A_260, %parallel_loop3A_513 : vector<16xi32>
      %parallel_loop3A_515 = arith.constant 1 : i32
      %parallel_loop3A_516 = arith.constant 0 : i32
      %parallel_loop3A_517 = arith.constant 0 : i32
      %parallel_loop3A_518 = tpu.memref_slice %arg11[%parallel_loop3A_515, %parallel_loop3A_516, %parallel_loop3A_517] : memref<2x128x128xf32, #tpu.memory_space<vmem>> -> memref<1x128x128xf32, #tpu.memory_space<vmem>>
      %parallel_loop3A_519 = tpu.memref_squeeze %parallel_loop3A_518 : memref<1x128x128xf32, #tpu.memory_space<vmem>> -> memref<128x128xf32, #tpu.memory_space<vmem>>
      %parallel_loop3A_520 = tpu.vector_load_idx %parallel_loop3A_519[%parallel_loop3A_244, %parallel_loop3A_514] : memref<128x128xf32, #tpu.memory_space<vmem>>[vector<16xi32>, vector<16xi32>], vector<16xf32>,
      %parallel_loop3A_521 = arith.mulf %parallel_loop3A_511, %parallel_loop3A_520 : vector<16xf32>
      %parallel_loop3A_522 = arith.addf %parallel_loop3A_502, %parallel_loop3A_521 : vector<16xf32>
      %parallel_loop3A_523 = arith.constant 13 : i32
      %parallel_loop3A_524 = vector.broadcast %parallel_loop3A_523 : i32 to vector<16xi32>
      %parallel_loop3A_525 = arith.addi %parallel_loop3A_254, %parallel_loop3A_524 : vector<16xi32>
      %parallel_loop3A_526 = arith.constant 1 : i32
      %parallel_loop3A_527 = arith.constant 0 : i32
      %parallel_loop3A_528 = arith.constant 0 : i32
      %parallel_loop3A_529 = tpu.memref_slice %arg10[%parallel_loop3A_526, %parallel_loop3A_527, %parallel_loop3A_528] : memref<2x128x128xf32, #tpu.memory_space<vmem>> -> memref<1x128x128xf32, #tpu.memory_space<vmem>>
      %parallel_loop3A_530 = tpu.memref_squeeze %parallel_loop3A_529 : memref<1x128x128xf32, #tpu.memory_space<vmem>> -> memref<128x128xf32, #tpu.memory_space<vmem>>
      %parallel_loop3A_531 = tpu.vector_load_idx %parallel_loop3A_530[%parallel_loop3A_244, %parallel_loop3A_525] : memref<128x128xf32, #tpu.memory_space<vmem>>[vector<16xi32>, vector<16xi32>], vector<16xf32>,
      %parallel_loop3A_532 = arith.constant 13 : i32
      %parallel_loop3A_533 = vector.broadcast %parallel_loop3A_532 : i32 to vector<16xi32>
      %parallel_loop3A_534 = arith.addi %parallel_loop3A_260, %parallel_loop3A_533 : vector<16xi32>
      %parallel_loop3A_535 = arith.constant 1 : i32
      %parallel_loop3A_536 = arith.constant 0 : i32
      %parallel_loop3A_537 = arith.constant 0 : i32
      %parallel_loop3A_538 = tpu.memref_slice %arg11[%parallel_loop3A_535, %parallel_loop3A_536, %parallel_loop3A_537] : memref<2x128x128xf32, #tpu.memory_space<vmem>> -> memref<1x128x128xf32, #tpu.memory_space<vmem>>
      %parallel_loop3A_539 = tpu.memref_squeeze %parallel_loop3A_538 : memref<1x128x128xf32, #tpu.memory_space<vmem>> -> memref<128x128xf32, #tpu.memory_space<vmem>>
      %parallel_loop3A_540 = tpu.vector_load_idx %parallel_loop3A_539[%parallel_loop3A_244, %parallel_loop3A_534] : memref<128x128xf32, #tpu.memory_space<vmem>>[vector<16xi32>, vector<16xi32>], vector<16xf32>,
      %parallel_loop3A_541 = arith.mulf %parallel_loop3A_531, %parallel_loop3A_540 : vector<16xf32>
      %parallel_loop3A_542 = arith.addf %parallel_loop3A_522, %parallel_loop3A_541 : vector<16xf32>
      %parallel_loop3A_543 = arith.constant 14 : i32
      %parallel_loop3A_544 = vector.broadcast %parallel_loop3A_543 : i32 to vector<16xi32>
      %parallel_loop3A_545 = arith.addi %parallel_loop3A_254, %parallel_loop3A_544 : vector<16xi32>
      %parallel_loop3A_546 = arith.constant 1 : i32
      %parallel_loop3A_547 = arith.constant 0 : i32
      %parallel_loop3A_548 = arith.constant 0 : i32
      %parallel_loop3A_549 = tpu.memref_slice %arg10[%parallel_loop3A_546, %parallel_loop3A_547, %parallel_loop3A_548] : memref<2x128x128xf32, #tpu.memory_space<vmem>> -> memref<1x128x128xf32, #tpu.memory_space<vmem>>
      %parallel_loop3A_550 = tpu.memref_squeeze %parallel_loop3A_549 : memref<1x128x128xf32, #tpu.memory_space<vmem>> -> memref<128x128xf32, #tpu.memory_space<vmem>>
      %parallel_loop3A_551 = tpu.vector_load_idx %parallel_loop3A_550[%parallel_loop3A_244, %parallel_loop3A_545] : memref<128x128xf32, #tpu.memory_space<vmem>>[vector<16xi32>, vector<16xi32>], vector<16xf32>,
      %parallel_loop3A_552 = arith.constant 14 : i32
      %parallel_loop3A_553 = vector.broadcast %parallel_loop3A_552 : i32 to vector<16xi32>
      %parallel_loop3A_554 = arith.addi %parallel_loop3A_260, %parallel_loop3A_553 : vector<16xi32>
      %parallel_loop3A_555 = arith.constant 1 : i32
      %parallel_loop3A_556 = arith.constant 0 : i32
      %parallel_loop3A_557 = arith.constant 0 : i32
      %parallel_loop3A_558 = tpu.memref_slice %arg11[%parallel_loop3A_555, %parallel_loop3A_556, %parallel_loop3A_557] : memref<2x128x128xf32, #tpu.memory_space<vmem>> -> memref<1x128x128xf32, #tpu.memory_space<vmem>>
      %parallel_loop3A_559 = tpu.memref_squeeze %parallel_loop3A_558 : memref<1x128x128xf32, #tpu.memory_space<vmem>> -> memref<128x128xf32, #tpu.memory_space<vmem>>
      %parallel_loop3A_560 = tpu.vector_load_idx %parallel_loop3A_559[%parallel_loop3A_244, %parallel_loop3A_554] : memref<128x128xf32, #tpu.memory_space<vmem>>[vector<16xi32>, vector<16xi32>], vector<16xf32>,
      %parallel_loop3A_561 = arith.mulf %parallel_loop3A_551, %parallel_loop3A_560 : vector<16xf32>
      %parallel_loop3A_562 = arith.addf %parallel_loop3A_542, %parallel_loop3A_561 : vector<16xf32>
      %parallel_loop3A_563 = arith.constant 15 : i32
      %parallel_loop3A_564 = vector.broadcast %parallel_loop3A_563 : i32 to vector<16xi32>
      %parallel_loop3A_565 = arith.addi %parallel_loop3A_254, %parallel_loop3A_564 : vector<16xi32>
      %parallel_loop3A_566 = arith.constant 1 : i32
      %parallel_loop3A_567 = arith.constant 0 : i32
      %parallel_loop3A_568 = arith.constant 0 : i32
      %parallel_loop3A_569 = tpu.memref_slice %arg10[%parallel_loop3A_566, %parallel_loop3A_567, %parallel_loop3A_568] : memref<2x128x128xf32, #tpu.memory_space<vmem>> -> memref<1x128x128xf32, #tpu.memory_space<vmem>>
      %parallel_loop3A_570 = tpu.memref_squeeze %parallel_loop3A_569 : memref<1x128x128xf32, #tpu.memory_space<vmem>> -> memref<128x128xf32, #tpu.memory_space<vmem>>
      %parallel_loop3A_571 = tpu.vector_load_idx %parallel_loop3A_570[%parallel_loop3A_244, %parallel_loop3A_565] : memref<128x128xf32, #tpu.memory_space<vmem>>[vector<16xi32>, vector<16xi32>], vector<16xf32>,
      %parallel_loop3A_572 = arith.constant 15 : i32
      %parallel_loop3A_573 = vector.broadcast %parallel_loop3A_572 : i32 to vector<16xi32>
      %parallel_loop3A_574 = arith.addi %parallel_loop3A_260, %parallel_loop3A_573 : vector<16xi32>
      %parallel_loop3A_575 = arith.constant 1 : i32
      %parallel_loop3A_576 = arith.constant 0 : i32
      %parallel_loop3A_577 = arith.constant 0 : i32
      %parallel_loop3A_578 = tpu.memref_slice %arg11[%parallel_loop3A_575, %parallel_loop3A_576, %parallel_loop3A_577] : memref<2x128x128xf32, #tpu.memory_space<vmem>> -> memref<1x128x128xf32, #tpu.memory_space<vmem>>
      %parallel_loop3A_579 = tpu.memref_squeeze %parallel_loop3A_578 : memref<1x128x128xf32, #tpu.memory_space<vmem>> -> memref<128x128xf32, #tpu.memory_space<vmem>>
      %parallel_loop3A_580 = tpu.vector_load_idx %parallel_loop3A_579[%parallel_loop3A_244, %parallel_loop3A_574] : memref<128x128xf32, #tpu.memory_space<vmem>>[vector<16xi32>, vector<16xi32>], vector<16xf32>,
      %parallel_loop3A_581 = arith.mulf %parallel_loop3A_571, %parallel_loop3A_580 : vector<16xf32>
      %parallel_loop3A_582 = arith.addf %parallel_loop3A_562, %parallel_loop3A_581 : vector<16xf32>
      %parallel_loop3A_583 = arith.constant 16 : i32
      %parallel_loop3A_584 = vector.broadcast %parallel_loop3A_583 : i32 to vector<16xi32>
      %parallel_loop3A_585 = arith.addi %parallel_loop3A_254, %parallel_loop3A_584 : vector<16xi32>
      %parallel_loop3A_586 = arith.constant 1 : i32
      %parallel_loop3A_587 = arith.constant 0 : i32
      %parallel_loop3A_588 = arith.constant 0 : i32
      %parallel_loop3A_589 = tpu.memref_slice %arg10[%parallel_loop3A_586, %parallel_loop3A_587, %parallel_loop3A_588] : memref<2x128x128xf32, #tpu.memory_space<vmem>> -> memref<1x128x128xf32, #tpu.memory_space<vmem>>
      %parallel_loop3A_590 = tpu.memref_squeeze %parallel_loop3A_589 : memref<1x128x128xf32, #tpu.memory_space<vmem>> -> memref<128x128xf32, #tpu.memory_space<vmem>>
      %parallel_loop3A_591 = tpu.vector_load_idx %parallel_loop3A_590[%parallel_loop3A_244, %parallel_loop3A_585] : memref<128x128xf32, #tpu.memory_space<vmem>>[vector<16xi32>, vector<16xi32>], vector<16xf32>,
      %parallel_loop3A_592 = arith.constant 16 : i32
      %parallel_loop3A_593 = vector.broadcast %parallel_loop3A_592 : i32 to vector<16xi32>
      %parallel_loop3A_594 = arith.addi %parallel_loop3A_260, %parallel_loop3A_593 : vector<16xi32>
      %parallel_loop3A_595 = arith.constant 1 : i32
      %parallel_loop3A_596 = arith.constant 0 : i32
      %parallel_loop3A_597 = arith.constant 0 : i32
      %parallel_loop3A_598 = tpu.memref_slice %arg11[%parallel_loop3A_595, %parallel_loop3A_596, %parallel_loop3A_597] : memref<2x128x128xf32, #tpu.memory_space<vmem>> -> memref<1x128x128xf32, #tpu.memory_space<vmem>>
      %parallel_loop3A_599 = tpu.memref_squeeze %parallel_loop3A_598 : memref<1x128x128xf32, #tpu.memory_space<vmem>> -> memref<128x128xf32, #tpu.memory_space<vmem>>
      %parallel_loop3A_600 = tpu.vector_load_idx %parallel_loop3A_599[%parallel_loop3A_244, %parallel_loop3A_594] : memref<128x128xf32, #tpu.memory_space<vmem>>[vector<16xi32>, vector<16xi32>], vector<16xf32>,
      %parallel_loop3A_601 = arith.mulf %parallel_loop3A_591, %parallel_loop3A_600 : vector<16xf32>
      %parallel_loop3A_602 = arith.addf %parallel_loop3A_582, %parallel_loop3A_601 : vector<16xf32>
      %parallel_loop3A_603 = arith.constant 17 : i32
      %parallel_loop3A_604 = vector.broadcast %parallel_loop3A_603 : i32 to vector<16xi32>
      %parallel_loop3A_605 = arith.addi %parallel_loop3A_254, %parallel_loop3A_604 : vector<16xi32>
      %parallel_loop3A_606 = arith.constant 1 : i32
      %parallel_loop3A_607 = arith.constant 0 : i32
      %parallel_loop3A_608 = arith.constant 0 : i32
      %parallel_loop3A_609 = tpu.memref_slice %arg10[%parallel_loop3A_606, %parallel_loop3A_607, %parallel_loop3A_608] : memref<2x128x128xf32, #tpu.memory_space<vmem>> -> memref<1x128x128xf32, #tpu.memory_space<vmem>>
      %parallel_loop3A_610 = tpu.memref_squeeze %parallel_loop3A_609 : memref<1x128x128xf32, #tpu.memory_space<vmem>> -> memref<128x128xf32, #tpu.memory_space<vmem>>
      %parallel_loop3A_611 = tpu.vector_load_idx %parallel_loop3A_610[%parallel_loop3A_244, %parallel_loop3A_605] : memref<128x128xf32, #tpu.memory_space<vmem>>[vector<16xi32>, vector<16xi32>], vector<16xf32>,
      %parallel_loop3A_612 = arith.constant 17 : i32
      %parallel_loop3A_613 = vector.broadcast %parallel_loop3A_612 : i32 to vector<16xi32>
      %parallel_loop3A_614 = arith.addi %parallel_loop3A_260, %parallel_loop3A_613 : vector<16xi32>
      %parallel_loop3A_615 = arith.constant 1 : i32
      %parallel_loop3A_616 = arith.constant 0 : i32
      %parallel_loop3A_617 = arith.constant 0 : i32
      %parallel_loop3A_618 = tpu.memref_slice %arg11[%parallel_loop3A_615, %parallel_loop3A_616, %parallel_loop3A_617] : memref<2x128x128xf32, #tpu.memory_space<vmem>> -> memref<1x128x128xf32, #tpu.memory_space<vmem>>
      %parallel_loop3A_619 = tpu.memref_squeeze %parallel_loop3A_618 : memref<1x128x128xf32, #tpu.memory_space<vmem>> -> memref<128x128xf32, #tpu.memory_space<vmem>>
      %parallel_loop3A_620 = tpu.vector_load_idx %parallel_loop3A_619[%parallel_loop3A_244, %parallel_loop3A_614] : memref<128x128xf32, #tpu.memory_space<vmem>>[vector<16xi32>, vector<16xi32>], vector<16xf32>,
      %parallel_loop3A_621 = arith.mulf %parallel_loop3A_611, %parallel_loop3A_620 : vector<16xf32>
      %parallel_loop3A_622 = arith.addf %parallel_loop3A_602, %parallel_loop3A_621 : vector<16xf32>
      %parallel_loop3A_623 = arith.constant 18 : i32
      %parallel_loop3A_624 = vector.broadcast %parallel_loop3A_623 : i32 to vector<16xi32>
      %parallel_loop3A_625 = arith.addi %parallel_loop3A_254, %parallel_loop3A_624 : vector<16xi32>
      %parallel_loop3A_626 = arith.constant 1 : i32
      %parallel_loop3A_627 = arith.constant 0 : i32
      %parallel_loop3A_628 = arith.constant 0 : i32
      %parallel_loop3A_629 = tpu.memref_slice %arg10[%parallel_loop3A_626, %parallel_loop3A_627, %parallel_loop3A_628] : memref<2x128x128xf32, #tpu.memory_space<vmem>> -> memref<1x128x128xf32, #tpu.memory_space<vmem>>
      %parallel_loop3A_630 = tpu.memref_squeeze %parallel_loop3A_629 : memref<1x128x128xf32, #tpu.memory_space<vmem>> -> memref<128x128xf32, #tpu.memory_space<vmem>>
      %parallel_loop3A_631 = tpu.vector_load_idx %parallel_loop3A_630[%parallel_loop3A_244, %parallel_loop3A_625] : memref<128x128xf32, #tpu.memory_space<vmem>>[vector<16xi32>, vector<16xi32>], vector<16xf32>,
      %parallel_loop3A_632 = arith.constant 18 : i32
      %parallel_loop3A_633 = vector.broadcast %parallel_loop3A_632 : i32 to vector<16xi32>
      %parallel_loop3A_634 = arith.addi %parallel_loop3A_260, %parallel_loop3A_633 : vector<16xi32>
      %parallel_loop3A_635 = arith.constant 1 : i32
      %parallel_loop3A_636 = arith.constant 0 : i32
      %parallel_loop3A_637 = arith.constant 0 : i32
      %parallel_loop3A_638 = tpu.memref_slice %arg11[%parallel_loop3A_635, %parallel_loop3A_636, %parallel_loop3A_637] : memref<2x128x128xf32, #tpu.memory_space<vmem>> -> memref<1x128x128xf32, #tpu.memory_space<vmem>>
      %parallel_loop3A_639 = tpu.memref_squeeze %parallel_loop3A_638 : memref<1x128x128xf32, #tpu.memory_space<vmem>> -> memref<128x128xf32, #tpu.memory_space<vmem>>
      %parallel_loop3A_640 = tpu.vector_load_idx %parallel_loop3A_639[%parallel_loop3A_244, %parallel_loop3A_634] : memref<128x128xf32, #tpu.memory_space<vmem>>[vector<16xi32>, vector<16xi32>], vector<16xf32>,
      %parallel_loop3A_641 = arith.mulf %parallel_loop3A_631, %parallel_loop3A_640 : vector<16xf32>
      %parallel_loop3A_642 = arith.addf %parallel_loop3A_622, %parallel_loop3A_641 : vector<16xf32>
      %parallel_loop3A_643 = arith.constant 19 : i32
      %parallel_loop3A_644 = vector.broadcast %parallel_loop3A_643 : i32 to vector<16xi32>
      %parallel_loop3A_645 = arith.addi %parallel_loop3A_254, %parallel_loop3A_644 : vector<16xi32>
      %parallel_loop3A_646 = arith.constant 1 : i32
      %parallel_loop3A_647 = arith.constant 0 : i32
      %parallel_loop3A_648 = arith.constant 0 : i32
      %parallel_loop3A_649 = tpu.memref_slice %arg10[%parallel_loop3A_646, %parallel_loop3A_647, %parallel_loop3A_648] : memref<2x128x128xf32, #tpu.memory_space<vmem>> -> memref<1x128x128xf32, #tpu.memory_space<vmem>>
      %parallel_loop3A_650 = tpu.memref_squeeze %parallel_loop3A_649 : memref<1x128x128xf32, #tpu.memory_space<vmem>> -> memref<128x128xf32, #tpu.memory_space<vmem>>
      %parallel_loop3A_651 = tpu.vector_load_idx %parallel_loop3A_650[%parallel_loop3A_244, %parallel_loop3A_645] : memref<128x128xf32, #tpu.memory_space<vmem>>[vector<16xi32>, vector<16xi32>], vector<16xf32>,
      %parallel_loop3A_652 = arith.constant 19 : i32
      %parallel_loop3A_653 = vector.broadcast %parallel_loop3A_652 : i32 to vector<16xi32>
      %parallel_loop3A_654 = arith.addi %parallel_loop3A_260, %parallel_loop3A_653 : vector<16xi32>
      %parallel_loop3A_655 = arith.constant 1 : i32
      %parallel_loop3A_656 = arith.constant 0 : i32
      %parallel_loop3A_657 = arith.constant 0 : i32
      %parallel_loop3A_658 = tpu.memref_slice %arg11[%parallel_loop3A_655, %parallel_loop3A_656, %parallel_loop3A_657] : memref<2x128x128xf32, #tpu.memory_space<vmem>> -> memref<1x128x128xf32, #tpu.memory_space<vmem>>
      %parallel_loop3A_659 = tpu.memref_squeeze %parallel_loop3A_658 : memref<1x128x128xf32, #tpu.memory_space<vmem>> -> memref<128x128xf32, #tpu.memory_space<vmem>>
      %parallel_loop3A_660 = tpu.vector_load_idx %parallel_loop3A_659[%parallel_loop3A_244, %parallel_loop3A_654] : memref<128x128xf32, #tpu.memory_space<vmem>>[vector<16xi32>, vector<16xi32>], vector<16xf32>,
      %parallel_loop3A_661 = arith.mulf %parallel_loop3A_651, %parallel_loop3A_660 : vector<16xf32>
      %parallel_loop3A_662 = arith.addf %parallel_loop3A_642, %parallel_loop3A_661 : vector<16xf32>
      %parallel_loop3A_663 = arith.constant 20 : i32
      %parallel_loop3A_664 = vector.broadcast %parallel_loop3A_663 : i32 to vector<16xi32>
      %parallel_loop3A_665 = arith.addi %parallel_loop3A_254, %parallel_loop3A_664 : vector<16xi32>
      %parallel_loop3A_666 = arith.constant 1 : i32
      %parallel_loop3A_667 = arith.constant 0 : i32
      %parallel_loop3A_668 = arith.constant 0 : i32
      %parallel_loop3A_669 = tpu.memref_slice %arg10[%parallel_loop3A_666, %parallel_loop3A_667, %parallel_loop3A_668] : memref<2x128x128xf32, #tpu.memory_space<vmem>> -> memref<1x128x128xf32, #tpu.memory_space<vmem>>
      %parallel_loop3A_670 = tpu.memref_squeeze %parallel_loop3A_669 : memref<1x128x128xf32, #tpu.memory_space<vmem>> -> memref<128x128xf32, #tpu.memory_space<vmem>>
      %parallel_loop3A_671 = tpu.vector_load_idx %parallel_loop3A_670[%parallel_loop3A_244, %parallel_loop3A_665] : memref<128x128xf32, #tpu.memory_space<vmem>>[vector<16xi32>, vector<16xi32>], vector<16xf32>,
      %parallel_loop3A_672 = arith.constant 20 : i32
      %parallel_loop3A_673 = vector.broadcast %parallel_loop3A_672 : i32 to vector<16xi32>
      %parallel_loop3A_674 = arith.addi %parallel_loop3A_260, %parallel_loop3A_673 : vector<16xi32>
      %parallel_loop3A_675 = arith.constant 1 : i32
      %parallel_loop3A_676 = arith.constant 0 : i32
      %parallel_loop3A_677 = arith.constant 0 : i32
      %parallel_loop3A_678 = tpu.memref_slice %arg11[%parallel_loop3A_675, %parallel_loop3A_676, %parallel_loop3A_677] : memref<2x128x128xf32, #tpu.memory_space<vmem>> -> memref<1x128x128xf32, #tpu.memory_space<vmem>>
      %parallel_loop3A_679 = tpu.memref_squeeze %parallel_loop3A_678 : memref<1x128x128xf32, #tpu.memory_space<vmem>> -> memref<128x128xf32, #tpu.memory_space<vmem>>
      %parallel_loop3A_680 = tpu.vector_load_idx %parallel_loop3A_679[%parallel_loop3A_244, %parallel_loop3A_674] : memref<128x128xf32, #tpu.memory_space<vmem>>[vector<16xi32>, vector<16xi32>], vector<16xf32>,
      %parallel_loop3A_681 = arith.mulf %parallel_loop3A_671, %parallel_loop3A_680 : vector<16xf32>
      %parallel_loop3A_682 = arith.addf %parallel_loop3A_662, %parallel_loop3A_681 : vector<16xf32>
      %parallel_loop3A_683 = arith.constant 21 : i32
      %parallel_loop3A_684 = vector.broadcast %parallel_loop3A_683 : i32 to vector<16xi32>
      %parallel_loop3A_685 = arith.addi %parallel_loop3A_254, %parallel_loop3A_684 : vector<16xi32>
      %parallel_loop3A_686 = arith.constant 1 : i32
      %parallel_loop3A_687 = arith.constant 0 : i32
      %parallel_loop3A_688 = arith.constant 0 : i32
      %parallel_loop3A_689 = tpu.memref_slice %arg10[%parallel_loop3A_686, %parallel_loop3A_687, %parallel_loop3A_688] : memref<2x128x128xf32, #tpu.memory_space<vmem>> -> memref<1x128x128xf32, #tpu.memory_space<vmem>>
      %parallel_loop3A_690 = tpu.memref_squeeze %parallel_loop3A_689 : memref<1x128x128xf32, #tpu.memory_space<vmem>> -> memref<128x128xf32, #tpu.memory_space<vmem>>
      %parallel_loop3A_691 = tpu.vector_load_idx %parallel_loop3A_690[%parallel_loop3A_244, %parallel_loop3A_685] : memref<128x128xf32, #tpu.memory_space<vmem>>[vector<16xi32>, vector<16xi32>], vector<16xf32>,
      %parallel_loop3A_692 = arith.constant 21 : i32
      %parallel_loop3A_693 = vector.broadcast %parallel_loop3A_692 : i32 to vector<16xi32>
      %parallel_loop3A_694 = arith.addi %parallel_loop3A_260, %parallel_loop3A_693 : vector<16xi32>
      %parallel_loop3A_695 = arith.constant 1 : i32
      %parallel_loop3A_696 = arith.constant 0 : i32
      %parallel_loop3A_697 = arith.constant 0 : i32
      %parallel_loop3A_698 = tpu.memref_slice %arg11[%parallel_loop3A_695, %parallel_loop3A_696, %parallel_loop3A_697] : memref<2x128x128xf32, #tpu.memory_space<vmem>> -> memref<1x128x128xf32, #tpu.memory_space<vmem>>
      %parallel_loop3A_699 = tpu.memref_squeeze %parallel_loop3A_698 : memref<1x128x128xf32, #tpu.memory_space<vmem>> -> memref<128x128xf32, #tpu.memory_space<vmem>>
      %parallel_loop3A_700 = tpu.vector_load_idx %parallel_loop3A_699[%parallel_loop3A_244, %parallel_loop3A_694] : memref<128x128xf32, #tpu.memory_space<vmem>>[vector<16xi32>, vector<16xi32>], vector<16xf32>,
      %parallel_loop3A_701 = arith.mulf %parallel_loop3A_691, %parallel_loop3A_700 : vector<16xf32>
      %parallel_loop3A_702 = arith.addf %parallel_loop3A_682, %parallel_loop3A_701 : vector<16xf32>
      %parallel_loop3A_703 = arith.constant 22 : i32
      %parallel_loop3A_704 = vector.broadcast %parallel_loop3A_703 : i32 to vector<16xi32>
      %parallel_loop3A_705 = arith.addi %parallel_loop3A_254, %parallel_loop3A_704 : vector<16xi32>
      %parallel_loop3A_706 = arith.constant 1 : i32
      %parallel_loop3A_707 = arith.constant 0 : i32
      %parallel_loop3A_708 = arith.constant 0 : i32
      %parallel_loop3A_709 = tpu.memref_slice %arg10[%parallel_loop3A_706, %parallel_loop3A_707, %parallel_loop3A_708] : memref<2x128x128xf32, #tpu.memory_space<vmem>> -> memref<1x128x128xf32, #tpu.memory_space<vmem>>
      %parallel_loop3A_710 = tpu.memref_squeeze %parallel_loop3A_709 : memref<1x128x128xf32, #tpu.memory_space<vmem>> -> memref<128x128xf32, #tpu.memory_space<vmem>>
      %parallel_loop3A_711 = tpu.vector_load_idx %parallel_loop3A_710[%parallel_loop3A_244, %parallel_loop3A_705] : memref<128x128xf32, #tpu.memory_space<vmem>>[vector<16xi32>, vector<16xi32>], vector<16xf32>,
      %parallel_loop3A_712 = arith.constant 22 : i32
      %parallel_loop3A_713 = vector.broadcast %parallel_loop3A_712 : i32 to vector<16xi32>
      %parallel_loop3A_714 = arith.addi %parallel_loop3A_260, %parallel_loop3A_713 : vector<16xi32>
      %parallel_loop3A_715 = arith.constant 1 : i32
      %parallel_loop3A_716 = arith.constant 0 : i32
      %parallel_loop3A_717 = arith.constant 0 : i32
      %parallel_loop3A_718 = tpu.memref_slice %arg11[%parallel_loop3A_715, %parallel_loop3A_716, %parallel_loop3A_717] : memref<2x128x128xf32, #tpu.memory_space<vmem>> -> memref<1x128x128xf32, #tpu.memory_space<vmem>>
      %parallel_loop3A_719 = tpu.memref_squeeze %parallel_loop3A_718 : memref<1x128x128xf32, #tpu.memory_space<vmem>> -> memref<128x128xf32, #tpu.memory_space<vmem>>
      %parallel_loop3A_720 = tpu.vector_load_idx %parallel_loop3A_719[%parallel_loop3A_244, %parallel_loop3A_714] : memref<128x128xf32, #tpu.memory_space<vmem>>[vector<16xi32>, vector<16xi32>], vector<16xf32>,
      %parallel_loop3A_721 = arith.mulf %parallel_loop3A_711, %parallel_loop3A_720 : vector<16xf32>
      %parallel_loop3A_722 = arith.addf %parallel_loop3A_702, %parallel_loop3A_721 : vector<16xf32>
      %parallel_loop3A_723 = arith.constant 23 : i32
      %parallel_loop3A_724 = vector.broadcast %parallel_loop3A_723 : i32 to vector<16xi32>
      %parallel_loop3A_725 = arith.addi %parallel_loop3A_254, %parallel_loop3A_724 : vector<16xi32>
      %parallel_loop3A_726 = arith.constant 1 : i32
      %parallel_loop3A_727 = arith.constant 0 : i32
      %parallel_loop3A_728 = arith.constant 0 : i32
      %parallel_loop3A_729 = tpu.memref_slice %arg10[%parallel_loop3A_726, %parallel_loop3A_727, %parallel_loop3A_728] : memref<2x128x128xf32, #tpu.memory_space<vmem>> -> memref<1x128x128xf32, #tpu.memory_space<vmem>>
      %parallel_loop3A_730 = tpu.memref_squeeze %parallel_loop3A_729 : memref<1x128x128xf32, #tpu.memory_space<vmem>> -> memref<128x128xf32, #tpu.memory_space<vmem>>
      %parallel_loop3A_731 = tpu.vector_load_idx %parallel_loop3A_730[%parallel_loop3A_244, %parallel_loop3A_725] : memref<128x128xf32, #tpu.memory_space<vmem>>[vector<16xi32>, vector<16xi32>], vector<16xf32>,
      %parallel_loop3A_732 = arith.constant 23 : i32
      %parallel_loop3A_733 = vector.broadcast %parallel_loop3A_732 : i32 to vector<16xi32>
      %parallel_loop3A_734 = arith.addi %parallel_loop3A_260, %parallel_loop3A_733 : vector<16xi32>
      %parallel_loop3A_735 = arith.constant 1 : i32
      %parallel_loop3A_736 = arith.constant 0 : i32
      %parallel_loop3A_737 = arith.constant 0 : i32
      %parallel_loop3A_738 = tpu.memref_slice %arg11[%parallel_loop3A_735, %parallel_loop3A_736, %parallel_loop3A_737] : memref<2x128x128xf32, #tpu.memory_space<vmem>> -> memref<1x128x128xf32, #tpu.memory_space<vmem>>
      %parallel_loop3A_739 = tpu.memref_squeeze %parallel_loop3A_738 : memref<1x128x128xf32, #tpu.memory_space<vmem>> -> memref<128x128xf32, #tpu.memory_space<vmem>>
      %parallel_loop3A_740 = tpu.vector_load_idx %parallel_loop3A_739[%parallel_loop3A_244, %parallel_loop3A_734] : memref<128x128xf32, #tpu.memory_space<vmem>>[vector<16xi32>, vector<16xi32>], vector<16xf32>,
      %parallel_loop3A_741 = arith.mulf %parallel_loop3A_731, %parallel_loop3A_740 : vector<16xf32>
      %parallel_loop3A_742 = arith.addf %parallel_loop3A_722, %parallel_loop3A_741 : vector<16xf32>
      %parallel_loop3A_743 = arith.constant 24 : i32
      %parallel_loop3A_744 = vector.broadcast %parallel_loop3A_743 : i32 to vector<16xi32>
      %parallel_loop3A_745 = arith.addi %parallel_loop3A_254, %parallel_loop3A_744 : vector<16xi32>
      %parallel_loop3A_746 = arith.constant 1 : i32
      %parallel_loop3A_747 = arith.constant 0 : i32
      %parallel_loop3A_748 = arith.constant 0 : i32
      %parallel_loop3A_749 = tpu.memref_slice %arg10[%parallel_loop3A_746, %parallel_loop3A_747, %parallel_loop3A_748] : memref<2x128x128xf32, #tpu.memory_space<vmem>> -> memref<1x128x128xf32, #tpu.memory_space<vmem>>
      %parallel_loop3A_750 = tpu.memref_squeeze %parallel_loop3A_749 : memref<1x128x128xf32, #tpu.memory_space<vmem>> -> memref<128x128xf32, #tpu.memory_space<vmem>>
      %parallel_loop3A_751 = tpu.vector_load_idx %parallel_loop3A_750[%parallel_loop3A_244, %parallel_loop3A_745] : memref<128x128xf32, #tpu.memory_space<vmem>>[vector<16xi32>, vector<16xi32>], vector<16xf32>,
      %parallel_loop3A_752 = arith.constant 24 : i32
      %parallel_loop3A_753 = vector.broadcast %parallel_loop3A_752 : i32 to vector<16xi32>
      %parallel_loop3A_754 = arith.addi %parallel_loop3A_260, %parallel_loop3A_753 : vector<16xi32>
      %parallel_loop3A_755 = arith.constant 1 : i32
      %parallel_loop3A_756 = arith.constant 0 : i32
      %parallel_loop3A_757 = arith.constant 0 : i32
      %parallel_loop3A_758 = tpu.memref_slice %arg11[%parallel_loop3A_755, %parallel_loop3A_756, %parallel_loop3A_757] : memref<2x128x128xf32, #tpu.memory_space<vmem>> -> memref<1x128x128xf32, #tpu.memory_space<vmem>>
      %parallel_loop3A_759 = tpu.memref_squeeze %parallel_loop3A_758 : memref<1x128x128xf32, #tpu.memory_space<vmem>> -> memref<128x128xf32, #tpu.memory_space<vmem>>
      %parallel_loop3A_760 = tpu.vector_load_idx %parallel_loop3A_759[%parallel_loop3A_244, %parallel_loop3A_754] : memref<128x128xf32, #tpu.memory_space<vmem>>[vector<16xi32>, vector<16xi32>], vector<16xf32>,
      %parallel_loop3A_761 = arith.mulf %parallel_loop3A_751, %parallel_loop3A_760 : vector<16xf32>
      %parallel_loop3A_762 = arith.addf %parallel_loop3A_742, %parallel_loop3A_761 : vector<16xf32>
      %parallel_loop3A_763 = arith.constant 25 : i32
      %parallel_loop3A_764 = vector.broadcast %parallel_loop3A_763 : i32 to vector<16xi32>
      %parallel_loop3A_765 = arith.addi %parallel_loop3A_254, %parallel_loop3A_764 : vector<16xi32>
      %parallel_loop3A_766 = arith.constant 1 : i32
      %parallel_loop3A_767 = arith.constant 0 : i32
      %parallel_loop3A_768 = arith.constant 0 : i32
      %parallel_loop3A_769 = tpu.memref_slice %arg10[%parallel_loop3A_766, %parallel_loop3A_767, %parallel_loop3A_768] : memref<2x128x128xf32, #tpu.memory_space<vmem>> -> memref<1x128x128xf32, #tpu.memory_space<vmem>>
      %parallel_loop3A_770 = tpu.memref_squeeze %parallel_loop3A_769 : memref<1x128x128xf32, #tpu.memory_space<vmem>> -> memref<128x128xf32, #tpu.memory_space<vmem>>
      %parallel_loop3A_771 = tpu.vector_load_idx %parallel_loop3A_770[%parallel_loop3A_244, %parallel_loop3A_765] : memref<128x128xf32, #tpu.memory_space<vmem>>[vector<16xi32>, vector<16xi32>], vector<16xf32>,
      %parallel_loop3A_772 = arith.constant 25 : i32
      %parallel_loop3A_773 = vector.broadcast %parallel_loop3A_772 : i32 to vector<16xi32>
      %parallel_loop3A_774 = arith.addi %parallel_loop3A_260, %parallel_loop3A_773 : vector<16xi32>
      %parallel_loop3A_775 = arith.constant 1 : i32
      %parallel_loop3A_776 = arith.constant 0 : i32
      %parallel_loop3A_777 = arith.constant 0 : i32
      %parallel_loop3A_778 = tpu.memref_slice %arg11[%parallel_loop3A_775, %parallel_loop3A_776, %parallel_loop3A_777] : memref<2x128x128xf32, #tpu.memory_space<vmem>> -> memref<1x128x128xf32, #tpu.memory_space<vmem>>
      %parallel_loop3A_779 = tpu.memref_squeeze %parallel_loop3A_778 : memref<1x128x128xf32, #tpu.memory_space<vmem>> -> memref<128x128xf32, #tpu.memory_space<vmem>>
      %parallel_loop3A_780 = tpu.vector_load_idx %parallel_loop3A_779[%parallel_loop3A_244, %parallel_loop3A_774] : memref<128x128xf32, #tpu.memory_space<vmem>>[vector<16xi32>, vector<16xi32>], vector<16xf32>,
      %parallel_loop3A_781 = arith.mulf %parallel_loop3A_771, %parallel_loop3A_780 : vector<16xf32>
      %parallel_loop3A_782 = arith.addf %parallel_loop3A_762, %parallel_loop3A_781 : vector<16xf32>
      %parallel_loop3A_783 = arith.constant 26 : i32
      %parallel_loop3A_784 = vector.broadcast %parallel_loop3A_783 : i32 to vector<16xi32>
      %parallel_loop3A_785 = arith.addi %parallel_loop3A_254, %parallel_loop3A_784 : vector<16xi32>
      %parallel_loop3A_786 = arith.constant 1 : i32
      %parallel_loop3A_787 = arith.constant 0 : i32
      %parallel_loop3A_788 = arith.constant 0 : i32
      %parallel_loop3A_789 = tpu.memref_slice %arg10[%parallel_loop3A_786, %parallel_loop3A_787, %parallel_loop3A_788] : memref<2x128x128xf32, #tpu.memory_space<vmem>> -> memref<1x128x128xf32, #tpu.memory_space<vmem>>
      %parallel_loop3A_790 = tpu.memref_squeeze %parallel_loop3A_789 : memref<1x128x128xf32, #tpu.memory_space<vmem>> -> memref<128x128xf32, #tpu.memory_space<vmem>>
      %parallel_loop3A_791 = tpu.vector_load_idx %parallel_loop3A_790[%parallel_loop3A_244, %parallel_loop3A_785] : memref<128x128xf32, #tpu.memory_space<vmem>>[vector<16xi32>, vector<16xi32>], vector<16xf32>,
      %parallel_loop3A_792 = arith.constant 26 : i32
      %parallel_loop3A_793 = vector.broadcast %parallel_loop3A_792 : i32 to vector<16xi32>
      %parallel_loop3A_794 = arith.addi %parallel_loop3A_260, %parallel_loop3A_793 : vector<16xi32>
      %parallel_loop3A_795 = arith.constant 1 : i32
      %parallel_loop3A_796 = arith.constant 0 : i32
      %parallel_loop3A_797 = arith.constant 0 : i32
      %parallel_loop3A_798 = tpu.memref_slice %arg11[%parallel_loop3A_795, %parallel_loop3A_796, %parallel_loop3A_797] : memref<2x128x128xf32, #tpu.memory_space<vmem>> -> memref<1x128x128xf32, #tpu.memory_space<vmem>>
      %parallel_loop3A_799 = tpu.memref_squeeze %parallel_loop3A_798 : memref<1x128x128xf32, #tpu.memory_space<vmem>> -> memref<128x128xf32, #tpu.memory_space<vmem>>
      %parallel_loop3A_800 = tpu.vector_load_idx %parallel_loop3A_799[%parallel_loop3A_244, %parallel_loop3A_794] : memref<128x128xf32, #tpu.memory_space<vmem>>[vector<16xi32>, vector<16xi32>], vector<16xf32>,
      %parallel_loop3A_801 = arith.mulf %parallel_loop3A_791, %parallel_loop3A_800 : vector<16xf32>
      %parallel_loop3A_802 = arith.addf %parallel_loop3A_782, %parallel_loop3A_801 : vector<16xf32>
      %parallel_loop3A_803 = arith.constant 27 : i32
      %parallel_loop3A_804 = vector.broadcast %parallel_loop3A_803 : i32 to vector<16xi32>
      %parallel_loop3A_805 = arith.addi %parallel_loop3A_254, %parallel_loop3A_804 : vector<16xi32>
      %parallel_loop3A_806 = arith.constant 1 : i32
      %parallel_loop3A_807 = arith.constant 0 : i32
      %parallel_loop3A_808 = arith.constant 0 : i32
      %parallel_loop3A_809 = tpu.memref_slice %arg10[%parallel_loop3A_806, %parallel_loop3A_807, %parallel_loop3A_808] : memref<2x128x128xf32, #tpu.memory_space<vmem>> -> memref<1x128x128xf32, #tpu.memory_space<vmem>>
      %parallel_loop3A_810 = tpu.memref_squeeze %parallel_loop3A_809 : memref<1x128x128xf32, #tpu.memory_space<vmem>> -> memref<128x128xf32, #tpu.memory_space<vmem>>
      %parallel_loop3A_811 = tpu.vector_load_idx %parallel_loop3A_810[%parallel_loop3A_244, %parallel_loop3A_805] : memref<128x128xf32, #tpu.memory_space<vmem>>[vector<16xi32>, vector<16xi32>], vector<16xf32>,
      %parallel_loop3A_812 = arith.constant 27 : i32
      %parallel_loop3A_813 = vector.broadcast %parallel_loop3A_812 : i32 to vector<16xi32>
      %parallel_loop3A_814 = arith.addi %parallel_loop3A_260, %parallel_loop3A_813 : vector<16xi32>
      %parallel_loop3A_815 = arith.constant 1 : i32
      %parallel_loop3A_816 = arith.constant 0 : i32
      %parallel_loop3A_817 = arith.constant 0 : i32
      %parallel_loop3A_818 = tpu.memref_slice %arg11[%parallel_loop3A_815, %parallel_loop3A_816, %parallel_loop3A_817] : memref<2x128x128xf32, #tpu.memory_space<vmem>> -> memref<1x128x128xf32, #tpu.memory_space<vmem>>
      %parallel_loop3A_819 = tpu.memref_squeeze %parallel_loop3A_818 : memref<1x128x128xf32, #tpu.memory_space<vmem>> -> memref<128x128xf32, #tpu.memory_space<vmem>>
      %parallel_loop3A_820 = tpu.vector_load_idx %parallel_loop3A_819[%parallel_loop3A_244, %parallel_loop3A_814] : memref<128x128xf32, #tpu.memory_space<vmem>>[vector<16xi32>, vector<16xi32>], vector<16xf32>,
      %parallel_loop3A_821 = arith.mulf %parallel_loop3A_811, %parallel_loop3A_820 : vector<16xf32>
      %parallel_loop3A_822 = arith.addf %parallel_loop3A_802, %parallel_loop3A_821 : vector<16xf32>
      %parallel_loop3A_823 = arith.constant 28 : i32
      %parallel_loop3A_824 = vector.broadcast %parallel_loop3A_823 : i32 to vector<16xi32>
      %parallel_loop3A_825 = arith.addi %parallel_loop3A_254, %parallel_loop3A_824 : vector<16xi32>
      %parallel_loop3A_826 = arith.constant 1 : i32
      %parallel_loop3A_827 = arith.constant 0 : i32
      %parallel_loop3A_828 = arith.constant 0 : i32
      %parallel_loop3A_829 = tpu.memref_slice %arg10[%parallel_loop3A_826, %parallel_loop3A_827, %parallel_loop3A_828] : memref<2x128x128xf32, #tpu.memory_space<vmem>> -> memref<1x128x128xf32, #tpu.memory_space<vmem>>
      %parallel_loop3A_830 = tpu.memref_squeeze %parallel_loop3A_829 : memref<1x128x128xf32, #tpu.memory_space<vmem>> -> memref<128x128xf32, #tpu.memory_space<vmem>>
      %parallel_loop3A_831 = tpu.vector_load_idx %parallel_loop3A_830[%parallel_loop3A_244, %parallel_loop3A_825] : memref<128x128xf32, #tpu.memory_space<vmem>>[vector<16xi32>, vector<16xi32>], vector<16xf32>,
      %parallel_loop3A_832 = arith.constant 28 : i32
      %parallel_loop3A_833 = vector.broadcast %parallel_loop3A_832 : i32 to vector<16xi32>
      %parallel_loop3A_834 = arith.addi %parallel_loop3A_260, %parallel_loop3A_833 : vector<16xi32>
      %parallel_loop3A_835 = arith.constant 1 : i32
      %parallel_loop3A_836 = arith.constant 0 : i32
      %parallel_loop3A_837 = arith.constant 0 : i32
      %parallel_loop3A_838 = tpu.memref_slice %arg11[%parallel_loop3A_835, %parallel_loop3A_836, %parallel_loop3A_837] : memref<2x128x128xf32, #tpu.memory_space<vmem>> -> memref<1x128x128xf32, #tpu.memory_space<vmem>>
      %parallel_loop3A_839 = tpu.memref_squeeze %parallel_loop3A_838 : memref<1x128x128xf32, #tpu.memory_space<vmem>> -> memref<128x128xf32, #tpu.memory_space<vmem>>
      %parallel_loop3A_840 = tpu.vector_load_idx %parallel_loop3A_839[%parallel_loop3A_244, %parallel_loop3A_834] : memref<128x128xf32, #tpu.memory_space<vmem>>[vector<16xi32>, vector<16xi32>], vector<16xf32>,
      %parallel_loop3A_841 = arith.mulf %parallel_loop3A_831, %parallel_loop3A_840 : vector<16xf32>
      %parallel_loop3A_842 = arith.addf %parallel_loop3A_822, %parallel_loop3A_841 : vector<16xf32>
      %parallel_loop3A_843 = arith.constant 29 : i32
      %parallel_loop3A_844 = vector.broadcast %parallel_loop3A_843 : i32 to vector<16xi32>
      %parallel_loop3A_845 = arith.addi %parallel_loop3A_254, %parallel_loop3A_844 : vector<16xi32>
      %parallel_loop3A_846 = arith.constant 1 : i32
      %parallel_loop3A_847 = arith.constant 0 : i32
      %parallel_loop3A_848 = arith.constant 0 : i32
      %parallel_loop3A_849 = tpu.memref_slice %arg10[%parallel_loop3A_846, %parallel_loop3A_847, %parallel_loop3A_848] : memref<2x128x128xf32, #tpu.memory_space<vmem>> -> memref<1x128x128xf32, #tpu.memory_space<vmem>>
      %parallel_loop3A_850 = tpu.memref_squeeze %parallel_loop3A_849 : memref<1x128x128xf32, #tpu.memory_space<vmem>> -> memref<128x128xf32, #tpu.memory_space<vmem>>
      %parallel_loop3A_851 = tpu.vector_load_idx %parallel_loop3A_850[%parallel_loop3A_244, %parallel_loop3A_845] : memref<128x128xf32, #tpu.memory_space<vmem>>[vector<16xi32>, vector<16xi32>], vector<16xf32>,
      %parallel_loop3A_852 = arith.constant 29 : i32
      %parallel_loop3A_853 = vector.broadcast %parallel_loop3A_852 : i32 to vector<16xi32>
      %parallel_loop3A_854 = arith.addi %parallel_loop3A_260, %parallel_loop3A_853 : vector<16xi32>
      %parallel_loop3A_855 = arith.constant 1 : i32
      %parallel_loop3A_856 = arith.constant 0 : i32
      %parallel_loop3A_857 = arith.constant 0 : i32
      %parallel_loop3A_858 = tpu.memref_slice %arg11[%parallel_loop3A_855, %parallel_loop3A_856, %parallel_loop3A_857] : memref<2x128x128xf32, #tpu.memory_space<vmem>> -> memref<1x128x128xf32, #tpu.memory_space<vmem>>
      %parallel_loop3A_859 = tpu.memref_squeeze %parallel_loop3A_858 : memref<1x128x128xf32, #tpu.memory_space<vmem>> -> memref<128x128xf32, #tpu.memory_space<vmem>>
      %parallel_loop3A_860 = tpu.vector_load_idx %parallel_loop3A_859[%parallel_loop3A_244, %parallel_loop3A_854] : memref<128x128xf32, #tpu.memory_space<vmem>>[vector<16xi32>, vector<16xi32>], vector<16xf32>,
      %parallel_loop3A_861 = arith.mulf %parallel_loop3A_851, %parallel_loop3A_860 : vector<16xf32>
      %parallel_loop3A_862 = arith.addf %parallel_loop3A_842, %parallel_loop3A_861 : vector<16xf32>
      %parallel_loop3A_863 = arith.constant 30 : i32
      %parallel_loop3A_864 = vector.broadcast %parallel_loop3A_863 : i32 to vector<16xi32>
      %parallel_loop3A_865 = arith.addi %parallel_loop3A_254, %parallel_loop3A_864 : vector<16xi32>
      %parallel_loop3A_866 = arith.constant 1 : i32
      %parallel_loop3A_867 = arith.constant 0 : i32
      %parallel_loop3A_868 = arith.constant 0 : i32
      %parallel_loop3A_869 = tpu.memref_slice %arg10[%parallel_loop3A_866, %parallel_loop3A_867, %parallel_loop3A_868] : memref<2x128x128xf32, #tpu.memory_space<vmem>> -> memref<1x128x128xf32, #tpu.memory_space<vmem>>
      %parallel_loop3A_870 = tpu.memref_squeeze %parallel_loop3A_869 : memref<1x128x128xf32, #tpu.memory_space<vmem>> -> memref<128x128xf32, #tpu.memory_space<vmem>>
      %parallel_loop3A_871 = tpu.vector_load_idx %parallel_loop3A_870[%parallel_loop3A_244, %parallel_loop3A_865] : memref<128x128xf32, #tpu.memory_space<vmem>>[vector<16xi32>, vector<16xi32>], vector<16xf32>,
      %parallel_loop3A_872 = arith.constant 30 : i32
      %parallel_loop3A_873 = vector.broadcast %parallel_loop3A_872 : i32 to vector<16xi32>
      %parallel_loop3A_874 = arith.addi %parallel_loop3A_260, %parallel_loop3A_873 : vector<16xi32>
      %parallel_loop3A_875 = arith.constant 1 : i32
      %parallel_loop3A_876 = arith.constant 0 : i32
      %parallel_loop3A_877 = arith.constant 0 : i32
      %parallel_loop3A_878 = tpu.memref_slice %arg11[%parallel_loop3A_875, %parallel_loop3A_876, %parallel_loop3A_877] : memref<2x128x128xf32, #tpu.memory_space<vmem>> -> memref<1x128x128xf32, #tpu.memory_space<vmem>>
      %parallel_loop3A_879 = tpu.memref_squeeze %parallel_loop3A_878 : memref<1x128x128xf32, #tpu.memory_space<vmem>> -> memref<128x128xf32, #tpu.memory_space<vmem>>
      %parallel_loop3A_880 = tpu.vector_load_idx %parallel_loop3A_879[%parallel_loop3A_244, %parallel_loop3A_874] : memref<128x128xf32, #tpu.memory_space<vmem>>[vector<16xi32>, vector<16xi32>], vector<16xf32>,
      %parallel_loop3A_881 = arith.mulf %parallel_loop3A_871, %parallel_loop3A_880 : vector<16xf32>
      %parallel_loop3A_882 = arith.addf %parallel_loop3A_862, %parallel_loop3A_881 : vector<16xf32>
      %parallel_loop3A_883 = arith.constant 31 : i32
      %parallel_loop3A_884 = vector.broadcast %parallel_loop3A_883 : i32 to vector<16xi32>
      %parallel_loop3A_885 = arith.addi %parallel_loop3A_254, %parallel_loop3A_884 : vector<16xi32>
      %parallel_loop3A_886 = arith.constant 1 : i32
      %parallel_loop3A_887 = arith.constant 0 : i32
      %parallel_loop3A_888 = arith.constant 0 : i32
      %parallel_loop3A_889 = tpu.memref_slice %arg10[%parallel_loop3A_886, %parallel_loop3A_887, %parallel_loop3A_888] : memref<2x128x128xf32, #tpu.memory_space<vmem>> -> memref<1x128x128xf32, #tpu.memory_space<vmem>>
      %parallel_loop3A_890 = tpu.memref_squeeze %parallel_loop3A_889 : memref<1x128x128xf32, #tpu.memory_space<vmem>> -> memref<128x128xf32, #tpu.memory_space<vmem>>
      %parallel_loop3A_891 = tpu.vector_load_idx %parallel_loop3A_890[%parallel_loop3A_244, %parallel_loop3A_885] : memref<128x128xf32, #tpu.memory_space<vmem>>[vector<16xi32>, vector<16xi32>], vector<16xf32>,
      %parallel_loop3A_892 = arith.constant 31 : i32
      %parallel_loop3A_893 = vector.broadcast %parallel_loop3A_892 : i32 to vector<16xi32>
      %parallel_loop3A_894 = arith.addi %parallel_loop3A_260, %parallel_loop3A_893 : vector<16xi32>
      %parallel_loop3A_895 = arith.constant 1 : i32
      %parallel_loop3A_896 = arith.constant 0 : i32
      %parallel_loop3A_897 = arith.constant 0 : i32
      %parallel_loop3A_898 = tpu.memref_slice %arg11[%parallel_loop3A_895, %parallel_loop3A_896, %parallel_loop3A_897] : memref<2x128x128xf32, #tpu.memory_space<vmem>> -> memref<1x128x128xf32, #tpu.memory_space<vmem>>
      %parallel_loop3A_899 = tpu.memref_squeeze %parallel_loop3A_898 : memref<1x128x128xf32, #tpu.memory_space<vmem>> -> memref<128x128xf32, #tpu.memory_space<vmem>>
      %parallel_loop3A_900 = tpu.vector_load_idx %parallel_loop3A_899[%parallel_loop3A_244, %parallel_loop3A_894] : memref<128x128xf32, #tpu.memory_space<vmem>>[vector<16xi32>, vector<16xi32>], vector<16xf32>,
      %parallel_loop3A_901 = arith.mulf %parallel_loop3A_891, %parallel_loop3A_900 : vector<16xf32>
      %parallel_loop3A_902 = arith.addf %parallel_loop3A_882, %parallel_loop3A_901 : vector<16xf32>
      %parallel_loop3A_903 = arith.index_cast %parallel_loop3A_248 : i32 to index
      %parallel_loop3A_904 = tpu.vector_load %arg12[%parallel_loop3A_903] {strides = array<i32>} : memref<512xf32, #tpu.memory_space<vmem>>, vector<16xf32>,
      tpu.vector_store %arg12[%parallel_loop3A_903], %parallel_loop3A_902 {strides = array<i32>} : memref<512xf32, #tpu.memory_space<vmem>>, vector<16xf32>,
    } {sc.loop_unroll_factor = 1 : i64, sc.parallel_access}
    "tpu.region"() ({
      %run_scoped3A = tpu.sem_alloc : memref<!tpu.dma_semaphore, #tpu.memory_space<semaphore_mem>>
      %dma_start3A_240 = tpu.memref_slice %arg5[%mul3A_2] : memref<16384xf32, #tpu.memory_space<hbm>> -> memref<512xf32, #tpu.memory_space<hbm>>
      %dma_start3A_241 = tpu.memref_slice %arg5[%mul3A_2] : memref<16384xf32, #tpu.memory_space<hbm>> -> memref<512xf32, #tpu.memory_space<hbm>>
      tpu.enqueue_dma source(%arg12 : memref<512xf32, #tpu.memory_space<vmem>>) target(%dma_start3A_241 : memref<512xf32, #tpu.memory_space<hbm>>) target_semaphore(%run_scoped3A : memref<!tpu.dma_semaphore, #tpu.memory_space<semaphore_mem>>)
      %dma_wait3A_242 = tpu.memref_slice %arg5[%mul3A_2] : memref<16384xf32, #tpu.memory_space<hbm>> -> memref<512xf32, #tpu.memory_space<hbm>>
      %dma_wait3A_243 = tpu.memref_slice %arg5[%mul3A_2] : memref<16384xf32, #tpu.memory_space<hbm>> -> memref<512xf32, #tpu.memory_space<hbm>>
      tpu.wait_dma2 semaphore(%run_scoped3A : memref<!tpu.dma_semaphore, #tpu.memory_space<semaphore_mem>>) src(%arg12 : memref<512xf32, #tpu.memory_space<vmem>>) dst(%dma_wait3A_243 : memref<512xf32, #tpu.memory_space<hbm>>)
      tpu.yield
    }) : () -> ()
    return
  }
}

</mosaic_0001>

<sc_bundles>
// kernel: kernel.3.cloned.1.call-start
scs
__scs_entry_jumppad:
0x0: {  	(pc) =	sbr.rel $0x88, $3  }
0x1: {  	(tag) =	ssettag $0x0;
	lr =	simm.s32 $0x1  }
0x2: {  	[smem:$0x3F9F] =	sst lr;
	_ =	strace $0xD0000000  }
0x3: {  	_ = 	snop  }
0x4: {  	_ = 	snop  }
0x5: {  	_ = 	snop  }
0x6: {  	_ = 	snop  }
0x7: {  	_ = 	snop  }
__scs_overlays_trampoline_lowered:
0x8: {  	[smem:$0x3FAE] =	sst s0  }
0x9: {  	[smem:$0x3FAF] =	sst s1  }
0xa: {  	[smem:$0x3FB0] =	sst s2  }
0xb: {  	[smem:$0x3FB1] =	sst s3  }
0xc: {  	[smem:$0x3FB2] =	sst s4  }
0xd: {  	[smem:$0x3FB3] =	sst s5  }
0xe: {  	[smem:$0x3FB4] =	sst s6  }
0xf: {  	[smem:$0x3FB5] =	sst s7  }
0x10: {  	[smem:$0x3FB6] =	sst s8  }
0x11: {  	[smem:$0x3FB7] =	sst s9;
	s0 =	simm.s32 @!p0 $0x0  }
0x12: {  	s1 =	sld [smem:$0x3F9D];
	s0 =	simm.s32 @p0 $0x1  }
0x13: {  	[smem:$0x3FB8] =	sst s0;
	s0 =	simm.s32 @!p1 $0x0  }
0x14: {  	s2 =	sld [smem:$0x3F9C];
	s0 =	simm.s32 @p1 $0x1  }
0x15: {  	[smem:$0x3FB9] =	sst s0;
	s0 =	simm.s32 @!p2 $0x0  }
0x16: {  	s3 =	sld [smem:$0x3FDB];
	s0 =	simm.s32 @p2 $0x1  }
0x17: {  	s4 =	simm.s32 $0x1BF5;
	[smem:$0x3FBB] =	sst s0  }
0x18: {  	s0 =	sld [smem:$0x3F9E];
	_ =	swait.ge [sflag:s4], $0x0  }
0x19: {  	s7 =	sld [smem:$0x3F9F]  }
0x1a: {  	s8 =	sadd.s32 $0xFFFFE003, lr  }
0x1b: {  	s9 =	sadd.s32 $0xFFFFFEF7, lr;
	s5 =	simm.s32 $0xFFFFFFFF;
	p2 =	slt.u32 s8, $0xFFFFF086  }
0x1c: {  	p1 =	slt.u32 s9, $0xF7A;
	s5 =	simm.s32 @!p2 $0x0  }
0x1d: {  	s5 =	simm.s32 @p1 $0x1;
	p0 =	seq.s32 s7, s2  }
0x1e: {  	s7 =	smul.u32 @!p0 $0xF7A, s2;
	p2 =	seq.s32 @!p0 s5, $0x0  }
0x1f: {  	s9 =	smul.u32 $0xF7A, s1;
	s8 =	simm.s32 @!p0 $0x1BF5;
	p2 =	por !p2, p0  }
0x20: {  	[sflag:s8] =	ssyncset.s32 @!p0 $0xFFFFF086;
	s6 =	sadd.s32 @!p0 s3, s7;
	s7 =	simm.s32 @!p0 $0x108  }
0x21: {  	s3 =	sadd.s32 s3, s9;
	s6 =	sadd.s32 @!p0 $0x88, s6;
	s7 =	simm.s32 @p2 $0x1082  }
0x22: {  	[simem:s7], [sflag:s8] =	dma.local @!p0 [hbm:s6], $0xF7A  }
0x23: {  	s9 =	sor.u32 $0xD0000000, s2;
	s6 =	simm.s32 $0x108;
	_ =	swait.ge @!p0 [sflag:s8], $0x0  }
0x24: {  	s3 =	sadd.s32 $0x88, s3;
	s6 =	simm.s32 @!p1 $0x1082;
	[sflag:s4] =	ssyncset.s32 $0xFFFFF086  }
0x25: {  	[simem:s6], [sflag:s4] =	dma.local [hbm:s3], $0xF7A  }
0x26: {  	[smem:$0x3F9F] =	sst s1;
	(tag) =	ssettag s2;
	_ =	strace s9  }
0x27: {  	s1 =	sld [smem:$0x3FAF]  }
0x28: {  	s2 =	sld [smem:$0x3FB0]  }
0x29: {  	s4 =	sld [smem:$0x3FB2]  }
0x2a: {  	p0 =	seq.s32 s5, $0x0;
	s5 =	sld [smem:$0x3FB3]  }
0x2b: {  	s6 =	sld [smem:$0x3FB4]  }
0x2c: {  	s7 =	sld [smem:$0x3FB5]  }
0x2d: {  	s3 =	simm.s32 $0x108;
	s8 =	sld [smem:$0x3FB6]  }
0x2e: {  	s3 =	simm.s32 @!p0 $0x1082;
	s9 =	sld [smem:$0x3FB7]  }
0x2f: {  	lr =	sadd.s32 s0, s3;
	s0 =	sld [smem:$0x3FAE]  }
0x30: {  	s3 =	sld [smem:$0x3FB1]  }
0x31: {  	[smem:$0x3FBA] =	sst s10  }
0x32: {  	s10 =	sld [smem:$0x3FB8];
	_ =	sdelay $0x3  }
0x33: {  	p0 =	seq.s32 s10, $0x1;
	s10 =	sld [smem:$0x3FBA];
	_ =	sdelay $0x3  }
0x34: {  	[smem:$0x3FBA] =	sst s10  }
0x35: {  	s10 =	sld [smem:$0x3FB9];
	_ =	sdelay $0x3  }
0x36: {  	p1 =	seq.s32 s10, $0x1;
	s10 =	sld [smem:$0x3FBA];
	_ =	sdelay $0x3  }
0x37: {  	[smem:$0x3FBA] =	sst s10  }
0x38: {  	s10 =	sld [smem:$0x3FBB]  }
0x39: {  	_ = 	snop;
	(pc) =	sbr.ind lr, $3  }
0x3a: {  	_ = 	snop  }
0x3b: {  	_ = 	snop  }
0x3c: {  	p2 =	seq.s32 s10, $0x1;
	s10 =	sld [smem:$0x3FBA]  }
0x3d: {  	_ =	shalt  }
0x3e: {  	_ =	shalt  }
0x3f: {  	_ =	shalt  }
0x40: {  	_ =	shalt  }
0x41: {  	_ =	shalt  }
0x42: {  	_ =	shalt  }
0x43: {  	_ =	shalt  }
0x44: {  	_ =	shalt  }
0x45: {  	_ =	shalt  }
0x46: {  	_ =	shalt  }
0x47: {  	_ =	shalt  }
0x48: {  	_ =	shalt  }
0x49: {  	_ =	shalt  }
0x4a: {  	_ =	shalt  }
0x4b: {  	_ =	shalt  }
0x4c: {  	_ =	shalt  }
0x4d: {  	_ =	shalt  }
0x4e: {  	_ =	shalt  }
0x4f: {  	_ =	shalt  }
0x50: {  	_ =	shalt  }
0x51: {  	_ =	shalt  }
0x52: {  	_ =	shalt  }
0x53: {  	_ =	shalt  }
0x54: {  	_ =	shalt  }
0x55: {  	_ =	shalt  }
0x56: {  	_ =	shalt  }
0x57: {  	_ =	shalt  }
0x58: {  	_ =	shalt  }
0x59: {  	_ =	shalt  }
0x5a: {  	_ =	shalt  }
0x5b: {  	_ =	shalt  }
0x5c: {  	_ =	shalt  }
0x5d: {  	_ =	shalt  }
0x5e: {  	_ =	shalt  }
0x5f: {  	_ =	shalt  }
0x60: {  	_ =	shalt  }
0x61: {  	_ =	shalt  }
0x62: {  	_ =	shalt  }
0x63: {  	_ =	shalt  }
0x64: {  	_ =	shalt  }
0x65: {  	_ =	shalt  }
0x66: {  	_ =	shalt  }
0x67: {  	_ =	shalt  }
0x68: {  	_ =	shalt  }
0x69: {  	_ =	shalt  }
0x6a: {  	_ =	shalt  }
0x6b: {  	_ =	shalt  }
0x6c: {  	_ =	shalt  }
0x6d: {  	_ =	shalt  }
0x6e: {  	_ =	shalt  }
0x6f: {  	_ =	shalt  }
0x70: {  	_ =	shalt  }
0x71: {  	_ =	shalt  }
0x72: {  	_ =	shalt  }
0x73: {  	_ =	shalt  }
0x74: {  	_ =	shalt  }
0x75: {  	_ =	shalt  }
0x76: {  	_ =	shalt  }
0x77: {  	_ =	shalt  }
0x78: {  	_ =	shalt  }
0x79: {  	_ =	shalt  }
0x7a: {  	_ =	shalt  }
0x7b: {  	_ =	shalt  }
0x7c: {  	_ =	shalt  }
0x7d: {  	_ =	shalt  }
0x7e: {  	_ =	shalt  }
0x7f: {  	_ =	shalt  }
0x80: {  	_ =	shalt  }
0x81: {  	_ =	shalt  }
0x82: {  	_ =	shalt  }
0x83: {  	_ =	shalt  }
0x84: {  	_ =	shalt  }
0x85: {  	_ =	shalt  }
0x86: {  	_ =	shalt  }
0x87: {  	_ =	shalt  }
.Lfunc_end0:
.L_simem_size_0:
called_computation_lowered:
.L_overlay_start_0:
0x88: {  	s2 =	sld [smem:$0x3FD9]  }
0x89: {  	s3 =	sld [smem:$0x3FFE];
	_ =	sdelay $0x1  }
0x8a: {  	s1 =	srdreg.scid  }
0x8b: {  	s0 =	sand.u32 $0x1, s1  }
0x8c: {  	s17 =	sshll.u32 s0, $0xA;
	s2 =	sadd.s32 s3, s2  }
0x8d: {  	s2 =	sadd.s32 s2, s17  }
0x8e: {  	[smem:$0x3FC6] =	sst s2  }
0x8f: {  	_ = 	snop  }
0x90: {  	s2 =	sld [smem:$0x3FD0];
	(tm) =	ssettm $0x1  }
0x91: {  	s18 =	sld [smem:$0x3FFB];
	_ =	sdelay $0x3  }
0x92: {  	_ =	strace s18  }
0x93: {  	s3 =	sld [smem:$0x3FFC];
	_ =	sdelay $0x3  }
0x94: {  	_ =	strace s3  }
0x95: {  	s3 =	sld [smem:$0x3FFD];
	_ =	sdelay $0x3  }
0x96: {  	_ =	strace s3  }
0x97: {  	_ =	strace $0x8FFFFFFF  }
0x98: {  	s19 =	sld [smem:$0x3FDB];
	_ =	sdelay $0x1  }
0x99: {  	s4 =	simm.s32 $_scs_section_size  }
0x9a: {  	s5 =	simm.s32 $_size__tile_overlayer_lowered;
	s6 =	simm.s32 $_tile_overlayer_lowered  }
0x9b: {  	s22 =	simm.s32 $0x1BFF;
	s21 =	sshll.u32 s6, $0x1;
	s3 =	sadd.s32 s4, s19  }
0x9c: {  	s7 =	simm.s32 $0x0;
	s20 =	sshll.u32 s5, $0x1;
	s5 =	sadd.s32 s21, s3  }
0x9d: {  	[timem:s7], [sflag:s22] =	dma.local [hbm:s5], s20  }
0x9e: {  	_ =	swait.ge [sflag:s22], s20  }
0x9f: {  	s4 =	ssub.s32 $0x0, s20;
	[sflag:s22] =	ssyncset.done $0x0  }
0xa0: {  	[sflag:s22] =	ssyncadd.s32 s4;
	_ =	sdelay $0x1  }
0xa1: {  	s23 =	simm.s32 $0x1B8B  }
0xa2: {  	_ =	swait.ge [sflag:s23], $0x1  }
0xa3: {  	[sflag:s23] =	ssyncset.done $0x0  }
0xa4: {  	s25 =	simm.s32 $0x1B8E;
	s24 =	sld [smem:$0x3FFE];
	[sflag:s23] =	ssyncadd.s32 $0xFFFFFFFF  }
0xa5: {  	s26 =	simm.s32 $execute0_lowered;
	[smem:$0x3FD2] =	sst s25  }
0xa6: {  	s5 =	sshll.u32 s26, $0x1;
	_ =	strace $0x80000046;
	[dreg:$0x1] =	wrdreg $0xFFFFFFFF  }
0xa7: {  	s28 =	simm.s32 $_size_execute0_lowered;
	s3 =	sadd.s32 s3, s5;
	[dreg:$0x0] =	wrdreg $0x0  }
0xa8: {  	s5 =	sshll.u32 s28, $0x1;
	[dreg:$0x2] =	wrdreg s3  }
0xa9: {  	[dreg:$0x3] =	wrdreg s5  }
0xaa: {  	[dreg:$0x4] =	wrdreg $0xC0  }
0xab: {  	_ =	task [dreg:s7], $0x5FFFF  }
0xac: {  	[dreg:$0x1] =	wrdreg $0xFFFFFFFF  }
0xad: {  	[dreg:$0x0] =	wrdreg $0x60  }
0xae: {  	[dreg:$0x2] =	wrdreg s24  }
0xaf: {  	[dreg:$0x3] =	wrdreg s2  }
0xb0: {  	[dreg:$0x4] =	wrdreg $0x9  }
0xb1: {  	_ =	task.clear_ibuf [dreg:s7], $0x5FFFF;
	_ =	strace $0x90000046  }
0xb2: {  	s29 =	simm.s32 $0x9;
	_ =	strace $0x80000048  }
0xb3: {  	_ =	swait.ge [sflag:s29], $0x1  }
0xb4: {  	[sflag:s29] =	ssyncadd.s32 $0xFFFFFFFF  }
0xb5: {  	_ =	strace $0x90000048  }
0xb6: {  	_ =	sfence  }
0xb7: {  	s30 =	sld [smem:$0x0];
	_ =	sdelay $0x2  }
0xb8: {  	s31 =	sshll.u32 s1, $0xD;
	s1 =	sshrl.u32 s1, $0x2  }
0xb9: {  	s3 =	sand.u32 $0x4000, s31;
	s1 =	sadd.s32 s1, s30  }
0xba: {  	s0 =	sor.u32 s3, s0;
	s1 =	sshll.u32 s1, $0x11  }
0xbb: {  	s0 =	sor.u32 s1, s0  }
0xbc: {  	s0 =	sadd.s32 $0x8F2B, s0  }
0xbd: {  	[sflag:s0] =	ssyncadd.remote.s32 $0x1  }
0xbe: {  	_ =	sfence.sel $0xFFFF  }
0xbf: {  	[dreg:$0x0] =	wrdreg $0xFFFFFFFF;
	(pc) =	sbr.abs _section_cstart, $3  }
0xc0: {  	[dreg:$0x1] =	wrdreg $0xFFFFFFFF  }
0xc1: {  	_ =	task.clear_ibuf [dreg:s7], $0x2FFFF;
	_ =	strace $0x9FFFFFFF  }
0xc2: {  	(tm) =	ssettm $0x7FFFFFFF  }
0xc3: {  	_ =	shalt  }
tec
execute0_lowered:
.L_overlay_start_1:
0x0: {  	(tag) =	ssettag $0x1  }
0x1: {  	s0 =	rddreg [dreg:$0x0]  }
0x2: {  	s1 =	rddreg [dreg:$0x1]  }
0x3: {  	s2 =	srdreg.scid;
	s4 =	stileid.u32  }
0x4: {  	s8 =	simm.s32 $0x5;
	s10 =	simm.s32 $0x80;
	s11 =	simm.s32 $0x400  }
0x5: {  	s12 =	simm.s32 $0x800;
	s13 =	simm.s32 $0x600;
	s14 =	simm.s32 $0x8800  }
0x6: {  	s15 =	simm.s32 $0x480;
	s16 =	simm.s32 $0x4800;
	s17 =	simm.s32 $0x680  }
0x7: {  	s18 =	simm.s32 $0xC800;
	s19 =	simm.s32 $0x1;
	s20 =	simm.s32 $0x2  }
0x8: {  	s21 =	simm.s32 $0x500;
	s22 =	simm.s32 $0x700;
	s23 =	simm.s32 $0x3  }
0x9: {  	s24 =	simm.s32 $0x4;
	s25 =	simm.s32 $0x580;
	s26 =	simm.s32 $0x780  }
0xa: {  	s28 =	simm.s32 $0x10800;
	s29 =	simm.s32 $0x0;
	s3 =	sand.u32 $0x1, s2  }
0xb: {  	s2 =	simm.s32 $0x0;
	s4 =	sshll.u32 s4, $0x7;
	s5 =	sshll.u32 s3, $0x6  }
0xc: {  	[smem:$0x7FF] =	sst s2;
	s30 =	ssub.s32 $0x2, s3;
	s3 =	sadd.s32 $0x1E85E00, s0  }
0xd: {  	s6 =	sor.u32 s5, s4;
	_ =	strace $0x80000047;
	s7 =	sshrl.u32 s30, $0x1  }
0xe: {  	v0 =	vlaneseq.u32;
	s5 =	sadd.s32 s6, s0;
	s31 =	ssub.s32 s30, s7;
	s6 =	sadd.s32 s1, s6  }
0xf: {  	v0 =	vmul.u32 $0x80, v0;
	s4 =	sadd.s32 $0xE00, s5;
	s5 =	sadd.s32 $0x600, s5;
	s7 =	smax.u32 s31, $0x1  }
.LBB2_1:
0x10: {  	[tilespmem:s2], [sflag:$0x5] =	stream.linear.gather [hbm4b:s4+s2], $0x200, $0x38;
	[tilespmem:$0x10A00] =	vst v63  }
0x11: {  	_ =	swait.ge [sflag:s8], $0x200  }
0x12: {  	[sflag:s8] =	ssyncset.done $0x0  }
0x13: {  	s0 =	simm.s32 $0x200;
	[sflag:s8] =	ssyncadd.s32 $0xFFFFFE00  }
0x14: {  	[tilespmem:s0], [sflag:$0x5] =	stream.linear.gather [hbm4b:s5+s2], $0x200, $0x38;
	[tilespmem:$0x10A00] =	vst v63  }
0x15: {  	_ =	swait.ge [sflag:s8], $0x200  }
0x16: {  	[sflag:s8] =	ssyncset.done $0x0  }
0x17: {  	s0 =	simm.s32 $0x0;
	[sflag:s8] =	ssyncadd.s32 $0xFFFFFE00  }
0x18: {  	v1 =	vld [tilespmem:s0+$0x200]  }
0x19: {  	s1 =	simm.s32 $0x40;
	v2 =	vld [tilespmem:s0+$0x0]  }
.LBB2_2:
0x1a: {  	p0 =	sne.s32 s1, $0x7C0  }
.Ltmp0:
0x1b: {  	_ = 	snop;
	(pc) =	sbr.rel @p0 .LBB2_2-.Ltmp0, $4  }
0x1c: {  	_ = 	snop  }
0x1d: {  	s9 =	sshra.s32 s1, $0x2;
	s1 =	sadd.s32 $0x40, s1;
	v3 =	vshrl.u32 v1, $0x2  }
0x1e: {  	v1 =	vld [tilespmem:s9+$0x200];
	v4 =	vshrl.u32 v2, $0x2;
	[tilespmem:s0+$0x600] =	vst v3  }
0x1f: {  	v2 =	vld [tilespmem:s9+$0x0];
	[tilespmem:s0+$0x400] =	vst v4;
	s0 =	smov.u32 s9  }
0x20: {  	_ =	sdelay $0x2  }
0x21: {  	v1 =	vshrl.u32 v1, $0x2  }
0x22: {  	v2 =	vshrl.u32 v2, $0x2;
	[tilespmem:s0+$0x600] =	vst v1  }
0x23: {  	[tilespmem:s0+$0x400] =	vst v2  }
0x24: {  	[tilespmem:s12], [sflag:$0x1] =	stream.indirect.gather [hbm4b:s3+s10], $0x80, s11, s10, $0xb8;
	[tilespmem:$0x10A00] =	vst v63  }
0x25: {  	_ = 	snop  }
0x26: {  	[tilespmem:s14], [sflag:$0x2] =	stream.indirect.gather [hbm4b:s3+s10], $0x80, s13, s10, $0xb8;
	[tilespmem:$0x10A00] =	vst v63  }
0x27: {  	_ = 	snop  }
0x28: {  	[tilespmem:s16], [sflag:$0x3] =	stream.indirect.gather [hbm4b:s3+s10], $0x80, s15, s10, $0xb8;
	[tilespmem:$0x10A00] =	vst v63  }
0x29: {  	_ = 	snop  }
0x2a: {  	[tilespmem:s18], [sflag:$0x4] =	stream.indirect.gather [hbm4b:s3+s10], $0x80, s17, s10, $0xb8;
	[tilespmem:$0x10A00] =	vst v63  }
0x2b: {  	_ =	swait.ge [sflag:s19], $0x4000  }
0x2c: {  	[sflag:s19] =	ssyncset.done $0x0  }
0x2d: {  	[sflag:s19] =	ssyncadd.s32 $0xFFFFC000  }
0x2e: {  	_ =	swait.ge [sflag:s20], $0x4000  }
0x2f: {  	[sflag:s20] =	ssyncset.done $0x0  }
0x30: {  	s9 =	simm.s32 $0x0;
	[sflag:s20] =	ssyncadd.s32 $0xFFFFC000  }
0x31: {  	s1 =	simm.s32 $0x200;
	v1 =	vld [tilespmem:s9+$0x0]  }
0x32: {  	v2 =	vld [tilespmem:s1+$0x0];
	_ =	sdelay $0x2  }
0x33: {  	v3 =	vmov s9  }
0x34: {  	v3 =	vshll.u32 v3, $0x7;
	v1 =	vshll.u32 v1, $0x5  }
0x35: {  	v3 =	vor.u32 v0, v3;
	v2 =	vshll.u32 v2, $0x5;
	v1 =	vand.u32 $0x60, v1  }
0x36: {  	v2 =	vand.u32 $0x60, v2;
	v4 =	vor.u32 v3, v1  }
0x37: {  	v1 =	vor.u32 v3, v2  }
0x38: {  	s0 =	simm.s32 $0x10;
	v5 =	vor.u32 $0x1, v4  }
0x39: {  	s9 =	simm.s32 $0x210;
	v2 =	vld [tilespmem:s0+$0x0];
	v6 =	vor.u32 $0x1, v1  }
0x3a: {  	v3 =	vld [tilespmem:s9+$0x0];
	v7 =	vor.u32 $0x2, v4  }
0x3b: {  	v9 =	vor.u32 $0x2, v1;
	v8 =	vld.idx.msk [tilespmem:v4+s12+$0x0], $0xffff  }
0x3c: {  	v11 =	vor.u32 $0x3, v4;
	v10 =	vld.idx.msk [tilespmem:v1+s14+$0x0], $0xffff  }
0x3d: {  	v12 =	vor.u32 $0x3, v1;
	v5 =	vld.idx.msk [tilespmem:v5+s12+$0x0], $0xffff  }
0x3e: {  	v13 =	vor.u32 $0x4, v4;
	v6 =	vld.idx.msk [tilespmem:v6+s14+$0x0], $0xffff  }
0x3f: {  	v14 =	vor.u32 $0x4, v1;
	v7 =	vld.idx.msk [tilespmem:v7+s12+$0x0], $0xffff  }
0x40: {  	v15 =	vor.u32 $0x5, v4;
	v9 =	vld.idx.msk [tilespmem:v9+s14+$0x0], $0xffff  }
0x41: {  	v54 =	vld.idx.msk [tilespmem:v11+s12+$0x0], $0xffff;
	v11 =	vor.u32 $0x5, v1  }
0x42: {  	v16 =	vor.u32 $0x6, v4;
	v12 =	vld.idx.msk [tilespmem:v12+s14+$0x0], $0xffff  }
0x43: {  	v55 =	vld.idx.msk [tilespmem:v13+s12+$0x0], $0xffff;
	v13 =	vor.u32 $0x6, v1  }
0x44: {  	v56 =	vld.idx.msk [tilespmem:v14+s14+$0x0], $0xffff;
	v14 =	vor.u32 $0x7, v4  }
0x45: {  	v57 =	vld.idx.msk [tilespmem:v15+s12+$0x0], $0xffff;
	v15 =	vor.u32 $0x7, v1  }
0x46: {  	v58 =	vld.idx.msk [tilespmem:v11+s14+$0x0], $0xffff;
	v11 =	vor.u32 $0x8, v4  }
0x47: {  	v59 =	vld.idx.msk [tilespmem:v16+s12+$0x0], $0xffff;
	v16 =	vor.u32 $0x8, v1  }
0x48: {  	v60 =	vld.idx.msk [tilespmem:v13+s14+$0x0], $0xffff;
	v13 =	vor.u32 $0x9, v4  }
0x49: {  	v52 =	vld.idx.msk [tilespmem:v14+s12+$0x0], $0xffff;
	v14 =	vor.u32 $0x9, v1  }
0x4a: {  	v61 =	vld.idx.msk [tilespmem:v15+s14+$0x0], $0xffff;
	v15 =	vor.u32 $0xA, v4  }
0x4b: {  	v50 =	vld.idx.msk [tilespmem:v11+s12+$0x0], $0xffff;
	v11 =	vor.u32 $0xA, v1  }
0x4c: {  	v53 =	vld.idx.msk [tilespmem:v16+s14+$0x0], $0xffff;
	v16 =	vor.u32 $0xB, v4  }
0x4d: {  	v49 =	vld.idx.msk [tilespmem:v13+s12+$0x0], $0xffff;
	v13 =	vor.u32 $0xB, v1  }
0x4e: {  	v51 =	vld.idx.msk [tilespmem:v14+s14+$0x0], $0xffff;
	v14 =	vor.u32 $0xC, v4  }
0x4f: {  	v47 =	vld.idx.msk [tilespmem:v15+s12+$0x0], $0xffff;
	v15 =	vor.u32 $0xC, v1  }
0x50: {  	v48 =	vld.idx.msk [tilespmem:v11+s14+$0x0], $0xffff;
	v11 =	vor.u32 $0xD, v4  }
0x51: {  	v45 =	vld.idx.msk [tilespmem:v16+s12+$0x0], $0xffff;
	v16 =	vor.u32 $0xD, v1  }
0x52: {  	v46 =	vld.idx.msk [tilespmem:v13+s14+$0x0], $0xffff;
	v13 =	vor.u32 $0xE, v4  }
0x53: {  	v43 =	vld.idx.msk [tilespmem:v14+s12+$0x0], $0xffff;
	v14 =	vor.u32 $0xE, v1  }
0x54: {  	v44 =	vld.idx.msk [tilespmem:v15+s14+$0x0], $0xffff;
	v15 =	vor.u32 $0xF, v4  }
0x55: {  	v41 =	vld.idx.msk [tilespmem:v11+s12+$0x0], $0xffff;
	v11 =	vor.u32 $0xF, v1  }
0x56: {  	v42 =	vld.idx.msk [tilespmem:v16+s14+$0x0], $0xffff;
	v16 =	vor.u32 $0x10, v4  }
0x57: {  	v39 =	vld.idx.msk [tilespmem:v13+s12+$0x0], $0xffff;
	v13 =	vor.u32 $0x10, v1  }
0x58: {  	v40 =	vld.idx.msk [tilespmem:v14+s14+$0x0], $0xffff;
	v14 =	vor.u32 $0x11, v4  }
0x59: {  	v37 =	vld.idx.msk [tilespmem:v15+s12+$0x0], $0xffff;
	v15 =	vor.u32 $0x11, v1  }
0x5a: {  	v38 =	vld.idx.msk [tilespmem:v11+s14+$0x0], $0xffff;
	v11 =	vor.u32 $0x12, v4  }
0x5b: {  	v35 =	vld.idx.msk [tilespmem:v16+s12+$0x0], $0xffff;
	v16 =	vor.u32 $0x12, v1  }
0x5c: {  	v36 =	vld.idx.msk [tilespmem:v13+s14+$0x0], $0xffff;
	v13 =	vor.u32 $0x13, v4  }
0x5d: {  	v33 =	vld.idx.msk [tilespmem:v14+s12+$0x0], $0xffff;
	v14 =	vor.u32 $0x13, v1  }
0x5e: {  	v34 =	vld.idx.msk [tilespmem:v15+s14+$0x0], $0xffff;
	v15 =	vor.u32 $0x14, v4  }
0x5f: {  	v31 =	vld.idx.msk [tilespmem:v11+s12+$0x0], $0xffff;
	v11 =	vor.u32 $0x14, v1  }
0x60: {  	v32 =	vld.idx.msk [tilespmem:v16+s14+$0x0], $0xffff;
	v16 =	vor.u32 $0x15, v4  }
0x61: {  	v29 =	vld.idx.msk [tilespmem:v13+s12+$0x0], $0xffff;
	v13 =	vor.u32 $0x15, v1  }
0x62: {  	v30 =	vld.idx.msk [tilespmem:v14+s14+$0x0], $0xffff;
	v14 =	vor.u32 $0x16, v4  }
0x63: {  	v27 =	vld.idx.msk [tilespmem:v15+s12+$0x0], $0xffff;
	v15 =	vor.u32 $0x16, v1  }
0x64: {  	v28 =	vld.idx.msk [tilespmem:v11+s14+$0x0], $0xffff;
	v11 =	vor.u32 $0x17, v4  }
0x65: {  	v25 =	vld.idx.msk [tilespmem:v16+s12+$0x0], $0xffff;
	v16 =	vor.u32 $0x17, v1  }
0x66: {  	v26 =	vld.idx.msk [tilespmem:v13+s14+$0x0], $0xffff;
	v13 =	vor.u32 $0x18, v4  }
0x67: {  	v23 =	vld.idx.msk [tilespmem:v14+s12+$0x0], $0xffff;
	v14 =	vor.u32 $0x18, v1  }
0x68: {  	v24 =	vld.idx.msk [tilespmem:v15+s14+$0x0], $0xffff;
	v15 =	vor.u32 $0x19, v4  }
0x69: {  	v21 =	vld.idx.msk [tilespmem:v11+s12+$0x0], $0xffff;
	v11 =	vor.u32 $0x19, v1  }
0x6a: {  	v22 =	vld.idx.msk [tilespmem:v16+s14+$0x0], $0xffff;
	v16 =	vor.u32 $0x1A, v4  }
0x6b: {  	v19 =	vld.idx.msk [tilespmem:v13+s12+$0x0], $0xffff;
	v13 =	vor.u32 $0x1A, v1  }
0x6c: {  	v62 =	vor.u32 $0x1B, v4;
	v20 =	vld.idx.msk [tilespmem:v14+s14+$0x0], $0xffff  }
0x6d: {  	v17 =	vld.idx.msk [tilespmem:v15+s12+$0x0], $0xffff;
	v15 =	vor.u32 $0x1B, v1  }
0x6e: {  	v18 =	vld.idx.msk [tilespmem:v11+s14+$0x0], $0xffff;
	v11 =	vor.u32 $0x1C, v4  }
0x6f: {  	v63 =	vor.u32 $0x1C, v1;
	v8 =	vmul.f32 v10, v8;
	v14 =	vld.idx.msk [tilespmem:v16+s12+$0x0], $0xffff  }
0x70: {  	v16 =	vld.idx.msk [tilespmem:v13+s14+$0x0], $0xffff;
	v13 =	vor.u32 $0x1D, v4  }
0x71: {  	v10 =	vld.idx.msk [tilespmem:v62+s12+$0x0], $0xffff;
	v5 =	vmul.f32 v6, v5;
	v6 =	vor.u32 $0x1D, v1;
	v8 =	vadd.f32 $0.0e+00, v8  }
0x72: {  	v7 =	vmul.f32 v9, v7;
	v9 =	vor.u32 $0x1E, v1;
	v15 =	vld.idx.msk [tilespmem:v15+s14+$0x0], $0xffff  }
0x73: {  	v62 =	vor.u32 $0x1E, v4;
	v5 =	vadd.f32 v5, v8;
	v8 =	vld.idx.msk [tilespmem:v11+s12+$0x0], $0xffff  }
0x74: {  	v4 =	vor.u32 $0x1F, v4;
	v11 =	vld.idx.msk [tilespmem:v63+s14+$0x0], $0xffff  }
0x75: {  	v2 =	vshll.u32 v2, $0x5;
	v63 =	vadd.f32 v7, v5;
	v7 =	vmov s0;
	v5 =	vld.idx.msk [tilespmem:v13+s12+$0x0], $0xffff  }
0x76: {  	v13 =	vor.u32 $0x1F, v1;
	v1 =	vmul.f32 v12, v54;
	v54 =	vld.idx.msk [tilespmem:v6+s14+$0x0], $0xffff;
	v7 =	vshll.u32 v7, $0x7  }
0x77: {  	v3 =	vshll.u32 v3, $0x5;
	v2 =	vand.u32 $0x60, v2;
	v12 =	vld.idx.msk [tilespmem:v9+s14+$0x0], $0xffff;
	v6 =	vor.u32 v0, v7  }
0x78: {  	v3 =	vand.u32 $0x60, v3;
	v7 =	vld.idx.msk [tilespmem:v62+s12+$0x0], $0xffff;
	v2 =	vor.u32 v6, v2  }
0x79: {  	s31 =	simm.s32 $0x20;
	v55 =	vmul.f32 v56, v55;
	v62 =	vadd.f32 v1, v63;
	v1 =	vor.u32 v6, v3;
	v6 =	vld.idx.msk [tilespmem:v4+s12+$0x0], $0xffff  }
0x7a: {  	v52 =	vmul.f32 v61, v52;
	v3 =	vld [tilespmem:s31+$0x0];
	v56 =	vor.u32 $0x1, v2  }
0x7b: {  	s0 =	simm.s32 $0x220;
	v61 =	vor.u32 $0x4, v2;
	v9 =	vld.idx.msk [tilespmem:v13+s14+$0x0], $0xffff;
	v13 =	vadd.f32 v55, v62;
	v62 =	vmul.f32 v58, v57  }
0x7c: {  	v4 =	vld [tilespmem:s0+$0x0];
	v57 =	vor.u32 $0x1, v1  }
0x7d: {  	v58 =	vor.u32 $0x2, v2;
	v55 =	vmul.f32 v60, v59;
	v13 =	vadd.f32 v62, v13;
	v59 =	vld.idx.msk [tilespmem:v2+s12+$0x0], $0xffff  }
0x7e: {  	v60 =	vor.u32 $0x2, v1;
	v62 =	vld.idx.msk [tilespmem:v1+s14+$0x0], $0xffff  }
0x7f: {  	v63 =	vor.u32 $0x3, v2;
	v13 =	vadd.f32 v55, v13;
	v55 =	vld.idx.msk [tilespmem:v56+s12+$0x0], $0xffff  }
0x80: {  	v47 =	vmul.f32 v48, v47;
	v56 =	vor.u32 $0x3, v1;
	v48 =	vld.idx.msk [tilespmem:v61+s12+$0x0], $0xffff  }
0x81: {  	v50 =	vmul.f32 v53, v50;
	v53 =	vor.u32 $0x4, v1;
	v57 =	vld.idx.msk [tilespmem:v57+s14+$0x0], $0xffff;
	v13 =	vadd.f32 v52, v13  }
0x82: {  	v49 =	vmul.f32 v51, v49;
	v51 =	vor.u32 $0x5, v1;
	v52 =	vld.idx.msk [tilespmem:v58+s12+$0x0], $0xffff  }
0x83: {  	v58 =	vld.idx.msk [tilespmem:v60+s14+$0x0], $0xffff;
	v60 =	vor.u32 $0x5, v2;
	v13 =	vadd.f32 v50, v13  }
0x84: {  	v10 =	vmul.f32 v15, v10;
	v15 =	vor.u32 $0x17, v1;
	v50 =	vld.idx.msk [tilespmem:v63+s12+$0x0], $0xffff;
	v59 =	vmul.f32 v62, v59  }
0x85: {  	v62 =	vor.u32 $0x6, v2;
	v56 =	vld.idx.msk [tilespmem:v56+s14+$0x0], $0xffff;
	v13 =	vadd.f32 v49, v13  }
0x86: {  	v53 =	vld.idx.msk [tilespmem:v53+s14+$0x0], $0xffff;
	v63 =	vor.u32 $0x6, v1;
	v59 =	vadd.f32 $0.0e+00, v59;
	v55 =	vmul.f32 v57, v55  }
0x87: {  	v45 =	vmul.f32 v46, v45;
	v51 =	vld.idx.msk [tilespmem:v51+s14+$0x0], $0xffff;
	v57 =	vor.u32 $0x7, v2;
	v13 =	vadd.f32 v47, v13  }
0x88: {  	v46 =	vld.idx.msk [tilespmem:v60+s12+$0x0], $0xffff;
	v60 =	vor.u32 $0x7, v1;
	v52 =	vmul.f32 v58, v52;
	v55 =	vadd.f32 v55, v59  }
0x89: {  	v43 =	vmul.f32 v44, v43;
	v61 =	vor.u32 $0x8, v2;
	v15 =	vld.idx.msk [tilespmem:v15+s14+$0x0], $0xffff;
	v13 =	vadd.f32 v45, v13  }
0x8a: {  	v44 =	vld.idx.msk [tilespmem:v62+s12+$0x0], $0xffff;
	v62 =	vor.u32 $0x8, v1;
	v52 =	vadd.f32 v52, v55;
	v50 =	vmul.f32 v56, v50  }
0x8b: {  	v41 =	vmul.f32 v42, v41;
	v49 =	vld.idx.msk [tilespmem:v63+s14+$0x0], $0xffff;
	v63 =	vor.u32 $0x9, v2;
	v13 =	vadd.f32 v43, v13  }
0x8c: {  	v48 =	vmul.f32 v53, v48;
	v56 =	vor.u32 $0x9, v1;
	v42 =	vld.idx.msk [tilespmem:v57+s12+$0x0], $0xffff;
	v50 =	vadd.f32 v50, v52  }
0x8d: {  	v39 =	vmul.f32 v40, v39;
	v59 =	vor.u32 $0xA, v1;
	v47 =	vld.idx.msk [tilespmem:v60+s14+$0x0], $0xffff;
	v13 =	vadd.f32 v41, v13  }
0x8e: {  	v58 =	vld.idx.msk [tilespmem:v61+s12+$0x0], $0xffff;
	v57 =	vor.u32 $0xA, v2;
	v46 =	vmul.f32 v51, v46;
	v48 =	vadd.f32 v48, v50  }
0x8f: {  	v37 =	vmul.f32 v38, v37;
	v60 =	vor.u32 $0xB, v2;
	v45 =	vld.idx.msk [tilespmem:v62+s14+$0x0], $0xffff;
	v13 =	vadd.f32 v39, v13  }
0x90: {  	v61 =	vld.idx.msk [tilespmem:v63+s12+$0x0], $0xffff;
	v62 =	vor.u32 $0xB, v1;
	v44 =	vmul.f32 v49, v44;
	v46 =	vadd.f32 v46, v48  }
0x91: {  	v35 =	vmul.f32 v36, v35;
	v51 =	vor.u32 $0xC, v1;
	v43 =	vld.idx.msk [tilespmem:v56+s14+$0x0], $0xffff;
	v13 =	vadd.f32 v37, v13  }
0x92: {  	v63 =	vor.u32 $0xC, v2;
	v41 =	vld.idx.msk [tilespmem:v59+s14+$0x0], $0xffff;
	v42 =	vmul.f32 v47, v42;
	v44 =	vadd.f32 v44, v46  }
0x93: {  	v33 =	vmul.f32 v34, v33;
	v52 =	vor.u32 $0xD, v2;
	v49 =	vld.idx.msk [tilespmem:v57+s12+$0x0], $0xffff;
	v13 =	vadd.f32 v35, v13  }
0x94: {  	v55 =	vor.u32 $0xD, v1;
	v53 =	vld.idx.msk [tilespmem:v60+s12+$0x0], $0xffff;
	v40 =	vmul.f32 v45, v58;
	v42 =	vadd.f32 v42, v44  }
0x95: {  	v31 =	vmul.f32 v32, v31;
	v56 =	vor.u32 $0xE, v2;
	v39 =	vld.idx.msk [tilespmem:v62+s14+$0x0], $0xffff;
	v13 =	vadd.f32 v33, v13  }
0x96: {  	v37 =	vld.idx.msk [tilespmem:v51+s14+$0x0], $0xffff;
	v58 =	vor.u32 $0xE, v1;
	v38 =	vmul.f32 v43, v61;
	v40 =	vadd.f32 v40, v42  }
0x97: {  	v29 =	vmul.f32 v30, v29;
	v59 =	vor.u32 $0xF, v2;
	v57 =	vld.idx.msk [tilespmem:v63+s12+$0x0], $0xffff;
	v13 =	vadd.f32 v31, v13  }
0x98: {  	v60 =	vld.idx.msk [tilespmem:v52+s12+$0x0], $0xffff;
	v61 =	vor.u32 $0xF, v1;
	v36 =	vmul.f32 v41, v49;
	v38 =	vadd.f32 v38, v40  }
0x99: {  	v27 =	vmul.f32 v28, v27;
	v62 =	vor.u32 $0x10, v2;
	v35 =	vld.idx.msk [tilespmem:v55+s14+$0x0], $0xffff;
	v13 =	vadd.f32 v29, v13  }
0x9a: {  	v63 =	vld.idx.msk [tilespmem:v56+s12+$0x0], $0xffff;
	v41 =	vor.u32 $0x10, v1;
	v34 =	vmul.f32 v39, v53;
	v36 =	vadd.f32 v36, v38  }
0x9b: {  	v25 =	vmul.f32 v26, v25;
	v43 =	vor.u32 $0x11, v2;
	v33 =	vld.idx.msk [tilespmem:v58+s14+$0x0], $0xffff;
	v13 =	vadd.f32 v27, v13  }
0x9c: {  	v45 =	vor.u32 $0x11, v1;
	v44 =	vld.idx.msk [tilespmem:v59+s12+$0x0], $0xffff;
	v32 =	vmul.f32 v37, v57;
	v34 =	vadd.f32 v34, v36  }
0x9d: {  	v23 =	vmul.f32 v24, v23;
	v46 =	vor.u32 $0x12, v2;
	v31 =	vld.idx.msk [tilespmem:v61+s14+$0x0], $0xffff;
	v13 =	vadd.f32 v25, v13  }
0x9e: {  	v48 =	vor.u32 $0x12, v1;
	v47 =	vld.idx.msk [tilespmem:v62+s12+$0x0], $0xffff;
	v30 =	vmul.f32 v35, v60;
	v32 =	vadd.f32 v32, v34  }
0x9f: {  	v21 =	vmul.f32 v22, v21;
	v49 =	vor.u32 $0x13, v2;
	v29 =	vld.idx.msk [tilespmem:v41+s14+$0x0], $0xffff;
	v13 =	vadd.f32 v23, v13  }
0xa0: {  	v51 =	vor.u32 $0x13, v1;
	v50 =	vld.idx.msk [tilespmem:v43+s12+$0x0], $0xffff;
	v28 =	vmul.f32 v33, v63;
	v30 =	vadd.f32 v30, v32  }
0xa1: {  	v19 =	vmul.f32 v20, v19;
	v52 =	vor.u32 $0x14, v2;
	v27 =	vld.idx.msk [tilespmem:v45+s14+$0x0], $0xffff;
	v13 =	vadd.f32 v21, v13  }
0xa2: {  	v55 =	vor.u32 $0x14, v1;
	v53 =	vld.idx.msk [tilespmem:v46+s12+$0x0], $0xffff;
	v26 =	vmul.f32 v31, v44;
	v28 =	vadd.f32 v28, v30  }
0xa3: {  	v17 =	vmul.f32 v18, v17;
	v56 =	vor.u32 $0x15, v2;
	v25 =	vld.idx.msk [tilespmem:v48+s14+$0x0], $0xffff;
	v13 =	vadd.f32 v19, v13  }
0xa4: {  	v18 =	vld.idx.msk [tilespmem:v49+s12+$0x0], $0xffff;
	v24 =	vmul.f32 v29, v47;
	v19 =	vor.u32 $0x15, v1;
	v26 =	vadd.f32 v26, v28  }
0xa5: {  	v14 =	vmul.f32 v16, v14;
	v57 =	vor.u32 $0x16, v2;
	v23 =	vld.idx.msk [tilespmem:v51+s14+$0x0], $0xffff;
	v13 =	vadd.f32 v17, v13  }
0xa6: {  	v16 =	vld.idx.msk [tilespmem:v52+s12+$0x0], $0xffff;
	v22 =	vmul.f32 v27, v50;
	v17 =	vor.u32 $0x16, v1;
	v24 =	vadd.f32 v24, v26  }
0xa7: {  	v6 =	vmul.f32 v9, v6;
	v58 =	vor.u32 $0x17, v2;
	v21 =	vld.idx.msk [tilespmem:v55+s14+$0x0], $0xffff;
	v13 =	vadd.f32 v14, v13  }
0xa8: {  	v9 =	vor.u32 $0x1B, v1;
	v20 =	vmul.f32 v25, v53;
	v14 =	vld.idx.msk [tilespmem:v56+s12+$0x0], $0xffff;
	v22 =	vadd.f32 v22, v24  }
0xa9: {  	v8 =	vmul.f32 v11, v8;
	v59 =	vor.u32 $0x18, v2;
	v19 =	vld.idx.msk [tilespmem:v19+s14+$0x0], $0xffff;
	v10 =	vadd.f32 v10, v13  }
0xaa: {  	v11 =	vld.idx.msk [tilespmem:v57+s12+$0x0], $0xffff;
	v18 =	vmul.f32 v23, v18;
	v13 =	vor.u32 $0x18, v1;
	v20 =	vadd.f32 v20, v22  }
0xab: {  	v5 =	vmul.f32 v54, v5;
	v60 =	vor.u32 $0x19, v2;
	v17 =	vld.idx.msk [tilespmem:v17+s14+$0x0], $0xffff;
	v8 =	vadd.f32 v8, v10  }
0xac: {  	v61 =	vld.idx.msk [tilespmem:v58+s12+$0x0], $0xffff;
	v16 =	vmul.f32 v21, v16;
	v10 =	vor.u32 $0x19, v1;
	v18 =	vadd.f32 v18, v20  }
0xad: {  	v7 =	vmul.f32 v12, v7;
	v9 =	vld.idx.msk [tilespmem:v9+s14+$0x0], $0xffff;
	v62 =	vor.u32 $0x1A, v2;
	v5 =	vadd.f32 v5, v8  }
0xae: {  	v63 =	vld.idx.msk [tilespmem:v59+s12+$0x0], $0xffff;
	v8 =	vor.u32 $0x1A, v1;
	v12 =	vadd.f32 v16, v18;
	v14 =	vmul.f32 v19, v14  }
0xaf: {  	v18 =	vor.u32 $0x1B, v2;
	v13 =	vld.idx.msk [tilespmem:v13+s14+$0x0], $0xffff;
	v5 =	vadd.f32 v7, v5  }
0xb0: {  	v7 =	vld.idx.msk [tilespmem:v60+s12+$0x0], $0xffff;
	v12 =	vadd.f32 v14, v12;
	v14 =	vmul.f32 v17, v11;
	v11 =	vor.u32 $0x1C, v2  }
0xb1: {  	v15 =	vmul.f32 v15, v61;
	v17 =	vor.u32 $0x1C, v1;
	v10 =	vld.idx.msk [tilespmem:v10+s14+$0x0], $0xffff  }
0xb2: {  	v16 =	vor.u32 $0x1D, v2;
	v19 =	vadd.f32 v6, v5;
	v6 =	vld.idx.msk [tilespmem:v62+s12+$0x0], $0xffff;
	v12 =	vadd.f32 v14, v12  }
0xb3: {  	s30 =	simm.s32 $0x10800;
	v14 =	vor.u32 $0x1D, v1;
	v8 =	vld.idx.msk [tilespmem:v8+s14+$0x0], $0xffff  }
0xb4: {  	s1 =	simm.s32 $0x30;
	s9 =	simm.s32 $0x20;
	v5 =	vld.idx.msk [tilespmem:v18+s12+$0x0], $0xffff;
	[tilespmem:s30+$0x0] =	vst v19;
	v12 =	vadd.f32 v15, v12;
	v13 =	vmul.f32 v13, v63;
	v15 =	vor.u32 $0x1E, v2  }
.LBB2_4:
0xb5: {  	p0 =	sne.s32 s1, $0x70;
	v18 =	vmov s31;
	v11 =	vld.idx.msk [tilespmem:v11+s12+$0x0], $0xffff;
	v19 =	vor.u32 $0x1E, v1;
	s31 =	smov.u32 s1  }
0xb6: {  	v7 =	vmul.f32 v10, v7;
	v12 =	vadd.f32 v13, v12;
	v10 =	vld.idx.msk [tilespmem:v17+s14+$0x0], $0xffff;
	v13 =	vor.u32 $0x1F, v2  }
0xb7: {  	v3 =	vshll.u32 v3, $0x5;
	v2 =	vshll.u32 v18, $0x7;
	v17 =	vor.u32 $0x1F, v1;
	v16 =	vld.idx.msk [tilespmem:v16+s12+$0x0], $0xffff  }
0xb8: {  	v1 =	vshll.u32 v4, $0x5;
	v6 =	vmul.f32 v8, v6;
	v4 =	vadd.f32 v7, v12;
	v7 =	vld.idx.msk [tilespmem:v14+s14+$0x0], $0xffff  }
0xb9: {  	v3 =	vand.u32 $0x60, v3;
	v1 =	vand.u32 $0x60, v1;
	v8 =	vor.u32 v0, v2;
	v12 =	vld.idx.msk [tilespmem:v15+s12+$0x0], $0xffff  }
0xba: {  	v2 =	vor.u32 v8, v3;
	v3 =	vadd.f32 v6, v4;
	v4 =	vmul.f32 v9, v5;
	v5 =	vld.idx.msk [tilespmem:v19+s14+$0x0], $0xffff  }
0xbb: {  	v1 =	vor.u32 v8, v1;
	v6 =	vld.idx.msk [tilespmem:v13+s12+$0x0], $0xffff  }
0xbc: {  	s9 =	sadd.s32 $0x10, s9;
	v8 =	vor.u32 $0x1, v2;
	v10 =	vmul.f32 v10, v11;
	v9 =	vadd.f32 v4, v3;
	v11 =	vld.idx.msk [tilespmem:v17+s14+$0x0], $0xffff  }
0xbd: {  	s0 =	sadd.s32 $0x10, s0;
	v13 =	vor.u32 $0x1, v1;
	v3 =	vld [tilespmem:s9+$0x0]  }
0xbe: {  	v14 =	vor.u32 $0x2, v2;
	v7 =	vmul.f32 v7, v16;
	v4 =	vld [tilespmem:s0+$0x0];
	v9 =	vadd.f32 v10, v9  }
0xbf: {  	v15 =	vor.u32 $0x2, v1;
	v10 =	vld.idx.msk [tilespmem:v2+s12+$0x0], $0xffff  }
0xc0: {  	v17 =	vor.u32 $0x3, v2;
	v5 =	vmul.f32 v5, v12;
	v16 =	vld.idx.msk [tilespmem:v1+s14+$0x0], $0xffff;
	v7 =	vadd.f32 v7, v9  }
0xc1: {  	v9 =	vor.u32 $0x3, v1;
	v8 =	vld.idx.msk [tilespmem:v8+s12+$0x0], $0xffff  }
0xc2: {  	v6 =	vmul.f32 v11, v6;
	v12 =	vld.idx.msk [tilespmem:v13+s14+$0x0], $0xffff;
	v13 =	vor.u32 $0x4, v2;
	v5 =	vadd.f32 v5, v7  }
0xc3: {  	v11 =	vor.u32 $0x4, v1;
	v7 =	vld.idx.msk [tilespmem:v14+s12+$0x0], $0xffff  }
0xc4: {  	v14 =	vld.idx.msk [tilespmem:v15+s14+$0x0], $0xffff;
	v15 =	vor.u32 $0x5, v2;
	v5 =	vadd.f32 v6, v5  }
0xc5: {  	s30 =	sadd.s32 $0x10, s30;
	v6 =	vld.idx.msk [tilespmem:v17+s12+$0x0], $0xffff;
	v17 =	vor.u32 $0x5, v1  }
0xc6: {  	v10 =	vmul.f32 v16, v10;
	v16 =	vor.u32 $0x6, v2;
	v9 =	vld.idx.msk [tilespmem:v9+s14+$0x0], $0xffff;
	[tilespmem:s30+$0x0] =	vst v5  }
0xc7: {  	v5 =	vld.idx.msk [tilespmem:v13+s12+$0x0], $0xffff;
	v13 =	vor.u32 $0x6, v1  }
0xc8: {  	v10 =	vadd.f32 $0.0e+00, v10;
	v8 =	vmul.f32 v12, v8;
	v12 =	vor.u32 $0x7, v2;
	v11 =	vld.idx.msk [tilespmem:v11+s14+$0x0], $0xffff  }
0xc9: {  	v18 =	vor.u32 $0x7, v1;
	v15 =	vld.idx.msk [tilespmem:v15+s12+$0x0], $0xffff  }
0xca: {  	v8 =	vadd.f32 v8, v10;
	v7 =	vmul.f32 v14, v7;
	v14 =	vor.u32 $0x8, v2;
	v10 =	vld.idx.msk [tilespmem:v17+s14+$0x0], $0xffff  }
0xcb: {  	v17 =	vor.u32 $0x8, v1;
	v16 =	vld.idx.msk [tilespmem:v16+s12+$0x0], $0xffff  }
0xcc: {  	v7 =	vadd.f32 v7, v8;
	v6 =	vmul.f32 v9, v6;
	v9 =	vor.u32 $0x9, v2;
	v8 =	vld.idx.msk [tilespmem:v13+s14+$0x0], $0xffff  }
0xcd: {  	v13 =	vor.u32 $0x9, v1;
	v12 =	vld.idx.msk [tilespmem:v12+s12+$0x0], $0xffff  }
0xce: {  	v6 =	vadd.f32 v6, v7;
	v5 =	vmul.f32 v11, v5;
	v11 =	vor.u32 $0xA, v2;
	v7 =	vld.idx.msk [tilespmem:v18+s14+$0x0], $0xffff  }
0xcf: {  	v18 =	vor.u32 $0xA, v1;
	v14 =	vld.idx.msk [tilespmem:v14+s12+$0x0], $0xffff  }
0xd0: {  	v5 =	vadd.f32 v5, v6;
	v6 =	vmul.f32 v10, v15;
	v15 =	vor.u32 $0xB, v2;
	v10 =	vld.idx.msk [tilespmem:v17+s14+$0x0], $0xffff  }
0xd1: {  	v17 =	vor.u32 $0xB, v1;
	v9 =	vld.idx.msk [tilespmem:v9+s12+$0x0], $0xffff  }
0xd2: {  	v5 =	vadd.f32 v6, v5;
	v6 =	vmul.f32 v8, v16;
	v8 =	vld.idx.msk [tilespmem:v13+s14+$0x0], $0xffff;
	v13 =	vor.u32 $0xC, v2  }
0xd3: {  	v16 =	vor.u32 $0xC, v1;
	v11 =	vld.idx.msk [tilespmem:v11+s12+$0x0], $0xffff  }
0xd4: {  	v5 =	vadd.f32 v6, v5;
	v6 =	vmul.f32 v7, v12;
	v12 =	vor.u32 $0xD, v2;
	v7 =	vld.idx.msk [tilespmem:v18+s14+$0x0], $0xffff  }
0xd5: {  	v18 =	vor.u32 $0xD, v1;
	v15 =	vld.idx.msk [tilespmem:v15+s12+$0x0], $0xffff  }
0xd6: {  	v5 =	vadd.f32 v6, v5;
	v6 =	vmul.f32 v10, v14;
	v14 =	vor.u32 $0xE, v2;
	v10 =	vld.idx.msk [tilespmem:v17+s14+$0x0], $0xffff  }
0xd7: {  	v17 =	vor.u32 $0xE, v1;
	v13 =	vld.idx.msk [tilespmem:v13+s12+$0x0], $0xffff  }
0xd8: {  	v5 =	vadd.f32 v6, v5;
	v6 =	vmul.f32 v8, v9;
	v9 =	vor.u32 $0xF, v2;
	v8 =	vld.idx.msk [tilespmem:v16+s14+$0x0], $0xffff  }
0xd9: {  	v16 =	vor.u32 $0xF, v1;
	v12 =	vld.idx.msk [tilespmem:v12+s12+$0x0], $0xffff  }
0xda: {  	v5 =	vadd.f32 v6, v5;
	v6 =	vmul.f32 v7, v11;
	v11 =	vor.u32 $0x10, v2;
	v7 =	vld.idx.msk [tilespmem:v18+s14+$0x0], $0xffff  }
0xdb: {  	v18 =	vor.u32 $0x10, v1;
	v14 =	vld.idx.msk [tilespmem:v14+s12+$0x0], $0xffff  }
0xdc: {  	v5 =	vadd.f32 v6, v5;
	v6 =	vmul.f32 v10, v15;
	v15 =	vor.u32 $0x11, v2;
	v10 =	vld.idx.msk [tilespmem:v17+s14+$0x0], $0xffff  }
0xdd: {  	v17 =	vor.u32 $0x11, v1;
	v9 =	vld.idx.msk [tilespmem:v9+s12+$0x0], $0xffff  }
0xde: {  	v5 =	vadd.f32 v6, v5;
	v6 =	vmul.f32 v8, v13;
	v13 =	vor.u32 $0x12, v2;
	v8 =	vld.idx.msk [tilespmem:v16+s14+$0x0], $0xffff  }
0xdf: {  	v16 =	vor.u32 $0x12, v1;
	v11 =	vld.idx.msk [tilespmem:v11+s12+$0x0], $0xffff  }
0xe0: {  	v5 =	vadd.f32 v6, v5;
	v6 =	vmul.f32 v7, v12;
	v12 =	vor.u32 $0x13, v2;
	v7 =	vld.idx.msk [tilespmem:v18+s14+$0x0], $0xffff  }
0xe1: {  	v18 =	vor.u32 $0x13, v1;
	v15 =	vld.idx.msk [tilespmem:v15+s12+$0x0], $0xffff  }
0xe2: {  	v5 =	vadd.f32 v6, v5;
	v6 =	vmul.f32 v10, v14;
	v14 =	vor.u32 $0x14, v2;
	v10 =	vld.idx.msk [tilespmem:v17+s14+$0x0], $0xffff  }
0xe3: {  	v17 =	vor.u32 $0x14, v1;
	v13 =	vld.idx.msk [tilespmem:v13+s12+$0x0], $0xffff  }
0xe4: {  	v5 =	vadd.f32 v6, v5;
	v6 =	vmul.f32 v8, v9;
	v9 =	vor.u32 $0x15, v2;
	v8 =	vld.idx.msk [tilespmem:v16+s14+$0x0], $0xffff  }
0xe5: {  	v16 =	vor.u32 $0x15, v1;
	v12 =	vld.idx.msk [tilespmem:v12+s12+$0x0], $0xffff  }
0xe6: {  	v5 =	vadd.f32 v6, v5;
	v6 =	vmul.f32 v7, v11;
	v11 =	vor.u32 $0x16, v2;
	v7 =	vld.idx.msk [tilespmem:v18+s14+$0x0], $0xffff  }
0xe7: {  	v18 =	vor.u32 $0x16, v1;
	v14 =	vld.idx.msk [tilespmem:v14+s12+$0x0], $0xffff  }
0xe8: {  	v5 =	vadd.f32 v6, v5;
	v6 =	vmul.f32 v10, v15;
	v15 =	vor.u32 $0x17, v2;
	v10 =	vld.idx.msk [tilespmem:v17+s14+$0x0], $0xffff  }
0xe9: {  	v17 =	vor.u32 $0x17, v1;
	v9 =	vld.idx.msk [tilespmem:v9+s12+$0x0], $0xffff  }
0xea: {  	v5 =	vadd.f32 v6, v5;
	v6 =	vmul.f32 v8, v13;
	v13 =	vor.u32 $0x18, v2;
	v8 =	vld.idx.msk [tilespmem:v16+s14+$0x0], $0xffff  }
0xeb: {  	v16 =	vor.u32 $0x18, v1;
	v11 =	vld.idx.msk [tilespmem:v11+s12+$0x0], $0xffff  }
0xec: {  	v5 =	vadd.f32 v6, v5;
	v6 =	vmul.f32 v7, v12;
	v7 =	vor.u32 $0x19, v2;
	v12 =	vld.idx.msk [tilespmem:v18+s14+$0x0], $0xffff  }
0xed: {  	v18 =	vor.u32 $0x19, v1;
	v15 =	vld.idx.msk [tilespmem:v15+s12+$0x0], $0xffff  }
0xee: {  	v5 =	vadd.f32 v6, v5;
	v6 =	vmul.f32 v10, v14;
	v14 =	vld.idx.msk [tilespmem:v17+s14+$0x0], $0xffff;
	v17 =	vor.u32 $0x1A, v2  }
0xef: {  	v19 =	vor.u32 $0x1A, v1;
	v13 =	vld.idx.msk [tilespmem:v13+s12+$0x0], $0xffff  }
0xf0: {  	v20 =	vor.u32 $0x1B, v2;
	v5 =	vadd.f32 v6, v5;
	v6 =	vmul.f32 v8, v9;
	v9 =	vld.idx.msk [tilespmem:v16+s14+$0x0], $0xffff  }
0xf1: {  	v21 =	vor.u32 $0x1B, v1;
	v7 =	vld.idx.msk [tilespmem:v7+s12+$0x0], $0xffff  }
.Ltmp1:
0xf2: {  	v5 =	vadd.f32 v6, v5;
	v8 =	vmul.f32 v12, v11;
	v11 =	vor.u32 $0x1C, v2;
	v10 =	vld.idx.msk [tilespmem:v18+s14+$0x0], $0xffff;
	(pc) =	sbr.rel @p0 .LBB2_4-.Ltmp1, $4  }
0xf3: {  	v6 =	vld.idx.msk [tilespmem:v17+s12+$0x0], $0xffff;
	v17 =	vor.u32 $0x1C, v1  }
0xf4: {  	v16 =	vor.u32 $0x1D, v2;
	v12 =	vadd.f32 v8, v5;
	v15 =	vmul.f32 v14, v15;
	v8 =	vld.idx.msk [tilespmem:v19+s14+$0x0], $0xffff  }
0xf5: {  	v14 =	vor.u32 $0x1D, v1;
	v5 =	vld.idx.msk [tilespmem:v20+s12+$0x0], $0xffff  }
0xf6: {  	s1 =	sadd.s32 $0x10, s1;
	v12 =	vadd.f32 v15, v12;
	v13 =	vmul.f32 v9, v13;
	v15 =	vor.u32 $0x1E, v2;
	v9 =	vld.idx.msk [tilespmem:v21+s14+$0x0], $0xffff  }
0xf7: {  	_ =	sdelay $0x3  }
0xf8: {  	v18 =	vmov s31;
	v11 =	vld.idx.msk [tilespmem:v11+s12+$0x0], $0xffff;
	v19 =	vor.u32 $0x1E, v1;
	v20 =	vor.u32 $0x1F, v2  }
0xf9: {  	v2 =	vld.idx.msk [tilespmem:v17+s14+$0x0], $0xffff;
	v3 =	vshll.u32 v3, $0x5;
	v21 =	vor.u32 $0x1F, v1;
	v17 =	vshll.u32 v18, $0x7  }
0xfa: {  	v1 =	vld.idx.msk [tilespmem:v16+s12+$0x0], $0xffff;
	v4 =	vshll.u32 v4, $0x5;
	v3 =	vand.u32 $0x60, v3;
	v16 =	vor.u32 v0, v17  }
0xfb: {  	v14 =	vld.idx.msk [tilespmem:v14+s14+$0x0], $0xffff;
	v4 =	vand.u32 $0x60, v4;
	v17 =	vor.u32 v16, v3  }
0xfc: {  	v3 =	vld.idx.msk [tilespmem:v15+s12+$0x0], $0xffff;
	v18 =	vor.u32 v16, v4  }
0xfd: {  	v50 =	vor.u32 $0x1, v18;
	v15 =	vld.idx.msk [tilespmem:v19+s14+$0x0], $0xffff  }
0xfe: {  	v19 =	vor.u32 $0x1, v17;
	v4 =	vld.idx.msk [tilespmem:v20+s12+$0x0], $0xffff  }
0xff: {  	v51 =	vor.u32 $0x2, v17;
	v16 =	vld.idx.msk [tilespmem:v21+s14+$0x0], $0xffff  }
0x100: {  	v23 =	vor.u32 $0x2, v18;
	v22 =	vld.idx.msk [tilespmem:v17+s12+$0x0], $0xffff  }
0x101: {  	v25 =	vor.u32 $0x3, v17;
	v24 =	vld.idx.msk [tilespmem:v18+s14+$0x0], $0xffff  }
0x102: {  	v26 =	vor.u32 $0x3, v18;
	v20 =	vld.idx.msk [tilespmem:v50+s14+$0x0], $0xffff  }
0x103: {  	v27 =	vor.u32 $0x4, v17;
	v19 =	vld.idx.msk [tilespmem:v19+s12+$0x0], $0xffff  }
0x104: {  	v28 =	vor.u32 $0x4, v18;
	v21 =	vld.idx.msk [tilespmem:v51+s12+$0x0], $0xffff  }
0x105: {  	v29 =	vor.u32 $0x5, v17;
	v23 =	vld.idx.msk [tilespmem:v23+s14+$0x0], $0xffff  }
0x106: {  	v30 =	vor.u32 $0x5, v18;
	v25 =	vld.idx.msk [tilespmem:v25+s12+$0x0], $0xffff;
	v22 =	vmul.f32 v24, v22  }
0x107: {  	v53 =	vor.u32 $0x6, v17;
	v52 =	vld.idx.msk [tilespmem:v26+s14+$0x0], $0xffff  }
0x108: {  	v31 =	vor.u32 $0x6, v18;
	v27 =	vld.idx.msk [tilespmem:v27+s12+$0x0], $0xffff;
	v22 =	vadd.f32 $0.0e+00, v22;
	v19 =	vmul.f32 v20, v19  }
0x109: {  	v55 =	vor.u32 $0x7, v17;
	v54 =	vld.idx.msk [tilespmem:v28+s14+$0x0], $0xffff  }
0x10a: {  	v32 =	vor.u32 $0x7, v18;
	v29 =	vld.idx.msk [tilespmem:v29+s12+$0x0], $0xffff;
	v21 =	vmul.f32 v23, v21;
	v19 =	vadd.f32 v19, v22  }
0x10b: {  	v58 =	vor.u32 $0x8, v18;
	v56 =	vld.idx.msk [tilespmem:v30+s14+$0x0], $0xffff  }
0x10c: {  	v57 =	vor.u32 $0x8, v17;
	v26 =	vld.idx.msk [tilespmem:v53+s12+$0x0], $0xffff;
	v59 =	vmul.f32 v52, v25;
	v19 =	vadd.f32 v21, v19  }
0x10d: {  	v62 =	vor.u32 $0x9, v18;
	v60 =	vld.idx.msk [tilespmem:v31+s14+$0x0], $0xffff  }
0x10e: {  	v61 =	vor.u32 $0x9, v17;
	v28 =	vld.idx.msk [tilespmem:v55+s12+$0x0], $0xffff;
	v20 =	vmul.f32 v54, v27;
	v19 =	vadd.f32 v59, v19  }
0x10f: {  	v37 =	vor.u32 $0xA, v18;
	v63 =	vld.idx.msk [tilespmem:v32+s14+$0x0], $0xffff  }
0x110: {  	v36 =	vor.u32 $0xA, v17;
	v39 =	vld.idx.msk [tilespmem:v58+s14+$0x0], $0xffff;
	v38 =	vmul.f32 v56, v29;
	v19 =	vadd.f32 v20, v19  }
0x111: {  	v41 =	vor.u32 $0xB, v18;
	v23 =	vld.idx.msk [tilespmem:v57+s12+$0x0], $0xffff  }
0x112: {  	v40 =	vor.u32 $0xB, v17;
	v43 =	vld.idx.msk [tilespmem:v62+s14+$0x0], $0xffff;
	v42 =	vmul.f32 v60, v26;
	v19 =	vadd.f32 v38, v19  }
0x113: {  	v45 =	vor.u32 $0xC, v18;
	v25 =	vld.idx.msk [tilespmem:v61+s12+$0x0], $0xffff  }
0x114: {  	v44 =	vor.u32 $0xC, v17;
	v47 =	vld.idx.msk [tilespmem:v37+s14+$0x0], $0xffff;
	v46 =	vmul.f32 v63, v28;
	v19 =	vadd.f32 v42, v19  }
0x115: {  	v48 =	vor.u32 $0xD, v17;
	v27 =	vld.idx.msk [tilespmem:v36+s12+$0x0], $0xffff  }
0x116: {  	v49 =	vor.u32 $0xD, v18;
	v51 =	vld.idx.msk [tilespmem:v41+s14+$0x0], $0xffff;
	v50 =	vmul.f32 v39, v23;
	v19 =	vadd.f32 v46, v19  }
0x117: {  	v53 =	vor.u32 $0xE, v18;
	v29 =	vld.idx.msk [tilespmem:v40+s12+$0x0], $0xffff  }
0x118: {  	v55 =	vld.idx.msk [tilespmem:v45+s14+$0x0], $0xffff;
	v52 =	vor.u32 $0xE, v17;
	v54 =	vmul.f32 v43, v25;
	v19 =	vadd.f32 v50, v19  }
0x119: {  	v26 =	vld.idx.msk [tilespmem:v44+s12+$0x0], $0xffff;
	v56 =	vor.u32 $0xF, v17  }
0x11a: {  	v28 =	vld.idx.msk [tilespmem:v48+s12+$0x0], $0xffff;
	v57 =	vor.u32 $0xF, v18;
	v58 =	vmul.f32 v47, v27;
	v19 =	vadd.f32 v54, v19  }
0x11b: {  	v60 =	vor.u32 $0x10, v17;
	v59 =	vld.idx.msk [tilespmem:v49+s14+$0x0], $0xffff  }
0x11c: {  	v61 =	vor.u32 $0x10, v18;
	v63 =	vld.idx.msk [tilespmem:v53+s14+$0x0], $0xffff;
	v62 =	vmul.f32 v51, v29;
	v19 =	vadd.f32 v58, v19  }
0x11d: {  	v35 =	vor.u32 $0x11, v17;
	v23 =	vld.idx.msk [tilespmem:v52+s12+$0x0], $0xffff  }
0x11e: {  	v36 =	vor.u32 $0x11, v18;
	v25 =	vld.idx.msk [tilespmem:v56+s12+$0x0], $0xffff;
	v37 =	vmul.f32 v55, v26;
	v19 =	vadd.f32 v62, v19  }
0x11f: {  	v39 =	vor.u32 $0x12, v17;
	v38 =	vld.idx.msk [tilespmem:v57+s14+$0x0], $0xffff  }
0x120: {  	v40 =	vor.u32 $0x12, v18;
	v27 =	vld.idx.msk [tilespmem:v60+s12+$0x0], $0xffff;
	v41 =	vmul.f32 v59, v28;
	v19 =	vadd.f32 v37, v19  }
0x121: {  	v43 =	vor.u32 $0x13, v17;
	v42 =	vld.idx.msk [tilespmem:v61+s14+$0x0], $0xffff  }
0x122: {  	v44 =	vor.u32 $0x13, v18;
	v29 =	vld.idx.msk [tilespmem:v35+s12+$0x0], $0xffff;
	v45 =	vmul.f32 v63, v23;
	v19 =	vadd.f32 v41, v19  }
0x123: {  	v47 =	vor.u32 $0x14, v17;
	v46 =	vld.idx.msk [tilespmem:v36+s14+$0x0], $0xffff  }
0x124: {  	v48 =	vor.u32 $0x14, v18;
	v26 =	vld.idx.msk [tilespmem:v39+s12+$0x0], $0xffff;
	v49 =	vmul.f32 v38, v25;
	v19 =	vadd.f32 v45, v19  }
0x125: {  	v51 =	vor.u32 $0x15, v17;
	v50 =	vld.idx.msk [tilespmem:v40+s14+$0x0], $0xffff  }
0x126: {  	v52 =	vor.u32 $0x15, v18;
	v28 =	vld.idx.msk [tilespmem:v43+s12+$0x0], $0xffff;
	v53 =	vmul.f32 v42, v27;
	v19 =	vadd.f32 v49, v19  }
0x127: {  	v56 =	vor.u32 $0x16, v18;
	v54 =	vld.idx.msk [tilespmem:v44+s14+$0x0], $0xffff  }
0x128: {  	v55 =	vor.u32 $0x16, v17;
	v23 =	vld.idx.msk [tilespmem:v47+s12+$0x0], $0xffff;
	v57 =	vmul.f32 v46, v29;
	v19 =	vadd.f32 v53, v19  }
0x129: {  	v60 =	vor.u32 $0x17, v18;
	v58 =	vld.idx.msk [tilespmem:v48+s14+$0x0], $0xffff  }
0x12a: {  	v59 =	vor.u32 $0x17, v17;
	v25 =	vld.idx.msk [tilespmem:v51+s12+$0x0], $0xffff;
	v61 =	vmul.f32 v50, v26;
	v19 =	vadd.f32 v57, v19  }
0x12b: {  	v36 =	vor.u32 $0x18, v18;
	v62 =	vld.idx.msk [tilespmem:v52+s14+$0x0], $0xffff  }
0x12c: {  	v63 =	vor.u32 $0x18, v17;
	v38 =	vld.idx.msk [tilespmem:v56+s14+$0x0], $0xffff;
	v37 =	vmul.f32 v54, v28;
	v19 =	vadd.f32 v61, v19  }
0x12d: {  	v40 =	vor.u32 $0x19, v18;
	v27 =	vld.idx.msk [tilespmem:v55+s12+$0x0], $0xffff  }
0x12e: {  	v39 =	vor.u32 $0x19, v17;
	v42 =	vld.idx.msk [tilespmem:v60+s14+$0x0], $0xffff;
	v41 =	vmul.f32 v58, v23;
	v19 =	vadd.f32 v37, v19  }
0x12f: {  	v44 =	vor.u32 $0x1A, v18;
	v29 =	vld.idx.msk [tilespmem:v59+s12+$0x0], $0xffff  }
0x130: {  	v43 =	vor.u32 $0x1A, v17;
	v46 =	vld.idx.msk [tilespmem:v36+s14+$0x0], $0xffff;
	v45 =	vmul.f32 v62, v25;
	v19 =	vadd.f32 v41, v19  }
0x131: {  	v48 =	vor.u32 $0x1B, v18;
	v26 =	vld.idx.msk [tilespmem:v63+s12+$0x0], $0xffff  }
0x132: {  	v47 =	vor.u32 $0x1B, v17;
	v50 =	vld.idx.msk [tilespmem:v40+s14+$0x0], $0xffff;
	v49 =	vmul.f32 v38, v27;
	v19 =	vadd.f32 v45, v19  }
0x133: {  	v51 =	vor.u32 $0x1C, v17;
	v28 =	vld.idx.msk [tilespmem:v39+s12+$0x0], $0xffff  }
0x134: {  	v52 =	vor.u32 $0x1C, v18;
	v54 =	vld.idx.msk [tilespmem:v44+s14+$0x0], $0xffff;
	v53 =	vmul.f32 v42, v29;
	v19 =	vadd.f32 v49, v19  }
0x135: {  	v7 =	vmul.f32 v10, v7;
	v12 =	vadd.f32 v13, v12;
	v56 =	vor.u32 $0x1D, v18;
	v23 =	vld.idx.msk [tilespmem:v43+s12+$0x0], $0xffff  }
0x136: {  	v55 =	vor.u32 $0x1D, v17;
	v10 =	vld.idx.msk [tilespmem:v48+s14+$0x0], $0xffff;
	v57 =	vmul.f32 v46, v26;
	v19 =	vadd.f32 v53, v19  }
0x137: {  	v6 =	vmul.f32 v8, v6;
	v7 =	vadd.f32 v7, v12;
	v13 =	vor.u32 $0x1E, v17;
	v25 =	vld.idx.msk [tilespmem:v47+s12+$0x0], $0xffff  }
0x138: {  	v59 =	vor.u32 $0x1E, v18;
	v58 =	vld.idx.msk [tilespmem:v51+s12+$0x0], $0xffff;
	v60 =	vmul.f32 v50, v28;
	v19 =	vadd.f32 v57, v19  }
0x139: {  	v12 =	vor.u32 $0x1F, v17;
	v6 =	vadd.f32 v6, v7;
	v8 =	vld.idx.msk [tilespmem:v52+s14+$0x0], $0xffff  }
0x13a: {  	v7 =	vld.idx.msk [tilespmem:v56+s14+$0x0], $0xffff;
	v18 =	vor.u32 $0x1F, v18;
	v61 =	vmul.f32 v54, v23;
	v19 =	vadd.f32 v60, v19  }
0x13b: {  	v5 =	vmul.f32 v9, v5;
	v17 =	vld.idx.msk [tilespmem:v55+s12+$0x0], $0xffff  }
0x13c: {  	v9 =	vld.idx.msk [tilespmem:v13+s12+$0x0], $0xffff;
	v10 =	vmul.f32 v10, v25;
	v13 =	vadd.f32 v61, v19  }
0x13d: {  	v2 =	vmul.f32 v2, v11;
	v5 =	vadd.f32 v5, v6;
	v6 =	vld.idx.msk [tilespmem:v59+s14+$0x0], $0xffff  }
0x13e: {  	v11 =	vld.idx.msk [tilespmem:v12+s12+$0x0], $0xffff;
	v8 =	vmul.f32 v8, v58;
	v10 =	vadd.f32 v10, v13  }
0x13f: {  	v1 =	vmul.f32 v14, v1;
	v2 =	vadd.f32 v2, v5;
	v5 =	vld.idx.msk [tilespmem:v18+s14+$0x0], $0xffff  }
0x140: {  	v7 =	vmul.f32 v7, v17;
	v8 =	vadd.f32 v8, v10  }
0x141: {  	v1 =	vadd.f32 v1, v2;
	v2 =	vmul.f32 v15, v3  }
0x142: {  	v6 =	vmul.f32 v6, v9;
	v3 =	vadd.f32 v7, v8  }
0x143: {  	v1 =	vadd.f32 v2, v1;
	v2 =	vmul.f32 v16, v4  }
0x144: {  	v4 =	vmul.f32 v5, v11;
	v3 =	vadd.f32 v6, v3  }
0x145: {  	v1 =	vadd.f32 v2, v1  }
0x146: {  	s0 =	sadd.s32 $0x10, s30;
	v2 =	vadd.f32 v4, v3  }
0x147: {  	[tilespmem:s0+$0x0] =	vst v1;
	s0 =	sadd.s32 $0x10, s0  }
0x148: {  	s9 =	simm.s32 $0x80;
	[tilespmem:s0+$0x0] =	vst v2  }
0x149: {  	[tilespmem:s12], [sflag:$0x1] =	stream.indirect.gather [hbm4b:s3+s9], $0x80, s21, s9, $0xb8;
	[tilespmem:$0x10A00] =	vst v63  }
0x14a: {  	_ = 	snop  }
0x14b: {  	[tilespmem:s14], [sflag:$0x2] =	stream.indirect.gather [hbm4b:s3+s9], $0x80, s22, s9, $0xb8;
	[tilespmem:$0x10A00] =	vst v63  }
0x14c: {  	_ =	swait.ge [sflag:s23], $0x4000  }
0x14d: {  	[sflag:s23] =	ssyncset.done $0x0  }
0x14e: {  	[sflag:s23] =	ssyncadd.s32 $0xFFFFC000  }
0x14f: {  	_ =	swait.ge [sflag:s24], $0x4000  }
0x150: {  	[sflag:s24] =	ssyncset.done $0x0  }
0x151: {  	[sflag:s24] =	ssyncadd.s32 $0xFFFFC000  }
0x152: {  	s1 =	simm.s32 $0x280;
	v1 =	vld [tilespmem:s9+$0x0]  }
0x153: {  	v2 =	vld [tilespmem:s1+$0x0];
	_ =	sdelay $0x1  }
0x154: {  	s1 =	simm.s32 $0x0  }
0x155: {  	v3 =	vmov s1  }
0x156: {  	v3 =	vshll.u32 v3, $0x7;
	v1 =	vshll.u32 v1, $0x5  }
0x157: {  	v3 =	vor.u32 v0, v3;
	v2 =	vshll.u32 v2, $0x5;
	v1 =	vand.u32 $0x60, v1  }
0x158: {  	v2 =	vand.u32 $0x60, v2;
	v4 =	vor.u32 v3, v1  }
0x159: {  	v1 =	vor.u32 v3, v2  }
0x15a: {  	s9 =	simm.s32 $0x90;
	v5 =	vor.u32 $0x1, v4  }
0x15b: {  	s1 =	simm.s32 $0x290;
	v2 =	vld [tilespmem:s9+$0x0];
	v6 =	vor.u32 $0x1, v1  }
0x15c: {  	v3 =	vld [tilespmem:s1+$0x0];
	v7 =	vor.u32 $0x2, v4  }
0x15d: {  	v9 =	vor.u32 $0x2, v1;
	v8 =	vld.idx.msk [tilespmem:v4+s16+$0x0], $0xffff  }
0x15e: {  	v11 =	vor.u32 $0x3, v4;
	v10 =	vld.idx.msk [tilespmem:v1+s18+$0x0], $0xffff  }
0x15f: {  	v12 =	vor.u32 $0x3, v1;
	v5 =	vld.idx.msk [tilespmem:v5+s16+$0x0], $0xffff  }
0x160: {  	v13 =	vor.u32 $0x4, v4;
	v6 =	vld.idx.msk [tilespmem:v6+s18+$0x0], $0xffff  }
0x161: {  	v14 =	vor.u32 $0x4, v1;
	v7 =	vld.idx.msk [tilespmem:v7+s16+$0x0], $0xffff  }
0x162: {  	v16 =	vor.u32 $0x6, v4;
	v15 =	vld.idx.msk [tilespmem:v9+s18+$0x0], $0xffff  }
0x163: {  	v54 =	vld.idx.msk [tilespmem:v11+s16+$0x0], $0xffff;
	v11 =	vor.u32 $0x5, v1  }
0x164: {  	v9 =	vor.u32 $0x5, v4;
	v12 =	vld.idx.msk [tilespmem:v12+s18+$0x0], $0xffff  }
0x165: {  	v55 =	vld.idx.msk [tilespmem:v13+s16+$0x0], $0xffff;
	v13 =	vor.u32 $0x6, v1  }
0x166: {  	v56 =	vld.idx.msk [tilespmem:v14+s18+$0x0], $0xffff;
	v14 =	vor.u32 $0x7, v4  }
0x167: {  	v59 =	vld.idx.msk [tilespmem:v16+s16+$0x0], $0xffff;
	v16 =	vor.u32 $0x8, v1  }
0x168: {  	v58 =	vld.idx.msk [tilespmem:v11+s18+$0x0], $0xffff;
	v11 =	vor.u32 $0x8, v4  }
0x169: {  	v57 =	vld.idx.msk [tilespmem:v9+s16+$0x0], $0xffff;
	v9 =	vor.u32 $0x7, v1  }
0x16a: {  	v60 =	vld.idx.msk [tilespmem:v13+s18+$0x0], $0xffff;
	v13 =	vor.u32 $0x9, v4  }
0x16b: {  	v52 =	vld.idx.msk [tilespmem:v14+s16+$0x0], $0xffff;
	v14 =	vor.u32 $0x9, v1  }
0x16c: {  	v53 =	vld.idx.msk [tilespmem:v16+s18+$0x0], $0xffff;
	v16 =	vor.u32 $0xB, v4  }
0x16d: {  	v50 =	vld.idx.msk [tilespmem:v11+s16+$0x0], $0xffff;
	v11 =	vor.u32 $0xA, v1  }
0x16e: {  	v61 =	vld.idx.msk [tilespmem:v9+s18+$0x0], $0xffff;
	v9 =	vor.u32 $0xA, v4  }
0x16f: {  	v49 =	vld.idx.msk [tilespmem:v13+s16+$0x0], $0xffff;
	v13 =	vor.u32 $0xB, v1  }
0x170: {  	v51 =	vld.idx.msk [tilespmem:v14+s18+$0x0], $0xffff;
	v14 =	vor.u32 $0xC, v4  }
0x171: {  	v45 =	vld.idx.msk [tilespmem:v16+s16+$0x0], $0xffff;
	v16 =	vor.u32 $0xD, v1  }
0x172: {  	v48 =	vld.idx.msk [tilespmem:v11+s18+$0x0], $0xffff;
	v11 =	vor.u32 $0xD, v4  }
0x173: {  	v47 =	vld.idx.msk [tilespmem:v9+s16+$0x0], $0xffff;
	v9 =	vor.u32 $0xC, v1  }
0x174: {  	v46 =	vld.idx.msk [tilespmem:v13+s18+$0x0], $0xffff;
	v13 =	vor.u32 $0xE, v4  }
0x175: {  	v43 =	vld.idx.msk [tilespmem:v14+s16+$0x0], $0xffff;
	v14 =	vor.u32 $0xE, v1  }
0x176: {  	v42 =	vld.idx.msk [tilespmem:v16+s18+$0x0], $0xffff;
	v16 =	vor.u32 $0x10, v4  }
0x177: {  	v41 =	vld.idx.msk [tilespmem:v11+s16+$0x0], $0xffff;
	v11 =	vor.u32 $0xF, v1  }
0x178: {  	v44 =	vld.idx.msk [tilespmem:v9+s18+$0x0], $0xffff;
	v9 =	vor.u32 $0xF, v4  }
0x179: {  	v39 =	vld.idx.msk [tilespmem:v13+s16+$0x0], $0xffff;
	v13 =	vor.u32 $0x10, v1  }
0x17a: {  	v40 =	vld.idx.msk [tilespmem:v14+s18+$0x0], $0xffff;
	v14 =	vor.u32 $0x11, v4  }
0x17b: {  	v35 =	vld.idx.msk [tilespmem:v16+s16+$0x0], $0xffff;
	v16 =	vor.u32 $0x12, v1  }
0x17c: {  	v38 =	vld.idx.msk [tilespmem:v11+s18+$0x0], $0xffff;
	v11 =	vor.u32 $0x12, v4  }
0x17d: {  	v37 =	vld.idx.msk [tilespmem:v9+s16+$0x0], $0xffff;
	v9 =	vor.u32 $0x11, v1  }
0x17e: {  	v36 =	vld.idx.msk [tilespmem:v13+s18+$0x0], $0xffff;
	v13 =	vor.u32 $0x13, v4  }
0x17f: {  	v33 =	vld.idx.msk [tilespmem:v14+s16+$0x0], $0xffff;
	v14 =	vor.u32 $0x13, v1  }
0x180: {  	v32 =	vld.idx.msk [tilespmem:v16+s18+$0x0], $0xffff;
	v16 =	vor.u32 $0x15, v4  }
0x181: {  	v31 =	vld.idx.msk [tilespmem:v11+s16+$0x0], $0xffff;
	v11 =	vor.u32 $0x14, v1  }
0x182: {  	v34 =	vld.idx.msk [tilespmem:v9+s18+$0x0], $0xffff;
	v9 =	vor.u32 $0x14, v4  }
0x183: {  	v29 =	vld.idx.msk [tilespmem:v13+s16+$0x0], $0xffff;
	v13 =	vor.u32 $0x15, v1  }
0x184: {  	v30 =	vld.idx.msk [tilespmem:v14+s18+$0x0], $0xffff;
	v14 =	vor.u32 $0x16, v4  }
0x185: {  	v25 =	vld.idx.msk [tilespmem:v16+s16+$0x0], $0xffff;
	v16 =	vor.u32 $0x17, v1  }
0x186: {  	v28 =	vld.idx.msk [tilespmem:v11+s18+$0x0], $0xffff;
	v11 =	vor.u32 $0x17, v4  }
0x187: {  	v27 =	vld.idx.msk [tilespmem:v9+s16+$0x0], $0xffff;
	v9 =	vor.u32 $0x16, v1  }
0x188: {  	v26 =	vld.idx.msk [tilespmem:v13+s18+$0x0], $0xffff;
	v13 =	vor.u32 $0x18, v4  }
0x189: {  	v23 =	vld.idx.msk [tilespmem:v14+s16+$0x0], $0xffff;
	v14 =	vor.u32 $0x18, v1  }
0x18a: {  	v22 =	vld.idx.msk [tilespmem:v16+s18+$0x0], $0xffff;
	v16 =	vor.u32 $0x1A, v4  }
0x18b: {  	v21 =	vld.idx.msk [tilespmem:v11+s16+$0x0], $0xffff;
	v11 =	vor.u32 $0x19, v1  }
0x18c: {  	v62 =	vor.u32 $0x1A, v1;
	v24 =	vld.idx.msk [tilespmem:v9+s18+$0x0], $0xffff  }
0x18d: {  	v9 =	vor.u32 $0x19, v4;
	v19 =	vld.idx.msk [tilespmem:v13+s16+$0x0], $0xffff  }
0x18e: {  	v20 =	vld.idx.msk [tilespmem:v14+s18+$0x0], $0xffff;
	v14 =	vor.u32 $0x1B, v4  }
0x18f: {  	v63 =	vor.u32 $0x1B, v1;
	v13 =	vld.idx.msk [tilespmem:v16+s16+$0x0], $0xffff  }
0x190: {  	v8 =	vmul.f32 v10, v8;
	v18 =	vld.idx.msk [tilespmem:v11+s18+$0x0], $0xffff;
	v11 =	vor.u32 $0x1C, v4  }
0x191: {  	v10 =	vor.u32 $0x1C, v1;
	v16 =	vld.idx.msk [tilespmem:v62+s18+$0x0], $0xffff  }
0x192: {  	v5 =	vmul.f32 v6, v5;
	v8 =	vadd.f32 $0.0e+00, v8;
	v62 =	vor.u32 $0x1D, v4;
	v17 =	vld.idx.msk [tilespmem:v9+s16+$0x0], $0xffff  }
0x193: {  	v6 =	vor.u32 $0x1D, v1;
	v9 =	vld.idx.msk [tilespmem:v14+s16+$0x0], $0xffff  }
0x194: {  	v5 =	vadd.f32 v5, v8;
	v8 =	vmul.f32 v15, v7;
	v15 =	vor.u32 $0x1E, v1;
	v14 =	vld.idx.msk [tilespmem:v63+s18+$0x0], $0xffff  }
0x195: {  	v63 =	vor.u32 $0x1E, v4;
	v7 =	vld.idx.msk [tilespmem:v11+s16+$0x0], $0xffff  }
0x196: {  	s9 =	simm.s32 $0x10;
	v4 =	vor.u32 $0x1F, v4;
	v11 =	vld.idx.msk [tilespmem:v10+s18+$0x0], $0xffff  }
0x197: {  	v2 =	vshll.u32 v2, $0x5;
	v10 =	vadd.f32 v8, v5;
	v8 =	vmov s9;
	v5 =	vld.idx.msk [tilespmem:v62+s16+$0x0], $0xffff  }
0x198: {  	v62 =	vor.u32 $0x1F, v1;
	v1 =	vmul.f32 v12, v54;
	v54 =	vld.idx.msk [tilespmem:v6+s18+$0x0], $0xffff;
	v8 =	vshll.u32 v8, $0x7  }
0x199: {  	v3 =	vshll.u32 v3, $0x5;
	v2 =	vand.u32 $0x60, v2;
	v12 =	vld.idx.msk [tilespmem:v15+s18+$0x0], $0xffff;
	v6 =	vor.u32 v0, v8  }
0x19a: {  	v3 =	vand.u32 $0x60, v3;
	v8 =	vld.idx.msk [tilespmem:v63+s16+$0x0], $0xffff;
	v2 =	vor.u32 v6, v2  }
0x19b: {  	s31 =	simm.s32 $0xA0;
	v55 =	vmul.f32 v56, v55;
	v15 =	vadd.f32 v1, v10;
	v1 =	vor.u32 v6, v3;
	v6 =	vld.idx.msk [tilespmem:v4+s16+$0x0], $0xffff  }
0x19c: {  	v52 =	vmul.f32 v61, v52;
	v3 =	vld [tilespmem:s31+$0x0];
	v56 =	vor.u32 $0x1, v2  }
0x19d: {  	s0 =	simm.s32 $0x2A0;
	v15 =	vadd.f32 v55, v15;
	v61 =	vor.u32 $0x4, v2;
	v10 =	vld.idx.msk [tilespmem:v62+s18+$0x0], $0xffff;
	v62 =	vmul.f32 v58, v57  }
0x19e: {  	v4 =	vld [tilespmem:s0+$0x0];
	v57 =	vor.u32 $0x1, v1  }
0x19f: {  	v55 =	vmul.f32 v60, v59;
	v58 =	vor.u32 $0x2, v2;
	v15 =	vadd.f32 v62, v15;
	v59 =	vld.idx.msk [tilespmem:v2+s16+$0x0], $0xffff  }
0x1a0: {  	v60 =	vor.u32 $0x2, v1;
	v62 =	vld.idx.msk [tilespmem:v1+s18+$0x0], $0xffff  }
0x1a1: {  	v63 =	vor.u32 $0x3, v2;
	v15 =	vadd.f32 v55, v15;
	v55 =	vld.idx.msk [tilespmem:v56+s16+$0x0], $0xffff  }
0x1a2: {  	v47 =	vmul.f32 v48, v47;
	v56 =	vor.u32 $0x3, v1;
	v48 =	vld.idx.msk [tilespmem:v61+s16+$0x0], $0xffff  }
0x1a3: {  	v50 =	vmul.f32 v53, v50;
	v53 =	vor.u32 $0x4, v1;
	v57 =	vld.idx.msk [tilespmem:v57+s18+$0x0], $0xffff;
	v15 =	vadd.f32 v52, v15  }
0x1a4: {  	v49 =	vmul.f32 v51, v49;
	v51 =	vor.u32 $0x5, v1;
	v52 =	vld.idx.msk [tilespmem:v58+s16+$0x0], $0xffff  }
0x1a5: {  	v58 =	vld.idx.msk [tilespmem:v60+s18+$0x0], $0xffff;
	v60 =	vor.u32 $0x5, v2;
	v15 =	vadd.f32 v50, v15  }
0x1a6: {  	v50 =	vld.idx.msk [tilespmem:v63+s16+$0x0], $0xffff;
	v59 =	vmul.f32 v62, v59;
	v62 =	vor.u32 $0x6, v2  }
0x1a7: {  	v45 =	vmul.f32 v46, v45;
	v63 =	vor.u32 $0x6, v1;
	v56 =	vld.idx.msk [tilespmem:v56+s18+$0x0], $0xffff;
	v15 =	vadd.f32 v49, v15  }
0x1a8: {  	v53 =	vld.idx.msk [tilespmem:v53+s18+$0x0], $0xffff;
	v61 =	vor.u32 $0x8, v2;
	v59 =	vadd.f32 $0.0e+00, v59;
	v55 =	vmul.f32 v57, v55  }
0x1a9: {  	v43 =	vmul.f32 v44, v43;
	v51 =	vld.idx.msk [tilespmem:v51+s18+$0x0], $0xffff;
	v57 =	vor.u32 $0x7, v2;
	v15 =	vadd.f32 v47, v15  }
0x1aa: {  	v46 =	vld.idx.msk [tilespmem:v60+s16+$0x0], $0xffff;
	v60 =	vor.u32 $0x7, v1;
	v52 =	vmul.f32 v58, v52;
	v55 =	vadd.f32 v55, v59  }
0x1ab: {  	v41 =	vmul.f32 v42, v41;
	v44 =	vld.idx.msk [tilespmem:v62+s16+$0x0], $0xffff;
	v62 =	vor.u32 $0x8, v1;
	v15 =	vadd.f32 v45, v15  }
0x1ac: {  	v49 =	vld.idx.msk [tilespmem:v63+s18+$0x0], $0xffff;
	v63 =	vor.u32 $0x9, v2;
	v52 =	vadd.f32 v52, v55;
	v50 =	vmul.f32 v56, v50  }
0x1ad: {  	v39 =	vmul.f32 v40, v39;
	v58 =	vld.idx.msk [tilespmem:v61+s16+$0x0], $0xffff;
	v59 =	vor.u32 $0xA, v1;
	v15 =	vadd.f32 v43, v15  }
0x1ae: {  	v48 =	vmul.f32 v53, v48;
	v56 =	vor.u32 $0x9, v1;
	v42 =	vld.idx.msk [tilespmem:v57+s16+$0x0], $0xffff;
	v50 =	vadd.f32 v50, v52  }
0x1af: {  	v37 =	vmul.f32 v38, v37;
	v57 =	vor.u32 $0xA, v2;
	v47 =	vld.idx.msk [tilespmem:v60+s18+$0x0], $0xffff;
	v15 =	vadd.f32 v41, v15  }
0x1b0: {  	v46 =	vmul.f32 v51, v46;
	v60 =	vor.u32 $0xB, v2;
	v48 =	vadd.f32 v48, v50;
	v45 =	vld.idx.msk [tilespmem:v62+s18+$0x0], $0xffff  }
0x1b1: {  	v35 =	vmul.f32 v36, v35;
	v52 =	vor.u32 $0xD, v2;
	v61 =	vld.idx.msk [tilespmem:v63+s16+$0x0], $0xffff;
	v15 =	vadd.f32 v39, v15  }
0x1b2: {  	v62 =	vor.u32 $0xB, v1;
	v44 =	vmul.f32 v49, v44;
	v41 =	vld.idx.msk [tilespmem:v59+s18+$0x0], $0xffff;
	v46 =	vadd.f32 v46, v48  }
0x1b3: {  	v33 =	vmul.f32 v34, v33;
	v51 =	vor.u32 $0xC, v1;
	v43 =	vld.idx.msk [tilespmem:v56+s18+$0x0], $0xffff;
	v15 =	vadd.f32 v37, v15  }
0x1b4: {  	v63 =	vor.u32 $0xC, v2;
	v49 =	vld.idx.msk [tilespmem:v57+s16+$0x0], $0xffff;
	v42 =	vmul.f32 v47, v42;
	v44 =	vadd.f32 v44, v46  }
0x1b5: {  	v31 =	vmul.f32 v32, v31;
	v55 =	vor.u32 $0xD, v1;
	v53 =	vld.idx.msk [tilespmem:v60+s16+$0x0], $0xffff;
	v15 =	vadd.f32 v35, v15  }
0x1b6: {  	v56 =	vor.u32 $0xE, v2;
	v60 =	vld.idx.msk [tilespmem:v52+s16+$0x0], $0xffff;
	v40 =	vmul.f32 v45, v58;
	v42 =	vadd.f32 v42, v44  }
0x1b7: {  	v29 =	vmul.f32 v30, v29;
	v59 =	vor.u32 $0xF, v2;
	v39 =	vld.idx.msk [tilespmem:v62+s18+$0x0], $0xffff;
	v15 =	vadd.f32 v33, v15  }
0x1b8: {  	v37 =	vld.idx.msk [tilespmem:v51+s18+$0x0], $0xffff;
	v58 =	vor.u32 $0xE, v1;
	v38 =	vmul.f32 v43, v61;
	v40 =	vadd.f32 v40, v42  }
0x1b9: {  	v27 =	vmul.f32 v28, v27;
	v52 =	vor.u32 $0x14, v2;
	v57 =	vld.idx.msk [tilespmem:v63+s16+$0x0], $0xffff;
	v15 =	vadd.f32 v31, v15  }
0x1ba: {  	v61 =	vor.u32 $0xF, v1;
	v35 =	vld.idx.msk [tilespmem:v55+s18+$0x0], $0xffff;
	v36 =	vmul.f32 v41, v49;
	v38 =	vadd.f32 v38, v40  }
0x1bb: {  	v25 =	vmul.f32 v26, v25;
	v62 =	vor.u32 $0x10, v2;
	v63 =	vld.idx.msk [tilespmem:v56+s16+$0x0], $0xffff;
	v15 =	vadd.f32 v29, v15  }
0x1bc: {  	v44 =	vld.idx.msk [tilespmem:v59+s16+$0x0], $0xffff;
	v41 =	vor.u32 $0x10, v1;
	v34 =	vmul.f32 v39, v53;
	v36 =	vadd.f32 v36, v38  }
0x1bd: {  	v13 =	vmul.f32 v16, v13;
	v43 =	vor.u32 $0x11, v2;
	v33 =	vld.idx.msk [tilespmem:v58+s18+$0x0], $0xffff;
	v15 =	vadd.f32 v27, v15  }
0x1be: {  	v45 =	vor.u32 $0x11, v1;
	v16 =	vld.idx.msk [tilespmem:v52+s16+$0x0], $0xffff;
	v32 =	vmul.f32 v37, v57;
	v34 =	vadd.f32 v34, v36  }
0x1bf: {  	v23 =	vmul.f32 v24, v23;
	v46 =	vor.u32 $0x12, v2;
	v31 =	vld.idx.msk [tilespmem:v61+s18+$0x0], $0xffff;
	v15 =	vadd.f32 v25, v15  }
0x1c0: {  	v48 =	vor.u32 $0x12, v1;
	v47 =	vld.idx.msk [tilespmem:v62+s16+$0x0], $0xffff;
	v30 =	vmul.f32 v35, v60;
	v32 =	vadd.f32 v32, v34  }
0x1c1: {  	v21 =	vmul.f32 v22, v21;
	v49 =	vor.u32 $0x13, v2;
	v29 =	vld.idx.msk [tilespmem:v41+s18+$0x0], $0xffff;
	v15 =	vadd.f32 v23, v15  }
0x1c2: {  	v51 =	vor.u32 $0x13, v1;
	v50 =	vld.idx.msk [tilespmem:v43+s16+$0x0], $0xffff;
	v28 =	vmul.f32 v33, v63;
	v30 =	vadd.f32 v30, v32  }
0x1c3: {  	v19 =	vmul.f32 v20, v19;
	v56 =	vor.u32 $0x15, v2;
	v27 =	vld.idx.msk [tilespmem:v45+s18+$0x0], $0xffff;
	v15 =	vadd.f32 v21, v15  }
0x1c4: {  	v55 =	vor.u32 $0x14, v1;
	v53 =	vld.idx.msk [tilespmem:v46+s16+$0x0], $0xffff;
	v26 =	vmul.f32 v31, v44;
	v28 =	vadd.f32 v28, v30  }
0x1c5: {  	v17 =	vmul.f32 v18, v17;
	v57 =	vor.u32 $0x16, v2;
	v25 =	vld.idx.msk [tilespmem:v48+s18+$0x0], $0xffff;
	v15 =	vadd.f32 v19, v15  }
0x1c6: {  	v18 =	vld.idx.msk [tilespmem:v49+s16+$0x0], $0xffff;
	v24 =	vmul.f32 v29, v47;
	v19 =	vor.u32 $0x15, v1;
	v26 =	vadd.f32 v26, v28  }
0x1c7: {  	v9 =	vmul.f32 v14, v9;
	v59 =	vor.u32 $0x18, v2;
	v23 =	vld.idx.msk [tilespmem:v51+s18+$0x0], $0xffff;
	v15 =	vadd.f32 v17, v15  }
0x1c8: {  	v14 =	vld.idx.msk [tilespmem:v56+s16+$0x0], $0xffff;
	v22 =	vmul.f32 v27, v50;
	v17 =	vor.u32 $0x16, v1;
	v24 =	vadd.f32 v24, v26  }
0x1c9: {  	v7 =	vmul.f32 v11, v7;
	v58 =	vor.u32 $0x17, v2;
	v21 =	vld.idx.msk [tilespmem:v55+s18+$0x0], $0xffff;
	v13 =	vadd.f32 v13, v15  }
0x1ca: {  	v11 =	vld.idx.msk [tilespmem:v57+s16+$0x0], $0xffff;
	v20 =	vmul.f32 v25, v53;
	v15 =	vor.u32 $0x17, v1;
	v22 =	vadd.f32 v22, v24  }
0x1cb: {  	v19 =	vld.idx.msk [tilespmem:v19+s18+$0x0], $0xffff;
	v9 =	vadd.f32 v9, v13;
	v13 =	vor.u32 $0x18, v1  }
0x1cc: {  	v61 =	vor.u32 $0x19, v1;
	v63 =	vld.idx.msk [tilespmem:v59+s16+$0x0], $0xffff;
	v18 =	vmul.f32 v23, v18;
	v20 =	vadd.f32 v20, v22  }
0x1cd: {  	v5 =	vmul.f32 v54, v5;
	v60 =	vor.u32 $0x19, v2;
	v17 =	vld.idx.msk [tilespmem:v17+s18+$0x0], $0xffff;
	v7 =	vadd.f32 v7, v9  }
0x1ce: {  	v62 =	vor.u32 $0x1A, v2;
	v16 =	vmul.f32 v21, v16;
	v9 =	vld.idx.msk [tilespmem:v58+s16+$0x0], $0xffff;
	v18 =	vadd.f32 v18, v20  }
0x1cf: {  	v15 =	vld.idx.msk [tilespmem:v15+s18+$0x0], $0xffff;
	v5 =	vadd.f32 v5, v7;
	v7 =	vmul.f32 v12, v8;
	v8 =	vor.u32 $0x1A, v1  }
0x1d0: {  	v12 =	vadd.f32 v16, v18;
	v14 =	vmul.f32 v19, v14;
	v16 =	vld.idx.msk [tilespmem:v13+s18+$0x0], $0xffff;
	v13 =	vor.u32 $0x1B, v2  }
0x1d1: {  	v6 =	vmul.f32 v10, v6;
	v10 =	vld.idx.msk [tilespmem:v61+s18+$0x0], $0xffff;
	v18 =	vor.u32 $0x1B, v1;
	v5 =	vadd.f32 v7, v5  }
0x1d2: {  	v7 =	vld.idx.msk [tilespmem:v60+s16+$0x0], $0xffff;
	v12 =	vadd.f32 v14, v12;
	v14 =	vmul.f32 v17, v11;
	v11 =	vor.u32 $0x1C, v2  }
0x1d3: {  	v17 =	vor.u32 $0x1C, v1;
	v19 =	vadd.f32 v6, v5;
	v6 =	vld.idx.msk [tilespmem:v62+s16+$0x0], $0xffff  }
0x1d4: {  	v12 =	vadd.f32 v14, v12;
	v9 =	vmul.f32 v15, v9;
	v14 =	vor.u32 $0x1D, v2;
	v8 =	vld.idx.msk [tilespmem:v8+s18+$0x0], $0xffff  }
0x1d5: {  	s30 =	simm.s32 $0x10880;
	v5 =	vld.idx.msk [tilespmem:v13+s16+$0x0], $0xffff;
	v13 =	vor.u32 $0x1D, v1  }
0x1d6: {  	s1 =	simm.s32 $0x20;
	s9 =	simm.s32 $0x30;
	v15 =	vor.u32 $0x1E, v2;
	[tilespmem:s30+$0x0] =	vst v19;
	v12 =	vadd.f32 v9, v12;
	v16 =	vmul.f32 v16, v63;
	v9 =	vld.idx.msk [tilespmem:v18+s18+$0x0], $0xffff  }
.LBB2_6:
0x1d7: {  	p0 =	sne.s32 s9, $0x70;
	v18 =	vmov s1;
	v11 =	vld.idx.msk [tilespmem:v11+s16+$0x0], $0xffff;
	v19 =	vor.u32 $0x1E, v1;
	s1 =	smov.u32 s9  }
0x1d8: {  	v7 =	vmul.f32 v10, v7;
	v12 =	vadd.f32 v16, v12;
	v10 =	vld.idx.msk [tilespmem:v17+s18+$0x0], $0xffff;
	v16 =	vor.u32 $0x1F, v2  }
0x1d9: {  	v3 =	vshll.u32 v3, $0x5;
	v2 =	vshll.u32 v18, $0x7;
	v17 =	vor.u32 $0x1F, v1;
	v14 =	vld.idx.msk [tilespmem:v14+s16+$0x0], $0xffff  }
0x1da: {  	v1 =	vshll.u32 v4, $0x5;
	v6 =	vmul.f32 v8, v6;
	v4 =	vadd.f32 v7, v12;
	v7 =	vld.idx.msk [tilespmem:v13+s18+$0x0], $0xffff  }
0x1db: {  	v3 =	vand.u32 $0x60, v3;
	v1 =	vand.u32 $0x60, v1;
	v8 =	vor.u32 v0, v2;
	v12 =	vld.idx.msk [tilespmem:v15+s16+$0x0], $0xffff  }
0x1dc: {  	v2 =	vor.u32 v8, v3;
	v3 =	vadd.f32 v6, v4;
	v4 =	vmul.f32 v9, v5;
	v5 =	vld.idx.msk [tilespmem:v19+s18+$0x0], $0xffff  }
0x1dd: {  	v1 =	vor.u32 v8, v1;
	v6 =	vld.idx.msk [tilespmem:v16+s16+$0x0], $0xffff  }
0x1de: {  	s31 =	sadd.s32 $0x10, s31;
	v8 =	vor.u32 $0x1, v2;
	v10 =	vmul.f32 v10, v11;
	v9 =	vadd.f32 v4, v3;
	v11 =	vld.idx.msk [tilespmem:v17+s18+$0x0], $0xffff  }
0x1df: {  	s0 =	sadd.s32 $0x10, s0;
	v13 =	vor.u32 $0x1, v1;
	v3 =	vld [tilespmem:s31+$0x0]  }
0x1e0: {  	v15 =	vor.u32 $0x2, v2;
	v7 =	vmul.f32 v7, v14;
	v4 =	vld [tilespmem:s0+$0x0];
	v9 =	vadd.f32 v10, v9  }
0x1e1: {  	v14 =	vor.u32 $0x2, v1;
	v10 =	vld.idx.msk [tilespmem:v2+s16+$0x0], $0xffff  }
0x1e2: {  	v17 =	vor.u32 $0x3, v2;
	v5 =	vmul.f32 v5, v12;
	v16 =	vld.idx.msk [tilespmem:v1+s18+$0x0], $0xffff;
	v7 =	vadd.f32 v7, v9  }
0x1e3: {  	v9 =	vor.u32 $0x3, v1;
	v8 =	vld.idx.msk [tilespmem:v8+s16+$0x0], $0xffff  }
0x1e4: {  	v6 =	vmul.f32 v11, v6;
	v12 =	vld.idx.msk [tilespmem:v13+s18+$0x0], $0xffff;
	v13 =	vor.u32 $0x4, v2;
	v5 =	vadd.f32 v5, v7  }
0x1e5: {  	v11 =	vor.u32 $0x4, v1;
	v7 =	vld.idx.msk [tilespmem:v15+s16+$0x0], $0xffff  }
0x1e6: {  	v15 =	vor.u32 $0x5, v2;
	v14 =	vld.idx.msk [tilespmem:v14+s18+$0x0], $0xffff;
	v5 =	vadd.f32 v6, v5  }
0x1e7: {  	s30 =	sadd.s32 $0x10, s30;
	v6 =	vld.idx.msk [tilespmem:v17+s16+$0x0], $0xffff;
	v17 =	vor.u32 $0x5, v1  }
0x1e8: {  	v10 =	vmul.f32 v16, v10;
	v16 =	vor.u32 $0x6, v2;
	v9 =	vld.idx.msk [tilespmem:v9+s18+$0x0], $0xffff;
	[tilespmem:s30+$0x0] =	vst v5  }
0x1e9: {  	v5 =	vld.idx.msk [tilespmem:v13+s16+$0x0], $0xffff;
	v13 =	vor.u32 $0x6, v1  }
0x1ea: {  	v10 =	vadd.f32 $0.0e+00, v10;
	v8 =	vmul.f32 v12, v8;
	v12 =	vor.u32 $0x7, v2;
	v11 =	vld.idx.msk [tilespmem:v11+s18+$0x0], $0xffff  }
0x1eb: {  	v18 =	vor.u32 $0x7, v1;
	v15 =	vld.idx.msk [tilespmem:v15+s16+$0x0], $0xffff  }
0x1ec: {  	v8 =	vadd.f32 v8, v10;
	v7 =	vmul.f32 v14, v7;
	v14 =	vor.u32 $0x8, v2;
	v10 =	vld.idx.msk [tilespmem:v17+s18+$0x0], $0xffff  }
0x1ed: {  	v17 =	vor.u32 $0x8, v1;
	v16 =	vld.idx.msk [tilespmem:v16+s16+$0x0], $0xffff  }
0x1ee: {  	v7 =	vadd.f32 v7, v8;
	v6 =	vmul.f32 v9, v6;
	v9 =	vor.u32 $0x9, v2;
	v8 =	vld.idx.msk [tilespmem:v13+s18+$0x0], $0xffff  }
0x1ef: {  	v13 =	vor.u32 $0x9, v1;
	v12 =	vld.idx.msk [tilespmem:v12+s16+$0x0], $0xffff  }
0x1f0: {  	v6 =	vadd.f32 v6, v7;
	v5 =	vmul.f32 v11, v5;
	v11 =	vor.u32 $0xA, v2;
	v7 =	vld.idx.msk [tilespmem:v18+s18+$0x0], $0xffff  }
0x1f1: {  	v18 =	vor.u32 $0xA, v1;
	v14 =	vld.idx.msk [tilespmem:v14+s16+$0x0], $0xffff  }
0x1f2: {  	v5 =	vadd.f32 v5, v6;
	v6 =	vmul.f32 v10, v15;
	v15 =	vor.u32 $0xB, v2;
	v10 =	vld.idx.msk [tilespmem:v17+s18+$0x0], $0xffff  }
0x1f3: {  	v17 =	vor.u32 $0xB, v1;
	v9 =	vld.idx.msk [tilespmem:v9+s16+$0x0], $0xffff  }
0x1f4: {  	v5 =	vadd.f32 v6, v5;
	v6 =	vmul.f32 v8, v16;
	v8 =	vld.idx.msk [tilespmem:v13+s18+$0x0], $0xffff;
	v13 =	vor.u32 $0xC, v2  }
0x1f5: {  	v16 =	vor.u32 $0xC, v1;
	v11 =	vld.idx.msk [tilespmem:v11+s16+$0x0], $0xffff  }
0x1f6: {  	v5 =	vadd.f32 v6, v5;
	v6 =	vmul.f32 v7, v12;
	v12 =	vor.u32 $0xD, v2;
	v7 =	vld.idx.msk [tilespmem:v18+s18+$0x0], $0xffff  }
0x1f7: {  	v18 =	vor.u32 $0xD, v1;
	v15 =	vld.idx.msk [tilespmem:v15+s16+$0x0], $0xffff  }
0x1f8: {  	v5 =	vadd.f32 v6, v5;
	v6 =	vmul.f32 v10, v14;
	v14 =	vor.u32 $0xE, v2;
	v10 =	vld.idx.msk [tilespmem:v17+s18+$0x0], $0xffff  }
0x1f9: {  	v17 =	vor.u32 $0xE, v1;
	v13 =	vld.idx.msk [tilespmem:v13+s16+$0x0], $0xffff  }
0x1fa: {  	v5 =	vadd.f32 v6, v5;
	v6 =	vmul.f32 v8, v9;
	v9 =	vor.u32 $0xF, v2;
	v8 =	vld.idx.msk [tilespmem:v16+s18+$0x0], $0xffff  }
0x1fb: {  	v16 =	vor.u32 $0xF, v1;
	v12 =	vld.idx.msk [tilespmem:v12+s16+$0x0], $0xffff  }
0x1fc: {  	v5 =	vadd.f32 v6, v5;
	v6 =	vmul.f32 v7, v11;
	v11 =	vor.u32 $0x10, v2;
	v7 =	vld.idx.msk [tilespmem:v18+s18+$0x0], $0xffff  }
0x1fd: {  	v18 =	vor.u32 $0x10, v1;
	v14 =	vld.idx.msk [tilespmem:v14+s16+$0x0], $0xffff  }
0x1fe: {  	v5 =	vadd.f32 v6, v5;
	v6 =	vmul.f32 v10, v15;
	v15 =	vor.u32 $0x11, v2;
	v10 =	vld.idx.msk [tilespmem:v17+s18+$0x0], $0xffff  }
0x1ff: {  	v17 =	vor.u32 $0x11, v1;
	v9 =	vld.idx.msk [tilespmem:v9+s16+$0x0], $0xffff  }
0x200: {  	v5 =	vadd.f32 v6, v5;
	v6 =	vmul.f32 v8, v13;
	v13 =	vor.u32 $0x12, v2;
	v8 =	vld.idx.msk [tilespmem:v16+s18+$0x0], $0xffff  }
0x201: {  	v16 =	vor.u32 $0x12, v1;
	v11 =	vld.idx.msk [tilespmem:v11+s16+$0x0], $0xffff  }
0x202: {  	v5 =	vadd.f32 v6, v5;
	v6 =	vmul.f32 v7, v12;
	v12 =	vor.u32 $0x13, v2;
	v7 =	vld.idx.msk [tilespmem:v18+s18+$0x0], $0xffff  }
0x203: {  	v18 =	vor.u32 $0x13, v1;
	v15 =	vld.idx.msk [tilespmem:v15+s16+$0x0], $0xffff  }
0x204: {  	v5 =	vadd.f32 v6, v5;
	v6 =	vmul.f32 v10, v14;
	v14 =	vor.u32 $0x14, v2;
	v10 =	vld.idx.msk [tilespmem:v17+s18+$0x0], $0xffff  }
0x205: {  	v17 =	vor.u32 $0x14, v1;
	v13 =	vld.idx.msk [tilespmem:v13+s16+$0x0], $0xffff  }
0x206: {  	v5 =	vadd.f32 v6, v5;
	v6 =	vmul.f32 v8, v9;
	v9 =	vor.u32 $0x15, v2;
	v8 =	vld.idx.msk [tilespmem:v16+s18+$0x0], $0xffff  }
0x207: {  	v16 =	vor.u32 $0x15, v1;
	v12 =	vld.idx.msk [tilespmem:v12+s16+$0x0], $0xffff  }
0x208: {  	v5 =	vadd.f32 v6, v5;
	v6 =	vmul.f32 v7, v11;
	v11 =	vor.u32 $0x16, v2;
	v7 =	vld.idx.msk [tilespmem:v18+s18+$0x0], $0xffff  }
0x209: {  	v18 =	vor.u32 $0x16, v1;
	v14 =	vld.idx.msk [tilespmem:v14+s16+$0x0], $0xffff  }
0x20a: {  	v5 =	vadd.f32 v6, v5;
	v6 =	vmul.f32 v10, v15;
	v15 =	vor.u32 $0x17, v2;
	v10 =	vld.idx.msk [tilespmem:v17+s18+$0x0], $0xffff  }
0x20b: {  	v17 =	vor.u32 $0x17, v1;
	v9 =	vld.idx.msk [tilespmem:v9+s16+$0x0], $0xffff  }
0x20c: {  	v5 =	vadd.f32 v6, v5;
	v6 =	vmul.f32 v8, v13;
	v13 =	vor.u32 $0x18, v2;
	v8 =	vld.idx.msk [tilespmem:v16+s18+$0x0], $0xffff  }
0x20d: {  	v16 =	vor.u32 $0x18, v1;
	v11 =	vld.idx.msk [tilespmem:v11+s16+$0x0], $0xffff  }
0x20e: {  	v5 =	vadd.f32 v6, v5;
	v6 =	vmul.f32 v7, v12;
	v7 =	vor.u32 $0x19, v2;
	v12 =	vld.idx.msk [tilespmem:v18+s18+$0x0], $0xffff  }
0x20f: {  	v18 =	vor.u32 $0x19, v1;
	v15 =	vld.idx.msk [tilespmem:v15+s16+$0x0], $0xffff  }
0x210: {  	v5 =	vadd.f32 v6, v5;
	v6 =	vmul.f32 v10, v14;
	v14 =	vld.idx.msk [tilespmem:v17+s18+$0x0], $0xffff;
	v17 =	vor.u32 $0x1A, v2  }
0x211: {  	v19 =	vld.idx.msk [tilespmem:v13+s16+$0x0], $0xffff;
	v13 =	vor.u32 $0x1A, v1  }
0x212: {  	v5 =	vadd.f32 v6, v5;
	v6 =	vmul.f32 v8, v9;
	v9 =	vld.idx.msk [tilespmem:v16+s18+$0x0], $0xffff;
	v16 =	vor.u32 $0x1B, v2  }
0x213: {  	v20 =	vor.u32 $0x1B, v1;
	v7 =	vld.idx.msk [tilespmem:v7+s16+$0x0], $0xffff  }
.Ltmp2:
0x214: {  	v5 =	vadd.f32 v6, v5;
	v8 =	vmul.f32 v12, v11;
	v11 =	vor.u32 $0x1C, v2;
	v10 =	vld.idx.msk [tilespmem:v18+s18+$0x0], $0xffff;
	(pc) =	sbr.rel @p0 .LBB2_6-.Ltmp2, $4  }
0x215: {  	v6 =	vld.idx.msk [tilespmem:v17+s16+$0x0], $0xffff;
	v17 =	vor.u32 $0x1C, v1  }
0x216: {  	v12 =	vadd.f32 v8, v5;
	v15 =	vmul.f32 v14, v15;
	v14 =	vor.u32 $0x1D, v2;
	v8 =	vld.idx.msk [tilespmem:v13+s18+$0x0], $0xffff  }
0x217: {  	v13 =	vor.u32 $0x1D, v1;
	v5 =	vld.idx.msk [tilespmem:v16+s16+$0x0], $0xffff  }
0x218: {  	s9 =	sadd.s32 $0x10, s9;
	v12 =	vadd.f32 v15, v12;
	v16 =	vmul.f32 v9, v19;
	v15 =	vor.u32 $0x1E, v2;
	v9 =	vld.idx.msk [tilespmem:v20+s18+$0x0], $0xffff  }
0x219: {  	_ =	sdelay $0x3  }
0x21a: {  	v18 =	vmov s1;
	v11 =	vld.idx.msk [tilespmem:v11+s16+$0x0], $0xffff;
	v19 =	vor.u32 $0x1E, v1;
	v20 =	vor.u32 $0x1F, v2  }
0x21b: {  	v2 =	vld.idx.msk [tilespmem:v17+s18+$0x0], $0xffff;
	v3 =	vshll.u32 v3, $0x5;
	v21 =	vor.u32 $0x1F, v1;
	v17 =	vshll.u32 v18, $0x7  }
0x21c: {  	v1 =	vld.idx.msk [tilespmem:v14+s16+$0x0], $0xffff;
	v4 =	vshll.u32 v4, $0x5;
	v3 =	vand.u32 $0x60, v3;
	v14 =	vor.u32 v0, v17  }
0x21d: {  	v13 =	vld.idx.msk [tilespmem:v13+s18+$0x0], $0xffff;
	v4 =	vand.u32 $0x60, v4;
	v17 =	vor.u32 v14, v3  }
0x21e: {  	v3 =	vld.idx.msk [tilespmem:v15+s16+$0x0], $0xffff;
	v18 =	vor.u32 v14, v4  }
0x21f: {  	v50 =	vor.u32 $0x1, v18;
	v14 =	vld.idx.msk [tilespmem:v19+s18+$0x0], $0xffff  }
0x220: {  	v19 =	vor.u32 $0x1, v17;
	v4 =	vld.idx.msk [tilespmem:v20+s16+$0x0], $0xffff  }
0x221: {  	v51 =	vor.u32 $0x2, v17;
	v15 =	vld.idx.msk [tilespmem:v21+s18+$0x0], $0xffff  }
0x222: {  	v23 =	vor.u32 $0x2, v18;
	v22 =	vld.idx.msk [tilespmem:v17+s16+$0x0], $0xffff  }
0x223: {  	v25 =	vor.u32 $0x3, v17;
	v24 =	vld.idx.msk [tilespmem:v18+s18+$0x0], $0xffff  }
0x224: {  	v26 =	vor.u32 $0x3, v18;
	v20 =	vld.idx.msk [tilespmem:v50+s18+$0x0], $0xffff  }
0x225: {  	v27 =	vor.u32 $0x4, v17;
	v19 =	vld.idx.msk [tilespmem:v19+s16+$0x0], $0xffff  }
0x226: {  	v28 =	vor.u32 $0x4, v18;
	v21 =	vld.idx.msk [tilespmem:v51+s16+$0x0], $0xffff  }
0x227: {  	v29 =	vor.u32 $0x5, v17;
	v23 =	vld.idx.msk [tilespmem:v23+s18+$0x0], $0xffff  }
0x228: {  	v30 =	vor.u32 $0x5, v18;
	v25 =	vld.idx.msk [tilespmem:v25+s16+$0x0], $0xffff;
	v22 =	vmul.f32 v24, v22  }
0x229: {  	v53 =	vor.u32 $0x6, v17;
	v52 =	vld.idx.msk [tilespmem:v26+s18+$0x0], $0xffff  }
0x22a: {  	v31 =	vor.u32 $0x6, v18;
	v27 =	vld.idx.msk [tilespmem:v27+s16+$0x0], $0xffff;
	v22 =	vadd.f32 $0.0e+00, v22;
	v19 =	vmul.f32 v20, v19  }
0x22b: {  	v55 =	vor.u32 $0x7, v17;
	v54 =	vld.idx.msk [tilespmem:v28+s18+$0x0], $0xffff  }
0x22c: {  	v32 =	vor.u32 $0x7, v18;
	v29 =	vld.idx.msk [tilespmem:v29+s16+$0x0], $0xffff;
	v21 =	vmul.f32 v23, v21;
	v19 =	vadd.f32 v19, v22  }
0x22d: {  	v58 =	vor.u32 $0x8, v18;
	v56 =	vld.idx.msk [tilespmem:v30+s18+$0x0], $0xffff  }
0x22e: {  	v57 =	vor.u32 $0x8, v17;
	v26 =	vld.idx.msk [tilespmem:v53+s16+$0x0], $0xffff;
	v59 =	vmul.f32 v52, v25;
	v19 =	vadd.f32 v21, v19  }
0x22f: {  	v62 =	vor.u32 $0x9, v18;
	v60 =	vld.idx.msk [tilespmem:v31+s18+$0x0], $0xffff  }
0x230: {  	v61 =	vor.u32 $0x9, v17;
	v28 =	vld.idx.msk [tilespmem:v55+s16+$0x0], $0xffff;
	v20 =	vmul.f32 v54, v27;
	v19 =	vadd.f32 v59, v19  }
0x231: {  	v37 =	vor.u32 $0xA, v18;
	v63 =	vld.idx.msk [tilespmem:v32+s18+$0x0], $0xffff  }
0x232: {  	v36 =	vor.u32 $0xA, v17;
	v39 =	vld.idx.msk [tilespmem:v58+s18+$0x0], $0xffff;
	v38 =	vmul.f32 v56, v29;
	v19 =	vadd.f32 v20, v19  }
0x233: {  	v41 =	vor.u32 $0xB, v18;
	v23 =	vld.idx.msk [tilespmem:v57+s16+$0x0], $0xffff  }
0x234: {  	v40 =	vor.u32 $0xB, v17;
	v43 =	vld.idx.msk [tilespmem:v62+s18+$0x0], $0xffff;
	v42 =	vmul.f32 v60, v26;
	v19 =	vadd.f32 v38, v19  }
0x235: {  	v45 =	vor.u32 $0xC, v18;
	v25 =	vld.idx.msk [tilespmem:v61+s16+$0x0], $0xffff  }
0x236: {  	v44 =	vor.u32 $0xC, v17;
	v47 =	vld.idx.msk [tilespmem:v37+s18+$0x0], $0xffff;
	v46 =	vmul.f32 v63, v28;
	v19 =	vadd.f32 v42, v19  }
0x237: {  	v48 =	vor.u32 $0xD, v17;
	v27 =	vld.idx.msk [tilespmem:v36+s16+$0x0], $0xffff  }
0x238: {  	v49 =	vor.u32 $0xD, v18;
	v51 =	vld.idx.msk [tilespmem:v41+s18+$0x0], $0xffff;
	v50 =	vmul.f32 v39, v23;
	v19 =	vadd.f32 v46, v19  }
0x239: {  	v53 =	vor.u32 $0xE, v18;
	v29 =	vld.idx.msk [tilespmem:v40+s16+$0x0], $0xffff  }
0x23a: {  	v55 =	vld.idx.msk [tilespmem:v45+s18+$0x0], $0xffff;
	v52 =	vor.u32 $0xE, v17;
	v54 =	vmul.f32 v43, v25;
	v19 =	vadd.f32 v50, v19  }
0x23b: {  	v26 =	vld.idx.msk [tilespmem:v44+s16+$0x0], $0xffff;
	v56 =	vor.u32 $0xF, v17  }
0x23c: {  	v28 =	vld.idx.msk [tilespmem:v48+s16+$0x0], $0xffff;
	v57 =	vor.u32 $0xF, v18;
	v58 =	vmul.f32 v47, v27;
	v19 =	vadd.f32 v54, v19  }
0x23d: {  	v60 =	vor.u32 $0x10, v17;
	v59 =	vld.idx.msk [tilespmem:v49+s18+$0x0], $0xffff  }
0x23e: {  	v61 =	vor.u32 $0x10, v18;
	v63 =	vld.idx.msk [tilespmem:v53+s18+$0x0], $0xffff;
	v62 =	vmul.f32 v51, v29;
	v19 =	vadd.f32 v58, v19  }
0x23f: {  	v35 =	vor.u32 $0x11, v17;
	v23 =	vld.idx.msk [tilespmem:v52+s16+$0x0], $0xffff  }
0x240: {  	v36 =	vor.u32 $0x11, v18;
	v25 =	vld.idx.msk [tilespmem:v56+s16+$0x0], $0xffff;
	v37 =	vmul.f32 v55, v26;
	v19 =	vadd.f32 v62, v19  }
0x241: {  	v39 =	vor.u32 $0x12, v17;
	v38 =	vld.idx.msk [tilespmem:v57+s18+$0x0], $0xffff  }
0x242: {  	v40 =	vor.u32 $0x12, v18;
	v27 =	vld.idx.msk [tilespmem:v60+s16+$0x0], $0xffff;
	v41 =	vmul.f32 v59, v28;
	v19 =	vadd.f32 v37, v19  }
0x243: {  	v43 =	vor.u32 $0x13, v17;
	v42 =	vld.idx.msk [tilespmem:v61+s18+$0x0], $0xffff  }
0x244: {  	v44 =	vor.u32 $0x13, v18;
	v29 =	vld.idx.msk [tilespmem:v35+s16+$0x0], $0xffff;
	v45 =	vmul.f32 v63, v23;
	v19 =	vadd.f32 v41, v19  }
0x245: {  	v47 =	vor.u32 $0x14, v17;
	v46 =	vld.idx.msk [tilespmem:v36+s18+$0x0], $0xffff  }
0x246: {  	v48 =	vor.u32 $0x14, v18;
	v26 =	vld.idx.msk [tilespmem:v39+s16+$0x0], $0xffff;
	v49 =	vmul.f32 v38, v25;
	v19 =	vadd.f32 v45, v19  }
0x247: {  	v51 =	vor.u32 $0x15, v17;
	v50 =	vld.idx.msk [tilespmem:v40+s18+$0x0], $0xffff  }
0x248: {  	v52 =	vor.u32 $0x15, v18;
	v28 =	vld.idx.msk [tilespmem:v43+s16+$0x0], $0xffff;
	v53 =	vmul.f32 v42, v27;
	v19 =	vadd.f32 v49, v19  }
0x249: {  	v56 =	vor.u32 $0x16, v18;
	v54 =	vld.idx.msk [tilespmem:v44+s18+$0x0], $0xffff  }
0x24a: {  	v55 =	vor.u32 $0x16, v17;
	v23 =	vld.idx.msk [tilespmem:v47+s16+$0x0], $0xffff;
	v57 =	vmul.f32 v46, v29;
	v19 =	vadd.f32 v53, v19  }
0x24b: {  	v60 =	vor.u32 $0x17, v18;
	v58 =	vld.idx.msk [tilespmem:v48+s18+$0x0], $0xffff  }
0x24c: {  	v59 =	vor.u32 $0x17, v17;
	v25 =	vld.idx.msk [tilespmem:v51+s16+$0x0], $0xffff;
	v61 =	vmul.f32 v50, v26;
	v19 =	vadd.f32 v57, v19  }
0x24d: {  	v36 =	vor.u32 $0x18, v18;
	v62 =	vld.idx.msk [tilespmem:v52+s18+$0x0], $0xffff  }
0x24e: {  	v63 =	vor.u32 $0x18, v17;
	v38 =	vld.idx.msk [tilespmem:v56+s18+$0x0], $0xffff;
	v37 =	vmul.f32 v54, v28;
	v19 =	vadd.f32 v61, v19  }
0x24f: {  	v40 =	vor.u32 $0x19, v18;
	v27 =	vld.idx.msk [tilespmem:v55+s16+$0x0], $0xffff  }
0x250: {  	v39 =	vor.u32 $0x19, v17;
	v42 =	vld.idx.msk [tilespmem:v60+s18+$0x0], $0xffff;
	v41 =	vmul.f32 v58, v23;
	v19 =	vadd.f32 v37, v19  }
0x251: {  	v44 =	vor.u32 $0x1A, v18;
	v29 =	vld.idx.msk [tilespmem:v59+s16+$0x0], $0xffff  }
0x252: {  	v43 =	vor.u32 $0x1A, v17;
	v46 =	vld.idx.msk [tilespmem:v36+s18+$0x0], $0xffff;
	v45 =	vmul.f32 v62, v25;
	v19 =	vadd.f32 v41, v19  }
0x253: {  	v48 =	vor.u32 $0x1B, v18;
	v26 =	vld.idx.msk [tilespmem:v63+s16+$0x0], $0xffff  }
0x254: {  	v47 =	vor.u32 $0x1B, v17;
	v50 =	vld.idx.msk [tilespmem:v40+s18+$0x0], $0xffff;
	v49 =	vmul.f32 v38, v27;
	v19 =	vadd.f32 v45, v19  }
0x255: {  	v51 =	vor.u32 $0x1C, v17;
	v28 =	vld.idx.msk [tilespmem:v39+s16+$0x0], $0xffff  }
0x256: {  	v52 =	vor.u32 $0x1C, v18;
	v54 =	vld.idx.msk [tilespmem:v44+s18+$0x0], $0xffff;
	v53 =	vmul.f32 v42, v29;
	v19 =	vadd.f32 v49, v19  }
0x257: {  	v7 =	vmul.f32 v10, v7;
	v12 =	vadd.f32 v16, v12;
	v56 =	vor.u32 $0x1D, v18;
	v23 =	vld.idx.msk [tilespmem:v43+s16+$0x0], $0xffff  }
0x258: {  	v55 =	vor.u32 $0x1D, v17;
	v10 =	vld.idx.msk [tilespmem:v48+s18+$0x0], $0xffff;
	v57 =	vmul.f32 v46, v26;
	v19 =	vadd.f32 v53, v19  }
0x259: {  	v6 =	vmul.f32 v8, v6;
	v7 =	vadd.f32 v7, v12;
	v16 =	vor.u32 $0x1E, v17;
	v25 =	vld.idx.msk [tilespmem:v47+s16+$0x0], $0xffff  }
0x25a: {  	v59 =	vor.u32 $0x1E, v18;
	v58 =	vld.idx.msk [tilespmem:v51+s16+$0x0], $0xffff;
	v60 =	vmul.f32 v50, v28;
	v19 =	vadd.f32 v57, v19  }
0x25b: {  	v12 =	vor.u32 $0x1F, v17;
	v6 =	vadd.f32 v6, v7;
	v8 =	vld.idx.msk [tilespmem:v52+s18+$0x0], $0xffff  }
0x25c: {  	v7 =	vld.idx.msk [tilespmem:v56+s18+$0x0], $0xffff;
	v18 =	vor.u32 $0x1F, v18;
	v61 =	vmul.f32 v54, v23;
	v19 =	vadd.f32 v60, v19  }
0x25d: {  	v5 =	vmul.f32 v9, v5;
	v17 =	vld.idx.msk [tilespmem:v55+s16+$0x0], $0xffff  }
0x25e: {  	v9 =	vld.idx.msk [tilespmem:v16+s16+$0x0], $0xffff;
	v10 =	vmul.f32 v10, v25;
	v16 =	vadd.f32 v61, v19  }
0x25f: {  	v2 =	vmul.f32 v2, v11;
	v5 =	vadd.f32 v5, v6;
	v6 =	vld.idx.msk [tilespmem:v59+s18+$0x0], $0xffff  }
0x260: {  	v11 =	vld.idx.msk [tilespmem:v12+s16+$0x0], $0xffff;
	v8 =	vmul.f32 v8, v58;
	v10 =	vadd.f32 v10, v16  }
0x261: {  	v1 =	vmul.f32 v13, v1;
	v2 =	vadd.f32 v2, v5;
	v5 =	vld.idx.msk [tilespmem:v18+s18+$0x0], $0xffff  }
0x262: {  	v7 =	vmul.f32 v7, v17;
	v8 =	vadd.f32 v8, v10  }
0x263: {  	v1 =	vadd.f32 v1, v2;
	v2 =	vmul.f32 v14, v3  }
0x264: {  	v6 =	vmul.f32 v6, v9;
	v3 =	vadd.f32 v7, v8  }
0x265: {  	v1 =	vadd.f32 v2, v1;
	v2 =	vmul.f32 v15, v4  }
0x266: {  	v4 =	vmul.f32 v5, v11;
	v3 =	vadd.f32 v6, v3  }
0x267: {  	v1 =	vadd.f32 v2, v1  }
0x268: {  	s0 =	sadd.s32 $0x10, s30;
	v2 =	vadd.f32 v4, v3  }
0x269: {  	[tilespmem:s0+$0x0] =	vst v1;
	s0 =	sadd.s32 $0x10, s0  }
0x26a: {  	[tilespmem:s0+$0x0] =	vst v2  }
0x26b: {  	[tilespmem:s16], [sflag:$0x3] =	stream.indirect.gather [hbm4b:s3+s10], $0x80, s25, s10, $0xb8;
	[tilespmem:$0x10A00] =	vst v63  }
0x26c: {  	_ = 	snop  }
0x26d: {  	[tilespmem:s18], [sflag:$0x4] =	stream.indirect.gather [hbm4b:s3+s10], $0x80, s26, s10, $0xb8;
	[tilespmem:$0x10A00] =	vst v63  }
0x26e: {  	_ =	swait.ge [sflag:s19], $0x4000  }
0x26f: {  	[sflag:s19] =	ssyncset.done $0x0  }
0x270: {  	[sflag:s19] =	ssyncadd.s32 $0xFFFFC000  }
0x271: {  	_ =	swait.ge [sflag:s20], $0x4000  }
0x272: {  	[sflag:s20] =	ssyncset.done $0x0  }
0x273: {  	s1 =	simm.s32 $0x100;
	[sflag:s20] =	ssyncadd.s32 $0xFFFFC000  }
0x274: {  	s9 =	simm.s32 $0x300;
	v1 =	vld [tilespmem:s1+$0x0]  }
0x275: {  	v2 =	vld [tilespmem:s9+$0x0];
	_ =	sdelay $0x1  }
0x276: {  	s1 =	simm.s32 $0x0  }
0x277: {  	v3 =	vmov s1  }
0x278: {  	v3 =	vshll.u32 v3, $0x7;
	v1 =	vshll.u32 v1, $0x5  }
0x279: {  	v3 =	vor.u32 v0, v3;
	v2 =	vshll.u32 v2, $0x5;
	v1 =	vand.u32 $0x60, v1  }
0x27a: {  	v2 =	vand.u32 $0x60, v2;
	v4 =	vor.u32 v3, v1  }
0x27b: {  	v1 =	vor.u32 v3, v2  }
0x27c: {  	s9 =	simm.s32 $0x110;
	v5 =	vor.u32 $0x1, v4  }
0x27d: {  	s1 =	simm.s32 $0x310;
	v2 =	vld [tilespmem:s9+$0x0];
	v6 =	vor.u32 $0x1, v1  }
0x27e: {  	v3 =	vld [tilespmem:s1+$0x0];
	v7 =	vor.u32 $0x2, v4  }
0x27f: {  	v9 =	vor.u32 $0x2, v1;
	v8 =	vld.idx.msk [tilespmem:v4+s12+$0x0], $0xffff  }
0x280: {  	v11 =	vor.u32 $0x3, v4;
	v10 =	vld.idx.msk [tilespmem:v1+s14+$0x0], $0xffff  }
0x281: {  	v12 =	vor.u32 $0x3, v1;
	v5 =	vld.idx.msk [tilespmem:v5+s12+$0x0], $0xffff  }
0x282: {  	v13 =	vor.u32 $0x4, v4;
	v6 =	vld.idx.msk [tilespmem:v6+s14+$0x0], $0xffff  }
0x283: {  	v14 =	vor.u32 $0x4, v1;
	v7 =	vld.idx.msk [tilespmem:v7+s12+$0x0], $0xffff  }
0x284: {  	v16 =	vor.u32 $0x6, v4;
	v15 =	vld.idx.msk [tilespmem:v9+s14+$0x0], $0xffff  }
0x285: {  	v54 =	vld.idx.msk [tilespmem:v11+s12+$0x0], $0xffff;
	v11 =	vor.u32 $0x5, v1  }
0x286: {  	v9 =	vor.u32 $0x5, v4;
	v12 =	vld.idx.msk [tilespmem:v12+s14+$0x0], $0xffff  }
0x287: {  	v55 =	vld.idx.msk [tilespmem:v13+s12+$0x0], $0xffff;
	v13 =	vor.u32 $0x6, v1  }
0x288: {  	v56 =	vld.idx.msk [tilespmem:v14+s14+$0x0], $0xffff;
	v14 =	vor.u32 $0x7, v4  }
0x289: {  	v59 =	vld.idx.msk [tilespmem:v16+s12+$0x0], $0xffff;
	v16 =	vor.u32 $0x8, v1  }
0x28a: {  	v58 =	vld.idx.msk [tilespmem:v11+s14+$0x0], $0xffff;
	v11 =	vor.u32 $0x8, v4  }
0x28b: {  	v57 =	vld.idx.msk [tilespmem:v9+s12+$0x0], $0xffff;
	v9 =	vor.u32 $0x7, v1  }
0x28c: {  	v60 =	vld.idx.msk [tilespmem:v13+s14+$0x0], $0xffff;
	v13 =	vor.u32 $0x9, v4  }
0x28d: {  	v52 =	vld.idx.msk [tilespmem:v14+s12+$0x0], $0xffff;
	v14 =	vor.u32 $0x9, v1  }
0x28e: {  	v53 =	vld.idx.msk [tilespmem:v16+s14+$0x0], $0xffff;
	v16 =	vor.u32 $0xB, v4  }
0x28f: {  	v50 =	vld.idx.msk [tilespmem:v11+s12+$0x0], $0xffff;
	v11 =	vor.u32 $0xA, v1  }
0x290: {  	v61 =	vld.idx.msk [tilespmem:v9+s14+$0x0], $0xffff;
	v9 =	vor.u32 $0xA, v4  }
0x291: {  	v49 =	vld.idx.msk [tilespmem:v13+s12+$0x0], $0xffff;
	v13 =	vor.u32 $0xB, v1  }
0x292: {  	v51 =	vld.idx.msk [tilespmem:v14+s14+$0x0], $0xffff;
	v14 =	vor.u32 $0xC, v4  }
0x293: {  	v45 =	vld.idx.msk [tilespmem:v16+s12+$0x0], $0xffff;
	v16 =	vor.u32 $0xD, v1  }
0x294: {  	v48 =	vld.idx.msk [tilespmem:v11+s14+$0x0], $0xffff;
	v11 =	vor.u32 $0xD, v4  }
0x295: {  	v47 =	vld.idx.msk [tilespmem:v9+s12+$0x0], $0xffff;
	v9 =	vor.u32 $0xC, v1  }
0x296: {  	v46 =	vld.idx.msk [tilespmem:v13+s14+$0x0], $0xffff;
	v13 =	vor.u32 $0xE, v4  }
0x297: {  	v43 =	vld.idx.msk [tilespmem:v14+s12+$0x0], $0xffff;
	v14 =	vor.u32 $0xE, v1  }
0x298: {  	v42 =	vld.idx.msk [tilespmem:v16+s14+$0x0], $0xffff;
	v16 =	vor.u32 $0x10, v4  }
0x299: {  	v41 =	vld.idx.msk [tilespmem:v11+s12+$0x0], $0xffff;
	v11 =	vor.u32 $0xF, v1  }
0x29a: {  	v44 =	vld.idx.msk [tilespmem:v9+s14+$0x0], $0xffff;
	v9 =	vor.u32 $0xF, v4  }
0x29b: {  	v39 =	vld.idx.msk [tilespmem:v13+s12+$0x0], $0xffff;
	v13 =	vor.u32 $0x10, v1  }
0x29c: {  	v40 =	vld.idx.msk [tilespmem:v14+s14+$0x0], $0xffff;
	v14 =	vor.u32 $0x11, v4  }
0x29d: {  	v35 =	vld.idx.msk [tilespmem:v16+s12+$0x0], $0xffff;
	v16 =	vor.u32 $0x12, v1  }
0x29e: {  	v38 =	vld.idx.msk [tilespmem:v11+s14+$0x0], $0xffff;
	v11 =	vor.u32 $0x12, v4  }
0x29f: {  	v37 =	vld.idx.msk [tilespmem:v9+s12+$0x0], $0xffff;
	v9 =	vor.u32 $0x11, v1  }
0x2a0: {  	v36 =	vld.idx.msk [tilespmem:v13+s14+$0x0], $0xffff;
	v13 =	vor.u32 $0x13, v4  }
0x2a1: {  	v33 =	vld.idx.msk [tilespmem:v14+s12+$0x0], $0xffff;
	v14 =	vor.u32 $0x13, v1  }
0x2a2: {  	v32 =	vld.idx.msk [tilespmem:v16+s14+$0x0], $0xffff;
	v16 =	vor.u32 $0x15, v4  }
0x2a3: {  	v31 =	vld.idx.msk [tilespmem:v11+s12+$0x0], $0xffff;
	v11 =	vor.u32 $0x14, v1  }
0x2a4: {  	v34 =	vld.idx.msk [tilespmem:v9+s14+$0x0], $0xffff;
	v9 =	vor.u32 $0x14, v4  }
0x2a5: {  	v29 =	vld.idx.msk [tilespmem:v13+s12+$0x0], $0xffff;
	v13 =	vor.u32 $0x15, v1  }
0x2a6: {  	v30 =	vld.idx.msk [tilespmem:v14+s14+$0x0], $0xffff;
	v14 =	vor.u32 $0x16, v4  }
0x2a7: {  	v25 =	vld.idx.msk [tilespmem:v16+s12+$0x0], $0xffff;
	v16 =	vor.u32 $0x17, v1  }
0x2a8: {  	v28 =	vld.idx.msk [tilespmem:v11+s14+$0x0], $0xffff;
	v11 =	vor.u32 $0x17, v4  }
0x2a9: {  	v27 =	vld.idx.msk [tilespmem:v9+s12+$0x0], $0xffff;
	v9 =	vor.u32 $0x16, v1  }
0x2aa: {  	v26 =	vld.idx.msk [tilespmem:v13+s14+$0x0], $0xffff;
	v13 =	vor.u32 $0x18, v4  }
0x2ab: {  	v23 =	vld.idx.msk [tilespmem:v14+s12+$0x0], $0xffff;
	v14 =	vor.u32 $0x18, v1  }
0x2ac: {  	v22 =	vld.idx.msk [tilespmem:v16+s14+$0x0], $0xffff;
	v16 =	vor.u32 $0x1A, v4  }
0x2ad: {  	v21 =	vld.idx.msk [tilespmem:v11+s12+$0x0], $0xffff;
	v11 =	vor.u32 $0x19, v1  }
0x2ae: {  	v62 =	vor.u32 $0x1A, v1;
	v24 =	vld.idx.msk [tilespmem:v9+s14+$0x0], $0xffff  }
0x2af: {  	v9 =	vor.u32 $0x19, v4;
	v19 =	vld.idx.msk [tilespmem:v13+s12+$0x0], $0xffff  }
0x2b0: {  	v20 =	vld.idx.msk [tilespmem:v14+s14+$0x0], $0xffff;
	v14 =	vor.u32 $0x1B, v4  }
0x2b1: {  	v63 =	vor.u32 $0x1B, v1;
	v13 =	vld.idx.msk [tilespmem:v16+s12+$0x0], $0xffff  }
0x2b2: {  	v8 =	vmul.f32 v10, v8;
	v18 =	vld.idx.msk [tilespmem:v11+s14+$0x0], $0xffff;
	v11 =	vor.u32 $0x1C, v4  }
0x2b3: {  	v10 =	vor.u32 $0x1C, v1;
	v16 =	vld.idx.msk [tilespmem:v62+s14+$0x0], $0xffff  }
0x2b4: {  	v5 =	vmul.f32 v6, v5;
	v8 =	vadd.f32 $0.0e+00, v8;
	v62 =	vor.u32 $0x1D, v4;
	v17 =	vld.idx.msk [tilespmem:v9+s12+$0x0], $0xffff  }
0x2b5: {  	v6 =	vor.u32 $0x1D, v1;
	v9 =	vld.idx.msk [tilespmem:v14+s12+$0x0], $0xffff  }
0x2b6: {  	v5 =	vadd.f32 v5, v8;
	v8 =	vmul.f32 v15, v7;
	v15 =	vor.u32 $0x1E, v1;
	v14 =	vld.idx.msk [tilespmem:v63+s14+$0x0], $0xffff  }
0x2b7: {  	v63 =	vor.u32 $0x1E, v4;
	v7 =	vld.idx.msk [tilespmem:v11+s12+$0x0], $0xffff  }
0x2b8: {  	s9 =	simm.s32 $0x10;
	v4 =	vor.u32 $0x1F, v4;
	v11 =	vld.idx.msk [tilespmem:v10+s14+$0x0], $0xffff  }
0x2b9: {  	v2 =	vshll.u32 v2, $0x5;
	v10 =	vadd.f32 v8, v5;
	v8 =	vmov s9;
	v5 =	vld.idx.msk [tilespmem:v62+s12+$0x0], $0xffff  }
0x2ba: {  	v62 =	vor.u32 $0x1F, v1;
	v1 =	vmul.f32 v12, v54;
	v54 =	vld.idx.msk [tilespmem:v6+s14+$0x0], $0xffff;
	v8 =	vshll.u32 v8, $0x7  }
0x2bb: {  	v3 =	vshll.u32 v3, $0x5;
	v2 =	vand.u32 $0x60, v2;
	v12 =	vld.idx.msk [tilespmem:v15+s14+$0x0], $0xffff;
	v6 =	vor.u32 v0, v8  }
0x2bc: {  	v3 =	vand.u32 $0x60, v3;
	v8 =	vld.idx.msk [tilespmem:v63+s12+$0x0], $0xffff;
	v2 =	vor.u32 v6, v2  }
0x2bd: {  	s31 =	simm.s32 $0x120;
	v55 =	vmul.f32 v56, v55;
	v15 =	vadd.f32 v1, v10;
	v1 =	vor.u32 v6, v3;
	v6 =	vld.idx.msk [tilespmem:v4+s12+$0x0], $0xffff  }
0x2be: {  	v52 =	vmul.f32 v61, v52;
	v3 =	vld [tilespmem:s31+$0x0];
	v56 =	vor.u32 $0x1, v2  }
0x2bf: {  	s0 =	simm.s32 $0x320;
	v15 =	vadd.f32 v55, v15;
	v61 =	vor.u32 $0x4, v2;
	v10 =	vld.idx.msk [tilespmem:v62+s14+$0x0], $0xffff;
	v62 =	vmul.f32 v58, v57  }
0x2c0: {  	v4 =	vld [tilespmem:s0+$0x0];
	v57 =	vor.u32 $0x1, v1  }
0x2c1: {  	v55 =	vmul.f32 v60, v59;
	v58 =	vor.u32 $0x2, v2;
	v15 =	vadd.f32 v62, v15;
	v59 =	vld.idx.msk [tilespmem:v2+s12+$0x0], $0xffff  }
0x2c2: {  	v60 =	vor.u32 $0x2, v1;
	v62 =	vld.idx.msk [tilespmem:v1+s14+$0x0], $0xffff  }
0x2c3: {  	v63 =	vor.u32 $0x3, v2;
	v15 =	vadd.f32 v55, v15;
	v55 =	vld.idx.msk [tilespmem:v56+s12+$0x0], $0xffff  }
0x2c4: {  	v47 =	vmul.f32 v48, v47;
	v56 =	vor.u32 $0x3, v1;
	v48 =	vld.idx.msk [tilespmem:v61+s12+$0x0], $0xffff  }
0x2c5: {  	v50 =	vmul.f32 v53, v50;
	v53 =	vor.u32 $0x4, v1;
	v57 =	vld.idx.msk [tilespmem:v57+s14+$0x0], $0xffff;
	v15 =	vadd.f32 v52, v15  }
0x2c6: {  	v49 =	vmul.f32 v51, v49;
	v51 =	vor.u32 $0x5, v1;
	v52 =	vld.idx.msk [tilespmem:v58+s12+$0x0], $0xffff  }
0x2c7: {  	v58 =	vld.idx.msk [tilespmem:v60+s14+$0x0], $0xffff;
	v60 =	vor.u32 $0x5, v2;
	v15 =	vadd.f32 v50, v15  }
0x2c8: {  	v50 =	vld.idx.msk [tilespmem:v63+s12+$0x0], $0xffff;
	v59 =	vmul.f32 v62, v59;
	v62 =	vor.u32 $0x6, v2  }
0x2c9: {  	v45 =	vmul.f32 v46, v45;
	v63 =	vor.u32 $0x6, v1;
	v56 =	vld.idx.msk [tilespmem:v56+s14+$0x0], $0xffff;
	v15 =	vadd.f32 v49, v15  }
0x2ca: {  	v53 =	vld.idx.msk [tilespmem:v53+s14+$0x0], $0xffff;
	v61 =	vor.u32 $0x8, v2;
	v59 =	vadd.f32 $0.0e+00, v59;
	v55 =	vmul.f32 v57, v55  }
0x2cb: {  	v43 =	vmul.f32 v44, v43;
	v51 =	vld.idx.msk [tilespmem:v51+s14+$0x0], $0xffff;
	v57 =	vor.u32 $0x7, v2;
	v15 =	vadd.f32 v47, v15  }
0x2cc: {  	v46 =	vld.idx.msk [tilespmem:v60+s12+$0x0], $0xffff;
	v60 =	vor.u32 $0x7, v1;
	v52 =	vmul.f32 v58, v52;
	v55 =	vadd.f32 v55, v59  }
0x2cd: {  	v41 =	vmul.f32 v42, v41;
	v44 =	vld.idx.msk [tilespmem:v62+s12+$0x0], $0xffff;
	v62 =	vor.u32 $0x8, v1;
	v15 =	vadd.f32 v45, v15  }
0x2ce: {  	v49 =	vld.idx.msk [tilespmem:v63+s14+$0x0], $0xffff;
	v63 =	vor.u32 $0x9, v2;
	v52 =	vadd.f32 v52, v55;
	v50 =	vmul.f32 v56, v50  }
0x2cf: {  	v39 =	vmul.f32 v40, v39;
	v58 =	vld.idx.msk [tilespmem:v61+s12+$0x0], $0xffff;
	v59 =	vor.u32 $0xA, v1;
	v15 =	vadd.f32 v43, v15  }
0x2d0: {  	v48 =	vmul.f32 v53, v48;
	v56 =	vor.u32 $0x9, v1;
	v42 =	vld.idx.msk [tilespmem:v57+s12+$0x0], $0xffff;
	v50 =	vadd.f32 v50, v52  }
0x2d1: {  	v37 =	vmul.f32 v38, v37;
	v57 =	vor.u32 $0xA, v2;
	v47 =	vld.idx.msk [tilespmem:v60+s14+$0x0], $0xffff;
	v15 =	vadd.f32 v41, v15  }
0x2d2: {  	v46 =	vmul.f32 v51, v46;
	v60 =	vor.u32 $0xB, v2;
	v48 =	vadd.f32 v48, v50;
	v45 =	vld.idx.msk [tilespmem:v62+s14+$0x0], $0xffff  }
0x2d3: {  	v35 =	vmul.f32 v36, v35;
	v52 =	vor.u32 $0xD, v2;
	v61 =	vld.idx.msk [tilespmem:v63+s12+$0x0], $0xffff;
	v15 =	vadd.f32 v39, v15  }
0x2d4: {  	v62 =	vor.u32 $0xB, v1;
	v44 =	vmul.f32 v49, v44;
	v41 =	vld.idx.msk [tilespmem:v59+s14+$0x0], $0xffff;
	v46 =	vadd.f32 v46, v48  }
0x2d5: {  	v33 =	vmul.f32 v34, v33;
	v51 =	vor.u32 $0xC, v1;
	v43 =	vld.idx.msk [tilespmem:v56+s14+$0x0], $0xffff;
	v15 =	vadd.f32 v37, v15  }
0x2d6: {  	v63 =	vor.u32 $0xC, v2;
	v49 =	vld.idx.msk [tilespmem:v57+s12+$0x0], $0xffff;
	v42 =	vmul.f32 v47, v42;
	v44 =	vadd.f32 v44, v46  }
0x2d7: {  	v31 =	vmul.f32 v32, v31;
	v55 =	vor.u32 $0xD, v1;
	v53 =	vld.idx.msk [tilespmem:v60+s12+$0x0], $0xffff;
	v15 =	vadd.f32 v35, v15  }
0x2d8: {  	v56 =	vor.u32 $0xE, v2;
	v60 =	vld.idx.msk [tilespmem:v52+s12+$0x0], $0xffff;
	v40 =	vmul.f32 v45, v58;
	v42 =	vadd.f32 v42, v44  }
0x2d9: {  	v29 =	vmul.f32 v30, v29;
	v59 =	vor.u32 $0xF, v2;
	v39 =	vld.idx.msk [tilespmem:v62+s14+$0x0], $0xffff;
	v15 =	vadd.f32 v33, v15  }
0x2da: {  	v37 =	vld.idx.msk [tilespmem:v51+s14+$0x0], $0xffff;
	v58 =	vor.u32 $0xE, v1;
	v38 =	vmul.f32 v43, v61;
	v40 =	vadd.f32 v40, v42  }
0x2db: {  	v27 =	vmul.f32 v28, v27;
	v52 =	vor.u32 $0x14, v2;
	v57 =	vld.idx.msk [tilespmem:v63+s12+$0x0], $0xffff;
	v15 =	vadd.f32 v31, v15  }
0x2dc: {  	v61 =	vor.u32 $0xF, v1;
	v35 =	vld.idx.msk [tilespmem:v55+s14+$0x0], $0xffff;
	v36 =	vmul.f32 v41, v49;
	v38 =	vadd.f32 v38, v40  }
0x2dd: {  	v25 =	vmul.f32 v26, v25;
	v62 =	vor.u32 $0x10, v2;
	v63 =	vld.idx.msk [tilespmem:v56+s12+$0x0], $0xffff;
	v15 =	vadd.f32 v29, v15  }
0x2de: {  	v44 =	vld.idx.msk [tilespmem:v59+s12+$0x0], $0xffff;
	v41 =	vor.u32 $0x10, v1;
	v34 =	vmul.f32 v39, v53;
	v36 =	vadd.f32 v36, v38  }
0x2df: {  	v13 =	vmul.f32 v16, v13;
	v43 =	vor.u32 $0x11, v2;
	v33 =	vld.idx.msk [tilespmem:v58+s14+$0x0], $0xffff;
	v15 =	vadd.f32 v27, v15  }
0x2e0: {  	v45 =	vor.u32 $0x11, v1;
	v16 =	vld.idx.msk [tilespmem:v52+s12+$0x0], $0xffff;
	v32 =	vmul.f32 v37, v57;
	v34 =	vadd.f32 v34, v36  }
0x2e1: {  	v23 =	vmul.f32 v24, v23;
	v46 =	vor.u32 $0x12, v2;
	v31 =	vld.idx.msk [tilespmem:v61+s14+$0x0], $0xffff;
	v15 =	vadd.f32 v25, v15  }
0x2e2: {  	v48 =	vor.u32 $0x12, v1;
	v47 =	vld.idx.msk [tilespmem:v62+s12+$0x0], $0xffff;
	v30 =	vmul.f32 v35, v60;
	v32 =	vadd.f32 v32, v34  }
0x2e3: {  	v21 =	vmul.f32 v22, v21;
	v49 =	vor.u32 $0x13, v2;
	v29 =	vld.idx.msk [tilespmem:v41+s14+$0x0], $0xffff;
	v15 =	vadd.f32 v23, v15  }
0x2e4: {  	v51 =	vor.u32 $0x13, v1;
	v50 =	vld.idx.msk [tilespmem:v43+s12+$0x0], $0xffff;
	v28 =	vmul.f32 v33, v63;
	v30 =	vadd.f32 v30, v32  }
0x2e5: {  	v19 =	vmul.f32 v20, v19;
	v56 =	vor.u32 $0x15, v2;
	v27 =	vld.idx.msk [tilespmem:v45+s14+$0x0], $0xffff;
	v15 =	vadd.f32 v21, v15  }
0x2e6: {  	v55 =	vor.u32 $0x14, v1;
	v53 =	vld.idx.msk [tilespmem:v46+s12+$0x0], $0xffff;
	v26 =	vmul.f32 v31, v44;
	v28 =	vadd.f32 v28, v30  }
0x2e7: {  	v17 =	vmul.f32 v18, v17;
	v57 =	vor.u32 $0x16, v2;
	v25 =	vld.idx.msk [tilespmem:v48+s14+$0x0], $0xffff;
	v15 =	vadd.f32 v19, v15  }
0x2e8: {  	v18 =	vld.idx.msk [tilespmem:v49+s12+$0x0], $0xffff;
	v24 =	vmul.f32 v29, v47;
	v19 =	vor.u32 $0x15, v1;
	v26 =	vadd.f32 v26, v28  }
0x2e9: {  	v9 =	vmul.f32 v14, v9;
	v59 =	vor.u32 $0x18, v2;
	v23 =	vld.idx.msk [tilespmem:v51+s14+$0x0], $0xffff;
	v15 =	vadd.f32 v17, v15  }
0x2ea: {  	v14 =	vld.idx.msk [tilespmem:v56+s12+$0x0], $0xffff;
	v22 =	vmul.f32 v27, v50;
	v17 =	vor.u32 $0x16, v1;
	v24 =	vadd.f32 v24, v26  }
0x2eb: {  	v7 =	vmul.f32 v11, v7;
	v58 =	vor.u32 $0x17, v2;
	v21 =	vld.idx.msk [tilespmem:v55+s14+$0x0], $0xffff;
	v13 =	vadd.f32 v13, v15  }
0x2ec: {  	v11 =	vld.idx.msk [tilespmem:v57+s12+$0x0], $0xffff;
	v20 =	vmul.f32 v25, v53;
	v15 =	vor.u32 $0x17, v1;
	v22 =	vadd.f32 v22, v24  }
0x2ed: {  	v19 =	vld.idx.msk [tilespmem:v19+s14+$0x0], $0xffff;
	v9 =	vadd.f32 v9, v13;
	v13 =	vor.u32 $0x18, v1  }
0x2ee: {  	v61 =	vor.u32 $0x19, v1;
	v63 =	vld.idx.msk [tilespmem:v59+s12+$0x0], $0xffff;
	v18 =	vmul.f32 v23, v18;
	v20 =	vadd.f32 v20, v22  }
0x2ef: {  	v5 =	vmul.f32 v54, v5;
	v60 =	vor.u32 $0x19, v2;
	v17 =	vld.idx.msk [tilespmem:v17+s14+$0x0], $0xffff;
	v7 =	vadd.f32 v7, v9  }
0x2f0: {  	v62 =	vor.u32 $0x1A, v2;
	v16 =	vmul.f32 v21, v16;
	v9 =	vld.idx.msk [tilespmem:v58+s12+$0x0], $0xffff;
	v18 =	vadd.f32 v18, v20  }
0x2f1: {  	v15 =	vld.idx.msk [tilespmem:v15+s14+$0x0], $0xffff;
	v5 =	vadd.f32 v5, v7;
	v7 =	vmul.f32 v12, v8;
	v8 =	vor.u32 $0x1A, v1  }
0x2f2: {  	v12 =	vadd.f32 v16, v18;
	v14 =	vmul.f32 v19, v14;
	v16 =	vld.idx.msk [tilespmem:v13+s14+$0x0], $0xffff;
	v13 =	vor.u32 $0x1B, v2  }
0x2f3: {  	v6 =	vmul.f32 v10, v6;
	v10 =	vld.idx.msk [tilespmem:v61+s14+$0x0], $0xffff;
	v18 =	vor.u32 $0x1B, v1;
	v5 =	vadd.f32 v7, v5  }
0x2f4: {  	v7 =	vld.idx.msk [tilespmem:v60+s12+$0x0], $0xffff;
	v12 =	vadd.f32 v14, v12;
	v14 =	vmul.f32 v17, v11;
	v11 =	vor.u32 $0x1C, v2  }
0x2f5: {  	v17 =	vor.u32 $0x1C, v1;
	v19 =	vadd.f32 v6, v5;
	v6 =	vld.idx.msk [tilespmem:v62+s12+$0x0], $0xffff  }
0x2f6: {  	v12 =	vadd.f32 v14, v12;
	v9 =	vmul.f32 v15, v9;
	v14 =	vor.u32 $0x1D, v2;
	v8 =	vld.idx.msk [tilespmem:v8+s14+$0x0], $0xffff  }
0x2f7: {  	s30 =	simm.s32 $0x10900;
	v5 =	vld.idx.msk [tilespmem:v13+s12+$0x0], $0xffff;
	v13 =	vor.u32 $0x1D, v1  }
0x2f8: {  	s1 =	simm.s32 $0x20;
	s9 =	simm.s32 $0x30;
	v15 =	vor.u32 $0x1E, v2;
	[tilespmem:s30+$0x0] =	vst v19;
	v12 =	vadd.f32 v9, v12;
	v16 =	vmul.f32 v16, v63;
	v9 =	vld.idx.msk [tilespmem:v18+s14+$0x0], $0xffff  }
.LBB2_8:
0x2f9: {  	p0 =	sne.s32 s9, $0x70;
	v18 =	vmov s1;
	v11 =	vld.idx.msk [tilespmem:v11+s12+$0x0], $0xffff;
	v19 =	vor.u32 $0x1E, v1;
	s1 =	smov.u32 s9  }
0x2fa: {  	v7 =	vmul.f32 v10, v7;
	v12 =	vadd.f32 v16, v12;
	v10 =	vld.idx.msk [tilespmem:v17+s14+$0x0], $0xffff;
	v16 =	vor.u32 $0x1F, v2  }
0x2fb: {  	v3 =	vshll.u32 v3, $0x5;
	v2 =	vshll.u32 v18, $0x7;
	v17 =	vor.u32 $0x1F, v1;
	v14 =	vld.idx.msk [tilespmem:v14+s12+$0x0], $0xffff  }
0x2fc: {  	v1 =	vshll.u32 v4, $0x5;
	v6 =	vmul.f32 v8, v6;
	v4 =	vadd.f32 v7, v12;
	v7 =	vld.idx.msk [tilespmem:v13+s14+$0x0], $0xffff  }
0x2fd: {  	v3 =	vand.u32 $0x60, v3;
	v1 =	vand.u32 $0x60, v1;
	v8 =	vor.u32 v0, v2;
	v12 =	vld.idx.msk [tilespmem:v15+s12+$0x0], $0xffff  }
0x2fe: {  	v2 =	vor.u32 v8, v3;
	v3 =	vadd.f32 v6, v4;
	v4 =	vmul.f32 v9, v5;
	v5 =	vld.idx.msk [tilespmem:v19+s14+$0x0], $0xffff  }
0x2ff: {  	v1 =	vor.u32 v8, v1;
	v6 =	vld.idx.msk [tilespmem:v16+s12+$0x0], $0xffff  }
0x300: {  	s31 =	sadd.s32 $0x10, s31;
	v8 =	vor.u32 $0x1, v2;
	v10 =	vmul.f32 v10, v11;
	v9 =	vadd.f32 v4, v3;
	v11 =	vld.idx.msk [tilespmem:v17+s14+$0x0], $0xffff  }
0x301: {  	s0 =	sadd.s32 $0x10, s0;
	v13 =	vor.u32 $0x1, v1;
	v3 =	vld [tilespmem:s31+$0x0]  }
0x302: {  	v15 =	vor.u32 $0x2, v2;
	v7 =	vmul.f32 v7, v14;
	v4 =	vld [tilespmem:s0+$0x0];
	v9 =	vadd.f32 v10, v9  }
0x303: {  	v14 =	vor.u32 $0x2, v1;
	v10 =	vld.idx.msk [tilespmem:v2+s12+$0x0], $0xffff  }
0x304: {  	v17 =	vor.u32 $0x3, v2;
	v5 =	vmul.f32 v5, v12;
	v16 =	vld.idx.msk [tilespmem:v1+s14+$0x0], $0xffff;
	v7 =	vadd.f32 v7, v9  }
0x305: {  	v9 =	vor.u32 $0x3, v1;
	v8 =	vld.idx.msk [tilespmem:v8+s12+$0x0], $0xffff  }
0x306: {  	v6 =	vmul.f32 v11, v6;
	v12 =	vld.idx.msk [tilespmem:v13+s14+$0x0], $0xffff;
	v13 =	vor.u32 $0x4, v2;
	v5 =	vadd.f32 v5, v7  }
0x307: {  	v11 =	vor.u32 $0x4, v1;
	v7 =	vld.idx.msk [tilespmem:v15+s12+$0x0], $0xffff  }
0x308: {  	v15 =	vor.u32 $0x5, v2;
	v14 =	vld.idx.msk [tilespmem:v14+s14+$0x0], $0xffff;
	v5 =	vadd.f32 v6, v5  }
0x309: {  	s30 =	sadd.s32 $0x10, s30;
	v6 =	vld.idx.msk [tilespmem:v17+s12+$0x0], $0xffff;
	v17 =	vor.u32 $0x5, v1  }
0x30a: {  	v10 =	vmul.f32 v16, v10;
	v16 =	vor.u32 $0x6, v2;
	v9 =	vld.idx.msk [tilespmem:v9+s14+$0x0], $0xffff;
	[tilespmem:s30+$0x0] =	vst v5  }
0x30b: {  	v5 =	vld.idx.msk [tilespmem:v13+s12+$0x0], $0xffff;
	v13 =	vor.u32 $0x6, v1  }
0x30c: {  	v10 =	vadd.f32 $0.0e+00, v10;
	v8 =	vmul.f32 v12, v8;
	v12 =	vor.u32 $0x7, v2;
	v11 =	vld.idx.msk [tilespmem:v11+s14+$0x0], $0xffff  }
0x30d: {  	v18 =	vor.u32 $0x7, v1;
	v15 =	vld.idx.msk [tilespmem:v15+s12+$0x0], $0xffff  }
0x30e: {  	v8 =	vadd.f32 v8, v10;
	v7 =	vmul.f32 v14, v7;
	v14 =	vor.u32 $0x8, v2;
	v10 =	vld.idx.msk [tilespmem:v17+s14+$0x0], $0xffff  }
0x30f: {  	v17 =	vor.u32 $0x8, v1;
	v16 =	vld.idx.msk [tilespmem:v16+s12+$0x0], $0xffff  }
0x310: {  	v7 =	vadd.f32 v7, v8;
	v6 =	vmul.f32 v9, v6;
	v9 =	vor.u32 $0x9, v2;
	v8 =	vld.idx.msk [tilespmem:v13+s14+$0x0], $0xffff  }
0x311: {  	v13 =	vor.u32 $0x9, v1;
	v12 =	vld.idx.msk [tilespmem:v12+s12+$0x0], $0xffff  }
0x312: {  	v6 =	vadd.f32 v6, v7;
	v5 =	vmul.f32 v11, v5;
	v11 =	vor.u32 $0xA, v2;
	v7 =	vld.idx.msk [tilespmem:v18+s14+$0x0], $0xffff  }
0x313: {  	v18 =	vor.u32 $0xA, v1;
	v14 =	vld.idx.msk [tilespmem:v14+s12+$0x0], $0xffff  }
0x314: {  	v5 =	vadd.f32 v5, v6;
	v6 =	vmul.f32 v10, v15;
	v15 =	vor.u32 $0xB, v2;
	v10 =	vld.idx.msk [tilespmem:v17+s14+$0x0], $0xffff  }
0x315: {  	v17 =	vor.u32 $0xB, v1;
	v9 =	vld.idx.msk [tilespmem:v9+s12+$0x0], $0xffff  }
0x316: {  	v5 =	vadd.f32 v6, v5;
	v6 =	vmul.f32 v8, v16;
	v8 =	vld.idx.msk [tilespmem:v13+s14+$0x0], $0xffff;
	v13 =	vor.u32 $0xC, v2  }
0x317: {  	v16 =	vor.u32 $0xC, v1;
	v11 =	vld.idx.msk [tilespmem:v11+s12+$0x0], $0xffff  }
0x318: {  	v5 =	vadd.f32 v6, v5;
	v6 =	vmul.f32 v7, v12;
	v12 =	vor.u32 $0xD, v2;
	v7 =	vld.idx.msk [tilespmem:v18+s14+$0x0], $0xffff  }
0x319: {  	v18 =	vor.u32 $0xD, v1;
	v15 =	vld.idx.msk [tilespmem:v15+s12+$0x0], $0xffff  }
0x31a: {  	v5 =	vadd.f32 v6, v5;
	v6 =	vmul.f32 v10, v14;
	v14 =	vor.u32 $0xE, v2;
	v10 =	vld.idx.msk [tilespmem:v17+s14+$0x0], $0xffff  }
0x31b: {  	v17 =	vor.u32 $0xE, v1;
	v13 =	vld.idx.msk [tilespmem:v13+s12+$0x0], $0xffff  }
0x31c: {  	v5 =	vadd.f32 v6, v5;
	v6 =	vmul.f32 v8, v9;
	v9 =	vor.u32 $0xF, v2;
	v8 =	vld.idx.msk [tilespmem:v16+s14+$0x0], $0xffff  }
0x31d: {  	v16 =	vor.u32 $0xF, v1;
	v12 =	vld.idx.msk [tilespmem:v12+s12+$0x0], $0xffff  }
0x31e: {  	v5 =	vadd.f32 v6, v5;
	v6 =	vmul.f32 v7, v11;
	v11 =	vor.u32 $0x10, v2;
	v7 =	vld.idx.msk [tilespmem:v18+s14+$0x0], $0xffff  }
0x31f: {  	v18 =	vor.u32 $0x10, v1;
	v14 =	vld.idx.msk [tilespmem:v14+s12+$0x0], $0xffff  }
0x320: {  	v5 =	vadd.f32 v6, v5;
	v6 =	vmul.f32 v10, v15;
	v15 =	vor.u32 $0x11, v2;
	v10 =	vld.idx.msk [tilespmem:v17+s14+$0x0], $0xffff  }
0x321: {  	v17 =	vor.u32 $0x11, v1;
	v9 =	vld.idx.msk [tilespmem:v9+s12+$0x0], $0xffff  }
0x322: {  	v5 =	vadd.f32 v6, v5;
	v6 =	vmul.f32 v8, v13;
	v13 =	vor.u32 $0x12, v2;
	v8 =	vld.idx.msk [tilespmem:v16+s14+$0x0], $0xffff  }
0x323: {  	v16 =	vor.u32 $0x12, v1;
	v11 =	vld.idx.msk [tilespmem:v11+s12+$0x0], $0xffff  }
0x324: {  	v5 =	vadd.f32 v6, v5;
	v6 =	vmul.f32 v7, v12;
	v12 =	vor.u32 $0x13, v2;
	v7 =	vld.idx.msk [tilespmem:v18+s14+$0x0], $0xffff  }
0x325: {  	v18 =	vor.u32 $0x13, v1;
	v15 =	vld.idx.msk [tilespmem:v15+s12+$0x0], $0xffff  }
0x326: {  	v5 =	vadd.f32 v6, v5;
	v6 =	vmul.f32 v10, v14;
	v14 =	vor.u32 $0x14, v2;
	v10 =	vld.idx.msk [tilespmem:v17+s14+$0x0], $0xffff  }
0x327: {  	v17 =	vor.u32 $0x14, v1;
	v13 =	vld.idx.msk [tilespmem:v13+s12+$0x0], $0xffff  }
0x328: {  	v5 =	vadd.f32 v6, v5;
	v6 =	vmul.f32 v8, v9;
	v9 =	vor.u32 $0x15, v2;
	v8 =	vld.idx.msk [tilespmem:v16+s14+$0x0], $0xffff  }
0x329: {  	v16 =	vor.u32 $0x15, v1;
	v12 =	vld.idx.msk [tilespmem:v12+s12+$0x0], $0xffff  }
0x32a: {  	v5 =	vadd.f32 v6, v5;
	v6 =	vmul.f32 v7, v11;
	v11 =	vor.u32 $0x16, v2;
	v7 =	vld.idx.msk [tilespmem:v18+s14+$0x0], $0xffff  }
0x32b: {  	v18 =	vor.u32 $0x16, v1;
	v14 =	vld.idx.msk [tilespmem:v14+s12+$0x0], $0xffff  }
0x32c: {  	v5 =	vadd.f32 v6, v5;
	v6 =	vmul.f32 v10, v15;
	v15 =	vor.u32 $0x17, v2;
	v10 =	vld.idx.msk [tilespmem:v17+s14+$0x0], $0xffff  }
0x32d: {  	v17 =	vor.u32 $0x17, v1;
	v9 =	vld.idx.msk [tilespmem:v9+s12+$0x0], $0xffff  }
0x32e: {  	v5 =	vadd.f32 v6, v5;
	v6 =	vmul.f32 v8, v13;
	v13 =	vor.u32 $0x18, v2;
	v8 =	vld.idx.msk [tilespmem:v16+s14+$0x0], $0xffff  }
0x32f: {  	v16 =	vor.u32 $0x18, v1;
	v11 =	vld.idx.msk [tilespmem:v11+s12+$0x0], $0xffff  }
0x330: {  	v5 =	vadd.f32 v6, v5;
	v6 =	vmul.f32 v7, v12;
	v7 =	vor.u32 $0x19, v2;
	v12 =	vld.idx.msk [tilespmem:v18+s14+$0x0], $0xffff  }
0x331: {  	v18 =	vor.u32 $0x19, v1;
	v15 =	vld.idx.msk [tilespmem:v15+s12+$0x0], $0xffff  }
0x332: {  	v5 =	vadd.f32 v6, v5;
	v6 =	vmul.f32 v10, v14;
	v14 =	vld.idx.msk [tilespmem:v17+s14+$0x0], $0xffff;
	v17 =	vor.u32 $0x1A, v2  }
0x333: {  	v19 =	vld.idx.msk [tilespmem:v13+s12+$0x0], $0xffff;
	v13 =	vor.u32 $0x1A, v1  }
0x334: {  	v5 =	vadd.f32 v6, v5;
	v6 =	vmul.f32 v8, v9;
	v9 =	vld.idx.msk [tilespmem:v16+s14+$0x0], $0xffff;
	v16 =	vor.u32 $0x1B, v2  }
0x335: {  	v20 =	vor.u32 $0x1B, v1;
	v7 =	vld.idx.msk [tilespmem:v7+s12+$0x0], $0xffff  }
.Ltmp3:
0x336: {  	v5 =	vadd.f32 v6, v5;
	v8 =	vmul.f32 v12, v11;
	v11 =	vor.u32 $0x1C, v2;
	v10 =	vld.idx.msk [tilespmem:v18+s14+$0x0], $0xffff;
	(pc) =	sbr.rel @p0 .LBB2_8-.Ltmp3, $4  }
0x337: {  	v6 =	vld.idx.msk [tilespmem:v17+s12+$0x0], $0xffff;
	v17 =	vor.u32 $0x1C, v1  }
0x338: {  	v12 =	vadd.f32 v8, v5;
	v15 =	vmul.f32 v14, v15;
	v14 =	vor.u32 $0x1D, v2;
	v8 =	vld.idx.msk [tilespmem:v13+s14+$0x0], $0xffff  }
0x339: {  	v13 =	vor.u32 $0x1D, v1;
	v5 =	vld.idx.msk [tilespmem:v16+s12+$0x0], $0xffff  }
0x33a: {  	s9 =	sadd.s32 $0x10, s9;
	v12 =	vadd.f32 v15, v12;
	v16 =	vmul.f32 v9, v19;
	v15 =	vor.u32 $0x1E, v2;
	v9 =	vld.idx.msk [tilespmem:v20+s14+$0x0], $0xffff  }
0x33b: {  	_ =	sdelay $0x3  }
0x33c: {  	v18 =	vmov s1;
	v11 =	vld.idx.msk [tilespmem:v11+s12+$0x0], $0xffff;
	v19 =	vor.u32 $0x1E, v1;
	v20 =	vor.u32 $0x1F, v2  }
0x33d: {  	v2 =	vld.idx.msk [tilespmem:v17+s14+$0x0], $0xffff;
	v3 =	vshll.u32 v3, $0x5;
	v21 =	vor.u32 $0x1F, v1;
	v17 =	vshll.u32 v18, $0x7  }
0x33e: {  	v1 =	vld.idx.msk [tilespmem:v14+s12+$0x0], $0xffff;
	v4 =	vshll.u32 v4, $0x5;
	v3 =	vand.u32 $0x60, v3;
	v14 =	vor.u32 v0, v17  }
0x33f: {  	v13 =	vld.idx.msk [tilespmem:v13+s14+$0x0], $0xffff;
	v4 =	vand.u32 $0x60, v4;
	v17 =	vor.u32 v14, v3  }
0x340: {  	v3 =	vld.idx.msk [tilespmem:v15+s12+$0x0], $0xffff;
	v18 =	vor.u32 v14, v4  }
0x341: {  	v50 =	vor.u32 $0x1, v18;
	v14 =	vld.idx.msk [tilespmem:v19+s14+$0x0], $0xffff  }
0x342: {  	v19 =	vor.u32 $0x1, v17;
	v4 =	vld.idx.msk [tilespmem:v20+s12+$0x0], $0xffff  }
0x343: {  	v51 =	vor.u32 $0x2, v17;
	v15 =	vld.idx.msk [tilespmem:v21+s14+$0x0], $0xffff  }
0x344: {  	v23 =	vor.u32 $0x2, v18;
	v22 =	vld.idx.msk [tilespmem:v17+s12+$0x0], $0xffff  }
0x345: {  	v25 =	vor.u32 $0x3, v17;
	v24 =	vld.idx.msk [tilespmem:v18+s14+$0x0], $0xffff  }
0x346: {  	v26 =	vor.u32 $0x3, v18;
	v20 =	vld.idx.msk [tilespmem:v50+s14+$0x0], $0xffff  }
0x347: {  	v27 =	vor.u32 $0x4, v17;
	v19 =	vld.idx.msk [tilespmem:v19+s12+$0x0], $0xffff  }
0x348: {  	v28 =	vor.u32 $0x4, v18;
	v21 =	vld.idx.msk [tilespmem:v51+s12+$0x0], $0xffff  }
0x349: {  	v29 =	vor.u32 $0x5, v17;
	v23 =	vld.idx.msk [tilespmem:v23+s14+$0x0], $0xffff  }
0x34a: {  	v30 =	vor.u32 $0x5, v18;
	v25 =	vld.idx.msk [tilespmem:v25+s12+$0x0], $0xffff;
	v22 =	vmul.f32 v24, v22  }
0x34b: {  	v53 =	vor.u32 $0x6, v17;
	v52 =	vld.idx.msk [tilespmem:v26+s14+$0x0], $0xffff  }
0x34c: {  	v31 =	vor.u32 $0x6, v18;
	v27 =	vld.idx.msk [tilespmem:v27+s12+$0x0], $0xffff;
	v22 =	vadd.f32 $0.0e+00, v22;
	v19 =	vmul.f32 v20, v19  }
0x34d: {  	v55 =	vor.u32 $0x7, v17;
	v54 =	vld.idx.msk [tilespmem:v28+s14+$0x0], $0xffff  }
0x34e: {  	v32 =	vor.u32 $0x7, v18;
	v29 =	vld.idx.msk [tilespmem:v29+s12+$0x0], $0xffff;
	v21 =	vmul.f32 v23, v21;
	v19 =	vadd.f32 v19, v22  }
0x34f: {  	v58 =	vor.u32 $0x8, v18;
	v56 =	vld.idx.msk [tilespmem:v30+s14+$0x0], $0xffff  }
0x350: {  	v57 =	vor.u32 $0x8, v17;
	v26 =	vld.idx.msk [tilespmem:v53+s12+$0x0], $0xffff;
	v59 =	vmul.f32 v52, v25;
	v19 =	vadd.f32 v21, v19  }
0x351: {  	v62 =	vor.u32 $0x9, v18;
	v60 =	vld.idx.msk [tilespmem:v31+s14+$0x0], $0xffff  }
0x352: {  	v61 =	vor.u32 $0x9, v17;
	v28 =	vld.idx.msk [tilespmem:v55+s12+$0x0], $0xffff;
	v20 =	vmul.f32 v54, v27;
	v19 =	vadd.f32 v59, v19  }
0x353: {  	v37 =	vor.u32 $0xA, v18;
	v63 =	vld.idx.msk [tilespmem:v32+s14+$0x0], $0xffff  }
0x354: {  	v36 =	vor.u32 $0xA, v17;
	v39 =	vld.idx.msk [tilespmem:v58+s14+$0x0], $0xffff;
	v38 =	vmul.f32 v56, v29;
	v19 =	vadd.f32 v20, v19  }
0x355: {  	v41 =	vor.u32 $0xB, v18;
	v23 =	vld.idx.msk [tilespmem:v57+s12+$0x0], $0xffff  }
0x356: {  	v40 =	vor.u32 $0xB, v17;
	v43 =	vld.idx.msk [tilespmem:v62+s14+$0x0], $0xffff;
	v42 =	vmul.f32 v60, v26;
	v19 =	vadd.f32 v38, v19  }
0x357: {  	v45 =	vor.u32 $0xC, v18;
	v25 =	vld.idx.msk [tilespmem:v61+s12+$0x0], $0xffff  }
0x358: {  	v44 =	vor.u32 $0xC, v17;
	v47 =	vld.idx.msk [tilespmem:v37+s14+$0x0], $0xffff;
	v46 =	vmul.f32 v63, v28;
	v19 =	vadd.f32 v42, v19  }
0x359: {  	v48 =	vor.u32 $0xD, v17;
	v27 =	vld.idx.msk [tilespmem:v36+s12+$0x0], $0xffff  }
0x35a: {  	v49 =	vor.u32 $0xD, v18;
	v51 =	vld.idx.msk [tilespmem:v41+s14+$0x0], $0xffff;
	v50 =	vmul.f32 v39, v23;
	v19 =	vadd.f32 v46, v19  }
0x35b: {  	v53 =	vor.u32 $0xE, v18;
	v29 =	vld.idx.msk [tilespmem:v40+s12+$0x0], $0xffff  }
0x35c: {  	v55 =	vld.idx.msk [tilespmem:v45+s14+$0x0], $0xffff;
	v52 =	vor.u32 $0xE, v17;
	v54 =	vmul.f32 v43, v25;
	v19 =	vadd.f32 v50, v19  }
0x35d: {  	v26 =	vld.idx.msk [tilespmem:v44+s12+$0x0], $0xffff;
	v56 =	vor.u32 $0xF, v17  }
0x35e: {  	v28 =	vld.idx.msk [tilespmem:v48+s12+$0x0], $0xffff;
	v57 =	vor.u32 $0xF, v18;
	v58 =	vmul.f32 v47, v27;
	v19 =	vadd.f32 v54, v19  }
0x35f: {  	v60 =	vor.u32 $0x10, v17;
	v59 =	vld.idx.msk [tilespmem:v49+s14+$0x0], $0xffff  }
0x360: {  	v61 =	vor.u32 $0x10, v18;
	v63 =	vld.idx.msk [tilespmem:v53+s14+$0x0], $0xffff;
	v62 =	vmul.f32 v51, v29;
	v19 =	vadd.f32 v58, v19  }
0x361: {  	v35 =	vor.u32 $0x11, v17;
	v23 =	vld.idx.msk [tilespmem:v52+s12+$0x0], $0xffff  }
0x362: {  	v36 =	vor.u32 $0x11, v18;
	v25 =	vld.idx.msk [tilespmem:v56+s12+$0x0], $0xffff;
	v37 =	vmul.f32 v55, v26;
	v19 =	vadd.f32 v62, v19  }
0x363: {  	v39 =	vor.u32 $0x12, v17;
	v38 =	vld.idx.msk [tilespmem:v57+s14+$0x0], $0xffff  }
0x364: {  	v40 =	vor.u32 $0x12, v18;
	v27 =	vld.idx.msk [tilespmem:v60+s12+$0x0], $0xffff;
	v41 =	vmul.f32 v59, v28;
	v19 =	vadd.f32 v37, v19  }
0x365: {  	v43 =	vor.u32 $0x13, v17;
	v42 =	vld.idx.msk [tilespmem:v61+s14+$0x0], $0xffff  }
0x366: {  	v44 =	vor.u32 $0x13, v18;
	v29 =	vld.idx.msk [tilespmem:v35+s12+$0x0], $0xffff;
	v45 =	vmul.f32 v63, v23;
	v19 =	vadd.f32 v41, v19  }
0x367: {  	v47 =	vor.u32 $0x14, v17;
	v46 =	vld.idx.msk [tilespmem:v36+s14+$0x0], $0xffff  }
0x368: {  	v48 =	vor.u32 $0x14, v18;
	v26 =	vld.idx.msk [tilespmem:v39+s12+$0x0], $0xffff;
	v49 =	vmul.f32 v38, v25;
	v19 =	vadd.f32 v45, v19  }
0x369: {  	v51 =	vor.u32 $0x15, v17;
	v50 =	vld.idx.msk [tilespmem:v40+s14+$0x0], $0xffff  }
0x36a: {  	v52 =	vor.u32 $0x15, v18;
	v28 =	vld.idx.msk [tilespmem:v43+s12+$0x0], $0xffff;
	v53 =	vmul.f32 v42, v27;
	v19 =	vadd.f32 v49, v19  }
0x36b: {  	v56 =	vor.u32 $0x16, v18;
	v54 =	vld.idx.msk [tilespmem:v44+s14+$0x0], $0xffff  }
0x36c: {  	v55 =	vor.u32 $0x16, v17;
	v23 =	vld.idx.msk [tilespmem:v47+s12+$0x0], $0xffff;
	v57 =	vmul.f32 v46, v29;
	v19 =	vadd.f32 v53, v19  }
0x36d: {  	v60 =	vor.u32 $0x17, v18;
	v58 =	vld.idx.msk [tilespmem:v48+s14+$0x0], $0xffff  }
0x36e: {  	v59 =	vor.u32 $0x17, v17;
	v25 =	vld.idx.msk [tilespmem:v51+s12+$0x0], $0xffff;
	v61 =	vmul.f32 v50, v26;
	v19 =	vadd.f32 v57, v19  }
0x36f: {  	v36 =	vor.u32 $0x18, v18;
	v62 =	vld.idx.msk [tilespmem:v52+s14+$0x0], $0xffff  }
0x370: {  	v63 =	vor.u32 $0x18, v17;
	v38 =	vld.idx.msk [tilespmem:v56+s14+$0x0], $0xffff;
	v37 =	vmul.f32 v54, v28;
	v19 =	vadd.f32 v61, v19  }
0x371: {  	v40 =	vor.u32 $0x19, v18;
	v27 =	vld.idx.msk [tilespmem:v55+s12+$0x0], $0xffff  }
0x372: {  	v39 =	vor.u32 $0x19, v17;
	v42 =	vld.idx.msk [tilespmem:v60+s14+$0x0], $0xffff;
	v41 =	vmul.f32 v58, v23;
	v19 =	vadd.f32 v37, v19  }
0x373: {  	v44 =	vor.u32 $0x1A, v18;
	v29 =	vld.idx.msk [tilespmem:v59+s12+$0x0], $0xffff  }
0x374: {  	v43 =	vor.u32 $0x1A, v17;
	v46 =	vld.idx.msk [tilespmem:v36+s14+$0x0], $0xffff;
	v45 =	vmul.f32 v62, v25;
	v19 =	vadd.f32 v41, v19  }
0x375: {  	v48 =	vor.u32 $0x1B, v18;
	v26 =	vld.idx.msk [tilespmem:v63+s12+$0x0], $0xffff  }
0x376: {  	v47 =	vor.u32 $0x1B, v17;
	v50 =	vld.idx.msk [tilespmem:v40+s14+$0x0], $0xffff;
	v49 =	vmul.f32 v38, v27;
	v19 =	vadd.f32 v45, v19  }
0x377: {  	v51 =	vor.u32 $0x1C, v17;
	v28 =	vld.idx.msk [tilespmem:v39+s12+$0x0], $0xffff  }
0x378: {  	v52 =	vor.u32 $0x1C, v18;
	v54 =	vld.idx.msk [tilespmem:v44+s14+$0x0], $0xffff;
	v53 =	vmul.f32 v42, v29;
	v19 =	vadd.f32 v49, v19  }
0x379: {  	v7 =	vmul.f32 v10, v7;
	v12 =	vadd.f32 v16, v12;
	v56 =	vor.u32 $0x1D, v18;
	v23 =	vld.idx.msk [tilespmem:v43+s12+$0x0], $0xffff  }
0x37a: {  	v55 =	vor.u32 $0x1D, v17;
	v10 =	vld.idx.msk [tilespmem:v48+s14+$0x0], $0xffff;
	v57 =	vmul.f32 v46, v26;
	v19 =	vadd.f32 v53, v19  }
0x37b: {  	v6 =	vmul.f32 v8, v6;
	v7 =	vadd.f32 v7, v12;
	v16 =	vor.u32 $0x1E, v17;
	v25 =	vld.idx.msk [tilespmem:v47+s12+$0x0], $0xffff  }
0x37c: {  	v59 =	vor.u32 $0x1E, v18;
	v58 =	vld.idx.msk [tilespmem:v51+s12+$0x0], $0xffff;
	v60 =	vmul.f32 v50, v28;
	v19 =	vadd.f32 v57, v19  }
0x37d: {  	v12 =	vor.u32 $0x1F, v17;
	v6 =	vadd.f32 v6, v7;
	v8 =	vld.idx.msk [tilespmem:v52+s14+$0x0], $0xffff  }
0x37e: {  	v7 =	vld.idx.msk [tilespmem:v56+s14+$0x0], $0xffff;
	v18 =	vor.u32 $0x1F, v18;
	v61 =	vmul.f32 v54, v23;
	v19 =	vadd.f32 v60, v19  }
0x37f: {  	v5 =	vmul.f32 v9, v5;
	v17 =	vld.idx.msk [tilespmem:v55+s12+$0x0], $0xffff  }
0x380: {  	v9 =	vld.idx.msk [tilespmem:v16+s12+$0x0], $0xffff;
	v10 =	vmul.f32 v10, v25;
	v16 =	vadd.f32 v61, v19  }
0x381: {  	v2 =	vmul.f32 v2, v11;
	v5 =	vadd.f32 v5, v6;
	v6 =	vld.idx.msk [tilespmem:v59+s14+$0x0], $0xffff  }
0x382: {  	v11 =	vld.idx.msk [tilespmem:v12+s12+$0x0], $0xffff;
	v8 =	vmul.f32 v8, v58;
	v10 =	vadd.f32 v10, v16  }
0x383: {  	v1 =	vmul.f32 v13, v1;
	v2 =	vadd.f32 v2, v5;
	v5 =	vld.idx.msk [tilespmem:v18+s14+$0x0], $0xffff  }
0x384: {  	v7 =	vmul.f32 v7, v17;
	v8 =	vadd.f32 v8, v10  }
0x385: {  	v1 =	vadd.f32 v1, v2;
	v2 =	vmul.f32 v14, v3  }
0x386: {  	v6 =	vmul.f32 v6, v9;
	v3 =	vadd.f32 v7, v8  }
0x387: {  	v1 =	vadd.f32 v2, v1;
	v2 =	vmul.f32 v15, v4  }
0x388: {  	v4 =	vmul.f32 v5, v11;
	v3 =	vadd.f32 v6, v3  }
0x389: {  	v1 =	vadd.f32 v2, v1  }
0x38a: {  	s0 =	sadd.s32 $0x10, s30;
	v2 =	vadd.f32 v4, v3  }
0x38b: {  	[tilespmem:s0+$0x0] =	vst v1;
	s0 =	sadd.s32 $0x10, s0  }
0x38c: {  	[tilespmem:s0+$0x0] =	vst v2  }
0x38d: {  	_ =	swait.ge [sflag:s23], $0x4000  }
0x38e: {  	[sflag:s23] =	ssyncset.done $0x0  }
0x38f: {  	[sflag:s23] =	ssyncadd.s32 $0xFFFFC000  }
0x390: {  	_ =	swait.ge [sflag:s24], $0x4000  }
0x391: {  	[sflag:s24] =	ssyncset.done $0x0  }
0x392: {  	s1 =	simm.s32 $0x180;
	[sflag:s24] =	ssyncadd.s32 $0xFFFFC000  }
0x393: {  	s9 =	simm.s32 $0x380;
	v1 =	vld [tilespmem:s1+$0x0]  }
0x394: {  	v2 =	vld [tilespmem:s9+$0x0];
	_ =	sdelay $0x1  }
0x395: {  	s1 =	simm.s32 $0x0  }
0x396: {  	v3 =	vmov s1  }
0x397: {  	v3 =	vshll.u32 v3, $0x7;
	v1 =	vshll.u32 v1, $0x5  }
0x398: {  	v3 =	vor.u32 v0, v3;
	v2 =	vshll.u32 v2, $0x5;
	v1 =	vand.u32 $0x60, v1  }
0x399: {  	v2 =	vand.u32 $0x60, v2;
	v4 =	vor.u32 v3, v1  }
0x39a: {  	v1 =	vor.u32 v3, v2  }
0x39b: {  	s9 =	simm.s32 $0x190;
	v5 =	vor.u32 $0x1, v4  }
0x39c: {  	s1 =	simm.s32 $0x390;
	v2 =	vld [tilespmem:s9+$0x0];
	v6 =	vor.u32 $0x1, v1  }
0x39d: {  	v3 =	vld [tilespmem:s1+$0x0];
	v7 =	vor.u32 $0x2, v4  }
0x39e: {  	v9 =	vor.u32 $0x2, v1;
	v8 =	vld.idx.msk [tilespmem:v4+s16+$0x0], $0xffff  }
0x39f: {  	v11 =	vor.u32 $0x3, v4;
	v10 =	vld.idx.msk [tilespmem:v1+s18+$0x0], $0xffff  }
0x3a0: {  	v12 =	vor.u32 $0x3, v1;
	v5 =	vld.idx.msk [tilespmem:v5+s16+$0x0], $0xffff  }
0x3a1: {  	v13 =	vor.u32 $0x4, v4;
	v6 =	vld.idx.msk [tilespmem:v6+s18+$0x0], $0xffff  }
0x3a2: {  	v14 =	vor.u32 $0x4, v1;
	v7 =	vld.idx.msk [tilespmem:v7+s16+$0x0], $0xffff  }
0x3a3: {  	v16 =	vor.u32 $0x6, v4;
	v15 =	vld.idx.msk [tilespmem:v9+s18+$0x0], $0xffff  }
0x3a4: {  	v54 =	vld.idx.msk [tilespmem:v11+s16+$0x0], $0xffff;
	v11 =	vor.u32 $0x5, v1  }
0x3a5: {  	v9 =	vor.u32 $0x5, v4;
	v12 =	vld.idx.msk [tilespmem:v12+s18+$0x0], $0xffff  }
0x3a6: {  	v55 =	vld.idx.msk [tilespmem:v13+s16+$0x0], $0xffff;
	v13 =	vor.u32 $0x6, v1  }
0x3a7: {  	v56 =	vld.idx.msk [tilespmem:v14+s18+$0x0], $0xffff;
	v14 =	vor.u32 $0x7, v4  }
0x3a8: {  	v59 =	vld.idx.msk [tilespmem:v16+s16+$0x0], $0xffff;
	v16 =	vor.u32 $0x8, v1  }
0x3a9: {  	v58 =	vld.idx.msk [tilespmem:v11+s18+$0x0], $0xffff;
	v11 =	vor.u32 $0x8, v4  }
0x3aa: {  	v57 =	vld.idx.msk [tilespmem:v9+s16+$0x0], $0xffff;
	v9 =	vor.u32 $0x7, v1  }
0x3ab: {  	v60 =	vld.idx.msk [tilespmem:v13+s18+$0x0], $0xffff;
	v13 =	vor.u32 $0x9, v4  }
0x3ac: {  	v52 =	vld.idx.msk [tilespmem:v14+s16+$0x0], $0xffff;
	v14 =	vor.u32 $0x9, v1  }
0x3ad: {  	v53 =	vld.idx.msk [tilespmem:v16+s18+$0x0], $0xffff;
	v16 =	vor.u32 $0xB, v4  }
0x3ae: {  	v50 =	vld.idx.msk [tilespmem:v11+s16+$0x0], $0xffff;
	v11 =	vor.u32 $0xA, v1  }
0x3af: {  	v61 =	vld.idx.msk [tilespmem:v9+s18+$0x0], $0xffff;
	v9 =	vor.u32 $0xA, v4  }
0x3b0: {  	v49 =	vld.idx.msk [tilespmem:v13+s16+$0x0], $0xffff;
	v13 =	vor.u32 $0xB, v1  }
0x3b1: {  	v51 =	vld.idx.msk [tilespmem:v14+s18+$0x0], $0xffff;
	v14 =	vor.u32 $0xC, v4  }
0x3b2: {  	v45 =	vld.idx.msk [tilespmem:v16+s16+$0x0], $0xffff;
	v16 =	vor.u32 $0xD, v1  }
0x3b3: {  	v48 =	vld.idx.msk [tilespmem:v11+s18+$0x0], $0xffff;
	v11 =	vor.u32 $0xD, v4  }
0x3b4: {  	v47 =	vld.idx.msk [tilespmem:v9+s16+$0x0], $0xffff;
	v9 =	vor.u32 $0xC, v1  }
0x3b5: {  	v46 =	vld.idx.msk [tilespmem:v13+s18+$0x0], $0xffff;
	v13 =	vor.u32 $0xE, v4  }
0x3b6: {  	v43 =	vld.idx.msk [tilespmem:v14+s16+$0x0], $0xffff;
	v14 =	vor.u32 $0xE, v1  }
0x3b7: {  	v42 =	vld.idx.msk [tilespmem:v16+s18+$0x0], $0xffff;
	v16 =	vor.u32 $0x10, v4  }
0x3b8: {  	v41 =	vld.idx.msk [tilespmem:v11+s16+$0x0], $0xffff;
	v11 =	vor.u32 $0xF, v1  }
0x3b9: {  	v44 =	vld.idx.msk [tilespmem:v9+s18+$0x0], $0xffff;
	v9 =	vor.u32 $0xF, v4  }
0x3ba: {  	v39 =	vld.idx.msk [tilespmem:v13+s16+$0x0], $0xffff;
	v13 =	vor.u32 $0x10, v1  }
0x3bb: {  	v40 =	vld.idx.msk [tilespmem:v14+s18+$0x0], $0xffff;
	v14 =	vor.u32 $0x11, v4  }
0x3bc: {  	v35 =	vld.idx.msk [tilespmem:v16+s16+$0x0], $0xffff;
	v16 =	vor.u32 $0x12, v1  }
0x3bd: {  	v38 =	vld.idx.msk [tilespmem:v11+s18+$0x0], $0xffff;
	v11 =	vor.u32 $0x12, v4  }
0x3be: {  	v37 =	vld.idx.msk [tilespmem:v9+s16+$0x0], $0xffff;
	v9 =	vor.u32 $0x11, v1  }
0x3bf: {  	v36 =	vld.idx.msk [tilespmem:v13+s18+$0x0], $0xffff;
	v13 =	vor.u32 $0x13, v4  }
0x3c0: {  	v33 =	vld.idx.msk [tilespmem:v14+s16+$0x0], $0xffff;
	v14 =	vor.u32 $0x13, v1  }
0x3c1: {  	v32 =	vld.idx.msk [tilespmem:v16+s18+$0x0], $0xffff;
	v16 =	vor.u32 $0x15, v4  }
0x3c2: {  	v31 =	vld.idx.msk [tilespmem:v11+s16+$0x0], $0xffff;
	v11 =	vor.u32 $0x14, v1  }
0x3c3: {  	v34 =	vld.idx.msk [tilespmem:v9+s18+$0x0], $0xffff;
	v9 =	vor.u32 $0x14, v4  }
0x3c4: {  	v29 =	vld.idx.msk [tilespmem:v13+s16+$0x0], $0xffff;
	v13 =	vor.u32 $0x15, v1  }
0x3c5: {  	v30 =	vld.idx.msk [tilespmem:v14+s18+$0x0], $0xffff;
	v14 =	vor.u32 $0x16, v4  }
0x3c6: {  	v25 =	vld.idx.msk [tilespmem:v16+s16+$0x0], $0xffff;
	v16 =	vor.u32 $0x17, v1  }
0x3c7: {  	v28 =	vld.idx.msk [tilespmem:v11+s18+$0x0], $0xffff;
	v11 =	vor.u32 $0x17, v4  }
0x3c8: {  	v27 =	vld.idx.msk [tilespmem:v9+s16+$0x0], $0xffff;
	v9 =	vor.u32 $0x16, v1  }
0x3c9: {  	v26 =	vld.idx.msk [tilespmem:v13+s18+$0x0], $0xffff;
	v13 =	vor.u32 $0x18, v4  }
0x3ca: {  	v23 =	vld.idx.msk [tilespmem:v14+s16+$0x0], $0xffff;
	v14 =	vor.u32 $0x18, v1  }
0x3cb: {  	v22 =	vld.idx.msk [tilespmem:v16+s18+$0x0], $0xffff;
	v16 =	vor.u32 $0x1A, v4  }
0x3cc: {  	v21 =	vld.idx.msk [tilespmem:v11+s16+$0x0], $0xffff;
	v11 =	vor.u32 $0x19, v1  }
0x3cd: {  	v62 =	vor.u32 $0x1A, v1;
	v24 =	vld.idx.msk [tilespmem:v9+s18+$0x0], $0xffff  }
0x3ce: {  	v9 =	vor.u32 $0x19, v4;
	v19 =	vld.idx.msk [tilespmem:v13+s16+$0x0], $0xffff  }
0x3cf: {  	v20 =	vld.idx.msk [tilespmem:v14+s18+$0x0], $0xffff;
	v14 =	vor.u32 $0x1B, v4  }
0x3d0: {  	v63 =	vor.u32 $0x1B, v1;
	v13 =	vld.idx.msk [tilespmem:v16+s16+$0x0], $0xffff  }
0x3d1: {  	v8 =	vmul.f32 v10, v8;
	v18 =	vld.idx.msk [tilespmem:v11+s18+$0x0], $0xffff;
	v11 =	vor.u32 $0x1C, v4  }
0x3d2: {  	v10 =	vor.u32 $0x1C, v1;
	v16 =	vld.idx.msk [tilespmem:v62+s18+$0x0], $0xffff  }
0x3d3: {  	v5 =	vmul.f32 v6, v5;
	v8 =	vadd.f32 $0.0e+00, v8;
	v62 =	vor.u32 $0x1D, v4;
	v17 =	vld.idx.msk [tilespmem:v9+s16+$0x0], $0xffff  }
0x3d4: {  	v6 =	vor.u32 $0x1D, v1;
	v9 =	vld.idx.msk [tilespmem:v14+s16+$0x0], $0xffff  }
0x3d5: {  	v5 =	vadd.f32 v5, v8;
	v8 =	vmul.f32 v15, v7;
	v15 =	vor.u32 $0x1E, v1;
	v14 =	vld.idx.msk [tilespmem:v63+s18+$0x0], $0xffff  }
0x3d6: {  	v63 =	vor.u32 $0x1E, v4;
	v7 =	vld.idx.msk [tilespmem:v11+s16+$0x0], $0xffff  }
0x3d7: {  	s9 =	simm.s32 $0x10;
	v4 =	vor.u32 $0x1F, v4;
	v11 =	vld.idx.msk [tilespmem:v10+s18+$0x0], $0xffff  }
0x3d8: {  	v2 =	vshll.u32 v2, $0x5;
	v10 =	vadd.f32 v8, v5;
	v8 =	vmov s9;
	v5 =	vld.idx.msk [tilespmem:v62+s16+$0x0], $0xffff  }
0x3d9: {  	v62 =	vor.u32 $0x1F, v1;
	v1 =	vmul.f32 v12, v54;
	v54 =	vld.idx.msk [tilespmem:v6+s18+$0x0], $0xffff;
	v8 =	vshll.u32 v8, $0x7  }
0x3da: {  	v3 =	vshll.u32 v3, $0x5;
	v2 =	vand.u32 $0x60, v2;
	v12 =	vld.idx.msk [tilespmem:v15+s18+$0x0], $0xffff;
	v6 =	vor.u32 v0, v8  }
0x3db: {  	v3 =	vand.u32 $0x60, v3;
	v8 =	vld.idx.msk [tilespmem:v63+s16+$0x0], $0xffff;
	v2 =	vor.u32 v6, v2  }
0x3dc: {  	s31 =	simm.s32 $0x1A0;
	v55 =	vmul.f32 v56, v55;
	v15 =	vadd.f32 v1, v10;
	v1 =	vor.u32 v6, v3;
	v6 =	vld.idx.msk [tilespmem:v4+s16+$0x0], $0xffff  }
0x3dd: {  	v52 =	vmul.f32 v61, v52;
	v3 =	vld [tilespmem:s31+$0x0];
	v56 =	vor.u32 $0x1, v2  }
0x3de: {  	s0 =	simm.s32 $0x3A0;
	v15 =	vadd.f32 v55, v15;
	v61 =	vor.u32 $0x4, v2;
	v10 =	vld.idx.msk [tilespmem:v62+s18+$0x0], $0xffff;
	v62 =	vmul.f32 v58, v57  }
0x3df: {  	v4 =	vld [tilespmem:s0+$0x0];
	v57 =	vor.u32 $0x1, v1  }
0x3e0: {  	v55 =	vmul.f32 v60, v59;
	v58 =	vor.u32 $0x2, v2;
	v15 =	vadd.f32 v62, v15;
	v59 =	vld.idx.msk [tilespmem:v2+s16+$0x0], $0xffff  }
0x3e1: {  	v60 =	vor.u32 $0x2, v1;
	v62 =	vld.idx.msk [tilespmem:v1+s18+$0x0], $0xffff  }
0x3e2: {  	v63 =	vor.u32 $0x3, v2;
	v15 =	vadd.f32 v55, v15;
	v55 =	vld.idx.msk [tilespmem:v56+s16+$0x0], $0xffff  }
0x3e3: {  	v47 =	vmul.f32 v48, v47;
	v56 =	vor.u32 $0x3, v1;
	v48 =	vld.idx.msk [tilespmem:v61+s16+$0x0], $0xffff  }
0x3e4: {  	v50 =	vmul.f32 v53, v50;
	v53 =	vor.u32 $0x4, v1;
	v57 =	vld.idx.msk [tilespmem:v57+s18+$0x0], $0xffff;
	v15 =	vadd.f32 v52, v15  }
0x3e5: {  	v49 =	vmul.f32 v51, v49;
	v51 =	vor.u32 $0x5, v1;
	v52 =	vld.idx.msk [tilespmem:v58+s16+$0x0], $0xffff  }
0x3e6: {  	v58 =	vld.idx.msk [tilespmem:v60+s18+$0x0], $0xffff;
	v60 =	vor.u32 $0x5, v2;
	v15 =	vadd.f32 v50, v15  }
0x3e7: {  	v50 =	vld.idx.msk [tilespmem:v63+s16+$0x0], $0xffff;
	v59 =	vmul.f32 v62, v59;
	v62 =	vor.u32 $0x6, v2  }
0x3e8: {  	v45 =	vmul.f32 v46, v45;
	v63 =	vor.u32 $0x6, v1;
	v56 =	vld.idx.msk [tilespmem:v56+s18+$0x0], $0xffff;
	v15 =	vadd.f32 v49, v15  }
0x3e9: {  	v53 =	vld.idx.msk [tilespmem:v53+s18+$0x0], $0xffff;
	v61 =	vor.u32 $0x8, v2;
	v59 =	vadd.f32 $0.0e+00, v59;
	v55 =	vmul.f32 v57, v55  }
0x3ea: {  	v43 =	vmul.f32 v44, v43;
	v51 =	vld.idx.msk [tilespmem:v51+s18+$0x0], $0xffff;
	v57 =	vor.u32 $0x7, v2;
	v15 =	vadd.f32 v47, v15  }
0x3eb: {  	v46 =	vld.idx.msk [tilespmem:v60+s16+$0x0], $0xffff;
	v60 =	vor.u32 $0x7, v1;
	v52 =	vmul.f32 v58, v52;
	v55 =	vadd.f32 v55, v59  }
0x3ec: {  	v41 =	vmul.f32 v42, v41;
	v44 =	vld.idx.msk [tilespmem:v62+s16+$0x0], $0xffff;
	v62 =	vor.u32 $0x8, v1;
	v15 =	vadd.f32 v45, v15  }
0x3ed: {  	v49 =	vld.idx.msk [tilespmem:v63+s18+$0x0], $0xffff;
	v63 =	vor.u32 $0x9, v2;
	v52 =	vadd.f32 v52, v55;
	v50 =	vmul.f32 v56, v50  }
0x3ee: {  	v39 =	vmul.f32 v40, v39;
	v58 =	vld.idx.msk [tilespmem:v61+s16+$0x0], $0xffff;
	v59 =	vor.u32 $0xA, v1;
	v15 =	vadd.f32 v43, v15  }
0x3ef: {  	v48 =	vmul.f32 v53, v48;
	v56 =	vor.u32 $0x9, v1;
	v42 =	vld.idx.msk [tilespmem:v57+s16+$0x0], $0xffff;
	v50 =	vadd.f32 v50, v52  }
0x3f0: {  	v37 =	vmul.f32 v38, v37;
	v57 =	vor.u32 $0xA, v2;
	v47 =	vld.idx.msk [tilespmem:v60+s18+$0x0], $0xffff;
	v15 =	vadd.f32 v41, v15  }
0x3f1: {  	v46 =	vmul.f32 v51, v46;
	v60 =	vor.u32 $0xB, v2;
	v48 =	vadd.f32 v48, v50;
	v45 =	vld.idx.msk [tilespmem:v62+s18+$0x0], $0xffff  }
0x3f2: {  	v35 =	vmul.f32 v36, v35;
	v52 =	vor.u32 $0xD, v2;
	v61 =	vld.idx.msk [tilespmem:v63+s16+$0x0], $0xffff;
	v15 =	vadd.f32 v39, v15  }
0x3f3: {  	v62 =	vor.u32 $0xB, v1;
	v44 =	vmul.f32 v49, v44;
	v41 =	vld.idx.msk [tilespmem:v59+s18+$0x0], $0xffff;
	v46 =	vadd.f32 v46, v48  }
0x3f4: {  	v33 =	vmul.f32 v34, v33;
	v51 =	vor.u32 $0xC, v1;
	v43 =	vld.idx.msk [tilespmem:v56+s18+$0x0], $0xffff;
	v15 =	vadd.f32 v37, v15  }
0x3f5: {  	v63 =	vor.u32 $0xC, v2;
	v49 =	vld.idx.msk [tilespmem:v57+s16+$0x0], $0xffff;
	v42 =	vmul.f32 v47, v42;
	v44 =	vadd.f32 v44, v46  }
0x3f6: {  	v31 =	vmul.f32 v32, v31;
	v55 =	vor.u32 $0xD, v1;
	v53 =	vld.idx.msk [tilespmem:v60+s16+$0x0], $0xffff;
	v15 =	vadd.f32 v35, v15  }
0x3f7: {  	v56 =	vor.u32 $0xE, v2;
	v60 =	vld.idx.msk [tilespmem:v52+s16+$0x0], $0xffff;
	v40 =	vmul.f32 v45, v58;
	v42 =	vadd.f32 v42, v44  }
0x3f8: {  	v29 =	vmul.f32 v30, v29;
	v59 =	vor.u32 $0xF, v2;
	v39 =	vld.idx.msk [tilespmem:v62+s18+$0x0], $0xffff;
	v15 =	vadd.f32 v33, v15  }
0x3f9: {  	v37 =	vld.idx.msk [tilespmem:v51+s18+$0x0], $0xffff;
	v58 =	vor.u32 $0xE, v1;
	v38 =	vmul.f32 v43, v61;
	v40 =	vadd.f32 v40, v42  }
0x3fa: {  	v27 =	vmul.f32 v28, v27;
	v52 =	vor.u32 $0x14, v2;
	v57 =	vld.idx.msk [tilespmem:v63+s16+$0x0], $0xffff;
	v15 =	vadd.f32 v31, v15  }
0x3fb: {  	v61 =	vor.u32 $0xF, v1;
	v35 =	vld.idx.msk [tilespmem:v55+s18+$0x0], $0xffff;
	v36 =	vmul.f32 v41, v49;
	v38 =	vadd.f32 v38, v40  }
0x3fc: {  	v25 =	vmul.f32 v26, v25;
	v62 =	vor.u32 $0x10, v2;
	v63 =	vld.idx.msk [tilespmem:v56+s16+$0x0], $0xffff;
	v15 =	vadd.f32 v29, v15  }
0x3fd: {  	v44 =	vld.idx.msk [tilespmem:v59+s16+$0x0], $0xffff;
	v41 =	vor.u32 $0x10, v1;
	v34 =	vmul.f32 v39, v53;
	v36 =	vadd.f32 v36, v38  }
0x3fe: {  	v13 =	vmul.f32 v16, v13;
	v43 =	vor.u32 $0x11, v2;
	v33 =	vld.idx.msk [tilespmem:v58+s18+$0x0], $0xffff;
	v15 =	vadd.f32 v27, v15  }
0x3ff: {  	v45 =	vor.u32 $0x11, v1;
	v16 =	vld.idx.msk [tilespmem:v52+s16+$0x0], $0xffff;
	v32 =	vmul.f32 v37, v57;
	v34 =	vadd.f32 v34, v36  }
0x400: {  	v23 =	vmul.f32 v24, v23;
	v46 =	vor.u32 $0x12, v2;
	v31 =	vld.idx.msk [tilespmem:v61+s18+$0x0], $0xffff;
	v15 =	vadd.f32 v25, v15  }
0x401: {  	v48 =	vor.u32 $0x12, v1;
	v47 =	vld.idx.msk [tilespmem:v62+s16+$0x0], $0xffff;
	v30 =	vmul.f32 v35, v60;
	v32 =	vadd.f32 v32, v34  }
0x402: {  	v21 =	vmul.f32 v22, v21;
	v49 =	vor.u32 $0x13, v2;
	v29 =	vld.idx.msk [tilespmem:v41+s18+$0x0], $0xffff;
	v15 =	vadd.f32 v23, v15  }
0x403: {  	v51 =	vor.u32 $0x13, v1;
	v50 =	vld.idx.msk [tilespmem:v43+s16+$0x0], $0xffff;
	v28 =	vmul.f32 v33, v63;
	v30 =	vadd.f32 v30, v32  }
0x404: {  	v19 =	vmul.f32 v20, v19;
	v56 =	vor.u32 $0x15, v2;
	v27 =	vld.idx.msk [tilespmem:v45+s18+$0x0], $0xffff;
	v15 =	vadd.f32 v21, v15  }
0x405: {  	v55 =	vor.u32 $0x14, v1;
	v53 =	vld.idx.msk [tilespmem:v46+s16+$0x0], $0xffff;
	v26 =	vmul.f32 v31, v44;
	v28 =	vadd.f32 v28, v30  }
0x406: {  	v17 =	vmul.f32 v18, v17;
	v57 =	vor.u32 $0x16, v2;
	v25 =	vld.idx.msk [tilespmem:v48+s18+$0x0], $0xffff;
	v15 =	vadd.f32 v19, v15  }
0x407: {  	v18 =	vld.idx.msk [tilespmem:v49+s16+$0x0], $0xffff;
	v24 =	vmul.f32 v29, v47;
	v19 =	vor.u32 $0x15, v1;
	v26 =	vadd.f32 v26, v28  }
0x408: {  	v9 =	vmul.f32 v14, v9;
	v59 =	vor.u32 $0x18, v2;
	v23 =	vld.idx.msk [tilespmem:v51+s18+$0x0], $0xffff;
	v15 =	vadd.f32 v17, v15  }
0x409: {  	v14 =	vld.idx.msk [tilespmem:v56+s16+$0x0], $0xffff;
	v22 =	vmul.f32 v27, v50;
	v17 =	vor.u32 $0x16, v1;
	v24 =	vadd.f32 v24, v26  }
0x40a: {  	v7 =	vmul.f32 v11, v7;
	v58 =	vor.u32 $0x17, v2;
	v21 =	vld.idx.msk [tilespmem:v55+s18+$0x0], $0xffff;
	v13 =	vadd.f32 v13, v15  }
0x40b: {  	v11 =	vld.idx.msk [tilespmem:v57+s16+$0x0], $0xffff;
	v20 =	vmul.f32 v25, v53;
	v15 =	vor.u32 $0x17, v1;
	v22 =	vadd.f32 v22, v24  }
0x40c: {  	v19 =	vld.idx.msk [tilespmem:v19+s18+$0x0], $0xffff;
	v9 =	vadd.f32 v9, v13;
	v13 =	vor.u32 $0x18, v1  }
0x40d: {  	v61 =	vor.u32 $0x19, v1;
	v63 =	vld.idx.msk [tilespmem:v59+s16+$0x0], $0xffff;
	v18 =	vmul.f32 v23, v18;
	v20 =	vadd.f32 v20, v22  }
0x40e: {  	v5 =	vmul.f32 v54, v5;
	v60 =	vor.u32 $0x19, v2;
	v17 =	vld.idx.msk [tilespmem:v17+s18+$0x0], $0xffff;
	v7 =	vadd.f32 v7, v9  }
0x40f: {  	v62 =	vor.u32 $0x1A, v2;
	v16 =	vmul.f32 v21, v16;
	v9 =	vld.idx.msk [tilespmem:v58+s16+$0x0], $0xffff;
	v18 =	vadd.f32 v18, v20  }
0x410: {  	v15 =	vld.idx.msk [tilespmem:v15+s18+$0x0], $0xffff;
	v5 =	vadd.f32 v5, v7;
	v7 =	vmul.f32 v12, v8;
	v8 =	vor.u32 $0x1A, v1  }
0x411: {  	v12 =	vadd.f32 v16, v18;
	v14 =	vmul.f32 v19, v14;
	v16 =	vld.idx.msk [tilespmem:v13+s18+$0x0], $0xffff;
	v13 =	vor.u32 $0x1B, v2  }
0x412: {  	v6 =	vmul.f32 v10, v6;
	v10 =	vld.idx.msk [tilespmem:v61+s18+$0x0], $0xffff;
	v18 =	vor.u32 $0x1B, v1;
	v5 =	vadd.f32 v7, v5  }
0x413: {  	v7 =	vld.idx.msk [tilespmem:v60+s16+$0x0], $0xffff;
	v12 =	vadd.f32 v14, v12;
	v14 =	vmul.f32 v17, v11;
	v11 =	vor.u32 $0x1C, v2  }
0x414: {  	v17 =	vor.u32 $0x1C, v1;
	v19 =	vadd.f32 v6, v5;
	v6 =	vld.idx.msk [tilespmem:v62+s16+$0x0], $0xffff  }
0x415: {  	v12 =	vadd.f32 v14, v12;
	v9 =	vmul.f32 v15, v9;
	v14 =	vor.u32 $0x1D, v2;
	v8 =	vld.idx.msk [tilespmem:v8+s18+$0x0], $0xffff  }
0x416: {  	s30 =	simm.s32 $0x10980;
	v5 =	vld.idx.msk [tilespmem:v13+s16+$0x0], $0xffff;
	v13 =	vor.u32 $0x1D, v1  }
0x417: {  	s1 =	simm.s32 $0x20;
	s9 =	simm.s32 $0x30;
	v15 =	vor.u32 $0x1E, v2;
	[tilespmem:s30+$0x0] =	vst v19;
	v12 =	vadd.f32 v9, v12;
	v16 =	vmul.f32 v16, v63;
	v9 =	vld.idx.msk [tilespmem:v18+s18+$0x0], $0xffff  }
.LBB2_10:
0x418: {  	p0 =	sne.s32 s9, $0x70;
	v18 =	vmov s1;
	v11 =	vld.idx.msk [tilespmem:v11+s16+$0x0], $0xffff;
	v19 =	vor.u32 $0x1E, v1;
	s1 =	smov.u32 s9  }
0x419: {  	v7 =	vmul.f32 v10, v7;
	v12 =	vadd.f32 v16, v12;
	v10 =	vld.idx.msk [tilespmem:v17+s18+$0x0], $0xffff;
	v16 =	vor.u32 $0x1F, v2  }
0x41a: {  	v3 =	vshll.u32 v3, $0x5;
	v2 =	vshll.u32 v18, $0x7;
	v17 =	vor.u32 $0x1F, v1;
	v14 =	vld.idx.msk [tilespmem:v14+s16+$0x0], $0xffff  }
0x41b: {  	v1 =	vshll.u32 v4, $0x5;
	v6 =	vmul.f32 v8, v6;
	v4 =	vadd.f32 v7, v12;
	v7 =	vld.idx.msk [tilespmem:v13+s18+$0x0], $0xffff  }
0x41c: {  	v3 =	vand.u32 $0x60, v3;
	v1 =	vand.u32 $0x60, v1;
	v8 =	vor.u32 v0, v2;
	v12 =	vld.idx.msk [tilespmem:v15+s16+$0x0], $0xffff  }
0x41d: {  	v2 =	vor.u32 v8, v3;
	v3 =	vadd.f32 v6, v4;
	v4 =	vmul.f32 v9, v5;
	v5 =	vld.idx.msk [tilespmem:v19+s18+$0x0], $0xffff  }
0x41e: {  	v1 =	vor.u32 v8, v1;
	v6 =	vld.idx.msk [tilespmem:v16+s16+$0x0], $0xffff  }
0x41f: {  	s31 =	sadd.s32 $0x10, s31;
	v8 =	vor.u32 $0x1, v2;
	v10 =	vmul.f32 v10, v11;
	v9 =	vadd.f32 v4, v3;
	v11 =	vld.idx.msk [tilespmem:v17+s18+$0x0], $0xffff  }
0x420: {  	s0 =	sadd.s32 $0x10, s0;
	v13 =	vor.u32 $0x1, v1;
	v3 =	vld [tilespmem:s31+$0x0]  }
0x421: {  	v15 =	vor.u32 $0x2, v2;
	v7 =	vmul.f32 v7, v14;
	v4 =	vld [tilespmem:s0+$0x0];
	v9 =	vadd.f32 v10, v9  }
0x422: {  	v14 =	vor.u32 $0x2, v1;
	v10 =	vld.idx.msk [tilespmem:v2+s16+$0x0], $0xffff  }
0x423: {  	v17 =	vor.u32 $0x3, v2;
	v5 =	vmul.f32 v5, v12;
	v16 =	vld.idx.msk [tilespmem:v1+s18+$0x0], $0xffff;
	v7 =	vadd.f32 v7, v9  }
0x424: {  	v9 =	vor.u32 $0x3, v1;
	v8 =	vld.idx.msk [tilespmem:v8+s16+$0x0], $0xffff  }
0x425: {  	v6 =	vmul.f32 v11, v6;
	v12 =	vld.idx.msk [tilespmem:v13+s18+$0x0], $0xffff;
	v13 =	vor.u32 $0x4, v2;
	v5 =	vadd.f32 v5, v7  }
0x426: {  	v11 =	vor.u32 $0x4, v1;
	v7 =	vld.idx.msk [tilespmem:v15+s16+$0x0], $0xffff  }
0x427: {  	v15 =	vor.u32 $0x5, v2;
	v14 =	vld.idx.msk [tilespmem:v14+s18+$0x0], $0xffff;
	v5 =	vadd.f32 v6, v5  }
0x428: {  	s30 =	sadd.s32 $0x10, s30;
	v6 =	vld.idx.msk [tilespmem:v17+s16+$0x0], $0xffff;
	v17 =	vor.u32 $0x5, v1  }
0x429: {  	v10 =	vmul.f32 v16, v10;
	v16 =	vor.u32 $0x6, v2;
	v9 =	vld.idx.msk [tilespmem:v9+s18+$0x0], $0xffff;
	[tilespmem:s30+$0x0] =	vst v5  }
0x42a: {  	v5 =	vld.idx.msk [tilespmem:v13+s16+$0x0], $0xffff;
	v13 =	vor.u32 $0x6, v1  }
0x42b: {  	v10 =	vadd.f32 $0.0e+00, v10;
	v8 =	vmul.f32 v12, v8;
	v12 =	vor.u32 $0x7, v2;
	v11 =	vld.idx.msk [tilespmem:v11+s18+$0x0], $0xffff  }
0x42c: {  	v18 =	vor.u32 $0x7, v1;
	v15 =	vld.idx.msk [tilespmem:v15+s16+$0x0], $0xffff  }
0x42d: {  	v8 =	vadd.f32 v8, v10;
	v7 =	vmul.f32 v14, v7;
	v14 =	vor.u32 $0x8, v2;
	v10 =	vld.idx.msk [tilespmem:v17+s18+$0x0], $0xffff  }
0x42e: {  	v17 =	vor.u32 $0x8, v1;
	v16 =	vld.idx.msk [tilespmem:v16+s16+$0x0], $0xffff  }
0x42f: {  	v7 =	vadd.f32 v7, v8;
	v6 =	vmul.f32 v9, v6;
	v9 =	vor.u32 $0x9, v2;
	v8 =	vld.idx.msk [tilespmem:v13+s18+$0x0], $0xffff  }
0x430: {  	v13 =	vor.u32 $0x9, v1;
	v12 =	vld.idx.msk [tilespmem:v12+s16+$0x0], $0xffff  }
0x431: {  	v6 =	vadd.f32 v6, v7;
	v5 =	vmul.f32 v11, v5;
	v11 =	vor.u32 $0xA, v2;
	v7 =	vld.idx.msk [tilespmem:v18+s18+$0x0], $0xffff  }
0x432: {  	v18 =	vor.u32 $0xA, v1;
	v14 =	vld.idx.msk [tilespmem:v14+s16+$0x0], $0xffff  }
0x433: {  	v5 =	vadd.f32 v5, v6;
	v6 =	vmul.f32 v10, v15;
	v15 =	vor.u32 $0xB, v2;
	v10 =	vld.idx.msk [tilespmem:v17+s18+$0x0], $0xffff  }
0x434: {  	v17 =	vor.u32 $0xB, v1;
	v9 =	vld.idx.msk [tilespmem:v9+s16+$0x0], $0xffff  }
0x435: {  	v5 =	vadd.f32 v6, v5;
	v6 =	vmul.f32 v8, v16;
	v8 =	vld.idx.msk [tilespmem:v13+s18+$0x0], $0xffff;
	v13 =	vor.u32 $0xC, v2  }
0x436: {  	v16 =	vor.u32 $0xC, v1;
	v11 =	vld.idx.msk [tilespmem:v11+s16+$0x0], $0xffff  }
0x437: {  	v5 =	vadd.f32 v6, v5;
	v6 =	vmul.f32 v7, v12;
	v12 =	vor.u32 $0xD, v2;
	v7 =	vld.idx.msk [tilespmem:v18+s18+$0x0], $0xffff  }
0x438: {  	v18 =	vor.u32 $0xD, v1;
	v15 =	vld.idx.msk [tilespmem:v15+s16+$0x0], $0xffff  }
0x439: {  	v5 =	vadd.f32 v6, v5;
	v6 =	vmul.f32 v10, v14;
	v14 =	vor.u32 $0xE, v2;
	v10 =	vld.idx.msk [tilespmem:v17+s18+$0x0], $0xffff  }
0x43a: {  	v17 =	vor.u32 $0xE, v1;
	v13 =	vld.idx.msk [tilespmem:v13+s16+$0x0], $0xffff  }
0x43b: {  	v5 =	vadd.f32 v6, v5;
	v6 =	vmul.f32 v8, v9;
	v9 =	vor.u32 $0xF, v2;
	v8 =	vld.idx.msk [tilespmem:v16+s18+$0x0], $0xffff  }
0x43c: {  	v16 =	vor.u32 $0xF, v1;
	v12 =	vld.idx.msk [tilespmem:v12+s16+$0x0], $0xffff  }
0x43d: {  	v5 =	vadd.f32 v6, v5;
	v6 =	vmul.f32 v7, v11;
	v11 =	vor.u32 $0x10, v2;
	v7 =	vld.idx.msk [tilespmem:v18+s18+$0x0], $0xffff  }
0x43e: {  	v18 =	vor.u32 $0x10, v1;
	v14 =	vld.idx.msk [tilespmem:v14+s16+$0x0], $0xffff  }
0x43f: {  	v5 =	vadd.f32 v6, v5;
	v6 =	vmul.f32 v10, v15;
	v15 =	vor.u32 $0x11, v2;
	v10 =	vld.idx.msk [tilespmem:v17+s18+$0x0], $0xffff  }
0x440: {  	v17 =	vor.u32 $0x11, v1;
	v9 =	vld.idx.msk [tilespmem:v9+s16+$0x0], $0xffff  }
0x441: {  	v5 =	vadd.f32 v6, v5;
	v6 =	vmul.f32 v8, v13;
	v13 =	vor.u32 $0x12, v2;
	v8 =	vld.idx.msk [tilespmem:v16+s18+$0x0], $0xffff  }
0x442: {  	v16 =	vor.u32 $0x12, v1;
	v11 =	vld.idx.msk [tilespmem:v11+s16+$0x0], $0xffff  }
0x443: {  	v5 =	vadd.f32 v6, v5;
	v6 =	vmul.f32 v7, v12;
	v12 =	vor.u32 $0x13, v2;
	v7 =	vld.idx.msk [tilespmem:v18+s18+$0x0], $0xffff  }
0x444: {  	v18 =	vor.u32 $0x13, v1;
	v15 =	vld.idx.msk [tilespmem:v15+s16+$0x0], $0xffff  }
0x445: {  	v5 =	vadd.f32 v6, v5;
	v6 =	vmul.f32 v10, v14;
	v14 =	vor.u32 $0x14, v2;
	v10 =	vld.idx.msk [tilespmem:v17+s18+$0x0], $0xffff  }
0x446: {  	v17 =	vor.u32 $0x14, v1;
	v13 =	vld.idx.msk [tilespmem:v13+s16+$0x0], $0xffff  }
0x447: {  	v5 =	vadd.f32 v6, v5;
	v6 =	vmul.f32 v8, v9;
	v9 =	vor.u32 $0x15, v2;
	v8 =	vld.idx.msk [tilespmem:v16+s18+$0x0], $0xffff  }
0x448: {  	v16 =	vor.u32 $0x15, v1;
	v12 =	vld.idx.msk [tilespmem:v12+s16+$0x0], $0xffff  }
0x449: {  	v5 =	vadd.f32 v6, v5;
	v6 =	vmul.f32 v7, v11;
	v11 =	vor.u32 $0x16, v2;
	v7 =	vld.idx.msk [tilespmem:v18+s18+$0x0], $0xffff  }
0x44a: {  	v18 =	vor.u32 $0x16, v1;
	v14 =	vld.idx.msk [tilespmem:v14+s16+$0x0], $0xffff  }
0x44b: {  	v5 =	vadd.f32 v6, v5;
	v6 =	vmul.f32 v10, v15;
	v15 =	vor.u32 $0x17, v2;
	v10 =	vld.idx.msk [tilespmem:v17+s18+$0x0], $0xffff  }
0x44c: {  	v17 =	vor.u32 $0x17, v1;
	v9 =	vld.idx.msk [tilespmem:v9+s16+$0x0], $0xffff  }
0x44d: {  	v5 =	vadd.f32 v6, v5;
	v6 =	vmul.f32 v8, v13;
	v13 =	vor.u32 $0x18, v2;
	v8 =	vld.idx.msk [tilespmem:v16+s18+$0x0], $0xffff  }
0x44e: {  	v16 =	vor.u32 $0x18, v1;
	v11 =	vld.idx.msk [tilespmem:v11+s16+$0x0], $0xffff  }
0x44f: {  	v5 =	vadd.f32 v6, v5;
	v6 =	vmul.f32 v7, v12;
	v7 =	vor.u32 $0x19, v2;
	v12 =	vld.idx.msk [tilespmem:v18+s18+$0x0], $0xffff  }
0x450: {  	v18 =	vor.u32 $0x19, v1;
	v15 =	vld.idx.msk [tilespmem:v15+s16+$0x0], $0xffff  }
0x451: {  	v5 =	vadd.f32 v6, v5;
	v6 =	vmul.f32 v10, v14;
	v14 =	vld.idx.msk [tilespmem:v17+s18+$0x0], $0xffff;
	v17 =	vor.u32 $0x1A, v2  }
0x452: {  	v19 =	vld.idx.msk [tilespmem:v13+s16+$0x0], $0xffff;
	v13 =	vor.u32 $0x1A, v1  }
0x453: {  	v5 =	vadd.f32 v6, v5;
	v6 =	vmul.f32 v8, v9;
	v9 =	vld.idx.msk [tilespmem:v16+s18+$0x0], $0xffff;
	v16 =	vor.u32 $0x1B, v2  }
0x454: {  	v20 =	vor.u32 $0x1B, v1;
	v7 =	vld.idx.msk [tilespmem:v7+s16+$0x0], $0xffff  }
.Ltmp4:
0x455: {  	v5 =	vadd.f32 v6, v5;
	v8 =	vmul.f32 v12, v11;
	v11 =	vor.u32 $0x1C, v2;
	v10 =	vld.idx.msk [tilespmem:v18+s18+$0x0], $0xffff;
	(pc) =	sbr.rel @p0 .LBB2_10-.Ltmp4, $4  }
0x456: {  	v6 =	vld.idx.msk [tilespmem:v17+s16+$0x0], $0xffff;
	v17 =	vor.u32 $0x1C, v1  }
0x457: {  	v12 =	vadd.f32 v8, v5;
	v15 =	vmul.f32 v14, v15;
	v14 =	vor.u32 $0x1D, v2;
	v8 =	vld.idx.msk [tilespmem:v13+s18+$0x0], $0xffff  }
0x458: {  	v13 =	vor.u32 $0x1D, v1;
	v5 =	vld.idx.msk [tilespmem:v16+s16+$0x0], $0xffff  }
0x459: {  	s9 =	sadd.s32 $0x10, s9;
	v12 =	vadd.f32 v15, v12;
	v16 =	vmul.f32 v9, v19;
	v15 =	vor.u32 $0x1E, v2;
	v9 =	vld.idx.msk [tilespmem:v20+s18+$0x0], $0xffff  }
0x45a: {  	_ =	sdelay $0x3  }
0x45b: {  	v18 =	vmov s1;
	v11 =	vld.idx.msk [tilespmem:v11+s16+$0x0], $0xffff;
	v19 =	vor.u32 $0x1E, v1;
	v20 =	vor.u32 $0x1F, v2  }
0x45c: {  	v2 =	vld.idx.msk [tilespmem:v17+s18+$0x0], $0xffff;
	v3 =	vshll.u32 v3, $0x5;
	v21 =	vor.u32 $0x1F, v1;
	v54 =	vshll.u32 v18, $0x7  }
0x45d: {  	v1 =	vld.idx.msk [tilespmem:v14+s16+$0x0], $0xffff;
	v4 =	vshll.u32 v4, $0x5;
	v3 =	vand.u32 $0x60, v3;
	v55 =	vor.u32 v0, v54  }
0x45e: {  	v13 =	vld.idx.msk [tilespmem:v13+s18+$0x0], $0xffff;
	v4 =	vand.u32 $0x60, v4;
	v18 =	vor.u32 v55, v3  }
0x45f: {  	v3 =	vld.idx.msk [tilespmem:v15+s16+$0x0], $0xffff;
	v17 =	vor.u32 v55, v4  }
0x460: {  	v56 =	vor.u32 $0x1, v18;
	v14 =	vld.idx.msk [tilespmem:v19+s18+$0x0], $0xffff  }
0x461: {  	v57 =	vor.u32 $0x1, v17;
	v4 =	vld.idx.msk [tilespmem:v20+s16+$0x0], $0xffff  }
0x462: {  	v58 =	vor.u32 $0x2, v18;
	v15 =	vld.idx.msk [tilespmem:v21+s18+$0x0], $0xffff  }
0x463: {  	v23 =	vor.u32 $0x2, v17;
	v22 =	vld.idx.msk [tilespmem:v18+s16+$0x0], $0xffff  }
0x464: {  	v25 =	vor.u32 $0x3, v18;
	v24 =	vld.idx.msk [tilespmem:v17+s18+$0x0], $0xffff  }
0x465: {  	v26 =	vor.u32 $0x3, v17;
	v19 =	vld.idx.msk [tilespmem:v56+s16+$0x0], $0xffff  }
0x466: {  	v27 =	vor.u32 $0x4, v18;
	v20 =	vld.idx.msk [tilespmem:v57+s18+$0x0], $0xffff  }
0x467: {  	v28 =	vor.u32 $0x4, v17;
	v21 =	vld.idx.msk [tilespmem:v58+s16+$0x0], $0xffff  }
0x468: {  	v29 =	vor.u32 $0x5, v18;
	v23 =	vld.idx.msk [tilespmem:v23+s18+$0x0], $0xffff  }
0x469: {  	v30 =	vor.u32 $0x5, v17;
	v25 =	vld.idx.msk [tilespmem:v25+s16+$0x0], $0xffff;
	v22 =	vmul.f32 v24, v22  }
0x46a: {  	v60 =	vor.u32 $0x6, v18;
	v59 =	vld.idx.msk [tilespmem:v26+s18+$0x0], $0xffff  }
0x46b: {  	v31 =	vor.u32 $0x6, v17;
	v27 =	vld.idx.msk [tilespmem:v27+s16+$0x0], $0xffff;
	v19 =	vmul.f32 v20, v19;
	v22 =	vadd.f32 $0.0e+00, v22  }
0x46c: {  	v62 =	vor.u32 $0x7, v18;
	v61 =	vld.idx.msk [tilespmem:v28+s18+$0x0], $0xffff  }
0x46d: {  	v63 =	vor.u32 $0x7, v17;
	v29 =	vld.idx.msk [tilespmem:v29+s16+$0x0], $0xffff;
	v21 =	vmul.f32 v23, v21;
	v19 =	vadd.f32 v19, v22  }
0x46e: {  	v34 =	vor.u32 $0x8, v18;
	v33 =	vld.idx.msk [tilespmem:v30+s18+$0x0], $0xffff  }
0x46f: {  	v35 =	vor.u32 $0x8, v17;
	v26 =	vld.idx.msk [tilespmem:v60+s16+$0x0], $0xffff;
	v24 =	vmul.f32 v59, v25;
	v19 =	vadd.f32 v21, v19  }
0x470: {  	v37 =	vor.u32 $0x9, v18;
	v36 =	vld.idx.msk [tilespmem:v31+s18+$0x0], $0xffff  }
0x471: {  	v38 =	vor.u32 $0x9, v17;
	v28 =	vld.idx.msk [tilespmem:v62+s16+$0x0], $0xffff;
	v20 =	vmul.f32 v61, v27;
	v19 =	vadd.f32 v24, v19  }
0x472: {  	v39 =	vor.u32 $0xA, v18;
	v22 =	vld.idx.msk [tilespmem:v63+s18+$0x0], $0xffff  }
0x473: {  	v40 =	vor.u32 $0xA, v17;
	v30 =	vld.idx.msk [tilespmem:v34+s16+$0x0], $0xffff;
	v23 =	vmul.f32 v33, v29;
	v19 =	vadd.f32 v20, v19  }
0x474: {  	v41 =	vor.u32 $0xB, v18;
	v21 =	vld.idx.msk [tilespmem:v35+s18+$0x0], $0xffff  }
0x475: {  	v42 =	vor.u32 $0xB, v17;
	v31 =	vld.idx.msk [tilespmem:v37+s16+$0x0], $0xffff;
	v25 =	vmul.f32 v36, v26;
	v19 =	vadd.f32 v23, v19  }
0x476: {  	v43 =	vor.u32 $0xC, v18;
	v24 =	vld.idx.msk [tilespmem:v38+s18+$0x0], $0xffff  }
0x477: {  	v44 =	vor.u32 $0xC, v17;
	v27 =	vld.idx.msk [tilespmem:v39+s16+$0x0], $0xffff;
	v22 =	vmul.f32 v22, v28;
	v19 =	vadd.f32 v25, v19  }
0x478: {  	v45 =	vor.u32 $0xD, v18;
	v20 =	vld.idx.msk [tilespmem:v40+s18+$0x0], $0xffff  }
0x479: {  	v46 =	vor.u32 $0xD, v17;
	v29 =	vld.idx.msk [tilespmem:v41+s16+$0x0], $0xffff;
	v21 =	vmul.f32 v21, v30;
	v19 =	vadd.f32 v22, v19  }
0x47a: {  	v47 =	vor.u32 $0xE, v18;
	v23 =	vld.idx.msk [tilespmem:v42+s18+$0x0], $0xffff  }
0x47b: {  	v48 =	vor.u32 $0xE, v17;
	v26 =	vld.idx.msk [tilespmem:v43+s16+$0x0], $0xffff;
	v24 =	vmul.f32 v24, v31;
	v19 =	vadd.f32 v21, v19  }
0x47c: {  	v49 =	vor.u32 $0xF, v18;
	v25 =	vld.idx.msk [tilespmem:v44+s18+$0x0], $0xffff  }
0x47d: {  	v50 =	vor.u32 $0xF, v17;
	v28 =	vld.idx.msk [tilespmem:v45+s16+$0x0], $0xffff;
	v20 =	vmul.f32 v20, v27;
	v19 =	vadd.f32 v24, v19  }
0x47e: {  	v51 =	vor.u32 $0x10, v18;
	v22 =	vld.idx.msk [tilespmem:v46+s18+$0x0], $0xffff  }
0x47f: {  	v52 =	vor.u32 $0x10, v17;
	v30 =	vld.idx.msk [tilespmem:v47+s16+$0x0], $0xffff;
	v23 =	vmul.f32 v23, v29;
	v19 =	vadd.f32 v20, v19  }
0x480: {  	v53 =	vor.u32 $0x11, v18;
	v21 =	vld.idx.msk [tilespmem:v48+s18+$0x0], $0xffff  }
0x481: {  	v54 =	vor.u32 $0x11, v17;
	v31 =	vld.idx.msk [tilespmem:v49+s16+$0x0], $0xffff;
	v25 =	vmul.f32 v25, v26;
	v19 =	vadd.f32 v23, v19  }
0x482: {  	v55 =	vor.u32 $0x12, v18;
	v24 =	vld.idx.msk [tilespmem:v50+s18+$0x0], $0xffff  }
0x483: {  	v56 =	vor.u32 $0x12, v17;
	v27 =	vld.idx.msk [tilespmem:v51+s16+$0x0], $0xffff;
	v22 =	vmul.f32 v22, v28;
	v19 =	vadd.f32 v25, v19  }
0x484: {  	v57 =	vor.u32 $0x13, v18;
	v20 =	vld.idx.msk [tilespmem:v52+s18+$0x0], $0xffff  }
0x485: {  	v58 =	vor.u32 $0x13, v17;
	v29 =	vld.idx.msk [tilespmem:v53+s16+$0x0], $0xffff;
	v21 =	vmul.f32 v21, v30;
	v19 =	vadd.f32 v22, v19  }
0x486: {  	v59 =	vor.u32 $0x14, v18;
	v23 =	vld.idx.msk [tilespmem:v54+s18+$0x0], $0xffff  }
0x487: {  	v60 =	vor.u32 $0x14, v17;
	v26 =	vld.idx.msk [tilespmem:v55+s16+$0x0], $0xffff;
	v24 =	vmul.f32 v24, v31;
	v19 =	vadd.f32 v21, v19  }
0x488: {  	v61 =	vor.u32 $0x15, v18;
	v25 =	vld.idx.msk [tilespmem:v56+s18+$0x0], $0xffff  }
0x489: {  	v62 =	vor.u32 $0x15, v17;
	v28 =	vld.idx.msk [tilespmem:v57+s16+$0x0], $0xffff;
	v20 =	vmul.f32 v20, v27;
	v19 =	vadd.f32 v24, v19  }
0x48a: {  	v63 =	vor.u32 $0x16, v18;
	v22 =	vld.idx.msk [tilespmem:v58+s18+$0x0], $0xffff  }
0x48b: {  	v33 =	vor.u32 $0x16, v17;
	v30 =	vld.idx.msk [tilespmem:v59+s16+$0x0], $0xffff;
	v23 =	vmul.f32 v23, v29;
	v19 =	vadd.f32 v20, v19  }
0x48c: {  	v34 =	vor.u32 $0x17, v18;
	v21 =	vld.idx.msk [tilespmem:v60+s18+$0x0], $0xffff  }
0x48d: {  	v35 =	vor.u32 $0x17, v17;
	v31 =	vld.idx.msk [tilespmem:v61+s16+$0x0], $0xffff;
	v25 =	vmul.f32 v25, v26;
	v19 =	vadd.f32 v23, v19  }
0x48e: {  	v36 =	vor.u32 $0x18, v18;
	v24 =	vld.idx.msk [tilespmem:v62+s18+$0x0], $0xffff  }
0x48f: {  	v37 =	vor.u32 $0x18, v17;
	v27 =	vld.idx.msk [tilespmem:v63+s16+$0x0], $0xffff;
	v22 =	vmul.f32 v22, v28;
	v19 =	vadd.f32 v25, v19  }
0x490: {  	v38 =	vor.u32 $0x19, v18;
	v20 =	vld.idx.msk [tilespmem:v33+s18+$0x0], $0xffff  }
0x491: {  	v39 =	vor.u32 $0x19, v17;
	v29 =	vld.idx.msk [tilespmem:v34+s16+$0x0], $0xffff;
	v21 =	vmul.f32 v21, v30;
	v19 =	vadd.f32 v22, v19  }
0x492: {  	v40 =	vor.u32 $0x1A, v18;
	v23 =	vld.idx.msk [tilespmem:v35+s18+$0x0], $0xffff  }
0x493: {  	v41 =	vor.u32 $0x1A, v17;
	v26 =	vld.idx.msk [tilespmem:v36+s16+$0x0], $0xffff;
	v24 =	vmul.f32 v24, v31;
	v19 =	vadd.f32 v21, v19  }
0x494: {  	v43 =	vor.u32 $0x1B, v17;
	v25 =	vld.idx.msk [tilespmem:v37+s18+$0x0], $0xffff  }
0x495: {  	v42 =	vor.u32 $0x1B, v18;
	v28 =	vld.idx.msk [tilespmem:v38+s16+$0x0], $0xffff;
	v20 =	vmul.f32 v20, v27;
	v19 =	vadd.f32 v24, v19  }
0x496: {  	v45 =	vor.u32 $0x1C, v17;
	v22 =	vld.idx.msk [tilespmem:v39+s18+$0x0], $0xffff  }
0x497: {  	v44 =	vor.u32 $0x1C, v18;
	v30 =	vld.idx.msk [tilespmem:v40+s16+$0x0], $0xffff;
	v23 =	vmul.f32 v23, v29;
	v19 =	vadd.f32 v20, v19  }
0x498: {  	v46 =	vor.u32 $0x1D, v18;
	v21 =	vld.idx.msk [tilespmem:v41+s18+$0x0], $0xffff  }
0x499: {  	v49 =	vld.idx.msk [tilespmem:v43+s18+$0x0], $0xffff;
	v48 =	vor.u32 $0x1D, v17;
	v25 =	vmul.f32 v25, v26;
	v19 =	vadd.f32 v23, v19  }
0x49a: {  	v7 =	vmul.f32 v10, v7;
	v12 =	vadd.f32 v16, v12;
	v47 =	vld.idx.msk [tilespmem:v42+s16+$0x0], $0xffff;
	v50 =	vor.u32 $0x1E, v18  }
0x49b: {  	v53 =	vld.idx.msk [tilespmem:v45+s18+$0x0], $0xffff;
	v52 =	vor.u32 $0x1E, v17;
	v22 =	vmul.f32 v22, v28;
	v19 =	vadd.f32 v25, v19  }
0x49c: {  	v6 =	vmul.f32 v8, v6;
	v7 =	vadd.f32 v7, v12;
	v51 =	vld.idx.msk [tilespmem:v44+s16+$0x0], $0xffff;
	v54 =	vor.u32 $0x1F, v18  }
0x49d: {  	v57 =	vld.idx.msk [tilespmem:v46+s16+$0x0], $0xffff;
	v17 =	vor.u32 $0x1F, v17;
	v56 =	vmul.f32 v21, v30;
	v55 =	vadd.f32 v22, v19  }
0x49e: {  	v5 =	vmul.f32 v9, v5;
	v6 =	vadd.f32 v6, v7;
	v58 =	vld.idx.msk [tilespmem:v48+s18+$0x0], $0xffff  }
0x49f: {  	v10 =	vmul.f32 v49, v47;
	v16 =	vld.idx.msk [tilespmem:v50+s16+$0x0], $0xffff;
	v59 =	vadd.f32 v56, v55  }
0x4a0: {  	v2 =	vmul.f32 v2, v11;
	v5 =	vadd.f32 v5, v6;
	v60 =	vld.idx.msk [tilespmem:v52+s18+$0x0], $0xffff  }
0x4a1: {  	v8 =	vmul.f32 v53, v51;
	v61 =	vld.idx.msk [tilespmem:v54+s16+$0x0], $0xffff;
	v9 =	vadd.f32 v10, v59  }
0x4a2: {  	v1 =	vmul.f32 v13, v1;
	v2 =	vadd.f32 v2, v5;
	v62 =	vld.idx.msk [tilespmem:v17+s18+$0x0], $0xffff  }
0x4a3: {  	v7 =	vmul.f32 v58, v57;
	v8 =	vadd.f32 v8, v9  }
0x4a4: {  	v1 =	vadd.f32 v1, v2;
	v2 =	vmul.f32 v14, v3  }
0x4a5: {  	v6 =	vmul.f32 v60, v16;
	v3 =	vadd.f32 v7, v8  }
0x4a6: {  	v1 =	vadd.f32 v2, v1;
	v2 =	vmul.f32 v15, v4  }
0x4a7: {  	v63 =	vmul.f32 v62, v61;
	v3 =	vadd.f32 v6, v3  }
0x4a8: {  	v1 =	vadd.f32 v2, v1  }
0x4a9: {  	s0 =	sadd.s32 $0x10, s30;
	s29 =	sadd.s32 $0x1, s29;
	v2 =	vadd.f32 v63, v3  }
0x4aa: {  	p0 =	sne.s32 s29, s7;
	[tilespmem:s0+$0x0] =	vst v1;
	s0 =	sadd.s32 $0x10, s0  }
.Ltmp5:
0x4ab: {  	[tilespmem:s0+$0x0] =	vst v2;
	(pc) =	sbr.rel @p0 .LBB2_1-.Ltmp5, $4  }
0x4ac: {  	[hbm4b:s6+s2] =	stream.linear.scatter [tilespmem:s28], [sflag:$0x5], $0x200, $0x38;
	[tilespmem:$0x10A00] =	vst v63  }
0x4ad: {  	_ =	swait.ge [sflag:s8], $0x200  }
0x4ae: {  	[sflag:s8] =	ssyncset.done $0x0  }
0x4af: {  	[sflag:s8] =	ssyncadd.s32 $0xFFFFFE00  }
0x4b0: {  	_ =	sfence.sel $0x180000  }
0x4b1: {  	[bflag:$0x0] =	sbarrier.arrive $0xFFFF  }
0x4b2: {  	_ =	strace $0x90000047  }
0x4b3: {  	s0 =	stileid.u32;
	[bflag:$0x2] =	sbarrier.arrive $0xFFFF  }
0x4b4: {  	p0 =	sne.s32 s0, $0x0;
	s0 =	rddreg [dreg:$0x2]  }
0x4b5: {  	s0 =	sadd.s32 @!p0 $0x100000, s0  }
0x4b6: {  	[sflag:s0] =	ssyncadd.tile.s32 @!p0 $0x1;
	_ =	shalt  }
.Lfunc_end2:
_tile_overlayer_lowered:
.L_overlay_start_2:
0x4b7: {  	(tag) =	ssettag $0x2  }
0x4b8: {  	s0 =	rddreg [dreg:$0x0];
	s2 =	stileid.u32  }
0x4b9: {  	s1 =	rddreg [dreg:$0x1];
	p0 =	sne.s32 s2, $0x0  }
0x4ba: {  	s3 =	rddreg [dreg:$0x2];
	[bflag:$0x3] =	sbarrier.arrive $0xFFFF;
	s2 =	simm.s32 @!p0 $0x1C05  }
0x4bb: {  	[timem:s3], [sflag:s2] =	dma.local @!p0 [hbm:s0], s1  }
0x4bc: {  	s0 =	simm.s32 @!p0 $0x5  }
0x4bd: {  	_ =	swait.ge @!p0 [sflag:s0], s1  }
0x4be: {  	s1 =	ssub.s32 @!p0 $0x0, s1;
	[sflag:s0] =	ssyncset.done @!p0 $0x0  }
0x4bf: {  	[sflag:s0] =	ssyncadd.s32 @!p0 s1  }
0x4c0: {  	[bflag:$0x3] =	sbarrier.arrive $0xFFFF  }
0x4c1: {  	_ =	shalt  }

</sc_bundles>
